<compile_context>
chip_gen: v7x
topology: tpu7x:2x2x1
jax: 0.10.2.dev20260603
libtpu: 0.0.44.dev20260713+nightly
codegen_flags: <defaults>
</compile_context>

<pallas_src>
import functools
import numpy as np
import jax
import jax.numpy as jnp
from jax import lax
from jax.experimental import pallas as pl
from jax.experimental.pallas import tpu as pltpu
from jax.experimental.pallas import tpu_sc as plsc

D = 128
H = 4
DH = D // H
N = 10000
B = 16
S = 240
K = 32
E = 320000
P = 6

NC = 2
NS = 16
CHUNK = 80
N_PAD = 10240
HALF = N_PAD // NC
ACC_R = HALF + 8
RPT = HALF // NS
ES = E // NS
NCHUNK = ES // CHUNK


def _sc_mesh():
    return plsc.VectorSubcoreMesh(
        core_axis_name="c", subcore_axis_name="s",
        num_cores=NC, num_subcores=NS)


_EB = 2560
_NHI = N_PAD // 128


def _deg_body(dst_ref, dv_ref):
    @pl.when(pl.program_id(0) == 0)
    def _():
        dv_ref[...] = jnp.zeros((_NHI, 128), jnp.float32)

    d = dst_ref[0, 0]
    hi = d >> 7
    lo = d & 127
    hi_oh = (hi[:, None] == lax.broadcasted_iota(jnp.int32, (_EB, _NHI), 1)
             ).astype(jnp.bfloat16)
    lo_oh = (lo[:, None] == lax.broadcasted_iota(jnp.int32, (_EB, 128), 1)
             ).astype(jnp.bfloat16)
    dv_ref[...] += lax.dot_general(hi_oh, lo_oh, (((0,), (0,)), ((), ())),
                                   preferred_element_type=jnp.float32)

    @pl.when(pl.program_id(0) == E // _EB - 1)
    def _():
        dv_ref[...] = lax.rsqrt(1.0 + dv_ref[...])


def _deg_tc(dst):
    dst3 = dst.reshape(E // _EB, 1, _EB)
    return pl.pallas_call(
        _deg_body,
        grid=(E // _EB,),
        in_specs=[pl.BlockSpec((1, 1, _EB), lambda b: (b, 0, 0))],
        out_specs=pl.BlockSpec((_NHI, 128), lambda b: (0, 0)),
        out_shape=jax.ShapeDtypeStruct((_NHI, 128), jnp.float32),
        interpret=False,
    )(dst3)


def _sc_scatter(hs, edge_index):
    ei3 = edge_index.reshape(2, NS, NCHUNK, CHUNK)

    @functools.partial(
        pl.kernel,
        out_type=jax.ShapeDtypeStruct((N_PAD, D), jnp.float32),
        mesh=_sc_mesh(),
        scratch_types=[
            pltpu.VMEM((2, NCHUNK, CHUNK), jnp.int32),
            pltpu.VMEM((CHUNK, D), jnp.float32),
            pltpu.VMEM((CHUNK, D), jnp.float32),
            pltpu.VMEM_SHARED((ACC_R, D), jnp.float32),
            pltpu.SemaphoreType.DMA,
            pltpu.SemaphoreType.DMA,
        ],
        interpret=False,
    )
    def scat_kernel(hs_hbm, ei_hbm, out_hbm,
                    ed_v, rows0_v, rows1_v, acc_sh, gs0, gs1):
        c = lax.axis_index("c")
        s = lax.axis_index("s")
        base_row = c * HALF
        zeros16 = jnp.zeros((16,), jnp.float32)
        rows = (rows0_v, rows1_v)
        gsems = (gs0, gs1)

        pltpu.sync_copy(ei_hbm.at[:, s, :, :], ed_v)

        def remap_chunk(k, carry):
            for g in range(CHUNK // 16):
                d = ed_v[1, k, pl.ds(g * 16, 16)]
                dl = d - base_row
                ok = (dl >= 0) & (dl < HALF)
                ed_v[1, k, pl.ds(g * 16, 16)] = jnp.where(ok, dl, HALF)
            return carry
        lax.fori_loop(0, NCHUNK, remap_chunk, 0)

        def fill_z(i, carry):
            for j in range(D // 16):
                rows0_v[i, pl.ds(j * 16, 16)] = zeros16
            return carry
        lax.fori_loop(0, CHUNK, fill_z, 0)
        for j in range(RPT // CHUNK):
            pltpu.sync_copy(rows0_v,
                            acc_sh.at[pl.ds(s * RPT + j * CHUNK, CHUNK)])

        @pl.when(s == 0)
        def _():
            pltpu.sync_copy(rows0_v.at[pl.ds(0, 8)], acc_sh.at[pl.ds(HALF, 8)])

        plsc.subcore_barrier()

        pltpu.async_copy(hs_hbm.at[ed_v.at[0, 0]], rows[0], gs0)
        pltpu.async_copy(hs_hbm.at[ed_v.at[0, 1]], rows[1], gs1)

        def body(o, carry):
            for b in range(2):
                k = o * 2 + b
                pltpu.make_async_copy(
                    hs_hbm.at[ed_v.at[0, k]], rows[b], gsems[b]).wait()
                pltpu.sync_copy(rows[b], acc_sh.at[ed_v.at[1, k]], add=True)

                @pl.when(k + 2 < NCHUNK)
                def _():
                    pltpu.async_copy(
                        hs_hbm.at[ed_v.at[0, k + 2]], rows[b], gsems[b])
            return carry
        lax.fori_loop(0, NCHUNK // 2, body, 0)

        plsc.subcore_barrier()
        for j in range(RPT // CHUNK):
            pltpu.sync_copy(acc_sh.at[pl.ds(s * RPT + j * CHUNK, CHUNK)],
                            rows0_v)
            pltpu.sync_copy(
                rows0_v,
                out_hbm.at[pl.ds(c * HALF + s * RPT + j * CHUNK, CHUNK)])

    return scat_kernel(hs, ei3)


def _ln(x, g, b):
    m = jnp.mean(x, axis=-1, keepdims=True)
    v = jnp.mean((x - m) ** 2, axis=-1, keepdims=True)
    return (x - m) * lax.rsqrt(v + 1e-5) * g + b


def _dot_nt(a, b):
    return lax.dot_general(a, b, (((1,), (1,)), ((), ())),
                           preferred_element_type=jnp.float32)


def _dot_nn(a, b):
    return lax.dot_general(a, b, (((1,), (0,)), ((), ())),
                           preferred_element_type=jnp.float32)


def _transformer_body(x_ref, g1_ref, b1_ref, wi_ref, bi_ref, wo_ref, bo_ref,
                      g2_ref, b2_ref, w1_ref, bl1_ref, w2_ref, bl2_ref,
                      pm_ref, pt_ref, text_ref, pool_ref):
    x = x_ref[0]
    t = _ln(x, g1_ref[...], b1_ref[...])
    qkv = _dot_nt(t, wi_ref[...]) + bi_ref[...]
    scale = 1.0 / np.sqrt(DH).astype(np.float32)
    outs = []
    wsum = jnp.zeros((S, S), jnp.float32)
    for h in range(H):
        qh = qkv[:, h * DH:(h + 1) * DH]
        kh = qkv[:, D + h * DH:D + (h + 1) * DH]
        vh = qkv[:, 2 * D + h * DH:2 * D + (h + 1) * DH]
        sc = _dot_nt(qh, kh) * scale
        m = jnp.max(sc, axis=-1, keepdims=True)
        e = jnp.exp(sc - m)
        w = e / jnp.sum(e, axis=-1, keepdims=True)
        wsum = wsum + w
        outs.append(_dot_nn(w, vh))
    o = jnp.concatenate(outs, axis=1)
    text = x + _dot_nt(o, wo_ref[...]) + bo_ref[...]
    t2 = _ln(text, g2_ref[...], b2_ref[...])
    ff = _dot_nt(t2, w1_ref[...]) + bl1_ref[...]
    ff = jnp.where(ff >= 0, ff, 0.01 * ff)
    ff = _dot_nt(ff, w2_ref[...]) + bl2_ref[...]
    text_ref[0] = text + ff
    wmean = wsum * (1.0 / H)
    pool_ref[0] = _dot_nn(_dot_nn(pm_ref[...], wmean), pt_ref[...])


def _transformer(x, g1, b1, wi, bi, wo, bo, g2, b2, w1, bl1, w2, bl2):
    pm = np.zeros((8, S), np.float32)
    pt = np.zeros((S, 128), np.float32)
    w = S // P
    for p in range(P):
        pm[p, p * w:(p + 1) * w] = 1.0 / w
        pt[p * w:(p + 1) * w, p] = 1.0 / w
    full = lambda arr: pl.BlockSpec(arr.shape, lambda b: (0,) * arr.ndim)
    return pl.pallas_call(
        _transformer_body,
        grid=(B,),
        in_specs=[pl.BlockSpec((1, S, D), lambda b: (b, 0, 0))] +
                 [full(a) for a in (g1, b1, wi, bi, wo, bo, g2, b2,
                                    w1, bl1, w2, bl2)] +
                 [full(pm), full(pt)],
        out_specs=[pl.BlockSpec((1, S, D), lambda b: (b, 0, 0)),
                   pl.BlockSpec((1, 8, 128), lambda b: (b, 0, 0))],
        out_shape=[jax.ShapeDtypeStruct((B, S, D), jnp.float32),
                   jax.ShapeDtypeStruct((B, 8, 128), jnp.float32)],
        interpret=False,
    )(x, g1, b1, wi, bi, wo, bo, g2, b2, w1, bl1, w2, bl2,
      jnp.asarray(pm), jnp.asarray(pt))


_RB = 1000


def _hs_body(x_ref, w_ref, dv_ref, hs_ref):
    hs_ref[...] = _dot_nt(x_ref[...], w_ref[...]) * dv_ref[...]


def _hs_kernel(x, w, dv):
    return pl.pallas_call(
        _hs_body,
        grid=(N // _RB,),
        in_specs=[pl.BlockSpec((_RB, D), lambda b: (b, 0)),
                  pl.BlockSpec((D, D), lambda b: (0, 0)),
                  pl.BlockSpec((_RB, 1), lambda b: (b, 0))],
        out_specs=pl.BlockSpec((_RB, D), lambda b: (b, 0)),
        out_shape=jax.ShapeDtypeStruct((N, D), jnp.float32),
        interpret=False,
    )(x, w, dv)


def _combine_body(hs_ref, a_ref, dv_ref, b_ref, out_ref):
    out_ref[...] = dv_ref[...] * (a_ref[...] + hs_ref[...]) + b_ref[...]


def _combine(hs, a, dv, bias):
    return pl.pallas_call(
        _combine_body,
        grid=(N // _RB,),
        in_specs=[pl.BlockSpec((_RB, D), lambda b: (b, 0)),
                  pl.BlockSpec((_RB, D), lambda b: (b, 0)),
                  pl.BlockSpec((_RB, 1), lambda b: (b, 0)),
                  pl.BlockSpec((1, D), lambda b: (0, 0))],
        out_specs=pl.BlockSpec((_RB, D), lambda b: (b, 0)),
        out_shape=jax.ShapeDtypeStruct((N, D), jnp.float32),
        interpret=False,
    )(hs, a, dv, bias)


def _multiattn_body(feat_ref, idxs_ref, idxv_ref, wi_ref, bi_ref,
                    wo_ref, bo_ref, out_ref, g_ref):
    out_ref[...] = feat_ref[...]

    def gather(r, carry):
        i = idxs_ref[r]
        g_ref[pl.ds(r, 1), :] = feat_ref[pl.ds(i, 1), :]
        return carry
    lax.fori_loop(0, B * K, gather, 0)

    idxv = idxv_ref[...]
    scale = 1.0 / np.sqrt(DH).astype(np.float32)
    for i in range(B):
        f = g_ref[pl.ds(i * K, K), :]
        qkv = _dot_nt(f, wi_ref[...]) + bi_ref[...]
        outs = []
        for h in range(H):
            qh = qkv[:, h * DH:(h + 1) * DH]
            kh = qkv[:, D + h * DH:D + (h + 1) * DH]
            vh = qkv[:, 2 * D + h * DH:2 * D + (h + 1) * DH]
            sc = _dot_nt(qh, kh) * scale
            m = jnp.max(sc, axis=-1, keepdims=True)
            e = jnp.exp(sc - m)
            w = e / jnp.sum(e, axis=-1, keepdims=True)
            outs.append(_dot_nn(w, vh))
        o = jnp.concatenate(outs, axis=1)
        o = _dot_nt(o, wo_ref[...]) + bo_ref[...]
        center = o[0:1, :]
        ci = idxs_ref[i * K]
        out_ref[pl.ds(ci, 1), :] = center
        mask = (idxv == ci)
        g_ref[...] = jnp.where(mask, center, g_ref[...])


def _multiattn(feat0, idx, wi, bi, wo, bo):
    idx_flat = idx.reshape(B * K)
    idx_col = idx.reshape(B * K, 1)
    full = lambda arr: pl.BlockSpec(arr.shape, lambda: (0,) * arr.ndim)
    return pl.pallas_call(
        _multiattn_body,
        in_specs=[full(feat0),
                  pl.BlockSpec(memory_space=pltpu.SMEM),
                  full(idx_col), full(wi), full(bi), full(wo), full(bo)],
        out_specs=full(feat0),
        out_shape=jax.ShapeDtypeStruct((N, D), jnp.float32),
        scratch_shapes=[pltpu.VMEM((B * K, D), jnp.float32)],
        interpret=False,
    )(feat0, idx_flat, idx_col, wi, bi, wo, bo)


def kernel(user_text, all_user_feature, user_neighbor_index, edge_index,
           ln1_g, ln1_b, attn_in_w, attn_in_b, attn_out_w, attn_out_b,
           ln2_g, ln2_b, lin1_w, lin1_b, lin2_w, lin2_b,
           gcn_w, gcn_b, m_in_w, m_in_b, m_out_w, m_out_b):
    dst = edge_index[1]
    r1 = lambda a: a.reshape(1, -1)

    text, pooled_pad = _transformer(
        user_text, r1(ln1_g), r1(ln1_b), attn_in_w, r1(attn_in_b),
        attn_out_w, r1(attn_out_b), r1(ln2_g), r1(ln2_b),
        lin1_w, r1(lin1_b), lin2_w, r1(lin2_b))

    dinv_col = _deg_tc(dst).reshape(N_PAD, 1)[:N]

    hs = _hs_kernel(all_user_feature, gcn_w, dinv_col)
    accs = _sc_scatter(hs, edge_index)
    a = accs[:N]

    feat0 = _combine(hs, a, dinv_col, r1(gcn_b))
    feat = _multiattn(feat0, user_neighbor_index,
                      m_in_w, r1(m_in_b), m_out_w, r1(m_out_b))

    pooled = pooled_pad[:, :P, :P]
    return text, feat, pooled

# --- scband reference (transcript-rebuilt; emitter-appended) ---
"""Pipeline reference for scband-respective-layer-29669634080804 (READ-ONLY COPY).

The authoritative reference and input builder live on the scoring server;
editing this copy changes nothing except your own understanding.
"""

import jax, jax.numpy as jnp
import numpy as np

D = 128
H = 4
N = 10000
B = 16
S = 240
K = 32
E = 320000
P = 6


def layernorm(x, g, b, eps=1e-5):
    m = jnp.mean(x, axis=-1, keepdims=True)
    v = jnp.mean((x - m) ** 2, axis=-1, keepdims=True)
    return (x - m) / jnp.sqrt(v + eps) * g + b


def mha(x, in_w, in_b, out_w, out_b, h):
    Bx, Sx, d = x.shape
    qkv = x @ in_w.T + in_b
    q, k, v = jnp.split(qkv, 3, axis=-1)
    dh = d // h
    def rs(t):
        return t.reshape(Bx, Sx, h, dh).transpose(0, 2, 1, 3)
    q, k, v = rs(q), rs(k), rs(v)
    scores = (q @ k.transpose(0, 1, 3, 2)) / jnp.sqrt(dh).astype(x.dtype)
    w = jax.nn.softmax(scores, axis=-1)
    o = (w @ v).transpose(0, 2, 1, 3).reshape(Bx, Sx, d)
    o = o @ out_w.T + out_b
    return o, w.mean(axis=1)


def gcn(x, edge_index, W, b):
    src = edge_index[0]
    dst = edge_index[1]
    loops = jnp.arange(N, dtype=src.dtype)
    src = jnp.concatenate([src, loops])
    dst = jnp.concatenate([dst, loops])
    deg = jnp.zeros((N,), dtype=x.dtype).at[dst].add(1.0)
    dinv = jnp.where(deg > 0, deg ** -0.5, 0.0)
    h = x @ W.T
    norm = dinv[src] * dinv[dst]
    msg = h[src] * norm[:, None]
    out = jnp.zeros((N, h.shape[1]), dtype=x.dtype).at[dst].add(msg)
    return out + b


def setup_inputs(seed: int = 0):
    key = jax.random.key(seed)
    ks = jax.random.split(key, 16)
    def w(i, shape, s=0.05):
        return jax.random.normal(ks[i], shape, dtype=jnp.float32) * s
    return {
        "user_text": jax.random.normal(ks[0], (B, S, D), dtype=jnp.float32),
        "all_user_feature": jax.random.normal(ks[1], (N, D), dtype=jnp.float32),
        "user_neighbor_index": jax.random.randint(ks[2], (B, K), 0, N),
        "edge_index": jax.random.randint(ks[3], (2, E), 0, N),
        "ln1_g": jnp.ones((D,), jnp.float32), "ln1_b": jnp.zeros((D,), jnp.float32),
        "attn_in_w": w(4, (3 * D, D)), "attn_in_b": jnp.zeros((3 * D,), jnp.float32),
        "attn_out_w": w(5, (D, D)), "attn_out_b": jnp.zeros((D,), jnp.float32),
        "ln2_g": jnp.ones((D,), jnp.float32), "ln2_b": jnp.zeros((D,), jnp.float32),
        "lin1_w": w(6, (D, D)), "lin1_b": jnp.zeros((D,), jnp.float32),
        "lin2_w": w(7, (D, D)), "lin2_b": jnp.zeros((D,), jnp.float32),
        "gcn_w": w(8, (D, D)), "gcn_b": jnp.zeros((D,), jnp.float32),
        "m_in_w": w(9, (3 * D, D)), "m_in_b": jnp.zeros((3 * D,), jnp.float32),
        "m_out_w": w(10, (D, D)), "m_out_b": jnp.zeros((D,), jnp.float32),
    }


def reference(user_text, all_user_feature, user_neighbor_index, edge_index,
              ln1_g, ln1_b, attn_in_w, attn_in_b, attn_out_w, attn_out_b,
              ln2_g, ln2_b, lin1_w, lin1_b, lin2_w, lin2_b,
              gcn_w, gcn_b, m_in_w, m_in_b, m_out_w, m_out_b):
    # LModel (norm_first=True, eval mode -> dropouts are identity)
    t = layernorm(user_text, ln1_g, ln1_b)
    sa, attn_w = mha(t, attn_in_w, attn_in_b, attn_out_w, attn_out_b, H)
    text = user_text + sa
    t2 = layernorm(text, ln2_g, ln2_b)
    ff = jax.nn.leaky_relu(t2 @ lin1_w.T + lin1_b) @ lin2_w.T + lin2_b
    text = text + ff
    # GCN message passing over edge_index (full 1-hop sampler with sizes=[-1])
    feat = gcn(all_user_feature, edge_index, gcn_w, gcn_b)
    # MultiAttn: sequential per-ego-graph self-attention, writing back center node
    for i in range(B):
        idx = user_neighbor_index[i]
        f = feat[idx][None]
        o, _ = mha(f, m_in_w, m_in_b, m_out_w, m_out_b, H)
        feat = feat.at[idx[0]].set(o[0, 0])
    # FixedPooling of averaged attention map [B,S,S] -> [B,6,6]
    pooled = attn_w.reshape(B, P, S // P, P, S // P).mean(axis=(2, 4))
    return (text, feat, pooled)

if __name__ == "__main__":
    import jax
    _d = setup_inputs()
    print(jax.jit(kernel)(*tuple(_d.values())))

</pallas_src>

<mosaic_0001>
#map = affine_map<(d0, d1) -> (0, 0)>
#map1 = affine_map<(d0, d1) -> (0, 0, 0, 0)>
module attributes {stable_mosaic.version = 14 : i64} {
  func.func @scat_kernel(%arg0: i32, %arg1: i32, %arg2: memref<10000x128xf32, #tpu.memory_space<hbm>>, %arg3: memref<2x16x250x80xi32, #tpu.memory_space<hbm>>, %arg4: memref<10240x128xf32, #tpu.memory_space<hbm>>, %arg5: memref<2x250x80xi32, #tpu.memory_space<vmem>>, %arg6: memref<80x128xf32, #tpu.memory_space<vmem>>, %arg7: memref<80x128xf32, #tpu.memory_space<vmem>>, %arg8: memref<5128x128xf32, #tpu.memory_space<vmem_shared>>, %arg9: memref<!tpu.dma_semaphore, #tpu.memory_space<semaphore_mem>>, %arg10: memref<!tpu.dma_semaphore, #tpu.memory_space<semaphore_mem>>) attributes {dimension_semantics = [#tpu.dimension_semantics<core_parallel>, #tpu.dimension_semantics<subcore_parallel>], iteration_bounds = array<i64: 2, 16>, scalar_prefetch = 0 : i64, scratch_operands = 6 : i64, tpu.core_type = #tpu.core_type<sc_vector_subcore>, window_params = [{transform_indices = #map}, {transform_indices = #map1}, {transform_indices = #map}]} {
    %mul3A = arith.constant 5120 : i32
    %mul3A_0 = arith.muli %arg0, %mul3A : i32
    %broadcast_in_dim3A = arith.constant 0.000000e+00 : f32
    %broadcast_in_dim3A_1 = vector.broadcast %broadcast_in_dim3A : f32 to vector<16xf32>
    "tpu.region"() ({
      %run_scoped3A = tpu.sem_alloc : memref<!tpu.dma_semaphore, #tpu.memory_space<semaphore_mem>>
      %dma_start3A_96 = arith.constant 0 : i32
      %dma_start3A_97 = arith.constant 0 : i32
      %dma_start3A_98 = arith.constant 0 : i32
      %dma_start3A_99 = tpu.memref_slice %arg3[%dma_start3A_96, %arg1, %dma_start3A_97, %dma_start3A_98] : memref<2x16x250x80xi32, #tpu.memory_space<hbm>> -> memref<2x1x250x80xi32, #tpu.memory_space<hbm>>
      %dma_start3A_100 = tpu.memref_squeeze %dma_start3A_99 : memref<2x1x250x80xi32, #tpu.memory_space<hbm>> -> memref<2x250x80xi32, #tpu.memory_space<hbm>>
      %dma_start3A_101 = arith.constant 0 : i32
      %dma_start3A_102 = arith.constant 0 : i32
      %dma_start3A_103 = arith.constant 0 : i32
      %dma_start3A_104 = tpu.memref_slice %arg3[%dma_start3A_101, %arg1, %dma_start3A_102, %dma_start3A_103] : memref<2x16x250x80xi32, #tpu.memory_space<hbm>> -> memref<2x1x250x80xi32, #tpu.memory_space<hbm>>
      %dma_start3A_105 = tpu.memref_squeeze %dma_start3A_104 : memref<2x1x250x80xi32, #tpu.memory_space<hbm>> -> memref<2x250x80xi32, #tpu.memory_space<hbm>>
      tpu.enqueue_dma source(%dma_start3A_105 : memref<2x250x80xi32, #tpu.memory_space<hbm>>) target(%arg5 : memref<2x250x80xi32, #tpu.memory_space<vmem>>) target_semaphore(%run_scoped3A : memref<!tpu.dma_semaphore, #tpu.memory_space<semaphore_mem>>)
      %dma_wait3A = arith.constant 0 : i32
      %dma_wait3A_106 = arith.constant 0 : i32
      %dma_wait3A_107 = arith.constant 0 : i32
      %dma_wait3A_108 = tpu.memref_slice %arg3[%dma_wait3A, %arg1, %dma_wait3A_106, %dma_wait3A_107] : memref<2x16x250x80xi32, #tpu.memory_space<hbm>> -> memref<2x1x250x80xi32, #tpu.memory_space<hbm>>
      %dma_wait3A_109 = tpu.memref_squeeze %dma_wait3A_108 : memref<2x1x250x80xi32, #tpu.memory_space<hbm>> -> memref<2x250x80xi32, #tpu.memory_space<hbm>>
      %dma_wait3A_110 = arith.constant 0 : i32
      %dma_wait3A_111 = arith.constant 0 : i32
      %dma_wait3A_112 = arith.constant 0 : i32
      %dma_wait3A_113 = tpu.memref_slice %arg3[%dma_wait3A_110, %arg1, %dma_wait3A_111, %dma_wait3A_112] : memref<2x16x250x80xi32, #tpu.memory_space<hbm>> -> memref<2x1x250x80xi32, #tpu.memory_space<hbm>>
      %dma_wait3A_114 = tpu.memref_squeeze %dma_wait3A_113 : memref<2x1x250x80xi32, #tpu.memory_space<hbm>> -> memref<2x250x80xi32, #tpu.memory_space<hbm>>
      tpu.wait_dma2 semaphore(%run_scoped3A : memref<!tpu.dma_semaphore, #tpu.memory_space<semaphore_mem>>) src(%dma_wait3A_114 : memref<2x250x80xi32, #tpu.memory_space<hbm>>) dst(%arg5 : memref<2x250x80xi32, #tpu.memory_space<vmem>>)
      tpu.yield
    }) : () -> ()
    %scan3A = arith.constant 0 : i32
    %scan3A_2 = arith.constant 0 : i32
    %scan3A_3 = arith.constant 250 : i32
    %scan3A_4 = arith.addi %scan3A_2, %scan3A_3 : i32
    %scan3A_5 = arith.constant 1 : i32
    scf.for %scan3A_96 = %scan3A_2 to %scan3A_4 step %scan3A_5  : i32 {
      %get3A = arith.constant 1 : i32
      %get3A_97 = arith.index_cast %get3A : i32 to index
      %get3A_98 = arith.index_cast %scan3A_96 : i32 to index
      %get3A_99 = arith.constant 0 : index
      %get3A_100 = tpu.vector_load %arg5[%get3A_97, %get3A_98, %get3A_99] {strides = array<i32>} : memref<2x250x80xi32, #tpu.memory_space<vmem>>, vector<1x1x16xi32>,
      %get3A_101 = vector.shape_cast %get3A_100 : vector<1x1x16xi32> to vector<16xi32>
      %sub3A = vector.broadcast %mul3A_0 : i32 to vector<16xi32>
      %sub3A_102 = arith.subi %get3A_101, %sub3A : vector<16xi32>
      %ge3A = arith.constant 0 : i32
      %ge3A_103 = vector.broadcast %ge3A : i32 to vector<16xi32>
      %ge3A_104 = arith.cmpi sge, %sub3A_102, %ge3A_103 : vector<16xi32>
      %lt3A = arith.constant 5120 : i32
      %lt3A_105 = vector.broadcast %lt3A : i32 to vector<16xi32>
      %lt3A_106 = arith.cmpi slt, %sub3A_102, %lt3A_105 : vector<16xi32>
      %and3A = arith.andi %ge3A_104, %lt3A_106 : vector<16xi1>
      %jit3A = arith.constant 5120 : i32
      %broadcast_in_dim3A_107 = vector.broadcast %jit3A : i32 to vector<16xi32>
      %select_n3A = arith.select %and3A, %sub3A_102, %broadcast_in_dim3A_107 : vector<16xi1>, vector<16xi32>
      %swap3A = arith.constant 1 : i32
      %swap3A_108 = arith.index_cast %swap3A : i32 to index
      %swap3A_109 = arith.index_cast %scan3A_96 : i32 to index
      %swap3A_110 = arith.constant 0 : index
      %swap3A_111 = tpu.vector_load %arg5[%swap3A_108, %swap3A_109, %swap3A_110] {strides = array<i32>} : memref<2x250x80xi32, #tpu.memory_space<vmem>>, vector<1x1x16xi32>,
      %swap3A_112 = vector.shape_cast %swap3A_111 : vector<1x1x16xi32> to vector<16xi32>
      %swap3A_113 = vector.shape_cast %select_n3A : vector<16xi32> to vector<1x1x16xi32>
      tpu.vector_store %arg5[%swap3A_108, %swap3A_109, %swap3A_110], %swap3A_113 {strides = array<i32>} : memref<2x250x80xi32, #tpu.memory_space<vmem>>, vector<1x1x16xi32>,
      %get3A_114 = arith.constant 1 : i32
      %get3A_115 = arith.index_cast %get3A_114 : i32 to index
      %get3A_116 = arith.index_cast %scan3A_96 : i32 to index
      %get3A_117 = arith.constant 16 : index
      %get3A_118 = tpu.vector_load %arg5[%get3A_115, %get3A_116, %get3A_117] {strides = array<i32>} : memref<2x250x80xi32, #tpu.memory_space<vmem>>, vector<1x1x16xi32>,
      %get3A_119 = vector.shape_cast %get3A_118 : vector<1x1x16xi32> to vector<16xi32>
      %sub3A_120 = vector.broadcast %mul3A_0 : i32 to vector<16xi32>
      %sub3A_121 = arith.subi %get3A_119, %sub3A_120 : vector<16xi32>
      %ge3A_122 = arith.constant 0 : i32
      %ge3A_123 = vector.broadcast %ge3A_122 : i32 to vector<16xi32>
      %ge3A_124 = arith.cmpi sge, %sub3A_121, %ge3A_123 : vector<16xi32>
      %lt3A_125 = arith.constant 5120 : i32
      %lt3A_126 = vector.broadcast %lt3A_125 : i32 to vector<16xi32>
      %lt3A_127 = arith.cmpi slt, %sub3A_121, %lt3A_126 : vector<16xi32>
      %and3A_128 = arith.andi %ge3A_124, %lt3A_127 : vector<16xi1>
      %jit3A_129 = arith.constant 5120 : i32
      %broadcast_in_dim3A_130 = vector.broadcast %jit3A_129 : i32 to vector<16xi32>
      %select_n3A_131 = arith.select %and3A_128, %sub3A_121, %broadcast_in_dim3A_130 : vector<16xi1>, vector<16xi32>
      %swap3A_132 = arith.constant 1 : i32
      %swap3A_133 = arith.index_cast %swap3A_132 : i32 to index
      %swap3A_134 = arith.index_cast %scan3A_96 : i32 to index
      %swap3A_135 = arith.constant 16 : index
      %swap3A_136 = tpu.vector_load %arg5[%swap3A_133, %swap3A_134, %swap3A_135] {strides = array<i32>} : memref<2x250x80xi32, #tpu.memory_space<vmem>>, vector<1x1x16xi32>,
      %swap3A_137 = vector.shape_cast %swap3A_136 : vector<1x1x16xi32> to vector<16xi32>
      %swap3A_138 = vector.shape_cast %select_n3A_131 : vector<16xi32> to vector<1x1x16xi32>
      tpu.vector_store %arg5[%swap3A_133, %swap3A_134, %swap3A_135], %swap3A_138 {strides = array<i32>} : memref<2x250x80xi32, #tpu.memory_space<vmem>>, vector<1x1x16xi32>,
      %get3A_139 = arith.constant 1 : i32
      %get3A_140 = arith.index_cast %get3A_139 : i32 to index
      %get3A_141 = arith.index_cast %scan3A_96 : i32 to index
      %get3A_142 = arith.constant 32 : index
      %get3A_143 = tpu.vector_load %arg5[%get3A_140, %get3A_141, %get3A_142] {strides = array<i32>} : memref<2x250x80xi32, #tpu.memory_space<vmem>>, vector<1x1x16xi32>,
      %get3A_144 = vector.shape_cast %get3A_143 : vector<1x1x16xi32> to vector<16xi32>
      %sub3A_145 = vector.broadcast %mul3A_0 : i32 to vector<16xi32>
      %sub3A_146 = arith.subi %get3A_144, %sub3A_145 : vector<16xi32>
      %ge3A_147 = arith.constant 0 : i32
      %ge3A_148 = vector.broadcast %ge3A_147 : i32 to vector<16xi32>
      %ge3A_149 = arith.cmpi sge, %sub3A_146, %ge3A_148 : vector<16xi32>
      %lt3A_150 = arith.constant 5120 : i32
      %lt3A_151 = vector.broadcast %lt3A_150 : i32 to vector<16xi32>
      %lt3A_152 = arith.cmpi slt, %sub3A_146, %lt3A_151 : vector<16xi32>
      %and3A_153 = arith.andi %ge3A_149, %lt3A_152 : vector<16xi1>
      %jit3A_154 = arith.constant 5120 : i32
      %broadcast_in_dim3A_155 = vector.broadcast %jit3A_154 : i32 to vector<16xi32>
      %select_n3A_156 = arith.select %and3A_153, %sub3A_146, %broadcast_in_dim3A_155 : vector<16xi1>, vector<16xi32>
      %swap3A_157 = arith.constant 1 : i32
      %swap3A_158 = arith.index_cast %swap3A_157 : i32 to index
      %swap3A_159 = arith.index_cast %scan3A_96 : i32 to index
      %swap3A_160 = arith.constant 32 : index
      %swap3A_161 = tpu.vector_load %arg5[%swap3A_158, %swap3A_159, %swap3A_160] {strides = array<i32>} : memref<2x250x80xi32, #tpu.memory_space<vmem>>, vector<1x1x16xi32>,
      %swap3A_162 = vector.shape_cast %swap3A_161 : vector<1x1x16xi32> to vector<16xi32>
      %swap3A_163 = vector.shape_cast %select_n3A_156 : vector<16xi32> to vector<1x1x16xi32>
      tpu.vector_store %arg5[%swap3A_158, %swap3A_159, %swap3A_160], %swap3A_163 {strides = array<i32>} : memref<2x250x80xi32, #tpu.memory_space<vmem>>, vector<1x1x16xi32>,
      %get3A_164 = arith.constant 1 : i32
      %get3A_165 = arith.index_cast %get3A_164 : i32 to index
      %get3A_166 = arith.index_cast %scan3A_96 : i32 to index
      %get3A_167 = arith.constant 48 : index
      %get3A_168 = tpu.vector_load %arg5[%get3A_165, %get3A_166, %get3A_167] {strides = array<i32>} : memref<2x250x80xi32, #tpu.memory_space<vmem>>, vector<1x1x16xi32>,
      %get3A_169 = vector.shape_cast %get3A_168 : vector<1x1x16xi32> to vector<16xi32>
      %sub3A_170 = vector.broadcast %mul3A_0 : i32 to vector<16xi32>
      %sub3A_171 = arith.subi %get3A_169, %sub3A_170 : vector<16xi32>
      %ge3A_172 = arith.constant 0 : i32
      %ge3A_173 = vector.broadcast %ge3A_172 : i32 to vector<16xi32>
      %ge3A_174 = arith.cmpi sge, %sub3A_171, %ge3A_173 : vector<16xi32>
      %lt3A_175 = arith.constant 5120 : i32
      %lt3A_176 = vector.broadcast %lt3A_175 : i32 to vector<16xi32>
      %lt3A_177 = arith.cmpi slt, %sub3A_171, %lt3A_176 : vector<16xi32>
      %and3A_178 = arith.andi %ge3A_174, %lt3A_177 : vector<16xi1>
      %jit3A_179 = arith.constant 5120 : i32
      %broadcast_in_dim3A_180 = vector.broadcast %jit3A_179 : i32 to vector<16xi32>
      %select_n3A_181 = arith.select %and3A_178, %sub3A_171, %broadcast_in_dim3A_180 : vector<16xi1>, vector<16xi32>
      %swap3A_182 = arith.constant 1 : i32
      %swap3A_183 = arith.index_cast %swap3A_182 : i32 to index
      %swap3A_184 = arith.index_cast %scan3A_96 : i32 to index
      %swap3A_185 = arith.constant 48 : index
      %swap3A_186 = tpu.vector_load %arg5[%swap3A_183, %swap3A_184, %swap3A_185] {strides = array<i32>} : memref<2x250x80xi32, #tpu.memory_space<vmem>>, vector<1x1x16xi32>,
      %swap3A_187 = vector.shape_cast %swap3A_186 : vector<1x1x16xi32> to vector<16xi32>
      %swap3A_188 = vector.shape_cast %select_n3A_181 : vector<16xi32> to vector<1x1x16xi32>
      tpu.vector_store %arg5[%swap3A_183, %swap3A_184, %swap3A_185], %swap3A_188 {strides = array<i32>} : memref<2x250x80xi32, #tpu.memory_space<vmem>>, vector<1x1x16xi32>,
      %get3A_189 = arith.constant 1 : i32
      %get3A_190 = arith.index_cast %get3A_189 : i32 to index
      %get3A_191 = arith.index_cast %scan3A_96 : i32 to index
      %get3A_192 = arith.constant 64 : index
      %get3A_193 = tpu.vector_load %arg5[%get3A_190, %get3A_191, %get3A_192] {strides = array<i32>} : memref<2x250x80xi32, #tpu.memory_space<vmem>>, vector<1x1x16xi32>,
      %get3A_194 = vector.shape_cast %get3A_193 : vector<1x1x16xi32> to vector<16xi32>
      %sub3A_195 = vector.broadcast %mul3A_0 : i32 to vector<16xi32>
      %sub3A_196 = arith.subi %get3A_194, %sub3A_195 : vector<16xi32>
      %ge3A_197 = arith.constant 0 : i32
      %ge3A_198 = vector.broadcast %ge3A_197 : i32 to vector<16xi32>
      %ge3A_199 = arith.cmpi sge, %sub3A_196, %ge3A_198 : vector<16xi32>
      %lt3A_200 = arith.constant 5120 : i32
      %lt3A_201 = vector.broadcast %lt3A_200 : i32 to vector<16xi32>
      %lt3A_202 = arith.cmpi slt, %sub3A_196, %lt3A_201 : vector<16xi32>
      %and3A_203 = arith.andi %ge3A_199, %lt3A_202 : vector<16xi1>
      %jit3A_204 = arith.constant 5120 : i32
      %broadcast_in_dim3A_205 = vector.broadcast %jit3A_204 : i32 to vector<16xi32>
      %select_n3A_206 = arith.select %and3A_203, %sub3A_196, %broadcast_in_dim3A_205 : vector<16xi1>, vector<16xi32>
      %swap3A_207 = arith.constant 1 : i32
      %swap3A_208 = arith.index_cast %swap3A_207 : i32 to index
      %swap3A_209 = arith.index_cast %scan3A_96 : i32 to index
      %swap3A_210 = arith.constant 64 : index
      %swap3A_211 = tpu.vector_load %arg5[%swap3A_208, %swap3A_209, %swap3A_210] {strides = array<i32>} : memref<2x250x80xi32, #tpu.memory_space<vmem>>, vector<1x1x16xi32>,
      %swap3A_212 = vector.shape_cast %swap3A_211 : vector<1x1x16xi32> to vector<16xi32>
      %swap3A_213 = vector.shape_cast %select_n3A_206 : vector<16xi32> to vector<1x1x16xi32>
      tpu.vector_store %arg5[%swap3A_208, %swap3A_209, %swap3A_210], %swap3A_213 {strides = array<i32>} : memref<2x250x80xi32, #tpu.memory_space<vmem>>, vector<1x1x16xi32>,
    }
    %scan3A_6 = arith.constant 250 : i32
    %scan3A_7 = arith.constant 0 : i32
    %scan3A_8 = arith.constant 0 : i32
    %scan3A_9 = arith.constant 80 : i32
    %scan3A_10 = arith.addi %scan3A_8, %scan3A_9 : i32
    %scan3A_11 = arith.constant 1 : i32
    scf.for %scan3A_96 = %scan3A_8 to %scan3A_10 step %scan3A_11  : i32 {
      %swap3A = arith.index_cast %scan3A_96 : i32 to index
      %swap3A_97 = arith.constant 0 : index
      %swap3A_98 = tpu.vector_load %arg6[%swap3A, %swap3A_97] {strides = array<i32>} : memref<80x128xf32, #tpu.memory_space<vmem>>, vector<1x16xf32>,
      %swap3A_99 = vector.shape_cast %swap3A_98 : vector<1x16xf32> to vector<16xf32>
      %swap3A_100 = vector.shape_cast %broadcast_in_dim3A_1 : vector<16xf32> to vector<1x16xf32>
      tpu.vector_store %arg6[%swap3A, %swap3A_97], %swap3A_100 {strides = array<i32>} : memref<80x128xf32, #tpu.memory_space<vmem>>, vector<1x16xf32>,
      %swap3A_101 = arith.index_cast %scan3A_96 : i32 to index
      %swap3A_102 = arith.constant 16 : index
      %swap3A_103 = tpu.vector_load %arg6[%swap3A_101, %swap3A_102] {strides = array<i32>} : memref<80x128xf32, #tpu.memory_space<vmem>>, vector<1x16xf32>,
      %swap3A_104 = vector.shape_cast %swap3A_103 : vector<1x16xf32> to vector<16xf32>
      %swap3A_105 = vector.shape_cast %broadcast_in_dim3A_1 : vector<16xf32> to vector<1x16xf32>
      tpu.vector_store %arg6[%swap3A_101, %swap3A_102], %swap3A_105 {strides = array<i32>} : memref<80x128xf32, #tpu.memory_space<vmem>>, vector<1x16xf32>,
      %swap3A_106 = arith.index_cast %scan3A_96 : i32 to index
      %swap3A_107 = arith.constant 32 : index
      %swap3A_108 = tpu.vector_load %arg6[%swap3A_106, %swap3A_107] {strides = array<i32>} : memref<80x128xf32, #tpu.memory_space<vmem>>, vector<1x16xf32>,
      %swap3A_109 = vector.shape_cast %swap3A_108 : vector<1x16xf32> to vector<16xf32>
      %swap3A_110 = vector.shape_cast %broadcast_in_dim3A_1 : vector<16xf32> to vector<1x16xf32>
      tpu.vector_store %arg6[%swap3A_106, %swap3A_107], %swap3A_110 {strides = array<i32>} : memref<80x128xf32, #tpu.memory_space<vmem>>, vector<1x16xf32>,
      %swap3A_111 = arith.index_cast %scan3A_96 : i32 to index
      %swap3A_112 = arith.constant 48 : index
      %swap3A_113 = tpu.vector_load %arg6[%swap3A_111, %swap3A_112] {strides = array<i32>} : memref<80x128xf32, #tpu.memory_space<vmem>>, vector<1x16xf32>,
      %swap3A_114 = vector.shape_cast %swap3A_113 : vector<1x16xf32> to vector<16xf32>
      %swap3A_115 = vector.shape_cast %broadcast_in_dim3A_1 : vector<16xf32> to vector<1x16xf32>
      tpu.vector_store %arg6[%swap3A_111, %swap3A_112], %swap3A_115 {strides = array<i32>} : memref<80x128xf32, #tpu.memory_space<vmem>>, vector<1x16xf32>,
      %swap3A_116 = arith.index_cast %scan3A_96 : i32 to index
      %swap3A_117 = arith.constant 64 : index
      %swap3A_118 = tpu.vector_load %arg6[%swap3A_116, %swap3A_117] {strides = array<i32>} : memref<80x128xf32, #tpu.memory_space<vmem>>, vector<1x16xf32>,
      %swap3A_119 = vector.shape_cast %swap3A_118 : vector<1x16xf32> to vector<16xf32>
      %swap3A_120 = vector.shape_cast %broadcast_in_dim3A_1 : vector<16xf32> to vector<1x16xf32>
      tpu.vector_store %arg6[%swap3A_116, %swap3A_117], %swap3A_120 {strides = array<i32>} : memref<80x128xf32, #tpu.memory_space<vmem>>, vector<1x16xf32>,
      %swap3A_121 = arith.index_cast %scan3A_96 : i32 to index
      %swap3A_122 = arith.constant 80 : index
      %swap3A_123 = tpu.vector_load %arg6[%swap3A_121, %swap3A_122] {strides = array<i32>} : memref<80x128xf32, #tpu.memory_space<vmem>>, vector<1x16xf32>,
      %swap3A_124 = vector.shape_cast %swap3A_123 : vector<1x16xf32> to vector<16xf32>
      %swap3A_125 = vector.shape_cast %broadcast_in_dim3A_1 : vector<16xf32> to vector<1x16xf32>
      tpu.vector_store %arg6[%swap3A_121, %swap3A_122], %swap3A_125 {strides = array<i32>} : memref<80x128xf32, #tpu.memory_space<vmem>>, vector<1x16xf32>,
      %swap3A_126 = arith.index_cast %scan3A_96 : i32 to index
      %swap3A_127 = arith.constant 96 : index
      %swap3A_128 = tpu.vector_load %arg6[%swap3A_126, %swap3A_127] {strides = array<i32>} : memref<80x128xf32, #tpu.memory_space<vmem>>, vector<1x16xf32>,
      %swap3A_129 = vector.shape_cast %swap3A_128 : vector<1x16xf32> to vector<16xf32>
      %swap3A_130 = vector.shape_cast %broadcast_in_dim3A_1 : vector<16xf32> to vector<1x16xf32>
      tpu.vector_store %arg6[%swap3A_126, %swap3A_127], %swap3A_130 {strides = array<i32>} : memref<80x128xf32, #tpu.memory_space<vmem>>, vector<1x16xf32>,
      %swap3A_131 = arith.index_cast %scan3A_96 : i32 to index
      %swap3A_132 = arith.constant 112 : index
      %swap3A_133 = tpu.vector_load %arg6[%swap3A_131, %swap3A_132] {strides = array<i32>} : memref<80x128xf32, #tpu.memory_space<vmem>>, vector<1x16xf32>,
      %swap3A_134 = vector.shape_cast %swap3A_133 : vector<1x16xf32> to vector<16xf32>
      %swap3A_135 = vector.shape_cast %broadcast_in_dim3A_1 : vector<16xf32> to vector<1x16xf32>
      tpu.vector_store %arg6[%swap3A_131, %swap3A_132], %swap3A_135 {strides = array<i32>} : memref<80x128xf32, #tpu.memory_space<vmem>>, vector<1x16xf32>,
    }
    %scan3A_12 = arith.constant 80 : i32
    %mul3A_13 = arith.constant 320 : i32
    %mul3A_14 = arith.muli %arg1, %mul3A_13 : i32
    %add3A = arith.constant 0 : i32
    %add3A_15 = arith.addi %mul3A_14, %add3A : i32
    "tpu.region"() ({
      %run_scoped3A = tpu.sem_alloc : memref<!tpu.dma_semaphore, #tpu.memory_space<semaphore_mem>>
      %dma_start3A_96 = arith.constant 0 : i32
      %dma_start3A_97 = tpu.memref_slice %arg8[%add3A_15, %dma_start3A_96] : memref<5128x128xf32, #tpu.memory_space<vmem_shared>> -> memref<80x128xf32, #tpu.memory_space<vmem_shared>>
      %dma_start3A_98 = arith.constant 0 : i32
      %dma_start3A_99 = tpu.memref_slice %arg8[%add3A_15, %dma_start3A_98] : memref<5128x128xf32, #tpu.memory_space<vmem_shared>> -> memref<80x128xf32, #tpu.memory_space<vmem_shared>>
      tpu.enqueue_dma source(%arg6 : memref<80x128xf32, #tpu.memory_space<vmem>>) target(%dma_start3A_99 : memref<80x128xf32, #tpu.memory_space<vmem_shared>>) target_semaphore(%run_scoped3A : memref<!tpu.dma_semaphore, #tpu.memory_space<semaphore_mem>>)
      %dma_wait3A = arith.constant 0 : i32
      %dma_wait3A_100 = tpu.memref_slice %arg8[%add3A_15, %dma_wait3A] : memref<5128x128xf32, #tpu.memory_space<vmem_shared>> -> memref<80x128xf32, #tpu.memory_space<vmem_shared>>
      %dma_wait3A_101 = arith.constant 0 : i32
      %dma_wait3A_102 = tpu.memref_slice %arg8[%add3A_15, %dma_wait3A_101] : memref<5128x128xf32, #tpu.memory_space<vmem_shared>> -> memref<80x128xf32, #tpu.memory_space<vmem_shared>>
      tpu.wait_dma2 semaphore(%run_scoped3A : memref<!tpu.dma_semaphore, #tpu.memory_space<semaphore_mem>>) src(%arg6 : memref<80x128xf32, #tpu.memory_space<vmem>>) dst(%dma_wait3A_102 : memref<80x128xf32, #tpu.memory_space<vmem_shared>>)
      tpu.yield
    }) : () -> ()
    %mul3A_16 = arith.constant 320 : i32
    %mul3A_17 = arith.muli %arg1, %mul3A_16 : i32
    %add3A_18 = arith.constant 80 : i32
    %add3A_19 = arith.addi %mul3A_17, %add3A_18 : i32
    "tpu.region"() ({
      %run_scoped3A = tpu.sem_alloc : memref<!tpu.dma_semaphore, #tpu.memory_space<semaphore_mem>>
      %dma_start3A_96 = arith.constant 0 : i32
      %dma_start3A_97 = tpu.memref_slice %arg8[%add3A_19, %dma_start3A_96] : memref<5128x128xf32, #tpu.memory_space<vmem_shared>> -> memref<80x128xf32, #tpu.memory_space<vmem_shared>>
      %dma_start3A_98 = arith.constant 0 : i32
      %dma_start3A_99 = tpu.memref_slice %arg8[%add3A_19, %dma_start3A_98] : memref<5128x128xf32, #tpu.memory_space<vmem_shared>> -> memref<80x128xf32, #tpu.memory_space<vmem_shared>>
      tpu.enqueue_dma source(%arg6 : memref<80x128xf32, #tpu.memory_space<vmem>>) target(%dma_start3A_99 : memref<80x128xf32, #tpu.memory_space<vmem_shared>>) target_semaphore(%run_scoped3A : memref<!tpu.dma_semaphore, #tpu.memory_space<semaphore_mem>>)
      %dma_wait3A = arith.constant 0 : i32
      %dma_wait3A_100 = tpu.memref_slice %arg8[%add3A_19, %dma_wait3A] : memref<5128x128xf32, #tpu.memory_space<vmem_shared>> -> memref<80x128xf32, #tpu.memory_space<vmem_shared>>
      %dma_wait3A_101 = arith.constant 0 : i32
      %dma_wait3A_102 = tpu.memref_slice %arg8[%add3A_19, %dma_wait3A_101] : memref<5128x128xf32, #tpu.memory_space<vmem_shared>> -> memref<80x128xf32, #tpu.memory_space<vmem_shared>>
      tpu.wait_dma2 semaphore(%run_scoped3A : memref<!tpu.dma_semaphore, #tpu.memory_space<semaphore_mem>>) src(%arg6 : memref<80x128xf32, #tpu.memory_space<vmem>>) dst(%dma_wait3A_102 : memref<80x128xf32, #tpu.memory_space<vmem_shared>>)
      tpu.yield
    }) : () -> ()
    %mul3A_20 = arith.constant 320 : i32
    %mul3A_21 = arith.muli %arg1, %mul3A_20 : i32
    %add3A_22 = arith.constant 160 : i32
    %add3A_23 = arith.addi %mul3A_21, %add3A_22 : i32
    "tpu.region"() ({
      %run_scoped3A = tpu.sem_alloc : memref<!tpu.dma_semaphore, #tpu.memory_space<semaphore_mem>>
      %dma_start3A_96 = arith.constant 0 : i32
      %dma_start3A_97 = tpu.memref_slice %arg8[%add3A_23, %dma_start3A_96] : memref<5128x128xf32, #tpu.memory_space<vmem_shared>> -> memref<80x128xf32, #tpu.memory_space<vmem_shared>>
      %dma_start3A_98 = arith.constant 0 : i32
      %dma_start3A_99 = tpu.memref_slice %arg8[%add3A_23, %dma_start3A_98] : memref<5128x128xf32, #tpu.memory_space<vmem_shared>> -> memref<80x128xf32, #tpu.memory_space<vmem_shared>>
      tpu.enqueue_dma source(%arg6 : memref<80x128xf32, #tpu.memory_space<vmem>>) target(%dma_start3A_99 : memref<80x128xf32, #tpu.memory_space<vmem_shared>>) target_semaphore(%run_scoped3A : memref<!tpu.dma_semaphore, #tpu.memory_space<semaphore_mem>>)
      %dma_wait3A = arith.constant 0 : i32
      %dma_wait3A_100 = tpu.memref_slice %arg8[%add3A_23, %dma_wait3A] : memref<5128x128xf32, #tpu.memory_space<vmem_shared>> -> memref<80x128xf32, #tpu.memory_space<vmem_shared>>
      %dma_wait3A_101 = arith.constant 0 : i32
      %dma_wait3A_102 = tpu.memref_slice %arg8[%add3A_23, %dma_wait3A_101] : memref<5128x128xf32, #tpu.memory_space<vmem_shared>> -> memref<80x128xf32, #tpu.memory_space<vmem_shared>>
      tpu.wait_dma2 semaphore(%run_scoped3A : memref<!tpu.dma_semaphore, #tpu.memory_space<semaphore_mem>>) src(%arg6 : memref<80x128xf32, #tpu.memory_space<vmem>>) dst(%dma_wait3A_102 : memref<80x128xf32, #tpu.memory_space<vmem_shared>>)
      tpu.yield
    }) : () -> ()
    %mul3A_24 = arith.constant 320 : i32
    %mul3A_25 = arith.muli %arg1, %mul3A_24 : i32
    %add3A_26 = arith.constant 240 : i32
    %add3A_27 = arith.addi %mul3A_25, %add3A_26 : i32
    "tpu.region"() ({
      %run_scoped3A = tpu.sem_alloc : memref<!tpu.dma_semaphore, #tpu.memory_space<semaphore_mem>>
      %dma_start3A_96 = arith.constant 0 : i32
      %dma_start3A_97 = tpu.memref_slice %arg8[%add3A_27, %dma_start3A_96] : memref<5128x128xf32, #tpu.memory_space<vmem_shared>> -> memref<80x128xf32, #tpu.memory_space<vmem_shared>>
      %dma_start3A_98 = arith.constant 0 : i32
      %dma_start3A_99 = tpu.memref_slice %arg8[%add3A_27, %dma_start3A_98] : memref<5128x128xf32, #tpu.memory_space<vmem_shared>> -> memref<80x128xf32, #tpu.memory_space<vmem_shared>>
      tpu.enqueue_dma source(%arg6 : memref<80x128xf32, #tpu.memory_space<vmem>>) target(%dma_start3A_99 : memref<80x128xf32, #tpu.memory_space<vmem_shared>>) target_semaphore(%run_scoped3A : memref<!tpu.dma_semaphore, #tpu.memory_space<semaphore_mem>>)
      %dma_wait3A = arith.constant 0 : i32
      %dma_wait3A_100 = tpu.memref_slice %arg8[%add3A_27, %dma_wait3A] : memref<5128x128xf32, #tpu.memory_space<vmem_shared>> -> memref<80x128xf32, #tpu.memory_space<vmem_shared>>
      %dma_wait3A_101 = arith.constant 0 : i32
      %dma_wait3A_102 = tpu.memref_slice %arg8[%add3A_27, %dma_wait3A_101] : memref<5128x128xf32, #tpu.memory_space<vmem_shared>> -> memref<80x128xf32, #tpu.memory_space<vmem_shared>>
      tpu.wait_dma2 semaphore(%run_scoped3A : memref<!tpu.dma_semaphore, #tpu.memory_space<semaphore_mem>>) src(%arg6 : memref<80x128xf32, #tpu.memory_space<vmem>>) dst(%dma_wait3A_102 : memref<80x128xf32, #tpu.memory_space<vmem_shared>>)
      tpu.yield
    }) : () -> ()
    %eq3A = arith.constant 0 : i32
    %eq3A_28 = arith.cmpi eq, %arg1, %eq3A : i32
    %convert_element_type3A = arith.extui %eq3A_28 : i1 to i32
    %cond3A = arith.constant 0 : i32
    %cond3A_29 = arith.cmpi ne, %convert_element_type3A, %cond3A : i32
    scf.if %cond3A_29 {
      "tpu.region"() ({
        %run_scoped3A = tpu.sem_alloc : memref<!tpu.dma_semaphore, #tpu.memory_space<semaphore_mem>>
        %dma_start3A_96 = arith.constant 0 : i32
        %dma_start3A_97 = arith.constant 0 : i32
        %dma_start3A_98 = tpu.memref_slice %arg6[%dma_start3A_96, %dma_start3A_97] : memref<80x128xf32, #tpu.memory_space<vmem>> -> memref<8x128xf32, #tpu.memory_space<vmem>>
        %dma_start3A_99 = arith.constant 5120 : i32
        %dma_start3A_100 = arith.constant 0 : i32
        %dma_start3A_101 = tpu.memref_slice %arg8[%dma_start3A_99, %dma_start3A_100] : memref<5128x128xf32, #tpu.memory_space<vmem_shared>> -> memref<8x128xf32, #tpu.memory_space<vmem_shared>>
        %dma_start3A_102 = arith.constant 5120 : i32
        %dma_start3A_103 = arith.constant 0 : i32
        %dma_start3A_104 = tpu.memref_slice %arg8[%dma_start3A_102, %dma_start3A_103] : memref<5128x128xf32, #tpu.memory_space<vmem_shared>> -> memref<8x128xf32, #tpu.memory_space<vmem_shared>>
        %dma_start3A_105 = arith.constant 0 : i32
        %dma_start3A_106 = arith.constant 0 : i32
        %dma_start3A_107 = tpu.memref_slice %arg6[%dma_start3A_105, %dma_start3A_106] : memref<80x128xf32, #tpu.memory_space<vmem>> -> memref<8x128xf32, #tpu.memory_space<vmem>>
        tpu.enqueue_dma source(%dma_start3A_107 : memref<8x128xf32, #tpu.memory_space<vmem>>) target(%dma_start3A_104 : memref<8x128xf32, #tpu.memory_space<vmem_shared>>) target_semaphore(%run_scoped3A : memref<!tpu.dma_semaphore, #tpu.memory_space<semaphore_mem>>)
        %dma_wait3A = arith.constant 0 : i32
        %dma_wait3A_108 = arith.constant 0 : i32
        %dma_wait3A_109 = tpu.memref_slice %arg6[%dma_wait3A, %dma_wait3A_108] : memref<80x128xf32, #tpu.memory_space<vmem>> -> memref<8x128xf32, #tpu.memory_space<vmem>>
        %dma_wait3A_110 = arith.constant 5120 : i32
        %dma_wait3A_111 = arith.constant 0 : i32
        %dma_wait3A_112 = tpu.memref_slice %arg8[%dma_wait3A_110, %dma_wait3A_111] : memref<5128x128xf32, #tpu.memory_space<vmem_shared>> -> memref<8x128xf32, #tpu.memory_space<vmem_shared>>
        %dma_wait3A_113 = arith.constant 5120 : i32
        %dma_wait3A_114 = arith.constant 0 : i32
        %dma_wait3A_115 = tpu.memref_slice %arg8[%dma_wait3A_113, %dma_wait3A_114] : memref<5128x128xf32, #tpu.memory_space<vmem_shared>> -> memref<8x128xf32, #tpu.memory_space<vmem_shared>>
        %dma_wait3A_116 = arith.constant 0 : i32
        %dma_wait3A_117 = arith.constant 0 : i32
        %dma_wait3A_118 = tpu.memref_slice %arg6[%dma_wait3A_116, %dma_wait3A_117] : memref<80x128xf32, #tpu.memory_space<vmem>> -> memref<8x128xf32, #tpu.memory_space<vmem>>
        tpu.wait_dma2 semaphore(%run_scoped3A : memref<!tpu.dma_semaphore, #tpu.memory_space<semaphore_mem>>) src(%dma_wait3A_118 : memref<8x128xf32, #tpu.memory_space<vmem>>) dst(%dma_wait3A_115 : memref<8x128xf32, #tpu.memory_space<vmem_shared>>)
        tpu.yield
      }) : () -> ()
    } else {
    }
    %barrier3A = arith.constant 0 : index
    tpu.barrier barrier_id(%barrier3A)
    %dma_start3A = arith.constant 0 : i32
    %dma_start3A_30 = arith.constant 0 : i32
    %dma_start3A_31 = arith.constant 0 : i32
    %dma_start3A_32 = tpu.memref_slice %arg5[%dma_start3A, %dma_start3A_30, %dma_start3A_31] : memref<2x250x80xi32, #tpu.memory_space<vmem>> -> memref<1x1x80xi32, #tpu.memory_space<vmem>>
    %dma_start3A_33 = tpu.memref_squeeze %dma_start3A_32 : memref<1x1x80xi32, #tpu.memory_space<vmem>> -> memref<80xi32, #tpu.memory_space<vmem>>
    %dma_start3A_34 = arith.constant 0 : i32
    %dma_start3A_35 = arith.constant 0 : i32
    %dma_start3A_36 = tpu.memref_slice %arg2[%dma_start3A_34, %dma_start3A_35] : memref<10000x128xf32, #tpu.memory_space<hbm>> -> memref<10000x128xf32, #tpu.memory_space<hbm>>
    tpu.enqueue_indirect_dma source(%dma_start3A_36 : memref<10000x128xf32, #tpu.memory_space<hbm>>) target(%arg6 : memref<80x128xf32, #tpu.memory_space<vmem>>) offsets(%dma_start3A_33 : memref<80xi32, #tpu.memory_space<vmem>>) semaphore(%arg9 : memref<!tpu.dma_semaphore, #tpu.memory_space<semaphore_mem>>)
    %dma_start3A_37 = arith.constant 0 : i32
    %dma_start3A_38 = arith.constant 1 : i32
    %dma_start3A_39 = arith.constant 0 : i32
    %dma_start3A_40 = tpu.memref_slice %arg5[%dma_start3A_37, %dma_start3A_38, %dma_start3A_39] : memref<2x250x80xi32, #tpu.memory_space<vmem>> -> memref<1x1x80xi32, #tpu.memory_space<vmem>>
    %dma_start3A_41 = tpu.memref_squeeze %dma_start3A_40 : memref<1x1x80xi32, #tpu.memory_space<vmem>> -> memref<80xi32, #tpu.memory_space<vmem>>
    %dma_start3A_42 = arith.constant 0 : i32
    %dma_start3A_43 = arith.constant 0 : i32
    %dma_start3A_44 = tpu.memref_slice %arg2[%dma_start3A_42, %dma_start3A_43] : memref<10000x128xf32, #tpu.memory_space<hbm>> -> memref<10000x128xf32, #tpu.memory_space<hbm>>
    tpu.enqueue_indirect_dma source(%dma_start3A_44 : memref<10000x128xf32, #tpu.memory_space<hbm>>) target(%arg7 : memref<80x128xf32, #tpu.memory_space<vmem>>) offsets(%dma_start3A_41 : memref<80xi32, #tpu.memory_space<vmem>>) semaphore(%arg10 : memref<!tpu.dma_semaphore, #tpu.memory_space<semaphore_mem>>)
    %scan3A_45 = arith.constant 0 : i32
    %scan3A_46 = arith.constant 0 : i32
    %scan3A_47 = arith.constant 125 : i32
    %scan3A_48 = arith.addi %scan3A_46, %scan3A_47 : i32
    %scan3A_49 = arith.constant 1 : i32
    scf.for %scan3A_96 = %scan3A_46 to %scan3A_48 step %scan3A_49  : i32 {
      %mul3A_97 = arith.constant 2 : i32
      %mul3A_98 = arith.muli %scan3A_96, %mul3A_97 : i32
      %add3A_99 = arith.constant 0 : i32
      %add3A_100 = arith.addi %mul3A_98, %add3A_99 : i32
      %dma_wait3A = arith.constant 0 : i32
      %dma_wait3A_101 = arith.constant 0 : i32
      %dma_wait3A_102 = tpu.memref_slice %arg5[%dma_wait3A, %add3A_100, %dma_wait3A_101] : memref<2x250x80xi32, #tpu.memory_space<vmem>> -> memref<1x1x80xi32, #tpu.memory_space<vmem>>
      %dma_wait3A_103 = tpu.memref_squeeze %dma_wait3A_102 : memref<1x1x80xi32, #tpu.memory_space<vmem>> -> memref<80xi32, #tpu.memory_space<vmem>>
      %dma_wait3A_104 = arith.constant 0 : i32
      %dma_wait3A_105 = arith.constant 0 : i32
      %dma_wait3A_106 = tpu.memref_slice %arg2[%dma_wait3A_104, %dma_wait3A_105] : memref<10000x128xf32, #tpu.memory_space<hbm>> -> memref<10000x128xf32, #tpu.memory_space<hbm>>
      tpu.wait_indirect_dma semaphore(%arg9 : memref<!tpu.dma_semaphore, #tpu.memory_space<semaphore_mem>>) src(%dma_wait3A_106 : memref<10000x128xf32, #tpu.memory_space<hbm>>) dst(%arg6 : memref<80x128xf32, #tpu.memory_space<vmem>>)
      %run_scoped3A = arith.constant 1 : i32
      "tpu.region"() ({
        %run_scoped3A_132 = tpu.sem_alloc : memref<!tpu.dma_semaphore, #tpu.memory_space<semaphore_mem>>
        %dma_start3A_133 = arith.constant 0 : i32
        %dma_start3A_134 = tpu.memref_slice %arg5[%run_scoped3A, %add3A_100, %dma_start3A_133] : memref<2x250x80xi32, #tpu.memory_space<vmem>> -> memref<1x1x80xi32, #tpu.memory_space<vmem>>
        %dma_start3A_135 = tpu.memref_squeeze %dma_start3A_134 : memref<1x1x80xi32, #tpu.memory_space<vmem>> -> memref<80xi32, #tpu.memory_space<vmem>>
        %dma_start3A_136 = arith.constant 0 : i32
        %dma_start3A_137 = arith.constant 0 : i32
        %dma_start3A_138 = tpu.memref_slice %arg8[%dma_start3A_136, %dma_start3A_137] : memref<5128x128xf32, #tpu.memory_space<vmem_shared>> -> memref<5128x128xf32, #tpu.memory_space<vmem_shared>>
        tpu.enqueue_indirect_dma source(%arg6 : memref<80x128xf32, #tpu.memory_space<vmem>>) target(%dma_start3A_138 : memref<5128x128xf32, #tpu.memory_space<vmem_shared>>) offsets(%dma_start3A_135 : memref<80xi32, #tpu.memory_space<vmem>>) semaphore(%run_scoped3A_132 : memref<!tpu.dma_semaphore, #tpu.memory_space<semaphore_mem>>) {add = true}
        %dma_wait3A_139 = arith.constant 0 : i32
        %dma_wait3A_140 = tpu.memref_slice %arg5[%run_scoped3A, %add3A_100, %dma_wait3A_139] : memref<2x250x80xi32, #tpu.memory_space<vmem>> -> memref<1x1x80xi32, #tpu.memory_space<vmem>>
        %dma_wait3A_141 = tpu.memref_squeeze %dma_wait3A_140 : memref<1x1x80xi32, #tpu.memory_space<vmem>> -> memref<80xi32, #tpu.memory_space<vmem>>
        %dma_wait3A_142 = arith.constant 0 : i32
        %dma_wait3A_143 = arith.constant 0 : i32
        %dma_wait3A_144 = tpu.memref_slice %arg8[%dma_wait3A_142, %dma_wait3A_143] : memref<5128x128xf32, #tpu.memory_space<vmem_shared>> -> memref<5128x128xf32, #tpu.memory_space<vmem_shared>>
        tpu.wait_indirect_dma semaphore(%run_scoped3A_132 : memref<!tpu.dma_semaphore, #tpu.memory_space<semaphore_mem>>) src(%arg6 : memref<80x128xf32, #tpu.memory_space<vmem>>) dst(%dma_wait3A_144 : memref<5128x128xf32, #tpu.memory_space<vmem_shared>>)
        tpu.yield
      }) : () -> ()
      %add3A_107 = arith.constant 2 : i32
      %add3A_108 = arith.addi %add3A_100, %add3A_107 : i32
      %lt3A = arith.constant 250 : i32
      %lt3A_109 = arith.cmpi slt, %add3A_108, %lt3A : i32
      %convert_element_type3A_110 = arith.extui %lt3A_109 : i1 to i32
      %cond3A_111 = arith.constant 0 : i32
      %cond3A_112 = arith.cmpi ne, %convert_element_type3A_110, %cond3A_111 : i32
      scf.if %cond3A_112 {
        %add3A_132 = arith.constant 2 : i32
        %add3A_133 = arith.addi %add3A_100, %add3A_132 : i32
        %dma_start3A_134 = arith.constant 0 : i32
        %dma_start3A_135 = arith.constant 0 : i32
        %dma_start3A_136 = tpu.memref_slice %arg5[%dma_start3A_134, %add3A_133, %dma_start3A_135] : memref<2x250x80xi32, #tpu.memory_space<vmem>> -> memref<1x1x80xi32, #tpu.memory_space<vmem>>
        %dma_start3A_137 = tpu.memref_squeeze %dma_start3A_136 : memref<1x1x80xi32, #tpu.memory_space<vmem>> -> memref<80xi32, #tpu.memory_space<vmem>>
        %dma_start3A_138 = arith.constant 0 : i32
        %dma_start3A_139 = arith.constant 0 : i32
        %dma_start3A_140 = tpu.memref_slice %arg2[%dma_start3A_138, %dma_start3A_139] : memref<10000x128xf32, #tpu.memory_space<hbm>> -> memref<10000x128xf32, #tpu.memory_space<hbm>>
        tpu.enqueue_indirect_dma source(%dma_start3A_140 : memref<10000x128xf32, #tpu.memory_space<hbm>>) target(%arg6 : memref<80x128xf32, #tpu.memory_space<vmem>>) offsets(%dma_start3A_137 : memref<80xi32, #tpu.memory_space<vmem>>) semaphore(%arg9 : memref<!tpu.dma_semaphore, #tpu.memory_space<semaphore_mem>>)
      } else {
      }
      %mul3A_113 = arith.constant 2 : i32
      %mul3A_114 = arith.muli %scan3A_96, %mul3A_113 : i32
      %add3A_115 = arith.constant 1 : i32
      %add3A_116 = arith.addi %mul3A_114, %add3A_115 : i32
      %dma_wait3A_117 = arith.constant 0 : i32
      %dma_wait3A_118 = arith.constant 0 : i32
      %dma_wait3A_119 = tpu.memref_slice %arg5[%dma_wait3A_117, %add3A_116, %dma_wait3A_118] : memref<2x250x80xi32, #tpu.memory_space<vmem>> -> memref<1x1x80xi32, #tpu.memory_space<vmem>>
      %dma_wait3A_120 = tpu.memref_squeeze %dma_wait3A_119 : memref<1x1x80xi32, #tpu.memory_space<vmem>> -> memref<80xi32, #tpu.memory_space<vmem>>
      %dma_wait3A_121 = arith.constant 0 : i32
      %dma_wait3A_122 = arith.constant 0 : i32
      %dma_wait3A_123 = tpu.memref_slice %arg2[%dma_wait3A_121, %dma_wait3A_122] : memref<10000x128xf32, #tpu.memory_space<hbm>> -> memref<10000x128xf32, #tpu.memory_space<hbm>>
      tpu.wait_indirect_dma semaphore(%arg10 : memref<!tpu.dma_semaphore, #tpu.memory_space<semaphore_mem>>) src(%dma_wait3A_123 : memref<10000x128xf32, #tpu.memory_space<hbm>>) dst(%arg7 : memref<80x128xf32, #tpu.memory_space<vmem>>)
      %run_scoped3A_124 = arith.constant 1 : i32
      "tpu.region"() ({
        %run_scoped3A_132 = tpu.sem_alloc : memref<!tpu.dma_semaphore, #tpu.memory_space<semaphore_mem>>
        %dma_start3A_133 = arith.constant 0 : i32
        %dma_start3A_134 = tpu.memref_slice %arg5[%run_scoped3A_124, %add3A_116, %dma_start3A_133] : memref<2x250x80xi32, #tpu.memory_space<vmem>> -> memref<1x1x80xi32, #tpu.memory_space<vmem>>
        %dma_start3A_135 = tpu.memref_squeeze %dma_start3A_134 : memref<1x1x80xi32, #tpu.memory_space<vmem>> -> memref<80xi32, #tpu.memory_space<vmem>>
        %dma_start3A_136 = arith.constant 0 : i32
        %dma_start3A_137 = arith.constant 0 : i32
        %dma_start3A_138 = tpu.memref_slice %arg8[%dma_start3A_136, %dma_start3A_137] : memref<5128x128xf32, #tpu.memory_space<vmem_shared>> -> memref<5128x128xf32, #tpu.memory_space<vmem_shared>>
        tpu.enqueue_indirect_dma source(%arg7 : memref<80x128xf32, #tpu.memory_space<vmem>>) target(%dma_start3A_138 : memref<5128x128xf32, #tpu.memory_space<vmem_shared>>) offsets(%dma_start3A_135 : memref<80xi32, #tpu.memory_space<vmem>>) semaphore(%run_scoped3A_132 : memref<!tpu.dma_semaphore, #tpu.memory_space<semaphore_mem>>) {add = true}
        %dma_wait3A_139 = arith.constant 0 : i32
        %dma_wait3A_140 = tpu.memref_slice %arg5[%run_scoped3A_124, %add3A_116, %dma_wait3A_139] : memref<2x250x80xi32, #tpu.memory_space<vmem>> -> memref<1x1x80xi32, #tpu.memory_space<vmem>>
        %dma_wait3A_141 = tpu.memref_squeeze %dma_wait3A_140 : memref<1x1x80xi32, #tpu.memory_space<vmem>> -> memref<80xi32, #tpu.memory_space<vmem>>
        %dma_wait3A_142 = arith.constant 0 : i32
        %dma_wait3A_143 = arith.constant 0 : i32
        %dma_wait3A_144 = tpu.memref_slice %arg8[%dma_wait3A_142, %dma_wait3A_143] : memref<5128x128xf32, #tpu.memory_space<vmem_shared>> -> memref<5128x128xf32, #tpu.memory_space<vmem_shared>>
        tpu.wait_indirect_dma semaphore(%run_scoped3A_132 : memref<!tpu.dma_semaphore, #tpu.memory_space<semaphore_mem>>) src(%arg7 : memref<80x128xf32, #tpu.memory_space<vmem>>) dst(%dma_wait3A_144 : memref<5128x128xf32, #tpu.memory_space<vmem_shared>>)
        tpu.yield
      }) : () -> ()
      %add3A_125 = arith.constant 2 : i32
      %add3A_126 = arith.addi %add3A_116, %add3A_125 : i32
      %lt3A_127 = arith.constant 250 : i32
      %lt3A_128 = arith.cmpi slt, %add3A_126, %lt3A_127 : i32
      %convert_element_type3A_129 = arith.extui %lt3A_128 : i1 to i32
      %cond3A_130 = arith.constant 0 : i32
      %cond3A_131 = arith.cmpi ne, %convert_element_type3A_129, %cond3A_130 : i32
      scf.if %cond3A_131 {
        %add3A_132 = arith.constant 2 : i32
        %add3A_133 = arith.addi %add3A_116, %add3A_132 : i32
        %dma_start3A_134 = arith.constant 0 : i32
        %dma_start3A_135 = arith.constant 0 : i32
        %dma_start3A_136 = tpu.memref_slice %arg5[%dma_start3A_134, %add3A_133, %dma_start3A_135] : memref<2x250x80xi32, #tpu.memory_space<vmem>> -> memref<1x1x80xi32, #tpu.memory_space<vmem>>
        %dma_start3A_137 = tpu.memref_squeeze %dma_start3A_136 : memref<1x1x80xi32, #tpu.memory_space<vmem>> -> memref<80xi32, #tpu.memory_space<vmem>>
        %dma_start3A_138 = arith.constant 0 : i32
        %dma_start3A_139 = arith.constant 0 : i32
        %dma_start3A_140 = tpu.memref_slice %arg2[%dma_start3A_138, %dma_start3A_139] : memref<10000x128xf32, #tpu.memory_space<hbm>> -> memref<10000x128xf32, #tpu.memory_space<hbm>>
        tpu.enqueue_indirect_dma source(%dma_start3A_140 : memref<10000x128xf32, #tpu.memory_space<hbm>>) target(%arg7 : memref<80x128xf32, #tpu.memory_space<vmem>>) offsets(%dma_start3A_137 : memref<80xi32, #tpu.memory_space<vmem>>) semaphore(%arg10 : memref<!tpu.dma_semaphore, #tpu.memory_space<semaphore_mem>>)
      } else {
      }
    }
    %scan3A_50 = arith.constant 125 : i32
    %barrier3A_51 = arith.constant 0 : index
    tpu.barrier barrier_id(%barrier3A_51)
    %mul3A_52 = arith.constant 320 : i32
    %mul3A_53 = arith.muli %arg1, %mul3A_52 : i32
    %add3A_54 = arith.constant 0 : i32
    %add3A_55 = arith.addi %mul3A_53, %add3A_54 : i32
    "tpu.region"() ({
      %run_scoped3A = tpu.sem_alloc : memref<!tpu.dma_semaphore, #tpu.memory_space<semaphore_mem>>
      %dma_start3A_96 = arith.constant 0 : i32
      %dma_start3A_97 = tpu.memref_slice %arg8[%add3A_55, %dma_start3A_96] : memref<5128x128xf32, #tpu.memory_space<vmem_shared>> -> memref<80x128xf32, #tpu.memory_space<vmem_shared>>
      %dma_start3A_98 = arith.constant 0 : i32
      %dma_start3A_99 = tpu.memref_slice %arg8[%add3A_55, %dma_start3A_98] : memref<5128x128xf32, #tpu.memory_space<vmem_shared>> -> memref<80x128xf32, #tpu.memory_space<vmem_shared>>
      tpu.enqueue_dma source(%dma_start3A_99 : memref<80x128xf32, #tpu.memory_space<vmem_shared>>) target(%arg6 : memref<80x128xf32, #tpu.memory_space<vmem>>) target_semaphore(%run_scoped3A : memref<!tpu.dma_semaphore, #tpu.memory_space<semaphore_mem>>)
      %dma_wait3A = arith.constant 0 : i32
      %dma_wait3A_100 = tpu.memref_slice %arg8[%add3A_55, %dma_wait3A] : memref<5128x128xf32, #tpu.memory_space<vmem_shared>> -> memref<80x128xf32, #tpu.memory_space<vmem_shared>>
      %dma_wait3A_101 = arith.constant 0 : i32
      %dma_wait3A_102 = tpu.memref_slice %arg8[%add3A_55, %dma_wait3A_101] : memref<5128x128xf32, #tpu.memory_space<vmem_shared>> -> memref<80x128xf32, #tpu.memory_space<vmem_shared>>
      tpu.wait_dma2 semaphore(%run_scoped3A : memref<!tpu.dma_semaphore, #tpu.memory_space<semaphore_mem>>) src(%dma_wait3A_102 : memref<80x128xf32, #tpu.memory_space<vmem_shared>>) dst(%arg6 : memref<80x128xf32, #tpu.memory_space<vmem>>)
      tpu.yield
    }) : () -> ()
    %mul3A_56 = arith.constant 5120 : i32
    %mul3A_57 = arith.muli %arg0, %mul3A_56 : i32
    %mul3A_58 = arith.constant 320 : i32
    %mul3A_59 = arith.muli %arg1, %mul3A_58 : i32
    %add3A_60 = arith.addi %mul3A_57, %mul3A_59 : i32
    %add3A_61 = arith.constant 0 : i32
    %add3A_62 = arith.addi %add3A_60, %add3A_61 : i32
    "tpu.region"() ({
      %run_scoped3A = tpu.sem_alloc : memref<!tpu.dma_semaphore, #tpu.memory_space<semaphore_mem>>
      %dma_start3A_96 = arith.constant 0 : i32
      %dma_start3A_97 = tpu.memref_slice %arg4[%add3A_62, %dma_start3A_96] : memref<10240x128xf32, #tpu.memory_space<hbm>> -> memref<80x128xf32, #tpu.memory_space<hbm>>
      %dma_start3A_98 = arith.constant 0 : i32
      %dma_start3A_99 = tpu.memref_slice %arg4[%add3A_62, %dma_start3A_98] : memref<10240x128xf32, #tpu.memory_space<hbm>> -> memref<80x128xf32, #tpu.memory_space<hbm>>
      tpu.enqueue_dma source(%arg6 : memref<80x128xf32, #tpu.memory_space<vmem>>) target(%dma_start3A_99 : memref<80x128xf32, #tpu.memory_space<hbm>>) target_semaphore(%run_scoped3A : memref<!tpu.dma_semaphore, #tpu.memory_space<semaphore_mem>>)
      %dma_wait3A = arith.constant 0 : i32
      %dma_wait3A_100 = tpu.memref_slice %arg4[%add3A_62, %dma_wait3A] : memref<10240x128xf32, #tpu.memory_space<hbm>> -> memref<80x128xf32, #tpu.memory_space<hbm>>
      %dma_wait3A_101 = arith.constant 0 : i32
      %dma_wait3A_102 = tpu.memref_slice %arg4[%add3A_62, %dma_wait3A_101] : memref<10240x128xf32, #tpu.memory_space<hbm>> -> memref<80x128xf32, #tpu.memory_space<hbm>>
      tpu.wait_dma2 semaphore(%run_scoped3A : memref<!tpu.dma_semaphore, #tpu.memory_space<semaphore_mem>>) src(%arg6 : memref<80x128xf32, #tpu.memory_space<vmem>>) dst(%dma_wait3A_102 : memref<80x128xf32, #tpu.memory_space<hbm>>)
      tpu.yield
    }) : () -> ()
    %mul3A_63 = arith.constant 320 : i32
    %mul3A_64 = arith.muli %arg1, %mul3A_63 : i32
    %add3A_65 = arith.constant 80 : i32
    %add3A_66 = arith.addi %mul3A_64, %add3A_65 : i32
    "tpu.region"() ({
      %run_scoped3A = tpu.sem_alloc : memref<!tpu.dma_semaphore, #tpu.memory_space<semaphore_mem>>
      %dma_start3A_96 = arith.constant 0 : i32
      %dma_start3A_97 = tpu.memref_slice %arg8[%add3A_66, %dma_start3A_96] : memref<5128x128xf32, #tpu.memory_space<vmem_shared>> -> memref<80x128xf32, #tpu.memory_space<vmem_shared>>
      %dma_start3A_98 = arith.constant 0 : i32
      %dma_start3A_99 = tpu.memref_slice %arg8[%add3A_66, %dma_start3A_98] : memref<5128x128xf32, #tpu.memory_space<vmem_shared>> -> memref<80x128xf32, #tpu.memory_space<vmem_shared>>
      tpu.enqueue_dma source(%dma_start3A_99 : memref<80x128xf32, #tpu.memory_space<vmem_shared>>) target(%arg6 : memref<80x128xf32, #tpu.memory_space<vmem>>) target_semaphore(%run_scoped3A : memref<!tpu.dma_semaphore, #tpu.memory_space<semaphore_mem>>)
      %dma_wait3A = arith.constant 0 : i32
      %dma_wait3A_100 = tpu.memref_slice %arg8[%add3A_66, %dma_wait3A] : memref<5128x128xf32, #tpu.memory_space<vmem_shared>> -> memref<80x128xf32, #tpu.memory_space<vmem_shared>>
      %dma_wait3A_101 = arith.constant 0 : i32
      %dma_wait3A_102 = tpu.memref_slice %arg8[%add3A_66, %dma_wait3A_101] : memref<5128x128xf32, #tpu.memory_space<vmem_shared>> -> memref<80x128xf32, #tpu.memory_space<vmem_shared>>
      tpu.wait_dma2 semaphore(%run_scoped3A : memref<!tpu.dma_semaphore, #tpu.memory_space<semaphore_mem>>) src(%dma_wait3A_102 : memref<80x128xf32, #tpu.memory_space<vmem_shared>>) dst(%arg6 : memref<80x128xf32, #tpu.memory_space<vmem>>)
      tpu.yield
    }) : () -> ()
    %mul3A_67 = arith.constant 5120 : i32
    %mul3A_68 = arith.muli %arg0, %mul3A_67 : i32
    %mul3A_69 = arith.constant 320 : i32
    %mul3A_70 = arith.muli %arg1, %mul3A_69 : i32
    %add3A_71 = arith.addi %mul3A_68, %mul3A_70 : i32
    %add3A_72 = arith.constant 80 : i32
    %add3A_73 = arith.addi %add3A_71, %add3A_72 : i32
    "tpu.region"() ({
      %run_scoped3A = tpu.sem_alloc : memref<!tpu.dma_semaphore, #tpu.memory_space<semaphore_mem>>
      %dma_start3A_96 = arith.constant 0 : i32
      %dma_start3A_97 = tpu.memref_slice %arg4[%add3A_73, %dma_start3A_96] : memref<10240x128xf32, #tpu.memory_space<hbm>> -> memref<80x128xf32, #tpu.memory_space<hbm>>
      %dma_start3A_98 = arith.constant 0 : i32
      %dma_start3A_99 = tpu.memref_slice %arg4[%add3A_73, %dma_start3A_98] : memref<10240x128xf32, #tpu.memory_space<hbm>> -> memref<80x128xf32, #tpu.memory_space<hbm>>
      tpu.enqueue_dma source(%arg6 : memref<80x128xf32, #tpu.memory_space<vmem>>) target(%dma_start3A_99 : memref<80x128xf32, #tpu.memory_space<hbm>>) target_semaphore(%run_scoped3A : memref<!tpu.dma_semaphore, #tpu.memory_space<semaphore_mem>>)
      %dma_wait3A = arith.constant 0 : i32
      %dma_wait3A_100 = tpu.memref_slice %arg4[%add3A_73, %dma_wait3A] : memref<10240x128xf32, #tpu.memory_space<hbm>> -> memref<80x128xf32, #tpu.memory_space<hbm>>
      %dma_wait3A_101 = arith.constant 0 : i32
      %dma_wait3A_102 = tpu.memref_slice %arg4[%add3A_73, %dma_wait3A_101] : memref<10240x128xf32, #tpu.memory_space<hbm>> -> memref<80x128xf32, #tpu.memory_space<hbm>>
      tpu.wait_dma2 semaphore(%run_scoped3A : memref<!tpu.dma_semaphore, #tpu.memory_space<semaphore_mem>>) src(%arg6 : memref<80x128xf32, #tpu.memory_space<vmem>>) dst(%dma_wait3A_102 : memref<80x128xf32, #tpu.memory_space<hbm>>)
      tpu.yield
    }) : () -> ()
    %mul3A_74 = arith.constant 320 : i32
    %mul3A_75 = arith.muli %arg1, %mul3A_74 : i32
    %add3A_76 = arith.constant 160 : i32
    %add3A_77 = arith.addi %mul3A_75, %add3A_76 : i32
    "tpu.region"() ({
      %run_scoped3A = tpu.sem_alloc : memref<!tpu.dma_semaphore, #tpu.memory_space<semaphore_mem>>
      %dma_start3A_96 = arith.constant 0 : i32
      %dma_start3A_97 = tpu.memref_slice %arg8[%add3A_77, %dma_start3A_96] : memref<5128x128xf32, #tpu.memory_space<vmem_shared>> -> memref<80x128xf32, #tpu.memory_space<vmem_shared>>
      %dma_start3A_98 = arith.constant 0 : i32
      %dma_start3A_99 = tpu.memref_slice %arg8[%add3A_77, %dma_start3A_98] : memref<5128x128xf32, #tpu.memory_space<vmem_shared>> -> memref<80x128xf32, #tpu.memory_space<vmem_shared>>
      tpu.enqueue_dma source(%dma_start3A_99 : memref<80x128xf32, #tpu.memory_space<vmem_shared>>) target(%arg6 : memref<80x128xf32, #tpu.memory_space<vmem>>) target_semaphore(%run_scoped3A : memref<!tpu.dma_semaphore, #tpu.memory_space<semaphore_mem>>)
      %dma_wait3A = arith.constant 0 : i32
      %dma_wait3A_100 = tpu.memref_slice %arg8[%add3A_77, %dma_wait3A] : memref<5128x128xf32, #tpu.memory_space<vmem_shared>> -> memref<80x128xf32, #tpu.memory_space<vmem_shared>>
      %dma_wait3A_101 = arith.constant 0 : i32
      %dma_wait3A_102 = tpu.memref_slice %arg8[%add3A_77, %dma_wait3A_101] : memref<5128x128xf32, #tpu.memory_space<vmem_shared>> -> memref<80x128xf32, #tpu.memory_space<vmem_shared>>
      tpu.wait_dma2 semaphore(%run_scoped3A : memref<!tpu.dma_semaphore, #tpu.memory_space<semaphore_mem>>) src(%dma_wait3A_102 : memref<80x128xf32, #tpu.memory_space<vmem_shared>>) dst(%arg6 : memref<80x128xf32, #tpu.memory_space<vmem>>)
      tpu.yield
    }) : () -> ()
    %mul3A_78 = arith.constant 5120 : i32
    %mul3A_79 = arith.muli %arg0, %mul3A_78 : i32
    %mul3A_80 = arith.constant 320 : i32
    %mul3A_81 = arith.muli %arg1, %mul3A_80 : i32
    %add3A_82 = arith.addi %mul3A_79, %mul3A_81 : i32
    %add3A_83 = arith.constant 160 : i32
    %add3A_84 = arith.addi %add3A_82, %add3A_83 : i32
    "tpu.region"() ({
      %run_scoped3A = tpu.sem_alloc : memref<!tpu.dma_semaphore, #tpu.memory_space<semaphore_mem>>
      %dma_start3A_96 = arith.constant 0 : i32
      %dma_start3A_97 = tpu.memref_slice %arg4[%add3A_84, %dma_start3A_96] : memref<10240x128xf32, #tpu.memory_space<hbm>> -> memref<80x128xf32, #tpu.memory_space<hbm>>
      %dma_start3A_98 = arith.constant 0 : i32
      %dma_start3A_99 = tpu.memref_slice %arg4[%add3A_84, %dma_start3A_98] : memref<10240x128xf32, #tpu.memory_space<hbm>> -> memref<80x128xf32, #tpu.memory_space<hbm>>
      tpu.enqueue_dma source(%arg6 : memref<80x128xf32, #tpu.memory_space<vmem>>) target(%dma_start3A_99 : memref<80x128xf32, #tpu.memory_space<hbm>>) target_semaphore(%run_scoped3A : memref<!tpu.dma_semaphore, #tpu.memory_space<semaphore_mem>>)
      %dma_wait3A = arith.constant 0 : i32
      %dma_wait3A_100 = tpu.memref_slice %arg4[%add3A_84, %dma_wait3A] : memref<10240x128xf32, #tpu.memory_space<hbm>> -> memref<80x128xf32, #tpu.memory_space<hbm>>
      %dma_wait3A_101 = arith.constant 0 : i32
      %dma_wait3A_102 = tpu.memref_slice %arg4[%add3A_84, %dma_wait3A_101] : memref<10240x128xf32, #tpu.memory_space<hbm>> -> memref<80x128xf32, #tpu.memory_space<hbm>>
      tpu.wait_dma2 semaphore(%run_scoped3A : memref<!tpu.dma_semaphore, #tpu.memory_space<semaphore_mem>>) src(%arg6 : memref<80x128xf32, #tpu.memory_space<vmem>>) dst(%dma_wait3A_102 : memref<80x128xf32, #tpu.memory_space<hbm>>)
      tpu.yield
    }) : () -> ()
    %mul3A_85 = arith.constant 320 : i32
    %mul3A_86 = arith.muli %arg1, %mul3A_85 : i32
    %add3A_87 = arith.constant 240 : i32
    %add3A_88 = arith.addi %mul3A_86, %add3A_87 : i32
    "tpu.region"() ({
      %run_scoped3A = tpu.sem_alloc : memref<!tpu.dma_semaphore, #tpu.memory_space<semaphore_mem>>
      %dma_start3A_96 = arith.constant 0 : i32
      %dma_start3A_97 = tpu.memref_slice %arg8[%add3A_88, %dma_start3A_96] : memref<5128x128xf32, #tpu.memory_space<vmem_shared>> -> memref<80x128xf32, #tpu.memory_space<vmem_shared>>
      %dma_start3A_98 = arith.constant 0 : i32
      %dma_start3A_99 = tpu.memref_slice %arg8[%add3A_88, %dma_start3A_98] : memref<5128x128xf32, #tpu.memory_space<vmem_shared>> -> memref<80x128xf32, #tpu.memory_space<vmem_shared>>
      tpu.enqueue_dma source(%dma_start3A_99 : memref<80x128xf32, #tpu.memory_space<vmem_shared>>) target(%arg6 : memref<80x128xf32, #tpu.memory_space<vmem>>) target_semaphore(%run_scoped3A : memref<!tpu.dma_semaphore, #tpu.memory_space<semaphore_mem>>)
      %dma_wait3A = arith.constant 0 : i32
      %dma_wait3A_100 = tpu.memref_slice %arg8[%add3A_88, %dma_wait3A] : memref<5128x128xf32, #tpu.memory_space<vmem_shared>> -> memref<80x128xf32, #tpu.memory_space<vmem_shared>>
      %dma_wait3A_101 = arith.constant 0 : i32
      %dma_wait3A_102 = tpu.memref_slice %arg8[%add3A_88, %dma_wait3A_101] : memref<5128x128xf32, #tpu.memory_space<vmem_shared>> -> memref<80x128xf32, #tpu.memory_space<vmem_shared>>
      tpu.wait_dma2 semaphore(%run_scoped3A : memref<!tpu.dma_semaphore, #tpu.memory_space<semaphore_mem>>) src(%dma_wait3A_102 : memref<80x128xf32, #tpu.memory_space<vmem_shared>>) dst(%arg6 : memref<80x128xf32, #tpu.memory_space<vmem>>)
      tpu.yield
    }) : () -> ()
    %mul3A_89 = arith.constant 5120 : i32
    %mul3A_90 = arith.muli %arg0, %mul3A_89 : i32
    %mul3A_91 = arith.constant 320 : i32
    %mul3A_92 = arith.muli %arg1, %mul3A_91 : i32
    %add3A_93 = arith.addi %mul3A_90, %mul3A_92 : i32
    %add3A_94 = arith.constant 240 : i32
    %add3A_95 = arith.addi %add3A_93, %add3A_94 : i32
    "tpu.region"() ({
      %run_scoped3A = tpu.sem_alloc : memref<!tpu.dma_semaphore, #tpu.memory_space<semaphore_mem>>
      %dma_start3A_96 = arith.constant 0 : i32
      %dma_start3A_97 = tpu.memref_slice %arg4[%add3A_95, %dma_start3A_96] : memref<10240x128xf32, #tpu.memory_space<hbm>> -> memref<80x128xf32, #tpu.memory_space<hbm>>
      %dma_start3A_98 = arith.constant 0 : i32
      %dma_start3A_99 = tpu.memref_slice %arg4[%add3A_95, %dma_start3A_98] : memref<10240x128xf32, #tpu.memory_space<hbm>> -> memref<80x128xf32, #tpu.memory_space<hbm>>
      tpu.enqueue_dma source(%arg6 : memref<80x128xf32, #tpu.memory_space<vmem>>) target(%dma_start3A_99 : memref<80x128xf32, #tpu.memory_space<hbm>>) target_semaphore(%run_scoped3A : memref<!tpu.dma_semaphore, #tpu.memory_space<semaphore_mem>>)
      %dma_wait3A = arith.constant 0 : i32
      %dma_wait3A_100 = tpu.memref_slice %arg4[%add3A_95, %dma_wait3A] : memref<10240x128xf32, #tpu.memory_space<hbm>> -> memref<80x128xf32, #tpu.memory_space<hbm>>
      %dma_wait3A_101 = arith.constant 0 : i32
      %dma_wait3A_102 = tpu.memref_slice %arg4[%add3A_95, %dma_wait3A_101] : memref<10240x128xf32, #tpu.memory_space<hbm>> -> memref<80x128xf32, #tpu.memory_space<hbm>>
      tpu.wait_dma2 semaphore(%run_scoped3A : memref<!tpu.dma_semaphore, #tpu.memory_space<semaphore_mem>>) src(%arg6 : memref<80x128xf32, #tpu.memory_space<vmem>>) dst(%dma_wait3A_102 : memref<80x128xf32, #tpu.memory_space<hbm>>)
      tpu.yield
    }) : () -> ()
    return
  }
}

module attributes {stable_mosaic.version = 14 : i64} {
  func.func @_deg_body(%arg0: i32, %arg1: memref<1x1x2560xi32, #tpu.memory_space<vmem>>, %arg2: memref<80x128xf32, #tpu.memory_space<vmem>>) attributes {dimension_semantics = [#tpu.dimension_semantics<arbitrary>], iteration_bounds = array<i64: 125>, scalar_prefetch = 0 : i64, scratch_operands = 0 : i64, tpu.core_type = #tpu.core_type<tc>, window_params = [{transform_indices = @transform_0, window_bounds = array<i64: 1, 1, 2560>}, {pipeline_mode = #tpu.pipeline_mode<synchronous>, transform_indices = @transform_1, window_bounds = array<i64: 80, 128>}]} {
    %eq3A = arith.constant 0 : i32
    %eq3A_0 = arith.cmpi eq, %arg0, %eq3A : i32
    %convert_element_type3A = arith.extui %eq3A_0 : i1 to i32
    %cond3A = arith.constant 0 : i32
    %cond3A_1 = arith.cmpi ne, %convert_element_type3A, %cond3A : i32
    scf.if %cond3A_1 {
      %broadcast_in_dim3A_33 = arith.constant 0.000000e+00 : f32
      %broadcast_in_dim3A_34 = vector.broadcast %broadcast_in_dim3A_33 : f32 to vector<80x128xf32>
      %swap3A_35 = arith.constant 0 : index
      %swap3A_36 = arith.constant 0 : index
      %swap3A_37 = vector.load %arg2[%swap3A_35, %swap3A_36] : memref<80x128xf32, #tpu.memory_space<vmem>>, vector<80x128xf32>
      tpu.vector_store %arg2[%swap3A_35, %swap3A_36], %broadcast_in_dim3A_34 {strides = array<i32>} : memref<80x128xf32, #tpu.memory_space<vmem>>, vector<80x128xf32>,
    } else {
    }
    %get3A = arith.constant 0 : index
    %get3A_2 = arith.constant 0 : index
    %get3A_3 = arith.constant 0 : index
    %get3A_4 = vector.load %arg1[%get3A, %get3A_2, %get3A_3] : memref<1x1x2560xi32, #tpu.memory_space<vmem>>, vector<1x1x2560xi32>
    %get3A_5 = vector.shape_cast %get3A_4 : vector<1x1x2560xi32> to vector<2560xi32>
    %shift_right_arithmetic3A = arith.constant 7 : i32
    %shift_right_arithmetic3A_6 = vector.broadcast %shift_right_arithmetic3A : i32 to vector<2560xi32>
    %shift_right_arithmetic3A_7 = arith.shrsi %get3A_5, %shift_right_arithmetic3A_6 : vector<2560xi32>
    %and3A = arith.constant 127 : i32
    %and3A_8 = vector.broadcast %and3A : i32 to vector<2560xi32>
    %and3A_9 = arith.andi %get3A_5, %and3A_8 : vector<2560xi32>
    %broadcast_in_dim3A = vector.shape_cast %shift_right_arithmetic3A_7 : vector<2560xi32> to vector<2560x1xi32>
    %iota3A = tpu.iota {dimensions = array<i32: 1>} : vector<2560x80xi32>
    %eq3A_10 = vector.broadcast %broadcast_in_dim3A : vector<2560x1xi32> to vector<2560x80xi32>
    %eq3A_11 = arith.cmpi eq, %eq3A_10, %iota3A : vector<2560x80xi32>
    %convert_element_type3A_12 = arith.extui %eq3A_11 : vector<2560x80xi1> to vector<2560x80xi32>
    %convert_element_type3A_13 = arith.sitofp %convert_element_type3A_12 : vector<2560x80xi32> to vector<2560x80xf32>
    %convert_element_type3A_14 = arith.truncf %convert_element_type3A_13 : vector<2560x80xf32> to vector<2560x80xbf16>
    %broadcast_in_dim3A_15 = vector.shape_cast %and3A_9 : vector<2560xi32> to vector<2560x1xi32>
    %iota3A_16 = tpu.iota {dimensions = array<i32: 1>} : vector<2560x128xi32>
    %eq3A_17 = vector.broadcast %broadcast_in_dim3A_15 : vector<2560x1xi32> to vector<2560x128xi32>
    %eq3A_18 = arith.cmpi eq, %eq3A_17, %iota3A_16 : vector<2560x128xi32>
    %convert_element_type3A_19 = arith.extui %eq3A_18 : vector<2560x128xi1> to vector<2560x128xi32>
    %convert_element_type3A_20 = arith.sitofp %convert_element_type3A_19 : vector<2560x128xi32> to vector<2560x128xf32>
    %convert_element_type3A_21 = arith.truncf %convert_element_type3A_20 : vector<2560x128xf32> to vector<2560x128xbf16>
    %get3A_22 = arith.constant 0 : index
    %get3A_23 = arith.constant 0 : index
    %get3A_24 = vector.load %arg2[%get3A_22, %get3A_23] : memref<80x128xf32, #tpu.memory_space<vmem>>, vector<80x128xf32>
    %dot_general3A = arith.constant dense<0.000000e+00> : vector<80x128xf32>
    %dot_general3A_25 = tpu.matmul %convert_element_type3A_14, %convert_element_type3A_21, %dot_general3A {dimension_numbers = #tpu.dot_dimension_numbers<[0], [0], [1], [1], [0, 1, 1, 1], [], []>, transpose_lhs_hint = false} : vector<2560x80xbf16>, vector<2560x128xbf16>, vector<80x128xf32> -> vector<80x128xf32>
    %add3A = arith.addf %get3A_24, %dot_general3A_25 : vector<80x128xf32>
    %swap3A = arith.constant 0 : index
    %swap3A_26 = arith.constant 0 : index
    %swap3A_27 = vector.load %arg2[%swap3A, %swap3A_26] : memref<80x128xf32, #tpu.memory_space<vmem>>, vector<80x128xf32>
    tpu.vector_store %arg2[%swap3A, %swap3A_26], %add3A {strides = array<i32>} : memref<80x128xf32, #tpu.memory_space<vmem>>, vector<80x128xf32>,
    %eq3A_28 = arith.constant 124 : i32
    %eq3A_29 = arith.cmpi eq, %arg0, %eq3A_28 : i32
    %convert_element_type3A_30 = arith.extui %eq3A_29 : i1 to i32
    %cond3A_31 = arith.constant 0 : i32
    %cond3A_32 = arith.cmpi ne, %convert_element_type3A_30, %cond3A_31 : i32
    scf.if %cond3A_32 {
      %get3A_33 = arith.constant 0 : index
      %get3A_34 = arith.constant 0 : index
      %get3A_35 = vector.load %arg2[%get3A_33, %get3A_34] : memref<80x128xf32, #tpu.memory_space<vmem>>, vector<80x128xf32>
      %add3A_36 = arith.constant 1.000000e+00 : f32
      %add3A_37 = vector.broadcast %add3A_36 : f32 to vector<80x128xf32>
      %add3A_38 = arith.addf %add3A_37, %get3A_35 : vector<80x128xf32>
      %rsqrt3A = math.rsqrt %add3A_38 : vector<80x128xf32>
      %swap3A_39 = arith.constant 0 : index
      %swap3A_40 = arith.constant 0 : index
      %swap3A_41 = vector.load %arg2[%swap3A_39, %swap3A_40] : memref<80x128xf32, #tpu.memory_space<vmem>>, vector<80x128xf32>
      tpu.vector_store %arg2[%swap3A_39, %swap3A_40], %rsqrt3A {strides = array<i32>} : memref<80x128xf32, #tpu.memory_space<vmem>>, vector<80x128xf32>,
    } else {
    }
    return
  }
  func.func @transform_0(%arg0: i32) -> (i32, i32, i32) {
    %c0_i32 = arith.constant 0 : i32
    %c0_i32_0 = arith.constant 0 : i32
    %c0_i32_1 = arith.constant 0 : i32
    return %arg0, %c0_i32, %c0_i32_0 : i32, i32, i32
  }
  func.func @transform_1(%arg0: i32) -> (i32, i32) {
    %c0_i32 = arith.constant 0 : i32
    %c0_i32_0 = arith.constant 0 : i32
    %c0_i32_1 = arith.constant 0 : i32
    return %c0_i32, %c0_i32_0 : i32, i32
  }
}

module attributes {stable_mosaic.version = 14 : i64} {
  func.func @_hs_body(%arg0: i32, %arg1: memref<1000x128xf32, #tpu.memory_space<vmem>>, %arg2: memref<128x128xf32, #tpu.memory_space<vmem>>, %arg3: memref<1000x1xf32, #tpu.memory_space<vmem>>, %arg4: memref<1000x128xf32, #tpu.memory_space<vmem>>) attributes {dimension_semantics = [#tpu.dimension_semantics<arbitrary>], iteration_bounds = array<i64: 10>, scalar_prefetch = 0 : i64, scratch_operands = 0 : i64, tpu.core_type = #tpu.core_type<tc>, window_params = [{transform_indices = @transform_0, window_bounds = array<i64: 1000, 128>}, {pipeline_mode = #tpu.pipeline_mode<synchronous>, transform_indices = @transform_1, window_bounds = array<i64: 128, 128>}, {transform_indices = @transform_2, window_bounds = array<i64: 1000, 1>}, {transform_indices = @transform_3, window_bounds = array<i64: 1000, 128>}]} {
    %get3A = arith.constant 0 : index
    %get3A_0 = arith.constant 0 : index
    %get3A_1 = vector.load %arg1[%get3A, %get3A_0] : memref<1000x128xf32, #tpu.memory_space<vmem>>, vector<1000x128xf32>
    %get3A_2 = arith.constant 0 : index
    %get3A_3 = arith.constant 0 : index
    %get3A_4 = vector.load %arg2[%get3A_2, %get3A_3] : memref<128x128xf32, #tpu.memory_space<vmem>>, vector<128x128xf32>
    %dot_general3A = arith.constant dense<0.000000e+00> : vector<1000x128xf32>
    %dot_general3A_5 = tpu.matmul %get3A_1, %get3A_4, %dot_general3A {dimension_numbers = #tpu.dot_dimension_numbers<[1], [1], [0], [0], [0, 0, 1, 0], [], []>, transpose_lhs_hint = false} : vector<1000x128xf32>, vector<128x128xf32>, vector<1000x128xf32> -> vector<1000x128xf32>
    %get3A_6 = arith.constant 0 : index
    %get3A_7 = arith.constant 0 : index
    %get3A_8 = vector.load %arg3[%get3A_6, %get3A_7] : memref<1000x1xf32, #tpu.memory_space<vmem>>, vector<1000x1xf32>
    %mul3A = vector.broadcast %get3A_8 : vector<1000x1xf32> to vector<1000x128xf32>
    %mul3A_9 = arith.mulf %dot_general3A_5, %mul3A : vector<1000x128xf32>
    %swap3A = arith.constant 0 : index
    %swap3A_10 = arith.constant 0 : index
    %swap3A_11 = vector.load %arg4[%swap3A, %swap3A_10] : memref<1000x128xf32, #tpu.memory_space<vmem>>, vector<1000x128xf32>
    tpu.vector_store %arg4[%swap3A, %swap3A_10], %mul3A_9 {strides = array<i32>} : memref<1000x128xf32, #tpu.memory_space<vmem>>, vector<1000x128xf32>,
    return
  }
  func.func @transform_0(%arg0: i32) -> (i32, i32) {
    %c0_i32 = arith.constant 0 : i32
    %c0_i32_0 = arith.constant 0 : i32
    return %arg0, %c0_i32 : i32, i32
  }
  func.func @transform_1(%arg0: i32) -> (i32, i32) {
    %c0_i32 = arith.constant 0 : i32
    %c0_i32_0 = arith.constant 0 : i32
    %c0_i32_1 = arith.constant 0 : i32
    return %c0_i32, %c0_i32_0 : i32, i32
  }
  func.func @transform_2(%arg0: i32) -> (i32, i32) {
    %c0_i32 = arith.constant 0 : i32
    %c0_i32_0 = arith.constant 0 : i32
    return %arg0, %c0_i32 : i32, i32
  }
  func.func @transform_3(%arg0: i32) -> (i32, i32) {
    %c0_i32 = arith.constant 0 : i32
    %c0_i32_0 = arith.constant 0 : i32
    return %arg0, %c0_i32 : i32, i32
  }
}

module attributes {stable_mosaic.version = 14 : i64} {
  func.func @_transformer_body(%arg0: i32, %arg1: memref<1x240x128xf32, #tpu.memory_space<vmem>>, %arg2: memref<1x128xf32, #tpu.memory_space<vmem>>, %arg3: memref<1x128xf32, #tpu.memory_space<vmem>>, %arg4: memref<384x128xf32, #tpu.memory_space<vmem>>, %arg5: memref<1x384xf32, #tpu.memory_space<vmem>>, %arg6: memref<128x128xf32, #tpu.memory_space<vmem>>, %arg7: memref<1x128xf32, #tpu.memory_space<vmem>>, %arg8: memref<1x128xf32, #tpu.memory_space<vmem>>, %arg9: memref<1x128xf32, #tpu.memory_space<vmem>>, %arg10: memref<128x128xf32, #tpu.memory_space<vmem>>, %arg11: memref<1x128xf32, #tpu.memory_space<vmem>>, %arg12: memref<128x128xf32, #tpu.memory_space<vmem>>, %arg13: memref<1x128xf32, #tpu.memory_space<vmem>>, %arg14: memref<8x240xf32, #tpu.memory_space<vmem>>, %arg15: memref<240x128xf32, #tpu.memory_space<vmem>>, %arg16: memref<1x240x128xf32, #tpu.memory_space<vmem>>, %arg17: memref<1x8x128xf32, #tpu.memory_space<vmem>>) attributes {dimension_semantics = [#tpu.dimension_semantics<arbitrary>], iteration_bounds = array<i64: 16>, scalar_prefetch = 0 : i64, scratch_operands = 0 : i64, tpu.core_type = #tpu.core_type<tc>, window_params = [{transform_indices = @transform_0, window_bounds = array<i64: 1, 240, 128>}, {pipeline_mode = #tpu.pipeline_mode<synchronous>, transform_indices = @transform_1, window_bounds = array<i64: 1, 128>}, {pipeline_mode = #tpu.pipeline_mode<synchronous>, transform_indices = @transform_2, window_bounds = array<i64: 1, 128>}, {pipeline_mode = #tpu.pipeline_mode<synchronous>, transform_indices = @transform_3, window_bounds = array<i64: 384, 128>}, {pipeline_mode = #tpu.pipeline_mode<synchronous>, transform_indices = @transform_4, window_bounds = array<i64: 1, 384>}, {pipeline_mode = #tpu.pipeline_mode<synchronous>, transform_indices = @transform_5, window_bounds = array<i64: 128, 128>}, {pipeline_mode = #tpu.pipeline_mode<synchronous>, transform_indices = @transform_6, window_bounds = array<i64: 1, 128>}, {pipeline_mode = #tpu.pipeline_mode<synchronous>, transform_indices = @transform_7, window_bounds = array<i64: 1, 128>}, {pipeline_mode = #tpu.pipeline_mode<synchronous>, transform_indices = @transform_8, window_bounds = array<i64: 1, 128>}, {pipeline_mode = #tpu.pipeline_mode<synchronous>, transform_indices = @transform_9, window_bounds = array<i64: 128, 128>}, {pipeline_mode = #tpu.pipeline_mode<synchronous>, transform_indices = @transform_10, window_bounds = array<i64: 1, 128>}, {pipeline_mode = #tpu.pipeline_mode<synchronous>, transform_indices = @transform_11, window_bounds = array<i64: 128, 128>}, {pipeline_mode = #tpu.pipeline_mode<synchronous>, transform_indices = @transform_12, window_bounds = array<i64: 1, 128>}, {pipeline_mode = #tpu.pipeline_mode<synchronous>, transform_indices = @transform_13, window_bounds = array<i64: 8, 240>}, {pipeline_mode = #tpu.pipeline_mode<synchronous>, transform_indices = @transform_14, window_bounds = array<i64: 240, 128>}, {transform_indices = @transform_15, window_bounds = array<i64: 1, 240, 128>}, {transform_indices = @transform_16, window_bounds = array<i64: 1, 8, 128>}]} {
    %get3A = arith.constant 0 : index
    %get3A_0 = arith.constant 0 : index
    %get3A_1 = arith.constant 0 : index
    %get3A_2 = vector.load %arg1[%get3A, %get3A_0, %get3A_1] : memref<1x240x128xf32, #tpu.memory_space<vmem>>, vector<1x240x128xf32>
    %get3A_3 = vector.shape_cast %get3A_2 : vector<1x240x128xf32> to vector<240x128xf32>
    %get3A_4 = arith.constant 0 : index
    %get3A_5 = arith.constant 0 : index
    %get3A_6 = vector.load %arg2[%get3A_4, %get3A_5] : memref<1x128xf32, #tpu.memory_space<vmem>>, vector<1x128xf32>
    %get3A_7 = arith.constant 0 : index
    %get3A_8 = arith.constant 0 : index
    %get3A_9 = vector.load %arg3[%get3A_7, %get3A_8] : memref<1x128xf32, #tpu.memory_space<vmem>>, vector<1x128xf32>
    %reduce_sum3A = arith.constant dense<0.000000e+00> : vector<240xf32>
    %reduce_sum3A_10 = vector.multi_reduction <add>, %get3A_3, %reduce_sum3A [1] : vector<240x128xf32> to vector<240xf32>
    %broadcast_in_dim3A = vector.shape_cast %reduce_sum3A_10 : vector<240xf32> to vector<240x1xf32>
    %div3A = arith.constant 1.280000e+02 : f32
    %div3A_11 = vector.broadcast %div3A : f32 to vector<240x1xf32>
    %div3A_12 = arith.divf %broadcast_in_dim3A, %div3A_11 : vector<240x1xf32>
    %sub3A = vector.broadcast %div3A_12 : vector<240x1xf32> to vector<240x128xf32>
    %sub3A_13 = arith.subf %get3A_3, %sub3A : vector<240x128xf32>
    %integer_pow3A = arith.mulf %sub3A_13, %sub3A_13 : vector<240x128xf32>
    %reduce_sum3A_14 = arith.constant dense<0.000000e+00> : vector<240xf32>
    %reduce_sum3A_15 = vector.multi_reduction <add>, %integer_pow3A, %reduce_sum3A_14 [1] : vector<240x128xf32> to vector<240xf32>
    %broadcast_in_dim3A_16 = vector.shape_cast %reduce_sum3A_15 : vector<240xf32> to vector<240x1xf32>
    %div3A_17 = arith.constant 1.280000e+02 : f32
    %div3A_18 = vector.broadcast %div3A_17 : f32 to vector<240x1xf32>
    %div3A_19 = arith.divf %broadcast_in_dim3A_16, %div3A_18 : vector<240x1xf32>
    %sub3A_20 = vector.broadcast %div3A_12 : vector<240x1xf32> to vector<240x128xf32>
    %sub3A_21 = arith.subf %get3A_3, %sub3A_20 : vector<240x128xf32>
    %add3A = arith.constant 9.99999974E-6 : f32
    %add3A_22 = vector.broadcast %add3A : f32 to vector<240x1xf32>
    %add3A_23 = arith.addf %div3A_19, %add3A_22 : vector<240x1xf32>
    %rsqrt3A = math.rsqrt %add3A_23 : vector<240x1xf32>
    %mul3A = vector.broadcast %rsqrt3A : vector<240x1xf32> to vector<240x128xf32>
    %mul3A_24 = arith.mulf %sub3A_21, %mul3A : vector<240x128xf32>
    %mul3A_25 = vector.broadcast %get3A_6 : vector<1x128xf32> to vector<240x128xf32>
    %mul3A_26 = arith.mulf %mul3A_24, %mul3A_25 : vector<240x128xf32>
    %add3A_27 = vector.broadcast %get3A_9 : vector<1x128xf32> to vector<240x128xf32>
    %add3A_28 = arith.addf %mul3A_26, %add3A_27 : vector<240x128xf32>
    %get3A_29 = arith.constant 0 : index
    %get3A_30 = arith.constant 0 : index
    %get3A_31 = vector.load %arg4[%get3A_29, %get3A_30] : memref<384x128xf32, #tpu.memory_space<vmem>>, vector<384x128xf32>
    %dot_general3A = arith.constant dense<0.000000e+00> : vector<240x384xf32>
    %dot_general3A_32 = tpu.matmul %add3A_28, %get3A_31, %dot_general3A {dimension_numbers = #tpu.dot_dimension_numbers<[1], [1], [0], [0], [0, 0, 1, 0], [], []>, transpose_lhs_hint = false} : vector<240x128xf32>, vector<384x128xf32>, vector<240x384xf32> -> vector<240x384xf32>
    %get3A_33 = arith.constant 0 : index
    %get3A_34 = arith.constant 0 : index
    %get3A_35 = vector.load %arg5[%get3A_33, %get3A_34] : memref<1x384xf32, #tpu.memory_space<vmem>>, vector<1x384xf32>
    %add3A_36 = vector.broadcast %get3A_35 : vector<1x384xf32> to vector<240x384xf32>
    %add3A_37 = arith.addf %dot_general3A_32, %add3A_36 : vector<240x384xf32>
    %broadcast_in_dim3A_38 = arith.constant 0.000000e+00 : f32
    %broadcast_in_dim3A_39 = vector.broadcast %broadcast_in_dim3A_38 : f32 to vector<240x240xf32>
    %slice3A = vector.extract_strided_slice %add3A_37 {offsets = [0, 0], sizes = [240, 32], strides = [1, 1]} : vector<240x384xf32> to vector<240x32xf32>
    %slice3A_40 = vector.extract_strided_slice %add3A_37 {offsets = [0, 128], sizes = [240, 32], strides = [1, 1]} : vector<240x384xf32> to vector<240x32xf32>
    %slice3A_41 = vector.extract_strided_slice %add3A_37 {offsets = [0, 256], sizes = [240, 32], strides = [1, 1]} : vector<240x384xf32> to vector<240x32xf32>
    %dot_general3A_42 = arith.constant dense<0.000000e+00> : vector<240x240xf32>
    %dot_general3A_43 = tpu.matmul %slice3A, %slice3A_40, %dot_general3A_42 {dimension_numbers = #tpu.dot_dimension_numbers<[1], [1], [0], [0], [0, 0, 1, 0], [], []>, transpose_lhs_hint = false} : vector<240x32xf32>, vector<240x32xf32>, vector<240x240xf32> -> vector<240x240xf32>
    %mul3A_44 = arith.constant 0.176776692 : f32
    %mul3A_45 = vector.broadcast %mul3A_44 : f32 to vector<240x240xf32>
    %mul3A_46 = arith.mulf %dot_general3A_43, %mul3A_45 : vector<240x240xf32>
    %reduce_max3A = arith.constant dense<0xFF800000> : vector<240xf32>
    %reduce_max3A_47 = vector.multi_reduction <maximumf>, %mul3A_46, %reduce_max3A [1] : vector<240x240xf32> to vector<240xf32>
    %broadcast_in_dim3A_48 = vector.shape_cast %reduce_max3A_47 : vector<240xf32> to vector<240x1xf32>
    %sub3A_49 = vector.broadcast %broadcast_in_dim3A_48 : vector<240x1xf32> to vector<240x240xf32>
    %sub3A_50 = arith.subf %mul3A_46, %sub3A_49 : vector<240x240xf32>
    %exp3A = math.exp %sub3A_50 : vector<240x240xf32>
    %reduce_sum3A_51 = arith.constant dense<0.000000e+00> : vector<240xf32>
    %reduce_sum3A_52 = vector.multi_reduction <add>, %exp3A, %reduce_sum3A_51 [1] : vector<240x240xf32> to vector<240xf32>
    %broadcast_in_dim3A_53 = vector.shape_cast %reduce_sum3A_52 : vector<240xf32> to vector<240x1xf32>
    %div3A_54 = vector.broadcast %broadcast_in_dim3A_53 : vector<240x1xf32> to vector<240x240xf32>
    %div3A_55 = arith.divf %exp3A, %div3A_54 : vector<240x240xf32>
    %add3A_56 = arith.addf %broadcast_in_dim3A_39, %div3A_55 : vector<240x240xf32>
    %dot_general3A_57 = arith.constant dense<0.000000e+00> : vector<240x32xf32>
    %dot_general3A_58 = tpu.matmul %div3A_55, %slice3A_41, %dot_general3A_57 {dimension_numbers = #tpu.dot_dimension_numbers<[1], [0], [0], [1], [0, 0, 1, 1], [], []>, transpose_lhs_hint = false} : vector<240x240xf32>, vector<240x32xf32>, vector<240x32xf32> -> vector<240x32xf32>
    %slice3A_59 = vector.extract_strided_slice %add3A_37 {offsets = [0, 32], sizes = [240, 32], strides = [1, 1]} : vector<240x384xf32> to vector<240x32xf32>
    %slice3A_60 = vector.extract_strided_slice %add3A_37 {offsets = [0, 160], sizes = [240, 32], strides = [1, 1]} : vector<240x384xf32> to vector<240x32xf32>
    %slice3A_61 = vector.extract_strided_slice %add3A_37 {offsets = [0, 288], sizes = [240, 32], strides = [1, 1]} : vector<240x384xf32> to vector<240x32xf32>
    %dot_general3A_62 = arith.constant dense<0.000000e+00> : vector<240x240xf32>
    %dot_general3A_63 = tpu.matmul %slice3A_59, %slice3A_60, %dot_general3A_62 {dimension_numbers = #tpu.dot_dimension_numbers<[1], [1], [0], [0], [0, 0, 1, 0], [], []>, transpose_lhs_hint = false} : vector<240x32xf32>, vector<240x32xf32>, vector<240x240xf32> -> vector<240x240xf32>
    %mul3A_64 = arith.constant 0.176776692 : f32
    %mul3A_65 = vector.broadcast %mul3A_64 : f32 to vector<240x240xf32>
    %mul3A_66 = arith.mulf %dot_general3A_63, %mul3A_65 : vector<240x240xf32>
    %reduce_max3A_67 = arith.constant dense<0xFF800000> : vector<240xf32>
    %reduce_max3A_68 = vector.multi_reduction <maximumf>, %mul3A_66, %reduce_max3A_67 [1] : vector<240x240xf32> to vector<240xf32>
    %broadcast_in_dim3A_69 = vector.shape_cast %reduce_max3A_68 : vector<240xf32> to vector<240x1xf32>
    %sub3A_70 = vector.broadcast %broadcast_in_dim3A_69 : vector<240x1xf32> to vector<240x240xf32>
    %sub3A_71 = arith.subf %mul3A_66, %sub3A_70 : vector<240x240xf32>
    %exp3A_72 = math.exp %sub3A_71 : vector<240x240xf32>
    %reduce_sum3A_73 = arith.constant dense<0.000000e+00> : vector<240xf32>
    %reduce_sum3A_74 = vector.multi_reduction <add>, %exp3A_72, %reduce_sum3A_73 [1] : vector<240x240xf32> to vector<240xf32>
    %broadcast_in_dim3A_75 = vector.shape_cast %reduce_sum3A_74 : vector<240xf32> to vector<240x1xf32>
    %div3A_76 = vector.broadcast %broadcast_in_dim3A_75 : vector<240x1xf32> to vector<240x240xf32>
    %div3A_77 = arith.divf %exp3A_72, %div3A_76 : vector<240x240xf32>
    %add3A_78 = arith.addf %add3A_56, %div3A_77 : vector<240x240xf32>
    %dot_general3A_79 = arith.constant dense<0.000000e+00> : vector<240x32xf32>
    %dot_general3A_80 = tpu.matmul %div3A_77, %slice3A_61, %dot_general3A_79 {dimension_numbers = #tpu.dot_dimension_numbers<[1], [0], [0], [1], [0, 0, 1, 1], [], []>, transpose_lhs_hint = false} : vector<240x240xf32>, vector<240x32xf32>, vector<240x32xf32> -> vector<240x32xf32>
    %slice3A_81 = vector.extract_strided_slice %add3A_37 {offsets = [0, 64], sizes = [240, 32], strides = [1, 1]} : vector<240x384xf32> to vector<240x32xf32>
    %slice3A_82 = vector.extract_strided_slice %add3A_37 {offsets = [0, 192], sizes = [240, 32], strides = [1, 1]} : vector<240x384xf32> to vector<240x32xf32>
    %slice3A_83 = vector.extract_strided_slice %add3A_37 {offsets = [0, 320], sizes = [240, 32], strides = [1, 1]} : vector<240x384xf32> to vector<240x32xf32>
    %dot_general3A_84 = arith.constant dense<0.000000e+00> : vector<240x240xf32>
    %dot_general3A_85 = tpu.matmul %slice3A_81, %slice3A_82, %dot_general3A_84 {dimension_numbers = #tpu.dot_dimension_numbers<[1], [1], [0], [0], [0, 0, 1, 0], [], []>, transpose_lhs_hint = false} : vector<240x32xf32>, vector<240x32xf32>, vector<240x240xf32> -> vector<240x240xf32>
    %mul3A_86 = arith.constant 0.176776692 : f32
    %mul3A_87 = vector.broadcast %mul3A_86 : f32 to vector<240x240xf32>
    %mul3A_88 = arith.mulf %dot_general3A_85, %mul3A_87 : vector<240x240xf32>
    %reduce_max3A_89 = arith.constant dense<0xFF800000> : vector<240xf32>
    %reduce_max3A_90 = vector.multi_reduction <maximumf>, %mul3A_88, %reduce_max3A_89 [1] : vector<240x240xf32> to vector<240xf32>
    %broadcast_in_dim3A_91 = vector.shape_cast %reduce_max3A_90 : vector<240xf32> to vector<240x1xf32>
    %sub3A_92 = vector.broadcast %broadcast_in_dim3A_91 : vector<240x1xf32> to vector<240x240xf32>
    %sub3A_93 = arith.subf %mul3A_88, %sub3A_92 : vector<240x240xf32>
    %exp3A_94 = math.exp %sub3A_93 : vector<240x240xf32>
    %reduce_sum3A_95 = arith.constant dense<0.000000e+00> : vector<240xf32>
    %reduce_sum3A_96 = vector.multi_reduction <add>, %exp3A_94, %reduce_sum3A_95 [1] : vector<240x240xf32> to vector<240xf32>
    %broadcast_in_dim3A_97 = vector.shape_cast %reduce_sum3A_96 : vector<240xf32> to vector<240x1xf32>
    %div3A_98 = vector.broadcast %broadcast_in_dim3A_97 : vector<240x1xf32> to vector<240x240xf32>
    %div3A_99 = arith.divf %exp3A_94, %div3A_98 : vector<240x240xf32>
    %add3A_100 = arith.addf %add3A_78, %div3A_99 : vector<240x240xf32>
    %dot_general3A_101 = arith.constant dense<0.000000e+00> : vector<240x32xf32>
    %dot_general3A_102 = tpu.matmul %div3A_99, %slice3A_83, %dot_general3A_101 {dimension_numbers = #tpu.dot_dimension_numbers<[1], [0], [0], [1], [0, 0, 1, 1], [], []>, transpose_lhs_hint = false} : vector<240x240xf32>, vector<240x32xf32>, vector<240x32xf32> -> vector<240x32xf32>
    %slice3A_103 = vector.extract_strided_slice %add3A_37 {offsets = [0, 96], sizes = [240, 32], strides = [1, 1]} : vector<240x384xf32> to vector<240x32xf32>
    %slice3A_104 = vector.extract_strided_slice %add3A_37 {offsets = [0, 224], sizes = [240, 32], strides = [1, 1]} : vector<240x384xf32> to vector<240x32xf32>
    %slice3A_105 = vector.extract_strided_slice %add3A_37 {offsets = [0, 352], sizes = [240, 32], strides = [1, 1]} : vector<240x384xf32> to vector<240x32xf32>
    %dot_general3A_106 = arith.constant dense<0.000000e+00> : vector<240x240xf32>
    %dot_general3A_107 = tpu.matmul %slice3A_103, %slice3A_104, %dot_general3A_106 {dimension_numbers = #tpu.dot_dimension_numbers<[1], [1], [0], [0], [0, 0, 1, 0], [], []>, transpose_lhs_hint = false} : vector<240x32xf32>, vector<240x32xf32>, vector<240x240xf32> -> vector<240x240xf32>
    %mul3A_108 = arith.constant 0.176776692 : f32
    %mul3A_109 = vector.broadcast %mul3A_108 : f32 to vector<240x240xf32>
    %mul3A_110 = arith.mulf %dot_general3A_107, %mul3A_109 : vector<240x240xf32>
    %reduce_max3A_111 = arith.constant dense<0xFF800000> : vector<240xf32>
    %reduce_max3A_112 = vector.multi_reduction <maximumf>, %mul3A_110, %reduce_max3A_111 [1] : vector<240x240xf32> to vector<240xf32>
    %broadcast_in_dim3A_113 = vector.shape_cast %reduce_max3A_112 : vector<240xf32> to vector<240x1xf32>
    %sub3A_114 = vector.broadcast %broadcast_in_dim3A_113 : vector<240x1xf32> to vector<240x240xf32>
    %sub3A_115 = arith.subf %mul3A_110, %sub3A_114 : vector<240x240xf32>
    %exp3A_116 = math.exp %sub3A_115 : vector<240x240xf32>
    %reduce_sum3A_117 = arith.constant dense<0.000000e+00> : vector<240xf32>
    %reduce_sum3A_118 = vector.multi_reduction <add>, %exp3A_116, %reduce_sum3A_117 [1] : vector<240x240xf32> to vector<240xf32>
    %broadcast_in_dim3A_119 = vector.shape_cast %reduce_sum3A_118 : vector<240xf32> to vector<240x1xf32>
    %div3A_120 = vector.broadcast %broadcast_in_dim3A_119 : vector<240x1xf32> to vector<240x240xf32>
    %div3A_121 = arith.divf %exp3A_116, %div3A_120 : vector<240x240xf32>
    %add3A_122 = arith.addf %add3A_100, %div3A_121 : vector<240x240xf32>
    %dot_general3A_123 = arith.constant dense<0.000000e+00> : vector<240x32xf32>
    %dot_general3A_124 = tpu.matmul %div3A_121, %slice3A_105, %dot_general3A_123 {dimension_numbers = #tpu.dot_dimension_numbers<[1], [0], [0], [1], [0, 0, 1, 1], [], []>, transpose_lhs_hint = false} : vector<240x240xf32>, vector<240x32xf32>, vector<240x32xf32> -> vector<240x32xf32>
    %concatenate3A = tpu.concatenate %dot_general3A_58, %dot_general3A_80, %dot_general3A_102, %dot_general3A_124 in 1 : vector<240x32xf32>, vector<240x32xf32>, vector<240x32xf32>, vector<240x32xf32> -> vector<240x128xf32>
    %get3A_125 = arith.constant 0 : index
    %get3A_126 = arith.constant 0 : index
    %get3A_127 = vector.load %arg6[%get3A_125, %get3A_126] : memref<128x128xf32, #tpu.memory_space<vmem>>, vector<128x128xf32>
    %dot_general3A_128 = arith.constant dense<0.000000e+00> : vector<240x128xf32>
    %dot_general3A_129 = tpu.matmul %concatenate3A, %get3A_127, %dot_general3A_128 {dimension_numbers = #tpu.dot_dimension_numbers<[1], [1], [0], [0], [0, 0, 1, 0], [], []>, transpose_lhs_hint = false} : vector<240x128xf32>, vector<128x128xf32>, vector<240x128xf32> -> vector<240x128xf32>
    %add3A_130 = arith.addf %get3A_3, %dot_general3A_129 : vector<240x128xf32>
    %get3A_131 = arith.constant 0 : index
    %get3A_132 = arith.constant 0 : index
    %get3A_133 = vector.load %arg7[%get3A_131, %get3A_132] : memref<1x128xf32, #tpu.memory_space<vmem>>, vector<1x128xf32>
    %add3A_134 = vector.broadcast %get3A_133 : vector<1x128xf32> to vector<240x128xf32>
    %add3A_135 = arith.addf %add3A_130, %add3A_134 : vector<240x128xf32>
    %get3A_136 = arith.constant 0 : index
    %get3A_137 = arith.constant 0 : index
    %get3A_138 = vector.load %arg8[%get3A_136, %get3A_137] : memref<1x128xf32, #tpu.memory_space<vmem>>, vector<1x128xf32>
    %get3A_139 = arith.constant 0 : index
    %get3A_140 = arith.constant 0 : index
    %get3A_141 = vector.load %arg9[%get3A_139, %get3A_140] : memref<1x128xf32, #tpu.memory_space<vmem>>, vector<1x128xf32>
    %reduce_sum3A_142 = arith.constant dense<0.000000e+00> : vector<240xf32>
    %reduce_sum3A_143 = vector.multi_reduction <add>, %add3A_135, %reduce_sum3A_142 [1] : vector<240x128xf32> to vector<240xf32>
    %broadcast_in_dim3A_144 = vector.shape_cast %reduce_sum3A_143 : vector<240xf32> to vector<240x1xf32>
    %div3A_145 = arith.constant 1.280000e+02 : f32
    %div3A_146 = vector.broadcast %div3A_145 : f32 to vector<240x1xf32>
    %div3A_147 = arith.divf %broadcast_in_dim3A_144, %div3A_146 : vector<240x1xf32>
    %sub3A_148 = vector.broadcast %div3A_147 : vector<240x1xf32> to vector<240x128xf32>
    %sub3A_149 = arith.subf %add3A_135, %sub3A_148 : vector<240x128xf32>
    %integer_pow3A_150 = arith.mulf %sub3A_149, %sub3A_149 : vector<240x128xf32>
    %reduce_sum3A_151 = arith.constant dense<0.000000e+00> : vector<240xf32>
    %reduce_sum3A_152 = vector.multi_reduction <add>, %integer_pow3A_150, %reduce_sum3A_151 [1] : vector<240x128xf32> to vector<240xf32>
    %broadcast_in_dim3A_153 = vector.shape_cast %reduce_sum3A_152 : vector<240xf32> to vector<240x1xf32>
    %div3A_154 = arith.constant 1.280000e+02 : f32
    %div3A_155 = vector.broadcast %div3A_154 : f32 to vector<240x1xf32>
    %div3A_156 = arith.divf %broadcast_in_dim3A_153, %div3A_155 : vector<240x1xf32>
    %sub3A_157 = vector.broadcast %div3A_147 : vector<240x1xf32> to vector<240x128xf32>
    %sub3A_158 = arith.subf %add3A_135, %sub3A_157 : vector<240x128xf32>
    %add3A_159 = arith.constant 9.99999974E-6 : f32
    %add3A_160 = vector.broadcast %add3A_159 : f32 to vector<240x1xf32>
    %add3A_161 = arith.addf %div3A_156, %add3A_160 : vector<240x1xf32>
    %rsqrt3A_162 = math.rsqrt %add3A_161 : vector<240x1xf32>
    %mul3A_163 = vector.broadcast %rsqrt3A_162 : vector<240x1xf32> to vector<240x128xf32>
    %mul3A_164 = arith.mulf %sub3A_158, %mul3A_163 : vector<240x128xf32>
    %mul3A_165 = vector.broadcast %get3A_138 : vector<1x128xf32> to vector<240x128xf32>
    %mul3A_166 = arith.mulf %mul3A_164, %mul3A_165 : vector<240x128xf32>
    %add3A_167 = vector.broadcast %get3A_141 : vector<1x128xf32> to vector<240x128xf32>
    %add3A_168 = arith.addf %mul3A_166, %add3A_167 : vector<240x128xf32>
    %get3A_169 = arith.constant 0 : index
    %get3A_170 = arith.constant 0 : index
    %get3A_171 = vector.load %arg10[%get3A_169, %get3A_170] : memref<128x128xf32, #tpu.memory_space<vmem>>, vector<128x128xf32>
    %dot_general3A_172 = arith.constant dense<0.000000e+00> : vector<240x128xf32>
    %dot_general3A_173 = tpu.matmul %add3A_168, %get3A_171, %dot_general3A_172 {dimension_numbers = #tpu.dot_dimension_numbers<[1], [1], [0], [0], [0, 0, 1, 0], [], []>, transpose_lhs_hint = false} : vector<240x128xf32>, vector<128x128xf32>, vector<240x128xf32> -> vector<240x128xf32>
    %get3A_174 = arith.constant 0 : index
    %get3A_175 = arith.constant 0 : index
    %get3A_176 = vector.load %arg11[%get3A_174, %get3A_175] : memref<1x128xf32, #tpu.memory_space<vmem>>, vector<1x128xf32>
    %add3A_177 = vector.broadcast %get3A_176 : vector<1x128xf32> to vector<240x128xf32>
    %add3A_178 = arith.addf %dot_general3A_173, %add3A_177 : vector<240x128xf32>
    %ge3A = arith.constant 0.000000e+00 : f32
    %ge3A_179 = vector.broadcast %ge3A : f32 to vector<240x128xf32>
    %ge3A_180 = arith.cmpf oge, %add3A_178, %ge3A_179 : vector<240x128xf32>
    %mul3A_181 = arith.constant 0.00999999977 : f32
    %mul3A_182 = vector.broadcast %mul3A_181 : f32 to vector<240x128xf32>
    %mul3A_183 = arith.mulf %mul3A_182, %add3A_178 : vector<240x128xf32>
    %select_n3A = arith.select %ge3A_180, %add3A_178, %mul3A_183 : vector<240x128xi1>, vector<240x128xf32>
    %get3A_184 = arith.constant 0 : index
    %get3A_185 = arith.constant 0 : index
    %get3A_186 = vector.load %arg12[%get3A_184, %get3A_185] : memref<128x128xf32, #tpu.memory_space<vmem>>, vector<128x128xf32>
    %dot_general3A_187 = arith.constant dense<0.000000e+00> : vector<240x128xf32>
    %dot_general3A_188 = tpu.matmul %select_n3A, %get3A_186, %dot_general3A_187 {dimension_numbers = #tpu.dot_dimension_numbers<[1], [1], [0], [0], [0, 0, 1, 0], [], []>, transpose_lhs_hint = false} : vector<240x128xf32>, vector<128x128xf32>, vector<240x128xf32> -> vector<240x128xf32>
    %get3A_189 = arith.constant 0 : index
    %get3A_190 = arith.constant 0 : index
    %get3A_191 = vector.load %arg13[%get3A_189, %get3A_190] : memref<1x128xf32, #tpu.memory_space<vmem>>, vector<1x128xf32>
    %add3A_192 = vector.broadcast %get3A_191 : vector<1x128xf32> to vector<240x128xf32>
    %add3A_193 = arith.addf %dot_general3A_188, %add3A_192 : vector<240x128xf32>
    %add3A_194 = arith.addf %add3A_135, %add3A_193 : vector<240x128xf32>
    %swap3A = arith.constant 0 : index
    %swap3A_195 = arith.constant 0 : index
    %swap3A_196 = arith.constant 0 : index
    %swap3A_197 = vector.load %arg16[%swap3A, %swap3A_195, %swap3A_196] : memref<1x240x128xf32, #tpu.memory_space<vmem>>, vector<1x240x128xf32>
    %swap3A_198 = vector.shape_cast %swap3A_197 : vector<1x240x128xf32> to vector<240x128xf32>
    %swap3A_199 = vector.shape_cast %add3A_194 : vector<240x128xf32> to vector<1x240x128xf32>
    tpu.vector_store %arg16[%swap3A, %swap3A_195, %swap3A_196], %swap3A_199 {strides = array<i32>} : memref<1x240x128xf32, #tpu.memory_space<vmem>>, vector<1x240x128xf32>,
    %mul3A_200 = arith.constant 2.500000e-01 : f32
    %mul3A_201 = vector.broadcast %mul3A_200 : f32 to vector<240x240xf32>
    %mul3A_202 = arith.mulf %add3A_122, %mul3A_201 : vector<240x240xf32>
    %get3A_203 = arith.constant 0 : index
    %get3A_204 = arith.constant 0 : index
    %get3A_205 = vector.load %arg14[%get3A_203, %get3A_204] : memref<8x240xf32, #tpu.memory_space<vmem>>, vector<8x240xf32>
    %dot_general3A_206 = arith.constant dense<0.000000e+00> : vector<8x240xf32>
    %dot_general3A_207 = tpu.matmul %get3A_205, %mul3A_202, %dot_general3A_206 {dimension_numbers = #tpu.dot_dimension_numbers<[1], [0], [0], [1], [0, 0, 1, 1], [], []>, transpose_lhs_hint = false} : vector<8x240xf32>, vector<240x240xf32>, vector<8x240xf32> -> vector<8x240xf32>
    %get3A_208 = arith.constant 0 : index
    %get3A_209 = arith.constant 0 : index
    %get3A_210 = vector.load %arg15[%get3A_208, %get3A_209] : memref<240x128xf32, #tpu.memory_space<vmem>>, vector<240x128xf32>
    %dot_general3A_211 = arith.constant dense<0.000000e+00> : vector<8x128xf32>
    %dot_general3A_212 = tpu.matmul %dot_general3A_207, %get3A_210, %dot_general3A_211 {dimension_numbers = #tpu.dot_dimension_numbers<[1], [0], [0], [1], [0, 0, 1, 1], [], []>, transpose_lhs_hint = false} : vector<8x240xf32>, vector<240x128xf32>, vector<8x128xf32> -> vector<8x128xf32>
    %swap3A_213 = arith.constant 0 : index
    %swap3A_214 = arith.constant 0 : index
    %swap3A_215 = arith.constant 0 : index
    %swap3A_216 = vector.load %arg17[%swap3A_213, %swap3A_214, %swap3A_215] : memref<1x8x128xf32, #tpu.memory_space<vmem>>, vector<1x8x128xf32>
    %swap3A_217 = vector.shape_cast %swap3A_216 : vector<1x8x128xf32> to vector<8x128xf32>
    %swap3A_218 = vector.shape_cast %dot_general3A_212 : vector<8x128xf32> to vector<1x8x128xf32>
    tpu.vector_store %arg17[%swap3A_213, %swap3A_214, %swap3A_215], %swap3A_218 {strides = array<i32>} : memref<1x8x128xf32, #tpu.memory_space<vmem>>, vector<1x8x128xf32>,
    return
  }
  func.func @transform_0(%arg0: i32) -> (i32, i32, i32) {
    %c0_i32 = arith.constant 0 : i32
    %c0_i32_0 = arith.constant 0 : i32
    %c0_i32_1 = arith.constant 0 : i32
    return %arg0, %c0_i32, %c0_i32_0 : i32, i32, i32
  }
  func.func @transform_1(%arg0: i32) -> (i32, i32) {
    %c0_i32 = arith.constant 0 : i32
    %c0_i32_0 = arith.constant 0 : i32
    %c0_i32_1 = arith.constant 0 : i32
    return %c0_i32, %c0_i32_0 : i32, i32
  }
  func.func @transform_2(%arg0: i32) -> (i32, i32) {
    %c0_i32 = arith.constant 0 : i32
    %c0_i32_0 = arith.constant 0 : i32
    %c0_i32_1 = arith.constant 0 : i32
    return %c0_i32, %c0_i32_0 : i32, i32
  }
  func.func @transform_3(%arg0: i32) -> (i32, i32) {
    %c0_i32 = arith.constant 0 : i32
    %c0_i32_0 = arith.constant 0 : i32
    %c0_i32_1 = arith.constant 0 : i32
    return %c0_i32, %c0_i32_0 : i32, i32
  }
  func.func @transform_4(%arg0: i32) -> (i32, i32) {
    %c0_i32 = arith.constant 0 : i32
    %c0_i32_0 = arith.constant 0 : i32
    %c0_i32_1 = arith.constant 0 : i32
    return %c0_i32, %c0_i32_0 : i32, i32
  }
  func.func @transform_5(%arg0: i32) -> (i32, i32) {
    %c0_i32 = arith.constant 0 : i32
    %c0_i32_0 = arith.constant 0 : i32
    %c0_i32_1 = arith.constant 0 : i32
    return %c0_i32, %c0_i32_0 : i32, i32
  }
  func.func @transform_6(%arg0: i32) -> (i32, i32) {
    %c0_i32 = arith.constant 0 : i32
    %c0_i32_0 = arith.constant 0 : i32
    %c0_i32_1 = arith.constant 0 : i32
    return %c0_i32, %c0_i32_0 : i32, i32
  }
  func.func @transform_7(%arg0: i32) -> (i32, i32) {
    %c0_i32 = arith.constant 0 : i32
    %c0_i32_0 = arith.constant 0 : i32
    %c0_i32_1 = arith.constant 0 : i32
    return %c0_i32, %c0_i32_0 : i32, i32
  }
  func.func @transform_8(%arg0: i32) -> (i32, i32) {
    %c0_i32 = arith.constant 0 : i32
    %c0_i32_0 = arith.constant 0 : i32
    %c0_i32_1 = arith.constant 0 : i32
    return %c0_i32, %c0_i32_0 : i32, i32
  }
  func.func @transform_9(%arg0: i32) -> (i32, i32) {
    %c0_i32 = arith.constant 0 : i32
    %c0_i32_0 = arith.constant 0 : i32
    %c0_i32_1 = arith.constant 0 : i32
    return %c0_i32, %c0_i32_0 : i32, i32
  }
  func.func @transform_10(%arg0: i32) -> (i32, i32) {
    %c0_i32 = arith.constant 0 : i32
    %c0_i32_0 = arith.constant 0 : i32
    %c0_i32_1 = arith.constant 0 : i32
    return %c0_i32, %c0_i32_0 : i32, i32
  }
  func.func @transform_11(%arg0: i32) -> (i32, i32) {
    %c0_i32 = arith.constant 0 : i32
    %c0_i32_0 = arith.constant 0 : i32
    %c0_i32_1 = arith.constant 0 : i32
    return %c0_i32, %c0_i32_0 : i32, i32
  }
  func.func @transform_12(%arg0: i32) -> (i32, i32) {
    %c0_i32 = arith.constant 0 : i32
    %c0_i32_0 = arith.constant 0 : i32
    %c0_i32_1 = arith.constant 0 : i32
    return %c0_i32, %c0_i32_0 : i32, i32
  }
  func.func @transform_13(%arg0: i32) -> (i32, i32) {
    %c0_i32 = arith.constant 0 : i32
    %c0_i32_0 = arith.constant 0 : i32
    %c0_i32_1 = arith.constant 0 : i32
    return %c0_i32, %c0_i32_0 : i32, i32
  }
  func.func @transform_14(%arg0: i32) -> (i32, i32) {
    %c0_i32 = arith.constant 0 : i32
    %c0_i32_0 = arith.constant 0 : i32
    %c0_i32_1 = arith.constant 0 : i32
    return %c0_i32, %c0_i32_0 : i32, i32
  }
  func.func @transform_15(%arg0: i32) -> (i32, i32, i32) {
    %c0_i32 = arith.constant 0 : i32
    %c0_i32_0 = arith.constant 0 : i32
    %c0_i32_1 = arith.constant 0 : i32
    return %arg0, %c0_i32, %c0_i32_0 : i32, i32, i32
  }
  func.func @transform_16(%arg0: i32) -> (i32, i32, i32) {
    %c0_i32 = arith.constant 0 : i32
    %c0_i32_0 = arith.constant 0 : i32
    %c0_i32_1 = arith.constant 0 : i32
    return %arg0, %c0_i32, %c0_i32_0 : i32, i32, i32
  }
}

module attributes {stable_mosaic.version = 14 : i64} {
  func.func @_combine_body(%arg0: i32, %arg1: memref<1000x128xf32, #tpu.memory_space<vmem>>, %arg2: memref<1000x128xf32, #tpu.memory_space<vmem>>, %arg3: memref<1000x1xf32, #tpu.memory_space<vmem>>, %arg4: memref<1x128xf32, #tpu.memory_space<vmem>>, %arg5: memref<1000x128xf32, #tpu.memory_space<vmem>>) attributes {dimension_semantics = [#tpu.dimension_semantics<arbitrary>], iteration_bounds = array<i64: 10>, scalar_prefetch = 0 : i64, scratch_operands = 0 : i64, tpu.core_type = #tpu.core_type<tc>, window_params = [{transform_indices = @transform_0, window_bounds = array<i64: 1000, 128>}, {transform_indices = @transform_1, window_bounds = array<i64: 1000, 128>}, {transform_indices = @transform_2, window_bounds = array<i64: 1000, 1>}, {pipeline_mode = #tpu.pipeline_mode<synchronous>, transform_indices = @transform_3, window_bounds = array<i64: 1, 128>}, {transform_indices = @transform_4, window_bounds = array<i64: 1000, 128>}]} {
    %get3A = arith.constant 0 : index
    %get3A_0 = arith.constant 0 : index
    %get3A_1 = vector.load %arg3[%get3A, %get3A_0] : memref<1000x1xf32, #tpu.memory_space<vmem>>, vector<1000x1xf32>
    %get3A_2 = arith.constant 0 : index
    %get3A_3 = arith.constant 0 : index
    %get3A_4 = vector.load %arg2[%get3A_2, %get3A_3] : memref<1000x128xf32, #tpu.memory_space<vmem>>, vector<1000x128xf32>
    %get3A_5 = arith.constant 0 : index
    %get3A_6 = arith.constant 0 : index
    %get3A_7 = vector.load %arg1[%get3A_5, %get3A_6] : memref<1000x128xf32, #tpu.memory_space<vmem>>, vector<1000x128xf32>
    %add3A = arith.addf %get3A_4, %get3A_7 : vector<1000x128xf32>
    %mul3A = vector.broadcast %get3A_1 : vector<1000x1xf32> to vector<1000x128xf32>
    %mul3A_8 = arith.mulf %mul3A, %add3A : vector<1000x128xf32>
    %get3A_9 = arith.constant 0 : index
    %get3A_10 = arith.constant 0 : index
    %get3A_11 = vector.load %arg4[%get3A_9, %get3A_10] : memref<1x128xf32, #tpu.memory_space<vmem>>, vector<1x128xf32>
    %add3A_12 = vector.broadcast %get3A_11 : vector<1x128xf32> to vector<1000x128xf32>
    %add3A_13 = arith.addf %mul3A_8, %add3A_12 : vector<1000x128xf32>
    %swap3A = arith.constant 0 : index
    %swap3A_14 = arith.constant 0 : index
    %swap3A_15 = vector.load %arg5[%swap3A, %swap3A_14] : memref<1000x128xf32, #tpu.memory_space<vmem>>, vector<1000x128xf32>
    tpu.vector_store %arg5[%swap3A, %swap3A_14], %add3A_13 {strides = array<i32>} : memref<1000x128xf32, #tpu.memory_space<vmem>>, vector<1000x128xf32>,
    return
  }
  func.func @transform_0(%arg0: i32) -> (i32, i32) {
    %c0_i32 = arith.constant 0 : i32
    %c0_i32_0 = arith.constant 0 : i32
    return %arg0, %c0_i32 : i32, i32
  }
  func.func @transform_1(%arg0: i32) -> (i32, i32) {
    %c0_i32 = arith.constant 0 : i32
    %c0_i32_0 = arith.constant 0 : i32
    return %arg0, %c0_i32 : i32, i32
  }
  func.func @transform_2(%arg0: i32) -> (i32, i32) {
    %c0_i32 = arith.constant 0 : i32
    %c0_i32_0 = arith.constant 0 : i32
    return %arg0, %c0_i32 : i32, i32
  }
  func.func @transform_3(%arg0: i32) -> (i32, i32) {
    %c0_i32 = arith.constant 0 : i32
    %c0_i32_0 = arith.constant 0 : i32
    %c0_i32_1 = arith.constant 0 : i32
    return %c0_i32, %c0_i32_0 : i32, i32
  }
  func.func @transform_4(%arg0: i32) -> (i32, i32) {
    %c0_i32 = arith.constant 0 : i32
    %c0_i32_0 = arith.constant 0 : i32
    return %arg0, %c0_i32 : i32, i32
  }
}

module attributes {stable_mosaic.version = 14 : i64} {
  func.func @_multiattn_body(%arg0: memref<10000x128xf32, #tpu.memory_space<vmem>>, %arg1: memref<512xi32, #tpu.memory_space<smem>>, %arg2: memref<512x1xi32, #tpu.memory_space<vmem>>, %arg3: memref<384x128xf32, #tpu.memory_space<vmem>>, %arg4: memref<1x384xf32, #tpu.memory_space<vmem>>, %arg5: memref<128x128xf32, #tpu.memory_space<vmem>>, %arg6: memref<1x128xf32, #tpu.memory_space<vmem>>, %arg7: memref<10000x128xf32, #tpu.memory_space<vmem>>, %arg8: memref<512x128xf32, #tpu.memory_space<vmem>>) attributes {dimension_semantics = [], scalar_prefetch = 0 : i64, scratch_operands = 1 : i64, tpu.core_type = #tpu.core_type<tc>} {
    %get3A = arith.constant 0 : index
    %get3A_0 = arith.constant 0 : index
    %get3A_1 = vector.load %arg0[%get3A, %get3A_0] : memref<10000x128xf32, #tpu.memory_space<vmem>>, vector<10000x128xf32>
    %swap3A = arith.constant 0 : index
    %swap3A_2 = arith.constant 0 : index
    %swap3A_3 = vector.load %arg7[%swap3A, %swap3A_2] : memref<10000x128xf32, #tpu.memory_space<vmem>>, vector<10000x128xf32>
    tpu.vector_store %arg7[%swap3A, %swap3A_2], %get3A_1 {strides = array<i32>} : memref<10000x128xf32, #tpu.memory_space<vmem>>, vector<10000x128xf32>,
    %scan3A = arith.constant 0 : i32
    %scan3A_4 = arith.constant 512 : i32
    %scan3A_5 = arith.addi %scan3A, %scan3A_4 : i32
    %scan3A_6 = arith.constant 1 : i32
    scf.for %scan3A_2030 = %scan3A to %scan3A_5 step %scan3A_6  : i32 {
      %get3A_2031 = arith.index_cast %scan3A_2030 : i32 to index
      %get3A_2032 = memref.load %arg1[%get3A_2031] : memref<512xi32, #tpu.memory_space<smem>>
      %get3A_2033 = arith.index_cast %get3A_2032 : i32 to index
      %get3A_2034 = arith.constant 0 : index
      %get3A_2035 = vector.load %arg0[%get3A_2033, %get3A_2034] : memref<10000x128xf32, #tpu.memory_space<vmem>>, vector<1x128xf32>
      %swap3A_2036 = arith.index_cast %scan3A_2030 : i32 to index
      %swap3A_2037 = arith.constant 0 : index
      %swap3A_2038 = vector.load %arg8[%swap3A_2036, %swap3A_2037] : memref<512x128xf32, #tpu.memory_space<vmem>>, vector<1x128xf32>
      tpu.vector_store %arg8[%swap3A_2036, %swap3A_2037], %get3A_2035 {strides = array<i32>} : memref<512x128xf32, #tpu.memory_space<vmem>>, vector<1x128xf32>,
    }
    %scan3A_7 = arith.constant 512 : i32
    %get3A_8 = arith.constant 0 : index
    %get3A_9 = arith.constant 0 : index
    %get3A_10 = vector.load %arg2[%get3A_8, %get3A_9] : memref<512x1xi32, #tpu.memory_space<vmem>>, vector<512x1xi32>
    %get3A_11 = arith.constant 0 : index
    %get3A_12 = arith.constant 0 : index
    %get3A_13 = vector.load %arg8[%get3A_11, %get3A_12] : memref<512x128xf32, #tpu.memory_space<vmem>>, vector<32x128xf32>
    %get3A_14 = arith.constant 0 : index
    %get3A_15 = arith.constant 0 : index
    %get3A_16 = vector.load %arg3[%get3A_14, %get3A_15] : memref<384x128xf32, #tpu.memory_space<vmem>>, vector<384x128xf32>
    %dot_general3A = arith.constant dense<0.000000e+00> : vector<32x384xf32>
    %dot_general3A_17 = tpu.matmul %get3A_13, %get3A_16, %dot_general3A {dimension_numbers = #tpu.dot_dimension_numbers<[1], [1], [0], [0], [0, 0, 1, 0], [], []>, transpose_lhs_hint = false} : vector<32x128xf32>, vector<384x128xf32>, vector<32x384xf32> -> vector<32x384xf32>
    %get3A_18 = arith.constant 0 : index
    %get3A_19 = arith.constant 0 : index
    %get3A_20 = vector.load %arg4[%get3A_18, %get3A_19] : memref<1x384xf32, #tpu.memory_space<vmem>>, vector<1x384xf32>
    %add3A = vector.broadcast %get3A_20 : vector<1x384xf32> to vector<32x384xf32>
    %add3A_21 = arith.addf %dot_general3A_17, %add3A : vector<32x384xf32>
    %slice3A = vector.extract_strided_slice %add3A_21 {offsets = [0, 0], sizes = [32, 32], strides = [1, 1]} : vector<32x384xf32> to vector<32x32xf32>
    %slice3A_22 = vector.extract_strided_slice %add3A_21 {offsets = [0, 128], sizes = [32, 32], strides = [1, 1]} : vector<32x384xf32> to vector<32x32xf32>
    %slice3A_23 = vector.extract_strided_slice %add3A_21 {offsets = [0, 256], sizes = [32, 32], strides = [1, 1]} : vector<32x384xf32> to vector<32x32xf32>
    %dot_general3A_24 = arith.constant dense<0.000000e+00> : vector<32x32xf32>
    %dot_general3A_25 = tpu.matmul %slice3A, %slice3A_22, %dot_general3A_24 {dimension_numbers = #tpu.dot_dimension_numbers<[1], [1], [0], [0], [0, 0, 1, 0], [], []>, transpose_lhs_hint = false} : vector<32x32xf32>, vector<32x32xf32>, vector<32x32xf32> -> vector<32x32xf32>
    %mul3A = arith.constant 0.176776692 : f32
    %mul3A_26 = vector.broadcast %mul3A : f32 to vector<32x32xf32>
    %mul3A_27 = arith.mulf %dot_general3A_25, %mul3A_26 : vector<32x32xf32>
    %reduce_max3A = arith.constant dense<0xFF800000> : vector<32xf32>
    %reduce_max3A_28 = vector.multi_reduction <maximumf>, %mul3A_27, %reduce_max3A [1] : vector<32x32xf32> to vector<32xf32>
    %broadcast_in_dim3A = vector.shape_cast %reduce_max3A_28 : vector<32xf32> to vector<32x1xf32>
    %sub3A = vector.broadcast %broadcast_in_dim3A : vector<32x1xf32> to vector<32x32xf32>
    %sub3A_29 = arith.subf %mul3A_27, %sub3A : vector<32x32xf32>
    %exp3A = math.exp %sub3A_29 : vector<32x32xf32>
    %reduce_sum3A = arith.constant dense<0.000000e+00> : vector<32xf32>
    %reduce_sum3A_30 = vector.multi_reduction <add>, %exp3A, %reduce_sum3A [1] : vector<32x32xf32> to vector<32xf32>
    %broadcast_in_dim3A_31 = vector.shape_cast %reduce_sum3A_30 : vector<32xf32> to vector<32x1xf32>
    %div3A = vector.broadcast %broadcast_in_dim3A_31 : vector<32x1xf32> to vector<32x32xf32>
    %div3A_32 = arith.divf %exp3A, %div3A : vector<32x32xf32>
    %dot_general3A_33 = arith.constant dense<0.000000e+00> : vector<32x32xf32>
    %dot_general3A_34 = tpu.matmul %div3A_32, %slice3A_23, %dot_general3A_33 {dimension_numbers = #tpu.dot_dimension_numbers<[1], [0], [0], [1], [0, 0, 1, 1], [], []>, transpose_lhs_hint = false} : vector<32x32xf32>, vector<32x32xf32>, vector<32x32xf32> -> vector<32x32xf32>
    %slice3A_35 = vector.extract_strided_slice %add3A_21 {offsets = [0, 32], sizes = [32, 32], strides = [1, 1]} : vector<32x384xf32> to vector<32x32xf32>
    %slice3A_36 = vector.extract_strided_slice %add3A_21 {offsets = [0, 160], sizes = [32, 32], strides = [1, 1]} : vector<32x384xf32> to vector<32x32xf32>
    %slice3A_37 = vector.extract_strided_slice %add3A_21 {offsets = [0, 288], sizes = [32, 32], strides = [1, 1]} : vector<32x384xf32> to vector<32x32xf32>
    %dot_general3A_38 = arith.constant dense<0.000000e+00> : vector<32x32xf32>
    %dot_general3A_39 = tpu.matmul %slice3A_35, %slice3A_36, %dot_general3A_38 {dimension_numbers = #tpu.dot_dimension_numbers<[1], [1], [0], [0], [0, 0, 1, 0], [], []>, transpose_lhs_hint = false} : vector<32x32xf32>, vector<32x32xf32>, vector<32x32xf32> -> vector<32x32xf32>
    %mul3A_40 = arith.constant 0.176776692 : f32
    %mul3A_41 = vector.broadcast %mul3A_40 : f32 to vector<32x32xf32>
    %mul3A_42 = arith.mulf %dot_general3A_39, %mul3A_41 : vector<32x32xf32>
    %reduce_max3A_43 = arith.constant dense<0xFF800000> : vector<32xf32>
    %reduce_max3A_44 = vector.multi_reduction <maximumf>, %mul3A_42, %reduce_max3A_43 [1] : vector<32x32xf32> to vector<32xf32>
    %broadcast_in_dim3A_45 = vector.shape_cast %reduce_max3A_44 : vector<32xf32> to vector<32x1xf32>
    %sub3A_46 = vector.broadcast %broadcast_in_dim3A_45 : vector<32x1xf32> to vector<32x32xf32>
    %sub3A_47 = arith.subf %mul3A_42, %sub3A_46 : vector<32x32xf32>
    %exp3A_48 = math.exp %sub3A_47 : vector<32x32xf32>
    %reduce_sum3A_49 = arith.constant dense<0.000000e+00> : vector<32xf32>
    %reduce_sum3A_50 = vector.multi_reduction <add>, %exp3A_48, %reduce_sum3A_49 [1] : vector<32x32xf32> to vector<32xf32>
    %broadcast_in_dim3A_51 = vector.shape_cast %reduce_sum3A_50 : vector<32xf32> to vector<32x1xf32>
    %div3A_52 = vector.broadcast %broadcast_in_dim3A_51 : vector<32x1xf32> to vector<32x32xf32>
    %div3A_53 = arith.divf %exp3A_48, %div3A_52 : vector<32x32xf32>
    %dot_general3A_54 = arith.constant dense<0.000000e+00> : vector<32x32xf32>
    %dot_general3A_55 = tpu.matmul %div3A_53, %slice3A_37, %dot_general3A_54 {dimension_numbers = #tpu.dot_dimension_numbers<[1], [0], [0], [1], [0, 0, 1, 1], [], []>, transpose_lhs_hint = false} : vector<32x32xf32>, vector<32x32xf32>, vector<32x32xf32> -> vector<32x32xf32>
    %slice3A_56 = vector.extract_strided_slice %add3A_21 {offsets = [0, 64], sizes = [32, 32], strides = [1, 1]} : vector<32x384xf32> to vector<32x32xf32>
    %slice3A_57 = vector.extract_strided_slice %add3A_21 {offsets = [0, 192], sizes = [32, 32], strides = [1, 1]} : vector<32x384xf32> to vector<32x32xf32>
    %slice3A_58 = vector.extract_strided_slice %add3A_21 {offsets = [0, 320], sizes = [32, 32], strides = [1, 1]} : vector<32x384xf32> to vector<32x32xf32>
    %dot_general3A_59 = arith.constant dense<0.000000e+00> : vector<32x32xf32>
    %dot_general3A_60 = tpu.matmul %slice3A_56, %slice3A_57, %dot_general3A_59 {dimension_numbers = #tpu.dot_dimension_numbers<[1], [1], [0], [0], [0, 0, 1, 0], [], []>, transpose_lhs_hint = false} : vector<32x32xf32>, vector<32x32xf32>, vector<32x32xf32> -> vector<32x32xf32>
    %mul3A_61 = arith.constant 0.176776692 : f32
    %mul3A_62 = vector.broadcast %mul3A_61 : f32 to vector<32x32xf32>
    %mul3A_63 = arith.mulf %dot_general3A_60, %mul3A_62 : vector<32x32xf32>
    %reduce_max3A_64 = arith.constant dense<0xFF800000> : vector<32xf32>
    %reduce_max3A_65 = vector.multi_reduction <maximumf>, %mul3A_63, %reduce_max3A_64 [1] : vector<32x32xf32> to vector<32xf32>
    %broadcast_in_dim3A_66 = vector.shape_cast %reduce_max3A_65 : vector<32xf32> to vector<32x1xf32>
    %sub3A_67 = vector.broadcast %broadcast_in_dim3A_66 : vector<32x1xf32> to vector<32x32xf32>
    %sub3A_68 = arith.subf %mul3A_63, %sub3A_67 : vector<32x32xf32>
    %exp3A_69 = math.exp %sub3A_68 : vector<32x32xf32>
    %reduce_sum3A_70 = arith.constant dense<0.000000e+00> : vector<32xf32>
    %reduce_sum3A_71 = vector.multi_reduction <add>, %exp3A_69, %reduce_sum3A_70 [1] : vector<32x32xf32> to vector<32xf32>
    %broadcast_in_dim3A_72 = vector.shape_cast %reduce_sum3A_71 : vector<32xf32> to vector<32x1xf32>
    %div3A_73 = vector.broadcast %broadcast_in_dim3A_72 : vector<32x1xf32> to vector<32x32xf32>
    %div3A_74 = arith.divf %exp3A_69, %div3A_73 : vector<32x32xf32>
    %dot_general3A_75 = arith.constant dense<0.000000e+00> : vector<32x32xf32>
    %dot_general3A_76 = tpu.matmul %div3A_74, %slice3A_58, %dot_general3A_75 {dimension_numbers = #tpu.dot_dimension_numbers<[1], [0], [0], [1], [0, 0, 1, 1], [], []>, transpose_lhs_hint = false} : vector<32x32xf32>, vector<32x32xf32>, vector<32x32xf32> -> vector<32x32xf32>
    %slice3A_77 = vector.extract_strided_slice %add3A_21 {offsets = [0, 96], sizes = [32, 32], strides = [1, 1]} : vector<32x384xf32> to vector<32x32xf32>
    %slice3A_78 = vector.extract_strided_slice %add3A_21 {offsets = [0, 224], sizes = [32, 32], strides = [1, 1]} : vector<32x384xf32> to vector<32x32xf32>
    %slice3A_79 = vector.extract_strided_slice %add3A_21 {offsets = [0, 352], sizes = [32, 32], strides = [1, 1]} : vector<32x384xf32> to vector<32x32xf32>
    %dot_general3A_80 = arith.constant dense<0.000000e+00> : vector<32x32xf32>
    %dot_general3A_81 = tpu.matmul %slice3A_77, %slice3A_78, %dot_general3A_80 {dimension_numbers = #tpu.dot_dimension_numbers<[1], [1], [0], [0], [0, 0, 1, 0], [], []>, transpose_lhs_hint = false} : vector<32x32xf32>, vector<32x32xf32>, vector<32x32xf32> -> vector<32x32xf32>
    %mul3A_82 = arith.constant 0.176776692 : f32
    %mul3A_83 = vector.broadcast %mul3A_82 : f32 to vector<32x32xf32>
    %mul3A_84 = arith.mulf %dot_general3A_81, %mul3A_83 : vector<32x32xf32>
    %reduce_max3A_85 = arith.constant dense<0xFF800000> : vector<32xf32>
    %reduce_max3A_86 = vector.multi_reduction <maximumf>, %mul3A_84, %reduce_max3A_85 [1] : vector<32x32xf32> to vector<32xf32>
    %broadcast_in_dim3A_87 = vector.shape_cast %reduce_max3A_86 : vector<32xf32> to vector<32x1xf32>
    %sub3A_88 = vector.broadcast %broadcast_in_dim3A_87 : vector<32x1xf32> to vector<32x32xf32>
    %sub3A_89 = arith.subf %mul3A_84, %sub3A_88 : vector<32x32xf32>
    %exp3A_90 = math.exp %sub3A_89 : vector<32x32xf32>
    %reduce_sum3A_91 = arith.constant dense<0.000000e+00> : vector<32xf32>
    %reduce_sum3A_92 = vector.multi_reduction <add>, %exp3A_90, %reduce_sum3A_91 [1] : vector<32x32xf32> to vector<32xf32>
    %broadcast_in_dim3A_93 = vector.shape_cast %reduce_sum3A_92 : vector<32xf32> to vector<32x1xf32>
    %div3A_94 = vector.broadcast %broadcast_in_dim3A_93 : vector<32x1xf32> to vector<32x32xf32>
    %div3A_95 = arith.divf %exp3A_90, %div3A_94 : vector<32x32xf32>
    %dot_general3A_96 = arith.constant dense<0.000000e+00> : vector<32x32xf32>
    %dot_general3A_97 = tpu.matmul %div3A_95, %slice3A_79, %dot_general3A_96 {dimension_numbers = #tpu.dot_dimension_numbers<[1], [0], [0], [1], [0, 0, 1, 1], [], []>, transpose_lhs_hint = false} : vector<32x32xf32>, vector<32x32xf32>, vector<32x32xf32> -> vector<32x32xf32>
    %concatenate3A = tpu.concatenate %dot_general3A_34, %dot_general3A_55, %dot_general3A_76, %dot_general3A_97 in 1 : vector<32x32xf32>, vector<32x32xf32>, vector<32x32xf32>, vector<32x32xf32> -> vector<32x128xf32>
    %get3A_98 = arith.constant 0 : index
    %get3A_99 = arith.constant 0 : index
    %get3A_100 = vector.load %arg5[%get3A_98, %get3A_99] : memref<128x128xf32, #tpu.memory_space<vmem>>, vector<128x128xf32>
    %dot_general3A_101 = arith.constant dense<0.000000e+00> : vector<32x128xf32>
    %dot_general3A_102 = tpu.matmul %concatenate3A, %get3A_100, %dot_general3A_101 {dimension_numbers = #tpu.dot_dimension_numbers<[1], [1], [0], [0], [0, 0, 1, 0], [], []>, transpose_lhs_hint = false} : vector<32x128xf32>, vector<128x128xf32>, vector<32x128xf32> -> vector<32x128xf32>
    %get3A_103 = arith.constant 0 : index
    %get3A_104 = arith.constant 0 : index
    %get3A_105 = vector.load %arg6[%get3A_103, %get3A_104] : memref<1x128xf32, #tpu.memory_space<vmem>>, vector<1x128xf32>
    %add3A_106 = vector.broadcast %get3A_105 : vector<1x128xf32> to vector<32x128xf32>
    %add3A_107 = arith.addf %dot_general3A_102, %add3A_106 : vector<32x128xf32>
    %slice3A_108 = vector.extract_strided_slice %add3A_107 {offsets = [0, 0], sizes = [1, 128], strides = [1, 1]} : vector<32x128xf32> to vector<1x128xf32>
    %get3A_109 = arith.constant 0 : index
    %get3A_110 = memref.load %arg1[%get3A_109] : memref<512xi32, #tpu.memory_space<smem>>
    %swap3A_111 = arith.index_cast %get3A_110 : i32 to index
    %swap3A_112 = arith.constant 0 : index
    %swap3A_113 = vector.load %arg7[%swap3A_111, %swap3A_112] : memref<10000x128xf32, #tpu.memory_space<vmem>>, vector<1x128xf32>
    tpu.vector_store %arg7[%swap3A_111, %swap3A_112], %slice3A_108 {strides = array<i32>} : memref<10000x128xf32, #tpu.memory_space<vmem>>, vector<1x128xf32>,
    %eq3A = vector.broadcast %get3A_110 : i32 to vector<512x1xi32>
    %eq3A_114 = arith.cmpi eq, %get3A_10, %eq3A : vector<512x1xi32>
    %get3A_115 = arith.constant 0 : index
    %get3A_116 = arith.constant 0 : index
    %get3A_117 = vector.load %arg8[%get3A_115, %get3A_116] : memref<512x128xf32, #tpu.memory_space<vmem>>, vector<512x128xf32>
    %broadcast_in_dim3A_118 = vector.shape_cast %eq3A_114 : vector<512x1xi1> to vector<512x1xi1>
    %broadcast_in_dim3A_119 = vector.broadcast %broadcast_in_dim3A_118 : vector<512x1xi1> to vector<512x128xi1>
    %broadcast_in_dim3A_120 = vector.shape_cast %slice3A_108 : vector<1x128xf32> to vector<1x128xf32>
    %broadcast_in_dim3A_121 = vector.broadcast %broadcast_in_dim3A_120 : vector<1x128xf32> to vector<512x128xf32>
    %select_n3A = arith.select %broadcast_in_dim3A_119, %broadcast_in_dim3A_121, %get3A_117 : vector<512x128xi1>, vector<512x128xf32>
    %swap3A_122 = arith.constant 0 : index
    %swap3A_123 = arith.constant 0 : index
    %swap3A_124 = vector.load %arg8[%swap3A_122, %swap3A_123] : memref<512x128xf32, #tpu.memory_space<vmem>>, vector<512x128xf32>
    tpu.vector_store %arg8[%swap3A_122, %swap3A_123], %select_n3A {strides = array<i32>} : memref<512x128xf32, #tpu.memory_space<vmem>>, vector<512x128xf32>,
    %get3A_125 = arith.constant 32 : index
    %get3A_126 = arith.constant 0 : index
    %get3A_127 = vector.load %arg8[%get3A_125, %get3A_126] : memref<512x128xf32, #tpu.memory_space<vmem>>, vector<32x128xf32>
    %get3A_128 = arith.constant 0 : index
    %get3A_129 = arith.constant 0 : index
    %get3A_130 = vector.load %arg3[%get3A_128, %get3A_129] : memref<384x128xf32, #tpu.memory_space<vmem>>, vector<384x128xf32>
    %dot_general3A_131 = arith.constant dense<0.000000e+00> : vector<32x384xf32>
    %dot_general3A_132 = tpu.matmul %get3A_127, %get3A_130, %dot_general3A_131 {dimension_numbers = #tpu.dot_dimension_numbers<[1], [1], [0], [0], [0, 0, 1, 0], [], []>, transpose_lhs_hint = false} : vector<32x128xf32>, vector<384x128xf32>, vector<32x384xf32> -> vector<32x384xf32>
    %get3A_133 = arith.constant 0 : index
    %get3A_134 = arith.constant 0 : index
    %get3A_135 = vector.load %arg4[%get3A_133, %get3A_134] : memref<1x384xf32, #tpu.memory_space<vmem>>, vector<1x384xf32>
    %add3A_136 = vector.broadcast %get3A_135 : vector<1x384xf32> to vector<32x384xf32>
    %add3A_137 = arith.addf %dot_general3A_132, %add3A_136 : vector<32x384xf32>
    %slice3A_138 = vector.extract_strided_slice %add3A_137 {offsets = [0, 0], sizes = [32, 32], strides = [1, 1]} : vector<32x384xf32> to vector<32x32xf32>
    %slice3A_139 = vector.extract_strided_slice %add3A_137 {offsets = [0, 128], sizes = [32, 32], strides = [1, 1]} : vector<32x384xf32> to vector<32x32xf32>
    %slice3A_140 = vector.extract_strided_slice %add3A_137 {offsets = [0, 256], sizes = [32, 32], strides = [1, 1]} : vector<32x384xf32> to vector<32x32xf32>
    %dot_general3A_141 = arith.constant dense<0.000000e+00> : vector<32x32xf32>
    %dot_general3A_142 = tpu.matmul %slice3A_138, %slice3A_139, %dot_general3A_141 {dimension_numbers = #tpu.dot_dimension_numbers<[1], [1], [0], [0], [0, 0, 1, 0], [], []>, transpose_lhs_hint = false} : vector<32x32xf32>, vector<32x32xf32>, vector<32x32xf32> -> vector<32x32xf32>
    %mul3A_143 = arith.constant 0.176776692 : f32
    %mul3A_144 = vector.broadcast %mul3A_143 : f32 to vector<32x32xf32>
    %mul3A_145 = arith.mulf %dot_general3A_142, %mul3A_144 : vector<32x32xf32>
    %reduce_max3A_146 = arith.constant dense<0xFF800000> : vector<32xf32>
    %reduce_max3A_147 = vector.multi_reduction <maximumf>, %mul3A_145, %reduce_max3A_146 [1] : vector<32x32xf32> to vector<32xf32>
    %broadcast_in_dim3A_148 = vector.shape_cast %reduce_max3A_147 : vector<32xf32> to vector<32x1xf32>
    %sub3A_149 = vector.broadcast %broadcast_in_dim3A_148 : vector<32x1xf32> to vector<32x32xf32>
    %sub3A_150 = arith.subf %mul3A_145, %sub3A_149 : vector<32x32xf32>
    %exp3A_151 = math.exp %sub3A_150 : vector<32x32xf32>
    %reduce_sum3A_152 = arith.constant dense<0.000000e+00> : vector<32xf32>
    %reduce_sum3A_153 = vector.multi_reduction <add>, %exp3A_151, %reduce_sum3A_152 [1] : vector<32x32xf32> to vector<32xf32>
    %broadcast_in_dim3A_154 = vector.shape_cast %reduce_sum3A_153 : vector<32xf32> to vector<32x1xf32>
    %div3A_155 = vector.broadcast %broadcast_in_dim3A_154 : vector<32x1xf32> to vector<32x32xf32>
    %div3A_156 = arith.divf %exp3A_151, %div3A_155 : vector<32x32xf32>
    %dot_general3A_157 = arith.constant dense<0.000000e+00> : vector<32x32xf32>
    %dot_general3A_158 = tpu.matmul %div3A_156, %slice3A_140, %dot_general3A_157 {dimension_numbers = #tpu.dot_dimension_numbers<[1], [0], [0], [1], [0, 0, 1, 1], [], []>, transpose_lhs_hint = false} : vector<32x32xf32>, vector<32x32xf32>, vector<32x32xf32> -> vector<32x32xf32>
    %slice3A_159 = vector.extract_strided_slice %add3A_137 {offsets = [0, 32], sizes = [32, 32], strides = [1, 1]} : vector<32x384xf32> to vector<32x32xf32>
    %slice3A_160 = vector.extract_strided_slice %add3A_137 {offsets = [0, 160], sizes = [32, 32], strides = [1, 1]} : vector<32x384xf32> to vector<32x32xf32>
    %slice3A_161 = vector.extract_strided_slice %add3A_137 {offsets = [0, 288], sizes = [32, 32], strides = [1, 1]} : vector<32x384xf32> to vector<32x32xf32>
    %dot_general3A_162 = arith.constant dense<0.000000e+00> : vector<32x32xf32>
    %dot_general3A_163 = tpu.matmul %slice3A_159, %slice3A_160, %dot_general3A_162 {dimension_numbers = #tpu.dot_dimension_numbers<[1], [1], [0], [0], [0, 0, 1, 0], [], []>, transpose_lhs_hint = false} : vector<32x32xf32>, vector<32x32xf32>, vector<32x32xf32> -> vector<32x32xf32>
    %mul3A_164 = arith.constant 0.176776692 : f32
    %mul3A_165 = vector.broadcast %mul3A_164 : f32 to vector<32x32xf32>
    %mul3A_166 = arith.mulf %dot_general3A_163, %mul3A_165 : vector<32x32xf32>
    %reduce_max3A_167 = arith.constant dense<0xFF800000> : vector<32xf32>
    %reduce_max3A_168 = vector.multi_reduction <maximumf>, %mul3A_166, %reduce_max3A_167 [1] : vector<32x32xf32> to vector<32xf32>
    %broadcast_in_dim3A_169 = vector.shape_cast %reduce_max3A_168 : vector<32xf32> to vector<32x1xf32>
    %sub3A_170 = vector.broadcast %broadcast_in_dim3A_169 : vector<32x1xf32> to vector<32x32xf32>
    %sub3A_171 = arith.subf %mul3A_166, %sub3A_170 : vector<32x32xf32>
    %exp3A_172 = math.exp %sub3A_171 : vector<32x32xf32>
    %reduce_sum3A_173 = arith.constant dense<0.000000e+00> : vector<32xf32>
    %reduce_sum3A_174 = vector.multi_reduction <add>, %exp3A_172, %reduce_sum3A_173 [1] : vector<32x32xf32> to vector<32xf32>
    %broadcast_in_dim3A_175 = vector.shape_cast %reduce_sum3A_174 : vector<32xf32> to vector<32x1xf32>
    %div3A_176 = vector.broadcast %broadcast_in_dim3A_175 : vector<32x1xf32> to vector<32x32xf32>
    %div3A_177 = arith.divf %exp3A_172, %div3A_176 : vector<32x32xf32>
    %dot_general3A_178 = arith.constant dense<0.000000e+00> : vector<32x32xf32>
    %dot_general3A_179 = tpu.matmul %div3A_177, %slice3A_161, %dot_general3A_178 {dimension_numbers = #tpu.dot_dimension_numbers<[1], [0], [0], [1], [0, 0, 1, 1], [], []>, transpose_lhs_hint = false} : vector<32x32xf32>, vector<32x32xf32>, vector<32x32xf32> -> vector<32x32xf32>
    %slice3A_180 = vector.extract_strided_slice %add3A_137 {offsets = [0, 64], sizes = [32, 32], strides = [1, 1]} : vector<32x384xf32> to vector<32x32xf32>
    %slice3A_181 = vector.extract_strided_slice %add3A_137 {offsets = [0, 192], sizes = [32, 32], strides = [1, 1]} : vector<32x384xf32> to vector<32x32xf32>
    %slice3A_182 = vector.extract_strided_slice %add3A_137 {offsets = [0, 320], sizes = [32, 32], strides = [1, 1]} : vector<32x384xf32> to vector<32x32xf32>
    %dot_general3A_183 = arith.constant dense<0.000000e+00> : vector<32x32xf32>
    %dot_general3A_184 = tpu.matmul %slice3A_180, %slice3A_181, %dot_general3A_183 {dimension_numbers = #tpu.dot_dimension_numbers<[1], [1], [0], [0], [0, 0, 1, 0], [], []>, transpose_lhs_hint = false} : vector<32x32xf32>, vector<32x32xf32>, vector<32x32xf32> -> vector<32x32xf32>
    %mul3A_185 = arith.constant 0.176776692 : f32
    %mul3A_186 = vector.broadcast %mul3A_185 : f32 to vector<32x32xf32>
    %mul3A_187 = arith.mulf %dot_general3A_184, %mul3A_186 : vector<32x32xf32>
    %reduce_max3A_188 = arith.constant dense<0xFF800000> : vector<32xf32>
    %reduce_max3A_189 = vector.multi_reduction <maximumf>, %mul3A_187, %reduce_max3A_188 [1] : vector<32x32xf32> to vector<32xf32>
    %broadcast_in_dim3A_190 = vector.shape_cast %reduce_max3A_189 : vector<32xf32> to vector<32x1xf32>
    %sub3A_191 = vector.broadcast %broadcast_in_dim3A_190 : vector<32x1xf32> to vector<32x32xf32>
    %sub3A_192 = arith.subf %mul3A_187, %sub3A_191 : vector<32x32xf32>
    %exp3A_193 = math.exp %sub3A_192 : vector<32x32xf32>
    %reduce_sum3A_194 = arith.constant dense<0.000000e+00> : vector<32xf32>
    %reduce_sum3A_195 = vector.multi_reduction <add>, %exp3A_193, %reduce_sum3A_194 [1] : vector<32x32xf32> to vector<32xf32>
    %broadcast_in_dim3A_196 = vector.shape_cast %reduce_sum3A_195 : vector<32xf32> to vector<32x1xf32>
    %div3A_197 = vector.broadcast %broadcast_in_dim3A_196 : vector<32x1xf32> to vector<32x32xf32>
    %div3A_198 = arith.divf %exp3A_193, %div3A_197 : vector<32x32xf32>
    %dot_general3A_199 = arith.constant dense<0.000000e+00> : vector<32x32xf32>
    %dot_general3A_200 = tpu.matmul %div3A_198, %slice3A_182, %dot_general3A_199 {dimension_numbers = #tpu.dot_dimension_numbers<[1], [0], [0], [1], [0, 0, 1, 1], [], []>, transpose_lhs_hint = false} : vector<32x32xf32>, vector<32x32xf32>, vector<32x32xf32> -> vector<32x32xf32>
    %slice3A_201 = vector.extract_strided_slice %add3A_137 {offsets = [0, 96], sizes = [32, 32], strides = [1, 1]} : vector<32x384xf32> to vector<32x32xf32>
    %slice3A_202 = vector.extract_strided_slice %add3A_137 {offsets = [0, 224], sizes = [32, 32], strides = [1, 1]} : vector<32x384xf32> to vector<32x32xf32>
    %slice3A_203 = vector.extract_strided_slice %add3A_137 {offsets = [0, 352], sizes = [32, 32], strides = [1, 1]} : vector<32x384xf32> to vector<32x32xf32>
    %dot_general3A_204 = arith.constant dense<0.000000e+00> : vector<32x32xf32>
    %dot_general3A_205 = tpu.matmul %slice3A_201, %slice3A_202, %dot_general3A_204 {dimension_numbers = #tpu.dot_dimension_numbers<[1], [1], [0], [0], [0, 0, 1, 0], [], []>, transpose_lhs_hint = false} : vector<32x32xf32>, vector<32x32xf32>, vector<32x32xf32> -> vector<32x32xf32>
    %mul3A_206 = arith.constant 0.176776692 : f32
    %mul3A_207 = vector.broadcast %mul3A_206 : f32 to vector<32x32xf32>
    %mul3A_208 = arith.mulf %dot_general3A_205, %mul3A_207 : vector<32x32xf32>
    %reduce_max3A_209 = arith.constant dense<0xFF800000> : vector<32xf32>
    %reduce_max3A_210 = vector.multi_reduction <maximumf>, %mul3A_208, %reduce_max3A_209 [1] : vector<32x32xf32> to vector<32xf32>
    %broadcast_in_dim3A_211 = vector.shape_cast %reduce_max3A_210 : vector<32xf32> to vector<32x1xf32>
    %sub3A_212 = vector.broadcast %broadcast_in_dim3A_211 : vector<32x1xf32> to vector<32x32xf32>
    %sub3A_213 = arith.subf %mul3A_208, %sub3A_212 : vector<32x32xf32>
    %exp3A_214 = math.exp %sub3A_213 : vector<32x32xf32>
    %reduce_sum3A_215 = arith.constant dense<0.000000e+00> : vector<32xf32>
    %reduce_sum3A_216 = vector.multi_reduction <add>, %exp3A_214, %reduce_sum3A_215 [1] : vector<32x32xf32> to vector<32xf32>
    %broadcast_in_dim3A_217 = vector.shape_cast %reduce_sum3A_216 : vector<32xf32> to vector<32x1xf32>
    %div3A_218 = vector.broadcast %broadcast_in_dim3A_217 : vector<32x1xf32> to vector<32x32xf32>
    %div3A_219 = arith.divf %exp3A_214, %div3A_218 : vector<32x32xf32>
    %dot_general3A_220 = arith.constant dense<0.000000e+00> : vector<32x32xf32>
    %dot_general3A_221 = tpu.matmul %div3A_219, %slice3A_203, %dot_general3A_220 {dimension_numbers = #tpu.dot_dimension_numbers<[1], [0], [0], [1], [0, 0, 1, 1], [], []>, transpose_lhs_hint = false} : vector<32x32xf32>, vector<32x32xf32>, vector<32x32xf32> -> vector<32x32xf32>
    %concatenate3A_222 = tpu.concatenate %dot_general3A_158, %dot_general3A_179, %dot_general3A_200, %dot_general3A_221 in 1 : vector<32x32xf32>, vector<32x32xf32>, vector<32x32xf32>, vector<32x32xf32> -> vector<32x128xf32>
    %get3A_223 = arith.constant 0 : index
    %get3A_224 = arith.constant 0 : index
    %get3A_225 = vector.load %arg5[%get3A_223, %get3A_224] : memref<128x128xf32, #tpu.memory_space<vmem>>, vector<128x128xf32>
    %dot_general3A_226 = arith.constant dense<0.000000e+00> : vector<32x128xf32>
    %dot_general3A_227 = tpu.matmul %concatenate3A_222, %get3A_225, %dot_general3A_226 {dimension_numbers = #tpu.dot_dimension_numbers<[1], [1], [0], [0], [0, 0, 1, 0], [], []>, transpose_lhs_hint = false} : vector<32x128xf32>, vector<128x128xf32>, vector<32x128xf32> -> vector<32x128xf32>
    %get3A_228 = arith.constant 0 : index
    %get3A_229 = arith.constant 0 : index
    %get3A_230 = vector.load %arg6[%get3A_228, %get3A_229] : memref<1x128xf32, #tpu.memory_space<vmem>>, vector<1x128xf32>
    %add3A_231 = vector.broadcast %get3A_230 : vector<1x128xf32> to vector<32x128xf32>
    %add3A_232 = arith.addf %dot_general3A_227, %add3A_231 : vector<32x128xf32>
    %slice3A_233 = vector.extract_strided_slice %add3A_232 {offsets = [0, 0], sizes = [1, 128], strides = [1, 1]} : vector<32x128xf32> to vector<1x128xf32>
    %get3A_234 = arith.constant 32 : index
    %get3A_235 = memref.load %arg1[%get3A_234] : memref<512xi32, #tpu.memory_space<smem>>
    %swap3A_236 = arith.index_cast %get3A_235 : i32 to index
    %swap3A_237 = arith.constant 0 : index
    %swap3A_238 = vector.load %arg7[%swap3A_236, %swap3A_237] : memref<10000x128xf32, #tpu.memory_space<vmem>>, vector<1x128xf32>
    tpu.vector_store %arg7[%swap3A_236, %swap3A_237], %slice3A_233 {strides = array<i32>} : memref<10000x128xf32, #tpu.memory_space<vmem>>, vector<1x128xf32>,
    %eq3A_239 = vector.broadcast %get3A_235 : i32 to vector<512x1xi32>
    %eq3A_240 = arith.cmpi eq, %get3A_10, %eq3A_239 : vector<512x1xi32>
    %get3A_241 = arith.constant 0 : index
    %get3A_242 = arith.constant 0 : index
    %get3A_243 = vector.load %arg8[%get3A_241, %get3A_242] : memref<512x128xf32, #tpu.memory_space<vmem>>, vector<512x128xf32>
    %broadcast_in_dim3A_244 = vector.shape_cast %eq3A_240 : vector<512x1xi1> to vector<512x1xi1>
    %broadcast_in_dim3A_245 = vector.broadcast %broadcast_in_dim3A_244 : vector<512x1xi1> to vector<512x128xi1>
    %broadcast_in_dim3A_246 = vector.shape_cast %slice3A_233 : vector<1x128xf32> to vector<1x128xf32>
    %broadcast_in_dim3A_247 = vector.broadcast %broadcast_in_dim3A_246 : vector<1x128xf32> to vector<512x128xf32>
    %select_n3A_248 = arith.select %broadcast_in_dim3A_245, %broadcast_in_dim3A_247, %get3A_243 : vector<512x128xi1>, vector<512x128xf32>
    %swap3A_249 = arith.constant 0 : index
    %swap3A_250 = arith.constant 0 : index
    %swap3A_251 = vector.load %arg8[%swap3A_249, %swap3A_250] : memref<512x128xf32, #tpu.memory_space<vmem>>, vector<512x128xf32>
    tpu.vector_store %arg8[%swap3A_249, %swap3A_250], %select_n3A_248 {strides = array<i32>} : memref<512x128xf32, #tpu.memory_space<vmem>>, vector<512x128xf32>,
    %get3A_252 = arith.constant 64 : index
    %get3A_253 = arith.constant 0 : index
    %get3A_254 = vector.load %arg8[%get3A_252, %get3A_253] : memref<512x128xf32, #tpu.memory_space<vmem>>, vector<32x128xf32>
    %get3A_255 = arith.constant 0 : index
    %get3A_256 = arith.constant 0 : index
    %get3A_257 = vector.load %arg3[%get3A_255, %get3A_256] : memref<384x128xf32, #tpu.memory_space<vmem>>, vector<384x128xf32>
    %dot_general3A_258 = arith.constant dense<0.000000e+00> : vector<32x384xf32>
    %dot_general3A_259 = tpu.matmul %get3A_254, %get3A_257, %dot_general3A_258 {dimension_numbers = #tpu.dot_dimension_numbers<[1], [1], [0], [0], [0, 0, 1, 0], [], []>, transpose_lhs_hint = false} : vector<32x128xf32>, vector<384x128xf32>, vector<32x384xf32> -> vector<32x384xf32>
    %get3A_260 = arith.constant 0 : index
    %get3A_261 = arith.constant 0 : index
    %get3A_262 = vector.load %arg4[%get3A_260, %get3A_261] : memref<1x384xf32, #tpu.memory_space<vmem>>, vector<1x384xf32>
    %add3A_263 = vector.broadcast %get3A_262 : vector<1x384xf32> to vector<32x384xf32>
    %add3A_264 = arith.addf %dot_general3A_259, %add3A_263 : vector<32x384xf32>
    %slice3A_265 = vector.extract_strided_slice %add3A_264 {offsets = [0, 0], sizes = [32, 32], strides = [1, 1]} : vector<32x384xf32> to vector<32x32xf32>
    %slice3A_266 = vector.extract_strided_slice %add3A_264 {offsets = [0, 128], sizes = [32, 32], strides = [1, 1]} : vector<32x384xf32> to vector<32x32xf32>
    %slice3A_267 = vector.extract_strided_slice %add3A_264 {offsets = [0, 256], sizes = [32, 32], strides = [1, 1]} : vector<32x384xf32> to vector<32x32xf32>
    %dot_general3A_268 = arith.constant dense<0.000000e+00> : vector<32x32xf32>
    %dot_general3A_269 = tpu.matmul %slice3A_265, %slice3A_266, %dot_general3A_268 {dimension_numbers = #tpu.dot_dimension_numbers<[1], [1], [0], [0], [0, 0, 1, 0], [], []>, transpose_lhs_hint = false} : vector<32x32xf32>, vector<32x32xf32>, vector<32x32xf32> -> vector<32x32xf32>
    %mul3A_270 = arith.constant 0.176776692 : f32
    %mul3A_271 = vector.broadcast %mul3A_270 : f32 to vector<32x32xf32>
    %mul3A_272 = arith.mulf %dot_general3A_269, %mul3A_271 : vector<32x32xf32>
    %reduce_max3A_273 = arith.constant dense<0xFF800000> : vector<32xf32>
    %reduce_max3A_274 = vector.multi_reduction <maximumf>, %mul3A_272, %reduce_max3A_273 [1] : vector<32x32xf32> to vector<32xf32>
    %broadcast_in_dim3A_275 = vector.shape_cast %reduce_max3A_274 : vector<32xf32> to vector<32x1xf32>
    %sub3A_276 = vector.broadcast %broadcast_in_dim3A_275 : vector<32x1xf32> to vector<32x32xf32>
    %sub3A_277 = arith.subf %mul3A_272, %sub3A_276 : vector<32x32xf32>
    %exp3A_278 = math.exp %sub3A_277 : vector<32x32xf32>
    %reduce_sum3A_279 = arith.constant dense<0.000000e+00> : vector<32xf32>
    %reduce_sum3A_280 = vector.multi_reduction <add>, %exp3A_278, %reduce_sum3A_279 [1] : vector<32x32xf32> to vector<32xf32>
    %broadcast_in_dim3A_281 = vector.shape_cast %reduce_sum3A_280 : vector<32xf32> to vector<32x1xf32>
    %div3A_282 = vector.broadcast %broadcast_in_dim3A_281 : vector<32x1xf32> to vector<32x32xf32>
    %div3A_283 = arith.divf %exp3A_278, %div3A_282 : vector<32x32xf32>
    %dot_general3A_284 = arith.constant dense<0.000000e+00> : vector<32x32xf32>
    %dot_general3A_285 = tpu.matmul %div3A_283, %slice3A_267, %dot_general3A_284 {dimension_numbers = #tpu.dot_dimension_numbers<[1], [0], [0], [1], [0, 0, 1, 1], [], []>, transpose_lhs_hint = false} : vector<32x32xf32>, vector<32x32xf32>, vector<32x32xf32> -> vector<32x32xf32>
    %slice3A_286 = vector.extract_strided_slice %add3A_264 {offsets = [0, 32], sizes = [32, 32], strides = [1, 1]} : vector<32x384xf32> to vector<32x32xf32>
    %slice3A_287 = vector.extract_strided_slice %add3A_264 {offsets = [0, 160], sizes = [32, 32], strides = [1, 1]} : vector<32x384xf32> to vector<32x32xf32>
    %slice3A_288 = vector.extract_strided_slice %add3A_264 {offsets = [0, 288], sizes = [32, 32], strides = [1, 1]} : vector<32x384xf32> to vector<32x32xf32>
    %dot_general3A_289 = arith.constant dense<0.000000e+00> : vector<32x32xf32>
    %dot_general3A_290 = tpu.matmul %slice3A_286, %slice3A_287, %dot_general3A_289 {dimension_numbers = #tpu.dot_dimension_numbers<[1], [1], [0], [0], [0, 0, 1, 0], [], []>, transpose_lhs_hint = false} : vector<32x32xf32>, vector<32x32xf32>, vector<32x32xf32> -> vector<32x32xf32>
    %mul3A_291 = arith.constant 0.176776692 : f32
    %mul3A_292 = vector.broadcast %mul3A_291 : f32 to vector<32x32xf32>
    %mul3A_293 = arith.mulf %dot_general3A_290, %mul3A_292 : vector<32x32xf32>
    %reduce_max3A_294 = arith.constant dense<0xFF800000> : vector<32xf32>
    %reduce_max3A_295 = vector.multi_reduction <maximumf>, %mul3A_293, %reduce_max3A_294 [1] : vector<32x32xf32> to vector<32xf32>
    %broadcast_in_dim3A_296 = vector.shape_cast %reduce_max3A_295 : vector<32xf32> to vector<32x1xf32>
    %sub3A_297 = vector.broadcast %broadcast_in_dim3A_296 : vector<32x1xf32> to vector<32x32xf32>
    %sub3A_298 = arith.subf %mul3A_293, %sub3A_297 : vector<32x32xf32>
    %exp3A_299 = math.exp %sub3A_298 : vector<32x32xf32>
    %reduce_sum3A_300 = arith.constant dense<0.000000e+00> : vector<32xf32>
    %reduce_sum3A_301 = vector.multi_reduction <add>, %exp3A_299, %reduce_sum3A_300 [1] : vector<32x32xf32> to vector<32xf32>
    %broadcast_in_dim3A_302 = vector.shape_cast %reduce_sum3A_301 : vector<32xf32> to vector<32x1xf32>
    %div3A_303 = vector.broadcast %broadcast_in_dim3A_302 : vector<32x1xf32> to vector<32x32xf32>
    %div3A_304 = arith.divf %exp3A_299, %div3A_303 : vector<32x32xf32>
    %dot_general3A_305 = arith.constant dense<0.000000e+00> : vector<32x32xf32>
    %dot_general3A_306 = tpu.matmul %div3A_304, %slice3A_288, %dot_general3A_305 {dimension_numbers = #tpu.dot_dimension_numbers<[1], [0], [0], [1], [0, 0, 1, 1], [], []>, transpose_lhs_hint = false} : vector<32x32xf32>, vector<32x32xf32>, vector<32x32xf32> -> vector<32x32xf32>
    %slice3A_307 = vector.extract_strided_slice %add3A_264 {offsets = [0, 64], sizes = [32, 32], strides = [1, 1]} : vector<32x384xf32> to vector<32x32xf32>
    %slice3A_308 = vector.extract_strided_slice %add3A_264 {offsets = [0, 192], sizes = [32, 32], strides = [1, 1]} : vector<32x384xf32> to vector<32x32xf32>
    %slice3A_309 = vector.extract_strided_slice %add3A_264 {offsets = [0, 320], sizes = [32, 32], strides = [1, 1]} : vector<32x384xf32> to vector<32x32xf32>
    %dot_general3A_310 = arith.constant dense<0.000000e+00> : vector<32x32xf32>
    %dot_general3A_311 = tpu.matmul %slice3A_307, %slice3A_308, %dot_general3A_310 {dimension_numbers = #tpu.dot_dimension_numbers<[1], [1], [0], [0], [0, 0, 1, 0], [], []>, transpose_lhs_hint = false} : vector<32x32xf32>, vector<32x32xf32>, vector<32x32xf32> -> vector<32x32xf32>
    %mul3A_312 = arith.constant 0.176776692 : f32
    %mul3A_313 = vector.broadcast %mul3A_312 : f32 to vector<32x32xf32>
    %mul3A_314 = arith.mulf %dot_general3A_311, %mul3A_313 : vector<32x32xf32>
    %reduce_max3A_315 = arith.constant dense<0xFF800000> : vector<32xf32>
    %reduce_max3A_316 = vector.multi_reduction <maximumf>, %mul3A_314, %reduce_max3A_315 [1] : vector<32x32xf32> to vector<32xf32>
    %broadcast_in_dim3A_317 = vector.shape_cast %reduce_max3A_316 : vector<32xf32> to vector<32x1xf32>
    %sub3A_318 = vector.broadcast %broadcast_in_dim3A_317 : vector<32x1xf32> to vector<32x32xf32>
    %sub3A_319 = arith.subf %mul3A_314, %sub3A_318 : vector<32x32xf32>
    %exp3A_320 = math.exp %sub3A_319 : vector<32x32xf32>
    %reduce_sum3A_321 = arith.constant dense<0.000000e+00> : vector<32xf32>
    %reduce_sum3A_322 = vector.multi_reduction <add>, %exp3A_320, %reduce_sum3A_321 [1] : vector<32x32xf32> to vector<32xf32>
    %broadcast_in_dim3A_323 = vector.shape_cast %reduce_sum3A_322 : vector<32xf32> to vector<32x1xf32>
    %div3A_324 = vector.broadcast %broadcast_in_dim3A_323 : vector<32x1xf32> to vector<32x32xf32>
    %div3A_325 = arith.divf %exp3A_320, %div3A_324 : vector<32x32xf32>
    %dot_general3A_326 = arith.constant dense<0.000000e+00> : vector<32x32xf32>
    %dot_general3A_327 = tpu.matmul %div3A_325, %slice3A_309, %dot_general3A_326 {dimension_numbers = #tpu.dot_dimension_numbers<[1], [0], [0], [1], [0, 0, 1, 1], [], []>, transpose_lhs_hint = false} : vector<32x32xf32>, vector<32x32xf32>, vector<32x32xf32> -> vector<32x32xf32>
    %slice3A_328 = vector.extract_strided_slice %add3A_264 {offsets = [0, 96], sizes = [32, 32], strides = [1, 1]} : vector<32x384xf32> to vector<32x32xf32>
    %slice3A_329 = vector.extract_strided_slice %add3A_264 {offsets = [0, 224], sizes = [32, 32], strides = [1, 1]} : vector<32x384xf32> to vector<32x32xf32>
    %slice3A_330 = vector.extract_strided_slice %add3A_264 {offsets = [0, 352], sizes = [32, 32], strides = [1, 1]} : vector<32x384xf32> to vector<32x32xf32>
    %dot_general3A_331 = arith.constant dense<0.000000e+00> : vector<32x32xf32>
    %dot_general3A_332 = tpu.matmul %slice3A_328, %slice3A_329, %dot_general3A_331 {dimension_numbers = #tpu.dot_dimension_numbers<[1], [1], [0], [0], [0, 0, 1, 0], [], []>, transpose_lhs_hint = false} : vector<32x32xf32>, vector<32x32xf32>, vector<32x32xf32> -> vector<32x32xf32>
    %mul3A_333 = arith.constant 0.176776692 : f32
    %mul3A_334 = vector.broadcast %mul3A_333 : f32 to vector<32x32xf32>
    %mul3A_335 = arith.mulf %dot_general3A_332, %mul3A_334 : vector<32x32xf32>
    %reduce_max3A_336 = arith.constant dense<0xFF800000> : vector<32xf32>
    %reduce_max3A_337 = vector.multi_reduction <maximumf>, %mul3A_335, %reduce_max3A_336 [1] : vector<32x32xf32> to vector<32xf32>
    %broadcast_in_dim3A_338 = vector.shape_cast %reduce_max3A_337 : vector<32xf32> to vector<32x1xf32>
    %sub3A_339 = vector.broadcast %broadcast_in_dim3A_338 : vector<32x1xf32> to vector<32x32xf32>
    %sub3A_340 = arith.subf %mul3A_335, %sub3A_339 : vector<32x32xf32>
    %exp3A_341 = math.exp %sub3A_340 : vector<32x32xf32>
    %reduce_sum3A_342 = arith.constant dense<0.000000e+00> : vector<32xf32>
    %reduce_sum3A_343 = vector.multi_reduction <add>, %exp3A_341, %reduce_sum3A_342 [1] : vector<32x32xf32> to vector<32xf32>
    %broadcast_in_dim3A_344 = vector.shape_cast %reduce_sum3A_343 : vector<32xf32> to vector<32x1xf32>
    %div3A_345 = vector.broadcast %broadcast_in_dim3A_344 : vector<32x1xf32> to vector<32x32xf32>
    %div3A_346 = arith.divf %exp3A_341, %div3A_345 : vector<32x32xf32>
    %dot_general3A_347 = arith.constant dense<0.000000e+00> : vector<32x32xf32>
    %dot_general3A_348 = tpu.matmul %div3A_346, %slice3A_330, %dot_general3A_347 {dimension_numbers = #tpu.dot_dimension_numbers<[1], [0], [0], [1], [0, 0, 1, 1], [], []>, transpose_lhs_hint = false} : vector<32x32xf32>, vector<32x32xf32>, vector<32x32xf32> -> vector<32x32xf32>
    %concatenate3A_349 = tpu.concatenate %dot_general3A_285, %dot_general3A_306, %dot_general3A_327, %dot_general3A_348 in 1 : vector<32x32xf32>, vector<32x32xf32>, vector<32x32xf32>, vector<32x32xf32> -> vector<32x128xf32>
    %get3A_350 = arith.constant 0 : index
    %get3A_351 = arith.constant 0 : index
    %get3A_352 = vector.load %arg5[%get3A_350, %get3A_351] : memref<128x128xf32, #tpu.memory_space<vmem>>, vector<128x128xf32>
    %dot_general3A_353 = arith.constant dense<0.000000e+00> : vector<32x128xf32>
    %dot_general3A_354 = tpu.matmul %concatenate3A_349, %get3A_352, %dot_general3A_353 {dimension_numbers = #tpu.dot_dimension_numbers<[1], [1], [0], [0], [0, 0, 1, 0], [], []>, transpose_lhs_hint = false} : vector<32x128xf32>, vector<128x128xf32>, vector<32x128xf32> -> vector<32x128xf32>
    %get3A_355 = arith.constant 0 : index
    %get3A_356 = arith.constant 0 : index
    %get3A_357 = vector.load %arg6[%get3A_355, %get3A_356] : memref<1x128xf32, #tpu.memory_space<vmem>>, vector<1x128xf32>
    %add3A_358 = vector.broadcast %get3A_357 : vector<1x128xf32> to vector<32x128xf32>
    %add3A_359 = arith.addf %dot_general3A_354, %add3A_358 : vector<32x128xf32>
    %slice3A_360 = vector.extract_strided_slice %add3A_359 {offsets = [0, 0], sizes = [1, 128], strides = [1, 1]} : vector<32x128xf32> to vector<1x128xf32>
    %get3A_361 = arith.constant 64 : index
    %get3A_362 = memref.load %arg1[%get3A_361] : memref<512xi32, #tpu.memory_space<smem>>
    %swap3A_363 = arith.index_cast %get3A_362 : i32 to index
    %swap3A_364 = arith.constant 0 : index
    %swap3A_365 = vector.load %arg7[%swap3A_363, %swap3A_364] : memref<10000x128xf32, #tpu.memory_space<vmem>>, vector<1x128xf32>
    tpu.vector_store %arg7[%swap3A_363, %swap3A_364], %slice3A_360 {strides = array<i32>} : memref<10000x128xf32, #tpu.memory_space<vmem>>, vector<1x128xf32>,
    %eq3A_366 = vector.broadcast %get3A_362 : i32 to vector<512x1xi32>
    %eq3A_367 = arith.cmpi eq, %get3A_10, %eq3A_366 : vector<512x1xi32>
    %get3A_368 = arith.constant 0 : index
    %get3A_369 = arith.constant 0 : index
    %get3A_370 = vector.load %arg8[%get3A_368, %get3A_369] : memref<512x128xf32, #tpu.memory_space<vmem>>, vector<512x128xf32>
    %broadcast_in_dim3A_371 = vector.shape_cast %eq3A_367 : vector<512x1xi1> to vector<512x1xi1>
    %broadcast_in_dim3A_372 = vector.broadcast %broadcast_in_dim3A_371 : vector<512x1xi1> to vector<512x128xi1>
    %broadcast_in_dim3A_373 = vector.shape_cast %slice3A_360 : vector<1x128xf32> to vector<1x128xf32>
    %broadcast_in_dim3A_374 = vector.broadcast %broadcast_in_dim3A_373 : vector<1x128xf32> to vector<512x128xf32>
    %select_n3A_375 = arith.select %broadcast_in_dim3A_372, %broadcast_in_dim3A_374, %get3A_370 : vector<512x128xi1>, vector<512x128xf32>
    %swap3A_376 = arith.constant 0 : index
    %swap3A_377 = arith.constant 0 : index
    %swap3A_378 = vector.load %arg8[%swap3A_376, %swap3A_377] : memref<512x128xf32, #tpu.memory_space<vmem>>, vector<512x128xf32>
    tpu.vector_store %arg8[%swap3A_376, %swap3A_377], %select_n3A_375 {strides = array<i32>} : memref<512x128xf32, #tpu.memory_space<vmem>>, vector<512x128xf32>,
    %get3A_379 = arith.constant 96 : index
    %get3A_380 = arith.constant 0 : index
    %get3A_381 = vector.load %arg8[%get3A_379, %get3A_380] : memref<512x128xf32, #tpu.memory_space<vmem>>, vector<32x128xf32>
    %get3A_382 = arith.constant 0 : index
    %get3A_383 = arith.constant 0 : index
    %get3A_384 = vector.load %arg3[%get3A_382, %get3A_383] : memref<384x128xf32, #tpu.memory_space<vmem>>, vector<384x128xf32>
    %dot_general3A_385 = arith.constant dense<0.000000e+00> : vector<32x384xf32>
    %dot_general3A_386 = tpu.matmul %get3A_381, %get3A_384, %dot_general3A_385 {dimension_numbers = #tpu.dot_dimension_numbers<[1], [1], [0], [0], [0, 0, 1, 0], [], []>, transpose_lhs_hint = false} : vector<32x128xf32>, vector<384x128xf32>, vector<32x384xf32> -> vector<32x384xf32>
    %get3A_387 = arith.constant 0 : index
    %get3A_388 = arith.constant 0 : index
    %get3A_389 = vector.load %arg4[%get3A_387, %get3A_388] : memref<1x384xf32, #tpu.memory_space<vmem>>, vector<1x384xf32>
    %add3A_390 = vector.broadcast %get3A_389 : vector<1x384xf32> to vector<32x384xf32>
    %add3A_391 = arith.addf %dot_general3A_386, %add3A_390 : vector<32x384xf32>
    %slice3A_392 = vector.extract_strided_slice %add3A_391 {offsets = [0, 0], sizes = [32, 32], strides = [1, 1]} : vector<32x384xf32> to vector<32x32xf32>
    %slice3A_393 = vector.extract_strided_slice %add3A_391 {offsets = [0, 128], sizes = [32, 32], strides = [1, 1]} : vector<32x384xf32> to vector<32x32xf32>
    %slice3A_394 = vector.extract_strided_slice %add3A_391 {offsets = [0, 256], sizes = [32, 32], strides = [1, 1]} : vector<32x384xf32> to vector<32x32xf32>
    %dot_general3A_395 = arith.constant dense<0.000000e+00> : vector<32x32xf32>
    %dot_general3A_396 = tpu.matmul %slice3A_392, %slice3A_393, %dot_general3A_395 {dimension_numbers = #tpu.dot_dimension_numbers<[1], [1], [0], [0], [0, 0, 1, 0], [], []>, transpose_lhs_hint = false} : vector<32x32xf32>, vector<32x32xf32>, vector<32x32xf32> -> vector<32x32xf32>
    %mul3A_397 = arith.constant 0.176776692 : f32
    %mul3A_398 = vector.broadcast %mul3A_397 : f32 to vector<32x32xf32>
    %mul3A_399 = arith.mulf %dot_general3A_396, %mul3A_398 : vector<32x32xf32>
    %reduce_max3A_400 = arith.constant dense<0xFF800000> : vector<32xf32>
    %reduce_max3A_401 = vector.multi_reduction <maximumf>, %mul3A_399, %reduce_max3A_400 [1] : vector<32x32xf32> to vector<32xf32>
    %broadcast_in_dim3A_402 = vector.shape_cast %reduce_max3A_401 : vector<32xf32> to vector<32x1xf32>
    %sub3A_403 = vector.broadcast %broadcast_in_dim3A_402 : vector<32x1xf32> to vector<32x32xf32>
    %sub3A_404 = arith.subf %mul3A_399, %sub3A_403 : vector<32x32xf32>
    %exp3A_405 = math.exp %sub3A_404 : vector<32x32xf32>
    %reduce_sum3A_406 = arith.constant dense<0.000000e+00> : vector<32xf32>
    %reduce_sum3A_407 = vector.multi_reduction <add>, %exp3A_405, %reduce_sum3A_406 [1] : vector<32x32xf32> to vector<32xf32>
    %broadcast_in_dim3A_408 = vector.shape_cast %reduce_sum3A_407 : vector<32xf32> to vector<32x1xf32>
    %div3A_409 = vector.broadcast %broadcast_in_dim3A_408 : vector<32x1xf32> to vector<32x32xf32>
    %div3A_410 = arith.divf %exp3A_405, %div3A_409 : vector<32x32xf32>
    %dot_general3A_411 = arith.constant dense<0.000000e+00> : vector<32x32xf32>
    %dot_general3A_412 = tpu.matmul %div3A_410, %slice3A_394, %dot_general3A_411 {dimension_numbers = #tpu.dot_dimension_numbers<[1], [0], [0], [1], [0, 0, 1, 1], [], []>, transpose_lhs_hint = false} : vector<32x32xf32>, vector<32x32xf32>, vector<32x32xf32> -> vector<32x32xf32>
    %slice3A_413 = vector.extract_strided_slice %add3A_391 {offsets = [0, 32], sizes = [32, 32], strides = [1, 1]} : vector<32x384xf32> to vector<32x32xf32>
    %slice3A_414 = vector.extract_strided_slice %add3A_391 {offsets = [0, 160], sizes = [32, 32], strides = [1, 1]} : vector<32x384xf32> to vector<32x32xf32>
    %slice3A_415 = vector.extract_strided_slice %add3A_391 {offsets = [0, 288], sizes = [32, 32], strides = [1, 1]} : vector<32x384xf32> to vector<32x32xf32>
    %dot_general3A_416 = arith.constant dense<0.000000e+00> : vector<32x32xf32>
    %dot_general3A_417 = tpu.matmul %slice3A_413, %slice3A_414, %dot_general3A_416 {dimension_numbers = #tpu.dot_dimension_numbers<[1], [1], [0], [0], [0, 0, 1, 0], [], []>, transpose_lhs_hint = false} : vector<32x32xf32>, vector<32x32xf32>, vector<32x32xf32> -> vector<32x32xf32>
    %mul3A_418 = arith.constant 0.176776692 : f32
    %mul3A_419 = vector.broadcast %mul3A_418 : f32 to vector<32x32xf32>
    %mul3A_420 = arith.mulf %dot_general3A_417, %mul3A_419 : vector<32x32xf32>
    %reduce_max3A_421 = arith.constant dense<0xFF800000> : vector<32xf32>
    %reduce_max3A_422 = vector.multi_reduction <maximumf>, %mul3A_420, %reduce_max3A_421 [1] : vector<32x32xf32> to vector<32xf32>
    %broadcast_in_dim3A_423 = vector.shape_cast %reduce_max3A_422 : vector<32xf32> to vector<32x1xf32>
    %sub3A_424 = vector.broadcast %broadcast_in_dim3A_423 : vector<32x1xf32> to vector<32x32xf32>
    %sub3A_425 = arith.subf %mul3A_420, %sub3A_424 : vector<32x32xf32>
    %exp3A_426 = math.exp %sub3A_425 : vector<32x32xf32>
    %reduce_sum3A_427 = arith.constant dense<0.000000e+00> : vector<32xf32>
    %reduce_sum3A_428 = vector.multi_reduction <add>, %exp3A_426, %reduce_sum3A_427 [1] : vector<32x32xf32> to vector<32xf32>
    %broadcast_in_dim3A_429 = vector.shape_cast %reduce_sum3A_428 : vector<32xf32> to vector<32x1xf32>
    %div3A_430 = vector.broadcast %broadcast_in_dim3A_429 : vector<32x1xf32> to vector<32x32xf32>
    %div3A_431 = arith.divf %exp3A_426, %div3A_430 : vector<32x32xf32>
    %dot_general3A_432 = arith.constant dense<0.000000e+00> : vector<32x32xf32>
    %dot_general3A_433 = tpu.matmul %div3A_431, %slice3A_415, %dot_general3A_432 {dimension_numbers = #tpu.dot_dimension_numbers<[1], [0], [0], [1], [0, 0, 1, 1], [], []>, transpose_lhs_hint = false} : vector<32x32xf32>, vector<32x32xf32>, vector<32x32xf32> -> vector<32x32xf32>
    %slice3A_434 = vector.extract_strided_slice %add3A_391 {offsets = [0, 64], sizes = [32, 32], strides = [1, 1]} : vector<32x384xf32> to vector<32x32xf32>
    %slice3A_435 = vector.extract_strided_slice %add3A_391 {offsets = [0, 192], sizes = [32, 32], strides = [1, 1]} : vector<32x384xf32> to vector<32x32xf32>
    %slice3A_436 = vector.extract_strided_slice %add3A_391 {offsets = [0, 320], sizes = [32, 32], strides = [1, 1]} : vector<32x384xf32> to vector<32x32xf32>
    %dot_general3A_437 = arith.constant dense<0.000000e+00> : vector<32x32xf32>
    %dot_general3A_438 = tpu.matmul %slice3A_434, %slice3A_435, %dot_general3A_437 {dimension_numbers = #tpu.dot_dimension_numbers<[1], [1], [0], [0], [0, 0, 1, 0], [], []>, transpose_lhs_hint = false} : vector<32x32xf32>, vector<32x32xf32>, vector<32x32xf32> -> vector<32x32xf32>
    %mul3A_439 = arith.constant 0.176776692 : f32
    %mul3A_440 = vector.broadcast %mul3A_439 : f32 to vector<32x32xf32>
    %mul3A_441 = arith.mulf %dot_general3A_438, %mul3A_440 : vector<32x32xf32>
    %reduce_max3A_442 = arith.constant dense<0xFF800000> : vector<32xf32>
    %reduce_max3A_443 = vector.multi_reduction <maximumf>, %mul3A_441, %reduce_max3A_442 [1] : vector<32x32xf32> to vector<32xf32>
    %broadcast_in_dim3A_444 = vector.shape_cast %reduce_max3A_443 : vector<32xf32> to vector<32x1xf32>
    %sub3A_445 = vector.broadcast %broadcast_in_dim3A_444 : vector<32x1xf32> to vector<32x32xf32>
    %sub3A_446 = arith.subf %mul3A_441, %sub3A_445 : vector<32x32xf32>
    %exp3A_447 = math.exp %sub3A_446 : vector<32x32xf32>
    %reduce_sum3A_448 = arith.constant dense<0.000000e+00> : vector<32xf32>
    %reduce_sum3A_449 = vector.multi_reduction <add>, %exp3A_447, %reduce_sum3A_448 [1] : vector<32x32xf32> to vector<32xf32>
    %broadcast_in_dim3A_450 = vector.shape_cast %reduce_sum3A_449 : vector<32xf32> to vector<32x1xf32>
    %div3A_451 = vector.broadcast %broadcast_in_dim3A_450 : vector<32x1xf32> to vector<32x32xf32>
    %div3A_452 = arith.divf %exp3A_447, %div3A_451 : vector<32x32xf32>
    %dot_general3A_453 = arith.constant dense<0.000000e+00> : vector<32x32xf32>
    %dot_general3A_454 = tpu.matmul %div3A_452, %slice3A_436, %dot_general3A_453 {dimension_numbers = #tpu.dot_dimension_numbers<[1], [0], [0], [1], [0, 0, 1, 1], [], []>, transpose_lhs_hint = false} : vector<32x32xf32>, vector<32x32xf32>, vector<32x32xf32> -> vector<32x32xf32>
    %slice3A_455 = vector.extract_strided_slice %add3A_391 {offsets = [0, 96], sizes = [32, 32], strides = [1, 1]} : vector<32x384xf32> to vector<32x32xf32>
    %slice3A_456 = vector.extract_strided_slice %add3A_391 {offsets = [0, 224], sizes = [32, 32], strides = [1, 1]} : vector<32x384xf32> to vector<32x32xf32>
    %slice3A_457 = vector.extract_strided_slice %add3A_391 {offsets = [0, 352], sizes = [32, 32], strides = [1, 1]} : vector<32x384xf32> to vector<32x32xf32>
    %dot_general3A_458 = arith.constant dense<0.000000e+00> : vector<32x32xf32>
    %dot_general3A_459 = tpu.matmul %slice3A_455, %slice3A_456, %dot_general3A_458 {dimension_numbers = #tpu.dot_dimension_numbers<[1], [1], [0], [0], [0, 0, 1, 0], [], []>, transpose_lhs_hint = false} : vector<32x32xf32>, vector<32x32xf32>, vector<32x32xf32> -> vector<32x32xf32>
    %mul3A_460 = arith.constant 0.176776692 : f32
    %mul3A_461 = vector.broadcast %mul3A_460 : f32 to vector<32x32xf32>
    %mul3A_462 = arith.mulf %dot_general3A_459, %mul3A_461 : vector<32x32xf32>
    %reduce_max3A_463 = arith.constant dense<0xFF800000> : vector<32xf32>
    %reduce_max3A_464 = vector.multi_reduction <maximumf>, %mul3A_462, %reduce_max3A_463 [1] : vector<32x32xf32> to vector<32xf32>
    %broadcast_in_dim3A_465 = vector.shape_cast %reduce_max3A_464 : vector<32xf32> to vector<32x1xf32>
    %sub3A_466 = vector.broadcast %broadcast_in_dim3A_465 : vector<32x1xf32> to vector<32x32xf32>
    %sub3A_467 = arith.subf %mul3A_462, %sub3A_466 : vector<32x32xf32>
    %exp3A_468 = math.exp %sub3A_467 : vector<32x32xf32>
    %reduce_sum3A_469 = arith.constant dense<0.000000e+00> : vector<32xf32>
    %reduce_sum3A_470 = vector.multi_reduction <add>, %exp3A_468, %reduce_sum3A_469 [1] : vector<32x32xf32> to vector<32xf32>
    %broadcast_in_dim3A_471 = vector.shape_cast %reduce_sum3A_470 : vector<32xf32> to vector<32x1xf32>
    %div3A_472 = vector.broadcast %broadcast_in_dim3A_471 : vector<32x1xf32> to vector<32x32xf32>
    %div3A_473 = arith.divf %exp3A_468, %div3A_472 : vector<32x32xf32>
    %dot_general3A_474 = arith.constant dense<0.000000e+00> : vector<32x32xf32>
    %dot_general3A_475 = tpu.matmul %div3A_473, %slice3A_457, %dot_general3A_474 {dimension_numbers = #tpu.dot_dimension_numbers<[1], [0], [0], [1], [0, 0, 1, 1], [], []>, transpose_lhs_hint = false} : vector<32x32xf32>, vector<32x32xf32>, vector<32x32xf32> -> vector<32x32xf32>
    %concatenate3A_476 = tpu.concatenate %dot_general3A_412, %dot_general3A_433, %dot_general3A_454, %dot_general3A_475 in 1 : vector<32x32xf32>, vector<32x32xf32>, vector<32x32xf32>, vector<32x32xf32> -> vector<32x128xf32>
    %get3A_477 = arith.constant 0 : index
    %get3A_478 = arith.constant 0 : index
    %get3A_479 = vector.load %arg5[%get3A_477, %get3A_478] : memref<128x128xf32, #tpu.memory_space<vmem>>, vector<128x128xf32>
    %dot_general3A_480 = arith.constant dense<0.000000e+00> : vector<32x128xf32>
    %dot_general3A_481 = tpu.matmul %concatenate3A_476, %get3A_479, %dot_general3A_480 {dimension_numbers = #tpu.dot_dimension_numbers<[1], [1], [0], [0], [0, 0, 1, 0], [], []>, transpose_lhs_hint = false} : vector<32x128xf32>, vector<128x128xf32>, vector<32x128xf32> -> vector<32x128xf32>
    %get3A_482 = arith.constant 0 : index
    %get3A_483 = arith.constant 0 : index
    %get3A_484 = vector.load %arg6[%get3A_482, %get3A_483] : memref<1x128xf32, #tpu.memory_space<vmem>>, vector<1x128xf32>
    %add3A_485 = vector.broadcast %get3A_484 : vector<1x128xf32> to vector<32x128xf32>
    %add3A_486 = arith.addf %dot_general3A_481, %add3A_485 : vector<32x128xf32>
    %slice3A_487 = vector.extract_strided_slice %add3A_486 {offsets = [0, 0], sizes = [1, 128], strides = [1, 1]} : vector<32x128xf32> to vector<1x128xf32>
    %get3A_488 = arith.constant 96 : index
    %get3A_489 = memref.load %arg1[%get3A_488] : memref<512xi32, #tpu.memory_space<smem>>
    %swap3A_490 = arith.index_cast %get3A_489 : i32 to index
    %swap3A_491 = arith.constant 0 : index
    %swap3A_492 = vector.load %arg7[%swap3A_490, %swap3A_491] : memref<10000x128xf32, #tpu.memory_space<vmem>>, vector<1x128xf32>
    tpu.vector_store %arg7[%swap3A_490, %swap3A_491], %slice3A_487 {strides = array<i32>} : memref<10000x128xf32, #tpu.memory_space<vmem>>, vector<1x128xf32>,
    %eq3A_493 = vector.broadcast %get3A_489 : i32 to vector<512x1xi32>
    %eq3A_494 = arith.cmpi eq, %get3A_10, %eq3A_493 : vector<512x1xi32>
    %get3A_495 = arith.constant 0 : index
    %get3A_496 = arith.constant 0 : index
    %get3A_497 = vector.load %arg8[%get3A_495, %get3A_496] : memref<512x128xf32, #tpu.memory_space<vmem>>, vector<512x128xf32>
    %broadcast_in_dim3A_498 = vector.shape_cast %eq3A_494 : vector<512x1xi1> to vector<512x1xi1>
    %broadcast_in_dim3A_499 = vector.broadcast %broadcast_in_dim3A_498 : vector<512x1xi1> to vector<512x128xi1>
    %broadcast_in_dim3A_500 = vector.shape_cast %slice3A_487 : vector<1x128xf32> to vector<1x128xf32>
    %broadcast_in_dim3A_501 = vector.broadcast %broadcast_in_dim3A_500 : vector<1x128xf32> to vector<512x128xf32>
    %select_n3A_502 = arith.select %broadcast_in_dim3A_499, %broadcast_in_dim3A_501, %get3A_497 : vector<512x128xi1>, vector<512x128xf32>
    %swap3A_503 = arith.constant 0 : index
    %swap3A_504 = arith.constant 0 : index
    %swap3A_505 = vector.load %arg8[%swap3A_503, %swap3A_504] : memref<512x128xf32, #tpu.memory_space<vmem>>, vector<512x128xf32>
    tpu.vector_store %arg8[%swap3A_503, %swap3A_504], %select_n3A_502 {strides = array<i32>} : memref<512x128xf32, #tpu.memory_space<vmem>>, vector<512x128xf32>,
    %get3A_506 = arith.constant 128 : index
    %get3A_507 = arith.constant 0 : index
    %get3A_508 = vector.load %arg8[%get3A_506, %get3A_507] : memref<512x128xf32, #tpu.memory_space<vmem>>, vector<32x128xf32>
    %get3A_509 = arith.constant 0 : index
    %get3A_510 = arith.constant 0 : index
    %get3A_511 = vector.load %arg3[%get3A_509, %get3A_510] : memref<384x128xf32, #tpu.memory_space<vmem>>, vector<384x128xf32>
    %dot_general3A_512 = arith.constant dense<0.000000e+00> : vector<32x384xf32>
    %dot_general3A_513 = tpu.matmul %get3A_508, %get3A_511, %dot_general3A_512 {dimension_numbers = #tpu.dot_dimension_numbers<[1], [1], [0], [0], [0, 0, 1, 0], [], []>, transpose_lhs_hint = false} : vector<32x128xf32>, vector<384x128xf32>, vector<32x384xf32> -> vector<32x384xf32>
    %get3A_514 = arith.constant 0 : index
    %get3A_515 = arith.constant 0 : index
    %get3A_516 = vector.load %arg4[%get3A_514, %get3A_515] : memref<1x384xf32, #tpu.memory_space<vmem>>, vector<1x384xf32>
    %add3A_517 = vector.broadcast %get3A_516 : vector<1x384xf32> to vector<32x384xf32>
    %add3A_518 = arith.addf %dot_general3A_513, %add3A_517 : vector<32x384xf32>
    %slice3A_519 = vector.extract_strided_slice %add3A_518 {offsets = [0, 0], sizes = [32, 32], strides = [1, 1]} : vector<32x384xf32> to vector<32x32xf32>
    %slice3A_520 = vector.extract_strided_slice %add3A_518 {offsets = [0, 128], sizes = [32, 32], strides = [1, 1]} : vector<32x384xf32> to vector<32x32xf32>
    %slice3A_521 = vector.extract_strided_slice %add3A_518 {offsets = [0, 256], sizes = [32, 32], strides = [1, 1]} : vector<32x384xf32> to vector<32x32xf32>
    %dot_general3A_522 = arith.constant dense<0.000000e+00> : vector<32x32xf32>
    %dot_general3A_523 = tpu.matmul %slice3A_519, %slice3A_520, %dot_general3A_522 {dimension_numbers = #tpu.dot_dimension_numbers<[1], [1], [0], [0], [0, 0, 1, 0], [], []>, transpose_lhs_hint = false} : vector<32x32xf32>, vector<32x32xf32>, vector<32x32xf32> -> vector<32x32xf32>
    %mul3A_524 = arith.constant 0.176776692 : f32
    %mul3A_525 = vector.broadcast %mul3A_524 : f32 to vector<32x32xf32>
    %mul3A_526 = arith.mulf %dot_general3A_523, %mul3A_525 : vector<32x32xf32>
    %reduce_max3A_527 = arith.constant dense<0xFF800000> : vector<32xf32>
    %reduce_max3A_528 = vector.multi_reduction <maximumf>, %mul3A_526, %reduce_max3A_527 [1] : vector<32x32xf32> to vector<32xf32>
    %broadcast_in_dim3A_529 = vector.shape_cast %reduce_max3A_528 : vector<32xf32> to vector<32x1xf32>
    %sub3A_530 = vector.broadcast %broadcast_in_dim3A_529 : vector<32x1xf32> to vector<32x32xf32>
    %sub3A_531 = arith.subf %mul3A_526, %sub3A_530 : vector<32x32xf32>
    %exp3A_532 = math.exp %sub3A_531 : vector<32x32xf32>
    %reduce_sum3A_533 = arith.constant dense<0.000000e+00> : vector<32xf32>
    %reduce_sum3A_534 = vector.multi_reduction <add>, %exp3A_532, %reduce_sum3A_533 [1] : vector<32x32xf32> to vector<32xf32>
    %broadcast_in_dim3A_535 = vector.shape_cast %reduce_sum3A_534 : vector<32xf32> to vector<32x1xf32>
    %div3A_536 = vector.broadcast %broadcast_in_dim3A_535 : vector<32x1xf32> to vector<32x32xf32>
    %div3A_537 = arith.divf %exp3A_532, %div3A_536 : vector<32x32xf32>
    %dot_general3A_538 = arith.constant dense<0.000000e+00> : vector<32x32xf32>
    %dot_general3A_539 = tpu.matmul %div3A_537, %slice3A_521, %dot_general3A_538 {dimension_numbers = #tpu.dot_dimension_numbers<[1], [0], [0], [1], [0, 0, 1, 1], [], []>, transpose_lhs_hint = false} : vector<32x32xf32>, vector<32x32xf32>, vector<32x32xf32> -> vector<32x32xf32>
    %slice3A_540 = vector.extract_strided_slice %add3A_518 {offsets = [0, 32], sizes = [32, 32], strides = [1, 1]} : vector<32x384xf32> to vector<32x32xf32>
    %slice3A_541 = vector.extract_strided_slice %add3A_518 {offsets = [0, 160], sizes = [32, 32], strides = [1, 1]} : vector<32x384xf32> to vector<32x32xf32>
    %slice3A_542 = vector.extract_strided_slice %add3A_518 {offsets = [0, 288], sizes = [32, 32], strides = [1, 1]} : vector<32x384xf32> to vector<32x32xf32>
    %dot_general3A_543 = arith.constant dense<0.000000e+00> : vector<32x32xf32>
    %dot_general3A_544 = tpu.matmul %slice3A_540, %slice3A_541, %dot_general3A_543 {dimension_numbers = #tpu.dot_dimension_numbers<[1], [1], [0], [0], [0, 0, 1, 0], [], []>, transpose_lhs_hint = false} : vector<32x32xf32>, vector<32x32xf32>, vector<32x32xf32> -> vector<32x32xf32>
    %mul3A_545 = arith.constant 0.176776692 : f32
    %mul3A_546 = vector.broadcast %mul3A_545 : f32 to vector<32x32xf32>
    %mul3A_547 = arith.mulf %dot_general3A_544, %mul3A_546 : vector<32x32xf32>
    %reduce_max3A_548 = arith.constant dense<0xFF800000> : vector<32xf32>
    %reduce_max3A_549 = vector.multi_reduction <maximumf>, %mul3A_547, %reduce_max3A_548 [1] : vector<32x32xf32> to vector<32xf32>
    %broadcast_in_dim3A_550 = vector.shape_cast %reduce_max3A_549 : vector<32xf32> to vector<32x1xf32>
    %sub3A_551 = vector.broadcast %broadcast_in_dim3A_550 : vector<32x1xf32> to vector<32x32xf32>
    %sub3A_552 = arith.subf %mul3A_547, %sub3A_551 : vector<32x32xf32>
    %exp3A_553 = math.exp %sub3A_552 : vector<32x32xf32>
    %reduce_sum3A_554 = arith.constant dense<0.000000e+00> : vector<32xf32>
    %reduce_sum3A_555 = vector.multi_reduction <add>, %exp3A_553, %reduce_sum3A_554 [1] : vector<32x32xf32> to vector<32xf32>
    %broadcast_in_dim3A_556 = vector.shape_cast %reduce_sum3A_555 : vector<32xf32> to vector<32x1xf32>
    %div3A_557 = vector.broadcast %broadcast_in_dim3A_556 : vector<32x1xf32> to vector<32x32xf32>
    %div3A_558 = arith.divf %exp3A_553, %div3A_557 : vector<32x32xf32>
    %dot_general3A_559 = arith.constant dense<0.000000e+00> : vector<32x32xf32>
    %dot_general3A_560 = tpu.matmul %div3A_558, %slice3A_542, %dot_general3A_559 {dimension_numbers = #tpu.dot_dimension_numbers<[1], [0], [0], [1], [0, 0, 1, 1], [], []>, transpose_lhs_hint = false} : vector<32x32xf32>, vector<32x32xf32>, vector<32x32xf32> -> vector<32x32xf32>
    %slice3A_561 = vector.extract_strided_slice %add3A_518 {offsets = [0, 64], sizes = [32, 32], strides = [1, 1]} : vector<32x384xf32> to vector<32x32xf32>
    %slice3A_562 = vector.extract_strided_slice %add3A_518 {offsets = [0, 192], sizes = [32, 32], strides = [1, 1]} : vector<32x384xf32> to vector<32x32xf32>
    %slice3A_563 = vector.extract_strided_slice %add3A_518 {offsets = [0, 320], sizes = [32, 32], strides = [1, 1]} : vector<32x384xf32> to vector<32x32xf32>
    %dot_general3A_564 = arith.constant dense<0.000000e+00> : vector<32x32xf32>
    %dot_general3A_565 = tpu.matmul %slice3A_561, %slice3A_562, %dot_general3A_564 {dimension_numbers = #tpu.dot_dimension_numbers<[1], [1], [0], [0], [0, 0, 1, 0], [], []>, transpose_lhs_hint = false} : vector<32x32xf32>, vector<32x32xf32>, vector<32x32xf32> -> vector<32x32xf32>
    %mul3A_566 = arith.constant 0.176776692 : f32
    %mul3A_567 = vector.broadcast %mul3A_566 : f32 to vector<32x32xf32>
    %mul3A_568 = arith.mulf %dot_general3A_565, %mul3A_567 : vector<32x32xf32>
    %reduce_max3A_569 = arith.constant dense<0xFF800000> : vector<32xf32>
    %reduce_max3A_570 = vector.multi_reduction <maximumf>, %mul3A_568, %reduce_max3A_569 [1] : vector<32x32xf32> to vector<32xf32>
    %broadcast_in_dim3A_571 = vector.shape_cast %reduce_max3A_570 : vector<32xf32> to vector<32x1xf32>
    %sub3A_572 = vector.broadcast %broadcast_in_dim3A_571 : vector<32x1xf32> to vector<32x32xf32>
    %sub3A_573 = arith.subf %mul3A_568, %sub3A_572 : vector<32x32xf32>
    %exp3A_574 = math.exp %sub3A_573 : vector<32x32xf32>
    %reduce_sum3A_575 = arith.constant dense<0.000000e+00> : vector<32xf32>
    %reduce_sum3A_576 = vector.multi_reduction <add>, %exp3A_574, %reduce_sum3A_575 [1] : vector<32x32xf32> to vector<32xf32>
    %broadcast_in_dim3A_577 = vector.shape_cast %reduce_sum3A_576 : vector<32xf32> to vector<32x1xf32>
    %div3A_578 = vector.broadcast %broadcast_in_dim3A_577 : vector<32x1xf32> to vector<32x32xf32>
    %div3A_579 = arith.divf %exp3A_574, %div3A_578 : vector<32x32xf32>
    %dot_general3A_580 = arith.constant dense<0.000000e+00> : vector<32x32xf32>
    %dot_general3A_581 = tpu.matmul %div3A_579, %slice3A_563, %dot_general3A_580 {dimension_numbers = #tpu.dot_dimension_numbers<[1], [0], [0], [1], [0, 0, 1, 1], [], []>, transpose_lhs_hint = false} : vector<32x32xf32>, vector<32x32xf32>, vector<32x32xf32> -> vector<32x32xf32>
    %slice3A_582 = vector.extract_strided_slice %add3A_518 {offsets = [0, 96], sizes = [32, 32], strides = [1, 1]} : vector<32x384xf32> to vector<32x32xf32>
    %slice3A_583 = vector.extract_strided_slice %add3A_518 {offsets = [0, 224], sizes = [32, 32], strides = [1, 1]} : vector<32x384xf32> to vector<32x32xf32>
    %slice3A_584 = vector.extract_strided_slice %add3A_518 {offsets = [0, 352], sizes = [32, 32], strides = [1, 1]} : vector<32x384xf32> to vector<32x32xf32>
    %dot_general3A_585 = arith.constant dense<0.000000e+00> : vector<32x32xf32>
    %dot_general3A_586 = tpu.matmul %slice3A_582, %slice3A_583, %dot_general3A_585 {dimension_numbers = #tpu.dot_dimension_numbers<[1], [1], [0], [0], [0, 0, 1, 0], [], []>, transpose_lhs_hint = false} : vector<32x32xf32>, vector<32x32xf32>, vector<32x32xf32> -> vector<32x32xf32>
    %mul3A_587 = arith.constant 0.176776692 : f32
    %mul3A_588 = vector.broadcast %mul3A_587 : f32 to vector<32x32xf32>
    %mul3A_589 = arith.mulf %dot_general3A_586, %mul3A_588 : vector<32x32xf32>
    %reduce_max3A_590 = arith.constant dense<0xFF800000> : vector<32xf32>
    %reduce_max3A_591 = vector.multi_reduction <maximumf>, %mul3A_589, %reduce_max3A_590 [1] : vector<32x32xf32> to vector<32xf32>
    %broadcast_in_dim3A_592 = vector.shape_cast %reduce_max3A_591 : vector<32xf32> to vector<32x1xf32>
    %sub3A_593 = vector.broadcast %broadcast_in_dim3A_592 : vector<32x1xf32> to vector<32x32xf32>
    %sub3A_594 = arith.subf %mul3A_589, %sub3A_593 : vector<32x32xf32>
    %exp3A_595 = math.exp %sub3A_594 : vector<32x32xf32>
    %reduce_sum3A_596 = arith.constant dense<0.000000e+00> : vector<32xf32>
    %reduce_sum3A_597 = vector.multi_reduction <add>, %exp3A_595, %reduce_sum3A_596 [1] : vector<32x32xf32> to vector<32xf32>
    %broadcast_in_dim3A_598 = vector.shape_cast %reduce_sum3A_597 : vector<32xf32> to vector<32x1xf32>
    %div3A_599 = vector.broadcast %broadcast_in_dim3A_598 : vector<32x1xf32> to vector<32x32xf32>
    %div3A_600 = arith.divf %exp3A_595, %div3A_599 : vector<32x32xf32>
    %dot_general3A_601 = arith.constant dense<0.000000e+00> : vector<32x32xf32>
    %dot_general3A_602 = tpu.matmul %div3A_600, %slice3A_584, %dot_general3A_601 {dimension_numbers = #tpu.dot_dimension_numbers<[1], [0], [0], [1], [0, 0, 1, 1], [], []>, transpose_lhs_hint = false} : vector<32x32xf32>, vector<32x32xf32>, vector<32x32xf32> -> vector<32x32xf32>
    %concatenate3A_603 = tpu.concatenate %dot_general3A_539, %dot_general3A_560, %dot_general3A_581, %dot_general3A_602 in 1 : vector<32x32xf32>, vector<32x32xf32>, vector<32x32xf32>, vector<32x32xf32> -> vector<32x128xf32>
    %get3A_604 = arith.constant 0 : index
    %get3A_605 = arith.constant 0 : index
    %get3A_606 = vector.load %arg5[%get3A_604, %get3A_605] : memref<128x128xf32, #tpu.memory_space<vmem>>, vector<128x128xf32>
    %dot_general3A_607 = arith.constant dense<0.000000e+00> : vector<32x128xf32>
    %dot_general3A_608 = tpu.matmul %concatenate3A_603, %get3A_606, %dot_general3A_607 {dimension_numbers = #tpu.dot_dimension_numbers<[1], [1], [0], [0], [0, 0, 1, 0], [], []>, transpose_lhs_hint = false} : vector<32x128xf32>, vector<128x128xf32>, vector<32x128xf32> -> vector<32x128xf32>
    %get3A_609 = arith.constant 0 : index
    %get3A_610 = arith.constant 0 : index
    %get3A_611 = vector.load %arg6[%get3A_609, %get3A_610] : memref<1x128xf32, #tpu.memory_space<vmem>>, vector<1x128xf32>
    %add3A_612 = vector.broadcast %get3A_611 : vector<1x128xf32> to vector<32x128xf32>
    %add3A_613 = arith.addf %dot_general3A_608, %add3A_612 : vector<32x128xf32>
    %slice3A_614 = vector.extract_strided_slice %add3A_613 {offsets = [0, 0], sizes = [1, 128], strides = [1, 1]} : vector<32x128xf32> to vector<1x128xf32>
    %get3A_615 = arith.constant 128 : index
    %get3A_616 = memref.load %arg1[%get3A_615] : memref<512xi32, #tpu.memory_space<smem>>
    %swap3A_617 = arith.index_cast %get3A_616 : i32 to index
    %swap3A_618 = arith.constant 0 : index
    %swap3A_619 = vector.load %arg7[%swap3A_617, %swap3A_618] : memref<10000x128xf32, #tpu.memory_space<vmem>>, vector<1x128xf32>
    tpu.vector_store %arg7[%swap3A_617, %swap3A_618], %slice3A_614 {strides = array<i32>} : memref<10000x128xf32, #tpu.memory_space<vmem>>, vector<1x128xf32>,
    %eq3A_620 = vector.broadcast %get3A_616 : i32 to vector<512x1xi32>
    %eq3A_621 = arith.cmpi eq, %get3A_10, %eq3A_620 : vector<512x1xi32>
    %get3A_622 = arith.constant 0 : index
    %get3A_623 = arith.constant 0 : index
    %get3A_624 = vector.load %arg8[%get3A_622, %get3A_623] : memref<512x128xf32, #tpu.memory_space<vmem>>, vector<512x128xf32>
    %broadcast_in_dim3A_625 = vector.shape_cast %eq3A_621 : vector<512x1xi1> to vector<512x1xi1>
    %broadcast_in_dim3A_626 = vector.broadcast %broadcast_in_dim3A_625 : vector<512x1xi1> to vector<512x128xi1>
    %broadcast_in_dim3A_627 = vector.shape_cast %slice3A_614 : vector<1x128xf32> to vector<1x128xf32>
    %broadcast_in_dim3A_628 = vector.broadcast %broadcast_in_dim3A_627 : vector<1x128xf32> to vector<512x128xf32>
    %select_n3A_629 = arith.select %broadcast_in_dim3A_626, %broadcast_in_dim3A_628, %get3A_624 : vector<512x128xi1>, vector<512x128xf32>
    %swap3A_630 = arith.constant 0 : index
    %swap3A_631 = arith.constant 0 : index
    %swap3A_632 = vector.load %arg8[%swap3A_630, %swap3A_631] : memref<512x128xf32, #tpu.memory_space<vmem>>, vector<512x128xf32>
    tpu.vector_store %arg8[%swap3A_630, %swap3A_631], %select_n3A_629 {strides = array<i32>} : memref<512x128xf32, #tpu.memory_space<vmem>>, vector<512x128xf32>,
    %get3A_633 = arith.constant 160 : index
    %get3A_634 = arith.constant 0 : index
    %get3A_635 = vector.load %arg8[%get3A_633, %get3A_634] : memref<512x128xf32, #tpu.memory_space<vmem>>, vector<32x128xf32>
    %get3A_636 = arith.constant 0 : index
    %get3A_637 = arith.constant 0 : index
    %get3A_638 = vector.load %arg3[%get3A_636, %get3A_637] : memref<384x128xf32, #tpu.memory_space<vmem>>, vector<384x128xf32>
    %dot_general3A_639 = arith.constant dense<0.000000e+00> : vector<32x384xf32>
    %dot_general3A_640 = tpu.matmul %get3A_635, %get3A_638, %dot_general3A_639 {dimension_numbers = #tpu.dot_dimension_numbers<[1], [1], [0], [0], [0, 0, 1, 0], [], []>, transpose_lhs_hint = false} : vector<32x128xf32>, vector<384x128xf32>, vector<32x384xf32> -> vector<32x384xf32>
    %get3A_641 = arith.constant 0 : index
    %get3A_642 = arith.constant 0 : index
    %get3A_643 = vector.load %arg4[%get3A_641, %get3A_642] : memref<1x384xf32, #tpu.memory_space<vmem>>, vector<1x384xf32>
    %add3A_644 = vector.broadcast %get3A_643 : vector<1x384xf32> to vector<32x384xf32>
    %add3A_645 = arith.addf %dot_general3A_640, %add3A_644 : vector<32x384xf32>
    %slice3A_646 = vector.extract_strided_slice %add3A_645 {offsets = [0, 0], sizes = [32, 32], strides = [1, 1]} : vector<32x384xf32> to vector<32x32xf32>
    %slice3A_647 = vector.extract_strided_slice %add3A_645 {offsets = [0, 128], sizes = [32, 32], strides = [1, 1]} : vector<32x384xf32> to vector<32x32xf32>
    %slice3A_648 = vector.extract_strided_slice %add3A_645 {offsets = [0, 256], sizes = [32, 32], strides = [1, 1]} : vector<32x384xf32> to vector<32x32xf32>
    %dot_general3A_649 = arith.constant dense<0.000000e+00> : vector<32x32xf32>
    %dot_general3A_650 = tpu.matmul %slice3A_646, %slice3A_647, %dot_general3A_649 {dimension_numbers = #tpu.dot_dimension_numbers<[1], [1], [0], [0], [0, 0, 1, 0], [], []>, transpose_lhs_hint = false} : vector<32x32xf32>, vector<32x32xf32>, vector<32x32xf32> -> vector<32x32xf32>
    %mul3A_651 = arith.constant 0.176776692 : f32
    %mul3A_652 = vector.broadcast %mul3A_651 : f32 to vector<32x32xf32>
    %mul3A_653 = arith.mulf %dot_general3A_650, %mul3A_652 : vector<32x32xf32>
    %reduce_max3A_654 = arith.constant dense<0xFF800000> : vector<32xf32>
    %reduce_max3A_655 = vector.multi_reduction <maximumf>, %mul3A_653, %reduce_max3A_654 [1] : vector<32x32xf32> to vector<32xf32>
    %broadcast_in_dim3A_656 = vector.shape_cast %reduce_max3A_655 : vector<32xf32> to vector<32x1xf32>
    %sub3A_657 = vector.broadcast %broadcast_in_dim3A_656 : vector<32x1xf32> to vector<32x32xf32>
    %sub3A_658 = arith.subf %mul3A_653, %sub3A_657 : vector<32x32xf32>
    %exp3A_659 = math.exp %sub3A_658 : vector<32x32xf32>
    %reduce_sum3A_660 = arith.constant dense<0.000000e+00> : vector<32xf32>
    %reduce_sum3A_661 = vector.multi_reduction <add>, %exp3A_659, %reduce_sum3A_660 [1] : vector<32x32xf32> to vector<32xf32>
    %broadcast_in_dim3A_662 = vector.shape_cast %reduce_sum3A_661 : vector<32xf32> to vector<32x1xf32>
    %div3A_663 = vector.broadcast %broadcast_in_dim3A_662 : vector<32x1xf32> to vector<32x32xf32>
    %div3A_664 = arith.divf %exp3A_659, %div3A_663 : vector<32x32xf32>
    %dot_general3A_665 = arith.constant dense<0.000000e+00> : vector<32x32xf32>
    %dot_general3A_666 = tpu.matmul %div3A_664, %slice3A_648, %dot_general3A_665 {dimension_numbers = #tpu.dot_dimension_numbers<[1], [0], [0], [1], [0, 0, 1, 1], [], []>, transpose_lhs_hint = false} : vector<32x32xf32>, vector<32x32xf32>, vector<32x32xf32> -> vector<32x32xf32>
    %slice3A_667 = vector.extract_strided_slice %add3A_645 {offsets = [0, 32], sizes = [32, 32], strides = [1, 1]} : vector<32x384xf32> to vector<32x32xf32>
    %slice3A_668 = vector.extract_strided_slice %add3A_645 {offsets = [0, 160], sizes = [32, 32], strides = [1, 1]} : vector<32x384xf32> to vector<32x32xf32>
    %slice3A_669 = vector.extract_strided_slice %add3A_645 {offsets = [0, 288], sizes = [32, 32], strides = [1, 1]} : vector<32x384xf32> to vector<32x32xf32>
    %dot_general3A_670 = arith.constant dense<0.000000e+00> : vector<32x32xf32>
    %dot_general3A_671 = tpu.matmul %slice3A_667, %slice3A_668, %dot_general3A_670 {dimension_numbers = #tpu.dot_dimension_numbers<[1], [1], [0], [0], [0, 0, 1, 0], [], []>, transpose_lhs_hint = false} : vector<32x32xf32>, vector<32x32xf32>, vector<32x32xf32> -> vector<32x32xf32>
    %mul3A_672 = arith.constant 0.176776692 : f32
    %mul3A_673 = vector.broadcast %mul3A_672 : f32 to vector<32x32xf32>
    %mul3A_674 = arith.mulf %dot_general3A_671, %mul3A_673 : vector<32x32xf32>
    %reduce_max3A_675 = arith.constant dense<0xFF800000> : vector<32xf32>
    %reduce_max3A_676 = vector.multi_reduction <maximumf>, %mul3A_674, %reduce_max3A_675 [1] : vector<32x32xf32> to vector<32xf32>
    %broadcast_in_dim3A_677 = vector.shape_cast %reduce_max3A_676 : vector<32xf32> to vector<32x1xf32>
    %sub3A_678 = vector.broadcast %broadcast_in_dim3A_677 : vector<32x1xf32> to vector<32x32xf32>
    %sub3A_679 = arith.subf %mul3A_674, %sub3A_678 : vector<32x32xf32>
    %exp3A_680 = math.exp %sub3A_679 : vector<32x32xf32>
    %reduce_sum3A_681 = arith.constant dense<0.000000e+00> : vector<32xf32>
    %reduce_sum3A_682 = vector.multi_reduction <add>, %exp3A_680, %reduce_sum3A_681 [1] : vector<32x32xf32> to vector<32xf32>
    %broadcast_in_dim3A_683 = vector.shape_cast %reduce_sum3A_682 : vector<32xf32> to vector<32x1xf32>
    %div3A_684 = vector.broadcast %broadcast_in_dim3A_683 : vector<32x1xf32> to vector<32x32xf32>
    %div3A_685 = arith.divf %exp3A_680, %div3A_684 : vector<32x32xf32>
    %dot_general3A_686 = arith.constant dense<0.000000e+00> : vector<32x32xf32>
    %dot_general3A_687 = tpu.matmul %div3A_685, %slice3A_669, %dot_general3A_686 {dimension_numbers = #tpu.dot_dimension_numbers<[1], [0], [0], [1], [0, 0, 1, 1], [], []>, transpose_lhs_hint = false} : vector<32x32xf32>, vector<32x32xf32>, vector<32x32xf32> -> vector<32x32xf32>
    %slice3A_688 = vector.extract_strided_slice %add3A_645 {offsets = [0, 64], sizes = [32, 32], strides = [1, 1]} : vector<32x384xf32> to vector<32x32xf32>
    %slice3A_689 = vector.extract_strided_slice %add3A_645 {offsets = [0, 192], sizes = [32, 32], strides = [1, 1]} : vector<32x384xf32> to vector<32x32xf32>
    %slice3A_690 = vector.extract_strided_slice %add3A_645 {offsets = [0, 320], sizes = [32, 32], strides = [1, 1]} : vector<32x384xf32> to vector<32x32xf32>
    %dot_general3A_691 = arith.constant dense<0.000000e+00> : vector<32x32xf32>
    %dot_general3A_692 = tpu.matmul %slice3A_688, %slice3A_689, %dot_general3A_691 {dimension_numbers = #tpu.dot_dimension_numbers<[1], [1], [0], [0], [0, 0, 1, 0], [], []>, transpose_lhs_hint = false} : vector<32x32xf32>, vector<32x32xf32>, vector<32x32xf32> -> vector<32x32xf32>
    %mul3A_693 = arith.constant 0.176776692 : f32
    %mul3A_694 = vector.broadcast %mul3A_693 : f32 to vector<32x32xf32>
    %mul3A_695 = arith.mulf %dot_general3A_692, %mul3A_694 : vector<32x32xf32>
    %reduce_max3A_696 = arith.constant dense<0xFF800000> : vector<32xf32>
    %reduce_max3A_697 = vector.multi_reduction <maximumf>, %mul3A_695, %reduce_max3A_696 [1] : vector<32x32xf32> to vector<32xf32>
    %broadcast_in_dim3A_698 = vector.shape_cast %reduce_max3A_697 : vector<32xf32> to vector<32x1xf32>
    %sub3A_699 = vector.broadcast %broadcast_in_dim3A_698 : vector<32x1xf32> to vector<32x32xf32>
    %sub3A_700 = arith.subf %mul3A_695, %sub3A_699 : vector<32x32xf32>
    %exp3A_701 = math.exp %sub3A_700 : vector<32x32xf32>
    %reduce_sum3A_702 = arith.constant dense<0.000000e+00> : vector<32xf32>
    %reduce_sum3A_703 = vector.multi_reduction <add>, %exp3A_701, %reduce_sum3A_702 [1] : vector<32x32xf32> to vector<32xf32>
    %broadcast_in_dim3A_704 = vector.shape_cast %reduce_sum3A_703 : vector<32xf32> to vector<32x1xf32>
    %div3A_705 = vector.broadcast %broadcast_in_dim3A_704 : vector<32x1xf32> to vector<32x32xf32>
    %div3A_706 = arith.divf %exp3A_701, %div3A_705 : vector<32x32xf32>
    %dot_general3A_707 = arith.constant dense<0.000000e+00> : vector<32x32xf32>
    %dot_general3A_708 = tpu.matmul %div3A_706, %slice3A_690, %dot_general3A_707 {dimension_numbers = #tpu.dot_dimension_numbers<[1], [0], [0], [1], [0, 0, 1, 1], [], []>, transpose_lhs_hint = false} : vector<32x32xf32>, vector<32x32xf32>, vector<32x32xf32> -> vector<32x32xf32>
    %slice3A_709 = vector.extract_strided_slice %add3A_645 {offsets = [0, 96], sizes = [32, 32], strides = [1, 1]} : vector<32x384xf32> to vector<32x32xf32>
    %slice3A_710 = vector.extract_strided_slice %add3A_645 {offsets = [0, 224], sizes = [32, 32], strides = [1, 1]} : vector<32x384xf32> to vector<32x32xf32>
    %slice3A_711 = vector.extract_strided_slice %add3A_645 {offsets = [0, 352], sizes = [32, 32], strides = [1, 1]} : vector<32x384xf32> to vector<32x32xf32>
    %dot_general3A_712 = arith.constant dense<0.000000e+00> : vector<32x32xf32>
    %dot_general3A_713 = tpu.matmul %slice3A_709, %slice3A_710, %dot_general3A_712 {dimension_numbers = #tpu.dot_dimension_numbers<[1], [1], [0], [0], [0, 0, 1, 0], [], []>, transpose_lhs_hint = false} : vector<32x32xf32>, vector<32x32xf32>, vector<32x32xf32> -> vector<32x32xf32>
    %mul3A_714 = arith.constant 0.176776692 : f32
    %mul3A_715 = vector.broadcast %mul3A_714 : f32 to vector<32x32xf32>
    %mul3A_716 = arith.mulf %dot_general3A_713, %mul3A_715 : vector<32x32xf32>
    %reduce_max3A_717 = arith.constant dense<0xFF800000> : vector<32xf32>
    %reduce_max3A_718 = vector.multi_reduction <maximumf>, %mul3A_716, %reduce_max3A_717 [1] : vector<32x32xf32> to vector<32xf32>
    %broadcast_in_dim3A_719 = vector.shape_cast %reduce_max3A_718 : vector<32xf32> to vector<32x1xf32>
    %sub3A_720 = vector.broadcast %broadcast_in_dim3A_719 : vector<32x1xf32> to vector<32x32xf32>
    %sub3A_721 = arith.subf %mul3A_716, %sub3A_720 : vector<32x32xf32>
    %exp3A_722 = math.exp %sub3A_721 : vector<32x32xf32>
    %reduce_sum3A_723 = arith.constant dense<0.000000e+00> : vector<32xf32>
    %reduce_sum3A_724 = vector.multi_reduction <add>, %exp3A_722, %reduce_sum3A_723 [1] : vector<32x32xf32> to vector<32xf32>
    %broadcast_in_dim3A_725 = vector.shape_cast %reduce_sum3A_724 : vector<32xf32> to vector<32x1xf32>
    %div3A_726 = vector.broadcast %broadcast_in_dim3A_725 : vector<32x1xf32> to vector<32x32xf32>
    %div3A_727 = arith.divf %exp3A_722, %div3A_726 : vector<32x32xf32>
    %dot_general3A_728 = arith.constant dense<0.000000e+00> : vector<32x32xf32>
    %dot_general3A_729 = tpu.matmul %div3A_727, %slice3A_711, %dot_general3A_728 {dimension_numbers = #tpu.dot_dimension_numbers<[1], [0], [0], [1], [0, 0, 1, 1], [], []>, transpose_lhs_hint = false} : vector<32x32xf32>, vector<32x32xf32>, vector<32x32xf32> -> vector<32x32xf32>
    %concatenate3A_730 = tpu.concatenate %dot_general3A_666, %dot_general3A_687, %dot_general3A_708, %dot_general3A_729 in 1 : vector<32x32xf32>, vector<32x32xf32>, vector<32x32xf32>, vector<32x32xf32> -> vector<32x128xf32>
    %get3A_731 = arith.constant 0 : index
    %get3A_732 = arith.constant 0 : index
    %get3A_733 = vector.load %arg5[%get3A_731, %get3A_732] : memref<128x128xf32, #tpu.memory_space<vmem>>, vector<128x128xf32>
    %dot_general3A_734 = arith.constant dense<0.000000e+00> : vector<32x128xf32>
    %dot_general3A_735 = tpu.matmul %concatenate3A_730, %get3A_733, %dot_general3A_734 {dimension_numbers = #tpu.dot_dimension_numbers<[1], [1], [0], [0], [0, 0, 1, 0], [], []>, transpose_lhs_hint = false} : vector<32x128xf32>, vector<128x128xf32>, vector<32x128xf32> -> vector<32x128xf32>
    %get3A_736 = arith.constant 0 : index
    %get3A_737 = arith.constant 0 : index
    %get3A_738 = vector.load %arg6[%get3A_736, %get3A_737] : memref<1x128xf32, #tpu.memory_space<vmem>>, vector<1x128xf32>
    %add3A_739 = vector.broadcast %get3A_738 : vector<1x128xf32> to vector<32x128xf32>
    %add3A_740 = arith.addf %dot_general3A_735, %add3A_739 : vector<32x128xf32>
    %slice3A_741 = vector.extract_strided_slice %add3A_740 {offsets = [0, 0], sizes = [1, 128], strides = [1, 1]} : vector<32x128xf32> to vector<1x128xf32>
    %get3A_742 = arith.constant 160 : index
    %get3A_743 = memref.load %arg1[%get3A_742] : memref<512xi32, #tpu.memory_space<smem>>
    %swap3A_744 = arith.index_cast %get3A_743 : i32 to index
    %swap3A_745 = arith.constant 0 : index
    %swap3A_746 = vector.load %arg7[%swap3A_744, %swap3A_745] : memref<10000x128xf32, #tpu.memory_space<vmem>>, vector<1x128xf32>
    tpu.vector_store %arg7[%swap3A_744, %swap3A_745], %slice3A_741 {strides = array<i32>} : memref<10000x128xf32, #tpu.memory_space<vmem>>, vector<1x128xf32>,
    %eq3A_747 = vector.broadcast %get3A_743 : i32 to vector<512x1xi32>
    %eq3A_748 = arith.cmpi eq, %get3A_10, %eq3A_747 : vector<512x1xi32>
    %get3A_749 = arith.constant 0 : index
    %get3A_750 = arith.constant 0 : index
    %get3A_751 = vector.load %arg8[%get3A_749, %get3A_750] : memref<512x128xf32, #tpu.memory_space<vmem>>, vector<512x128xf32>
    %broadcast_in_dim3A_752 = vector.shape_cast %eq3A_748 : vector<512x1xi1> to vector<512x1xi1>
    %broadcast_in_dim3A_753 = vector.broadcast %broadcast_in_dim3A_752 : vector<512x1xi1> to vector<512x128xi1>
    %broadcast_in_dim3A_754 = vector.shape_cast %slice3A_741 : vector<1x128xf32> to vector<1x128xf32>
    %broadcast_in_dim3A_755 = vector.broadcast %broadcast_in_dim3A_754 : vector<1x128xf32> to vector<512x128xf32>
    %select_n3A_756 = arith.select %broadcast_in_dim3A_753, %broadcast_in_dim3A_755, %get3A_751 : vector<512x128xi1>, vector<512x128xf32>
    %swap3A_757 = arith.constant 0 : index
    %swap3A_758 = arith.constant 0 : index
    %swap3A_759 = vector.load %arg8[%swap3A_757, %swap3A_758] : memref<512x128xf32, #tpu.memory_space<vmem>>, vector<512x128xf32>
    tpu.vector_store %arg8[%swap3A_757, %swap3A_758], %select_n3A_756 {strides = array<i32>} : memref<512x128xf32, #tpu.memory_space<vmem>>, vector<512x128xf32>,
    %get3A_760 = arith.constant 192 : index
    %get3A_761 = arith.constant 0 : index
    %get3A_762 = vector.load %arg8[%get3A_760, %get3A_761] : memref<512x128xf32, #tpu.memory_space<vmem>>, vector<32x128xf32>
    %get3A_763 = arith.constant 0 : index
    %get3A_764 = arith.constant 0 : index
    %get3A_765 = vector.load %arg3[%get3A_763, %get3A_764] : memref<384x128xf32, #tpu.memory_space<vmem>>, vector<384x128xf32>
    %dot_general3A_766 = arith.constant dense<0.000000e+00> : vector<32x384xf32>
    %dot_general3A_767 = tpu.matmul %get3A_762, %get3A_765, %dot_general3A_766 {dimension_numbers = #tpu.dot_dimension_numbers<[1], [1], [0], [0], [0, 0, 1, 0], [], []>, transpose_lhs_hint = false} : vector<32x128xf32>, vector<384x128xf32>, vector<32x384xf32> -> vector<32x384xf32>
    %get3A_768 = arith.constant 0 : index
    %get3A_769 = arith.constant 0 : index
    %get3A_770 = vector.load %arg4[%get3A_768, %get3A_769] : memref<1x384xf32, #tpu.memory_space<vmem>>, vector<1x384xf32>
    %add3A_771 = vector.broadcast %get3A_770 : vector<1x384xf32> to vector<32x384xf32>
    %add3A_772 = arith.addf %dot_general3A_767, %add3A_771 : vector<32x384xf32>
    %slice3A_773 = vector.extract_strided_slice %add3A_772 {offsets = [0, 0], sizes = [32, 32], strides = [1, 1]} : vector<32x384xf32> to vector<32x32xf32>
    %slice3A_774 = vector.extract_strided_slice %add3A_772 {offsets = [0, 128], sizes = [32, 32], strides = [1, 1]} : vector<32x384xf32> to vector<32x32xf32>
    %slice3A_775 = vector.extract_strided_slice %add3A_772 {offsets = [0, 256], sizes = [32, 32], strides = [1, 1]} : vector<32x384xf32> to vector<32x32xf32>
    %dot_general3A_776 = arith.constant dense<0.000000e+00> : vector<32x32xf32>
    %dot_general3A_777 = tpu.matmul %slice3A_773, %slice3A_774, %dot_general3A_776 {dimension_numbers = #tpu.dot_dimension_numbers<[1], [1], [0], [0], [0, 0, 1, 0], [], []>, transpose_lhs_hint = false} : vector<32x32xf32>, vector<32x32xf32>, vector<32x32xf32> -> vector<32x32xf32>
    %mul3A_778 = arith.constant 0.176776692 : f32
    %mul3A_779 = vector.broadcast %mul3A_778 : f32 to vector<32x32xf32>
    %mul3A_780 = arith.mulf %dot_general3A_777, %mul3A_779 : vector<32x32xf32>
    %reduce_max3A_781 = arith.constant dense<0xFF800000> : vector<32xf32>
    %reduce_max3A_782 = vector.multi_reduction <maximumf>, %mul3A_780, %reduce_max3A_781 [1] : vector<32x32xf32> to vector<32xf32>
    %broadcast_in_dim3A_783 = vector.shape_cast %reduce_max3A_782 : vector<32xf32> to vector<32x1xf32>
    %sub3A_784 = vector.broadcast %broadcast_in_dim3A_783 : vector<32x1xf32> to vector<32x32xf32>
    %sub3A_785 = arith.subf %mul3A_780, %sub3A_784 : vector<32x32xf32>
    %exp3A_786 = math.exp %sub3A_785 : vector<32x32xf32>
    %reduce_sum3A_787 = arith.constant dense<0.000000e+00> : vector<32xf32>
    %reduce_sum3A_788 = vector.multi_reduction <add>, %exp3A_786, %reduce_sum3A_787 [1] : vector<32x32xf32> to vector<32xf32>
    %broadcast_in_dim3A_789 = vector.shape_cast %reduce_sum3A_788 : vector<32xf32> to vector<32x1xf32>
    %div3A_790 = vector.broadcast %broadcast_in_dim3A_789 : vector<32x1xf32> to vector<32x32xf32>
    %div3A_791 = arith.divf %exp3A_786, %div3A_790 : vector<32x32xf32>
    %dot_general3A_792 = arith.constant dense<0.000000e+00> : vector<32x32xf32>
    %dot_general3A_793 = tpu.matmul %div3A_791, %slice3A_775, %dot_general3A_792 {dimension_numbers = #tpu.dot_dimension_numbers<[1], [0], [0], [1], [0, 0, 1, 1], [], []>, transpose_lhs_hint = false} : vector<32x32xf32>, vector<32x32xf32>, vector<32x32xf32> -> vector<32x32xf32>
    %slice3A_794 = vector.extract_strided_slice %add3A_772 {offsets = [0, 32], sizes = [32, 32], strides = [1, 1]} : vector<32x384xf32> to vector<32x32xf32>
    %slice3A_795 = vector.extract_strided_slice %add3A_772 {offsets = [0, 160], sizes = [32, 32], strides = [1, 1]} : vector<32x384xf32> to vector<32x32xf32>
    %slice3A_796 = vector.extract_strided_slice %add3A_772 {offsets = [0, 288], sizes = [32, 32], strides = [1, 1]} : vector<32x384xf32> to vector<32x32xf32>
    %dot_general3A_797 = arith.constant dense<0.000000e+00> : vector<32x32xf32>
    %dot_general3A_798 = tpu.matmul %slice3A_794, %slice3A_795, %dot_general3A_797 {dimension_numbers = #tpu.dot_dimension_numbers<[1], [1], [0], [0], [0, 0, 1, 0], [], []>, transpose_lhs_hint = false} : vector<32x32xf32>, vector<32x32xf32>, vector<32x32xf32> -> vector<32x32xf32>
    %mul3A_799 = arith.constant 0.176776692 : f32
    %mul3A_800 = vector.broadcast %mul3A_799 : f32 to vector<32x32xf32>
    %mul3A_801 = arith.mulf %dot_general3A_798, %mul3A_800 : vector<32x32xf32>
    %reduce_max3A_802 = arith.constant dense<0xFF800000> : vector<32xf32>
    %reduce_max3A_803 = vector.multi_reduction <maximumf>, %mul3A_801, %reduce_max3A_802 [1] : vector<32x32xf32> to vector<32xf32>
    %broadcast_in_dim3A_804 = vector.shape_cast %reduce_max3A_803 : vector<32xf32> to vector<32x1xf32>
    %sub3A_805 = vector.broadcast %broadcast_in_dim3A_804 : vector<32x1xf32> to vector<32x32xf32>
    %sub3A_806 = arith.subf %mul3A_801, %sub3A_805 : vector<32x32xf32>
    %exp3A_807 = math.exp %sub3A_806 : vector<32x32xf32>
    %reduce_sum3A_808 = arith.constant dense<0.000000e+00> : vector<32xf32>
    %reduce_sum3A_809 = vector.multi_reduction <add>, %exp3A_807, %reduce_sum3A_808 [1] : vector<32x32xf32> to vector<32xf32>
    %broadcast_in_dim3A_810 = vector.shape_cast %reduce_sum3A_809 : vector<32xf32> to vector<32x1xf32>
    %div3A_811 = vector.broadcast %broadcast_in_dim3A_810 : vector<32x1xf32> to vector<32x32xf32>
    %div3A_812 = arith.divf %exp3A_807, %div3A_811 : vector<32x32xf32>
    %dot_general3A_813 = arith.constant dense<0.000000e+00> : vector<32x32xf32>
    %dot_general3A_814 = tpu.matmul %div3A_812, %slice3A_796, %dot_general3A_813 {dimension_numbers = #tpu.dot_dimension_numbers<[1], [0], [0], [1], [0, 0, 1, 1], [], []>, transpose_lhs_hint = false} : vector<32x32xf32>, vector<32x32xf32>, vector<32x32xf32> -> vector<32x32xf32>
    %slice3A_815 = vector.extract_strided_slice %add3A_772 {offsets = [0, 64], sizes = [32, 32], strides = [1, 1]} : vector<32x384xf32> to vector<32x32xf32>
    %slice3A_816 = vector.extract_strided_slice %add3A_772 {offsets = [0, 192], sizes = [32, 32], strides = [1, 1]} : vector<32x384xf32> to vector<32x32xf32>
    %slice3A_817 = vector.extract_strided_slice %add3A_772 {offsets = [0, 320], sizes = [32, 32], strides = [1, 1]} : vector<32x384xf32> to vector<32x32xf32>
    %dot_general3A_818 = arith.constant dense<0.000000e+00> : vector<32x32xf32>
    %dot_general3A_819 = tpu.matmul %slice3A_815, %slice3A_816, %dot_general3A_818 {dimension_numbers = #tpu.dot_dimension_numbers<[1], [1], [0], [0], [0, 0, 1, 0], [], []>, transpose_lhs_hint = false} : vector<32x32xf32>, vector<32x32xf32>, vector<32x32xf32> -> vector<32x32xf32>
    %mul3A_820 = arith.constant 0.176776692 : f32
    %mul3A_821 = vector.broadcast %mul3A_820 : f32 to vector<32x32xf32>
    %mul3A_822 = arith.mulf %dot_general3A_819, %mul3A_821 : vector<32x32xf32>
    %reduce_max3A_823 = arith.constant dense<0xFF800000> : vector<32xf32>
    %reduce_max3A_824 = vector.multi_reduction <maximumf>, %mul3A_822, %reduce_max3A_823 [1] : vector<32x32xf32> to vector<32xf32>
    %broadcast_in_dim3A_825 = vector.shape_cast %reduce_max3A_824 : vector<32xf32> to vector<32x1xf32>
    %sub3A_826 = vector.broadcast %broadcast_in_dim3A_825 : vector<32x1xf32> to vector<32x32xf32>
    %sub3A_827 = arith.subf %mul3A_822, %sub3A_826 : vector<32x32xf32>
    %exp3A_828 = math.exp %sub3A_827 : vector<32x32xf32>
    %reduce_sum3A_829 = arith.constant dense<0.000000e+00> : vector<32xf32>
    %reduce_sum3A_830 = vector.multi_reduction <add>, %exp3A_828, %reduce_sum3A_829 [1] : vector<32x32xf32> to vector<32xf32>
    %broadcast_in_dim3A_831 = vector.shape_cast %reduce_sum3A_830 : vector<32xf32> to vector<32x1xf32>
    %div3A_832 = vector.broadcast %broadcast_in_dim3A_831 : vector<32x1xf32> to vector<32x32xf32>
    %div3A_833 = arith.divf %exp3A_828, %div3A_832 : vector<32x32xf32>
    %dot_general3A_834 = arith.constant dense<0.000000e+00> : vector<32x32xf32>
    %dot_general3A_835 = tpu.matmul %div3A_833, %slice3A_817, %dot_general3A_834 {dimension_numbers = #tpu.dot_dimension_numbers<[1], [0], [0], [1], [0, 0, 1, 1], [], []>, transpose_lhs_hint = false} : vector<32x32xf32>, vector<32x32xf32>, vector<32x32xf32> -> vector<32x32xf32>
    %slice3A_836 = vector.extract_strided_slice %add3A_772 {offsets = [0, 96], sizes = [32, 32], strides = [1, 1]} : vector<32x384xf32> to vector<32x32xf32>
    %slice3A_837 = vector.extract_strided_slice %add3A_772 {offsets = [0, 224], sizes = [32, 32], strides = [1, 1]} : vector<32x384xf32> to vector<32x32xf32>
    %slice3A_838 = vector.extract_strided_slice %add3A_772 {offsets = [0, 352], sizes = [32, 32], strides = [1, 1]} : vector<32x384xf32> to vector<32x32xf32>
    %dot_general3A_839 = arith.constant dense<0.000000e+00> : vector<32x32xf32>
    %dot_general3A_840 = tpu.matmul %slice3A_836, %slice3A_837, %dot_general3A_839 {dimension_numbers = #tpu.dot_dimension_numbers<[1], [1], [0], [0], [0, 0, 1, 0], [], []>, transpose_lhs_hint = false} : vector<32x32xf32>, vector<32x32xf32>, vector<32x32xf32> -> vector<32x32xf32>
    %mul3A_841 = arith.constant 0.176776692 : f32
    %mul3A_842 = vector.broadcast %mul3A_841 : f32 to vector<32x32xf32>
    %mul3A_843 = arith.mulf %dot_general3A_840, %mul3A_842 : vector<32x32xf32>
    %reduce_max3A_844 = arith.constant dense<0xFF800000> : vector<32xf32>
    %reduce_max3A_845 = vector.multi_reduction <maximumf>, %mul3A_843, %reduce_max3A_844 [1] : vector<32x32xf32> to vector<32xf32>
    %broadcast_in_dim3A_846 = vector.shape_cast %reduce_max3A_845 : vector<32xf32> to vector<32x1xf32>
    %sub3A_847 = vector.broadcast %broadcast_in_dim3A_846 : vector<32x1xf32> to vector<32x32xf32>
    %sub3A_848 = arith.subf %mul3A_843, %sub3A_847 : vector<32x32xf32>
    %exp3A_849 = math.exp %sub3A_848 : vector<32x32xf32>
    %reduce_sum3A_850 = arith.constant dense<0.000000e+00> : vector<32xf32>
    %reduce_sum3A_851 = vector.multi_reduction <add>, %exp3A_849, %reduce_sum3A_850 [1] : vector<32x32xf32> to vector<32xf32>
    %broadcast_in_dim3A_852 = vector.shape_cast %reduce_sum3A_851 : vector<32xf32> to vector<32x1xf32>
    %div3A_853 = vector.broadcast %broadcast_in_dim3A_852 : vector<32x1xf32> to vector<32x32xf32>
    %div3A_854 = arith.divf %exp3A_849, %div3A_853 : vector<32x32xf32>
    %dot_general3A_855 = arith.constant dense<0.000000e+00> : vector<32x32xf32>
    %dot_general3A_856 = tpu.matmul %div3A_854, %slice3A_838, %dot_general3A_855 {dimension_numbers = #tpu.dot_dimension_numbers<[1], [0], [0], [1], [0, 0, 1, 1], [], []>, transpose_lhs_hint = false} : vector<32x32xf32>, vector<32x32xf32>, vector<32x32xf32> -> vector<32x32xf32>
    %concatenate3A_857 = tpu.concatenate %dot_general3A_793, %dot_general3A_814, %dot_general3A_835, %dot_general3A_856 in 1 : vector<32x32xf32>, vector<32x32xf32>, vector<32x32xf32>, vector<32x32xf32> -> vector<32x128xf32>
    %get3A_858 = arith.constant 0 : index
    %get3A_859 = arith.constant 0 : index
    %get3A_860 = vector.load %arg5[%get3A_858, %get3A_859] : memref<128x128xf32, #tpu.memory_space<vmem>>, vector<128x128xf32>
    %dot_general3A_861 = arith.constant dense<0.000000e+00> : vector<32x128xf32>
    %dot_general3A_862 = tpu.matmul %concatenate3A_857, %get3A_860, %dot_general3A_861 {dimension_numbers = #tpu.dot_dimension_numbers<[1], [1], [0], [0], [0, 0, 1, 0], [], []>, transpose_lhs_hint = false} : vector<32x128xf32>, vector<128x128xf32>, vector<32x128xf32> -> vector<32x128xf32>
    %get3A_863 = arith.constant 0 : index
    %get3A_864 = arith.constant 0 : index
    %get3A_865 = vector.load %arg6[%get3A_863, %get3A_864] : memref<1x128xf32, #tpu.memory_space<vmem>>, vector<1x128xf32>
    %add3A_866 = vector.broadcast %get3A_865 : vector<1x128xf32> to vector<32x128xf32>
    %add3A_867 = arith.addf %dot_general3A_862, %add3A_866 : vector<32x128xf32>
    %slice3A_868 = vector.extract_strided_slice %add3A_867 {offsets = [0, 0], sizes = [1, 128], strides = [1, 1]} : vector<32x128xf32> to vector<1x128xf32>
    %get3A_869 = arith.constant 192 : index
    %get3A_870 = memref.load %arg1[%get3A_869] : memref<512xi32, #tpu.memory_space<smem>>
    %swap3A_871 = arith.index_cast %get3A_870 : i32 to index
    %swap3A_872 = arith.constant 0 : index
    %swap3A_873 = vector.load %arg7[%swap3A_871, %swap3A_872] : memref<10000x128xf32, #tpu.memory_space<vmem>>, vector<1x128xf32>
    tpu.vector_store %arg7[%swap3A_871, %swap3A_872], %slice3A_868 {strides = array<i32>} : memref<10000x128xf32, #tpu.memory_space<vmem>>, vector<1x128xf32>,
    %eq3A_874 = vector.broadcast %get3A_870 : i32 to vector<512x1xi32>
    %eq3A_875 = arith.cmpi eq, %get3A_10, %eq3A_874 : vector<512x1xi32>
    %get3A_876 = arith.constant 0 : index
    %get3A_877 = arith.constant 0 : index
    %get3A_878 = vector.load %arg8[%get3A_876, %get3A_877] : memref<512x128xf32, #tpu.memory_space<vmem>>, vector<512x128xf32>
    %broadcast_in_dim3A_879 = vector.shape_cast %eq3A_875 : vector<512x1xi1> to vector<512x1xi1>
    %broadcast_in_dim3A_880 = vector.broadcast %broadcast_in_dim3A_879 : vector<512x1xi1> to vector<512x128xi1>
    %broadcast_in_dim3A_881 = vector.shape_cast %slice3A_868 : vector<1x128xf32> to vector<1x128xf32>
    %broadcast_in_dim3A_882 = vector.broadcast %broadcast_in_dim3A_881 : vector<1x128xf32> to vector<512x128xf32>
    %select_n3A_883 = arith.select %broadcast_in_dim3A_880, %broadcast_in_dim3A_882, %get3A_878 : vector<512x128xi1>, vector<512x128xf32>
    %swap3A_884 = arith.constant 0 : index
    %swap3A_885 = arith.constant 0 : index
    %swap3A_886 = vector.load %arg8[%swap3A_884, %swap3A_885] : memref<512x128xf32, #tpu.memory_space<vmem>>, vector<512x128xf32>
    tpu.vector_store %arg8[%swap3A_884, %swap3A_885], %select_n3A_883 {strides = array<i32>} : memref<512x128xf32, #tpu.memory_space<vmem>>, vector<512x128xf32>,
    %get3A_887 = arith.constant 224 : index
    %get3A_888 = arith.constant 0 : index
    %get3A_889 = vector.load %arg8[%get3A_887, %get3A_888] : memref<512x128xf32, #tpu.memory_space<vmem>>, vector<32x128xf32>
    %get3A_890 = arith.constant 0 : index
    %get3A_891 = arith.constant 0 : index
    %get3A_892 = vector.load %arg3[%get3A_890, %get3A_891] : memref<384x128xf32, #tpu.memory_space<vmem>>, vector<384x128xf32>
    %dot_general3A_893 = arith.constant dense<0.000000e+00> : vector<32x384xf32>
    %dot_general3A_894 = tpu.matmul %get3A_889, %get3A_892, %dot_general3A_893 {dimension_numbers = #tpu.dot_dimension_numbers<[1], [1], [0], [0], [0, 0, 1, 0], [], []>, transpose_lhs_hint = false} : vector<32x128xf32>, vector<384x128xf32>, vector<32x384xf32> -> vector<32x384xf32>
    %get3A_895 = arith.constant 0 : index
    %get3A_896 = arith.constant 0 : index
    %get3A_897 = vector.load %arg4[%get3A_895, %get3A_896] : memref<1x384xf32, #tpu.memory_space<vmem>>, vector<1x384xf32>
    %add3A_898 = vector.broadcast %get3A_897 : vector<1x384xf32> to vector<32x384xf32>
    %add3A_899 = arith.addf %dot_general3A_894, %add3A_898 : vector<32x384xf32>
    %slice3A_900 = vector.extract_strided_slice %add3A_899 {offsets = [0, 0], sizes = [32, 32], strides = [1, 1]} : vector<32x384xf32> to vector<32x32xf32>
    %slice3A_901 = vector.extract_strided_slice %add3A_899 {offsets = [0, 128], sizes = [32, 32], strides = [1, 1]} : vector<32x384xf32> to vector<32x32xf32>
    %slice3A_902 = vector.extract_strided_slice %add3A_899 {offsets = [0, 256], sizes = [32, 32], strides = [1, 1]} : vector<32x384xf32> to vector<32x32xf32>
    %dot_general3A_903 = arith.constant dense<0.000000e+00> : vector<32x32xf32>
    %dot_general3A_904 = tpu.matmul %slice3A_900, %slice3A_901, %dot_general3A_903 {dimension_numbers = #tpu.dot_dimension_numbers<[1], [1], [0], [0], [0, 0, 1, 0], [], []>, transpose_lhs_hint = false} : vector<32x32xf32>, vector<32x32xf32>, vector<32x32xf32> -> vector<32x32xf32>
    %mul3A_905 = arith.constant 0.176776692 : f32
    %mul3A_906 = vector.broadcast %mul3A_905 : f32 to vector<32x32xf32>
    %mul3A_907 = arith.mulf %dot_general3A_904, %mul3A_906 : vector<32x32xf32>
    %reduce_max3A_908 = arith.constant dense<0xFF800000> : vector<32xf32>
    %reduce_max3A_909 = vector.multi_reduction <maximumf>, %mul3A_907, %reduce_max3A_908 [1] : vector<32x32xf32> to vector<32xf32>
    %broadcast_in_dim3A_910 = vector.shape_cast %reduce_max3A_909 : vector<32xf32> to vector<32x1xf32>
    %sub3A_911 = vector.broadcast %broadcast_in_dim3A_910 : vector<32x1xf32> to vector<32x32xf32>
    %sub3A_912 = arith.subf %mul3A_907, %sub3A_911 : vector<32x32xf32>
    %exp3A_913 = math.exp %sub3A_912 : vector<32x32xf32>
    %reduce_sum3A_914 = arith.constant dense<0.000000e+00> : vector<32xf32>
    %reduce_sum3A_915 = vector.multi_reduction <add>, %exp3A_913, %reduce_sum3A_914 [1] : vector<32x32xf32> to vector<32xf32>
    %broadcast_in_dim3A_916 = vector.shape_cast %reduce_sum3A_915 : vector<32xf32> to vector<32x1xf32>
    %div3A_917 = vector.broadcast %broadcast_in_dim3A_916 : vector<32x1xf32> to vector<32x32xf32>
    %div3A_918 = arith.divf %exp3A_913, %div3A_917 : vector<32x32xf32>
    %dot_general3A_919 = arith.constant dense<0.000000e+00> : vector<32x32xf32>
    %dot_general3A_920 = tpu.matmul %div3A_918, %slice3A_902, %dot_general3A_919 {dimension_numbers = #tpu.dot_dimension_numbers<[1], [0], [0], [1], [0, 0, 1, 1], [], []>, transpose_lhs_hint = false} : vector<32x32xf32>, vector<32x32xf32>, vector<32x32xf32> -> vector<32x32xf32>
    %slice3A_921 = vector.extract_strided_slice %add3A_899 {offsets = [0, 32], sizes = [32, 32], strides = [1, 1]} : vector<32x384xf32> to vector<32x32xf32>
    %slice3A_922 = vector.extract_strided_slice %add3A_899 {offsets = [0, 160], sizes = [32, 32], strides = [1, 1]} : vector<32x384xf32> to vector<32x32xf32>
    %slice3A_923 = vector.extract_strided_slice %add3A_899 {offsets = [0, 288], sizes = [32, 32], strides = [1, 1]} : vector<32x384xf32> to vector<32x32xf32>
    %dot_general3A_924 = arith.constant dense<0.000000e+00> : vector<32x32xf32>
    %dot_general3A_925 = tpu.matmul %slice3A_921, %slice3A_922, %dot_general3A_924 {dimension_numbers = #tpu.dot_dimension_numbers<[1], [1], [0], [0], [0, 0, 1, 0], [], []>, transpose_lhs_hint = false} : vector<32x32xf32>, vector<32x32xf32>, vector<32x32xf32> -> vector<32x32xf32>
    %mul3A_926 = arith.constant 0.176776692 : f32
    %mul3A_927 = vector.broadcast %mul3A_926 : f32 to vector<32x32xf32>
    %mul3A_928 = arith.mulf %dot_general3A_925, %mul3A_927 : vector<32x32xf32>
    %reduce_max3A_929 = arith.constant dense<0xFF800000> : vector<32xf32>
    %reduce_max3A_930 = vector.multi_reduction <maximumf>, %mul3A_928, %reduce_max3A_929 [1] : vector<32x32xf32> to vector<32xf32>
    %broadcast_in_dim3A_931 = vector.shape_cast %reduce_max3A_930 : vector<32xf32> to vector<32x1xf32>
    %sub3A_932 = vector.broadcast %broadcast_in_dim3A_931 : vector<32x1xf32> to vector<32x32xf32>
    %sub3A_933 = arith.subf %mul3A_928, %sub3A_932 : vector<32x32xf32>
    %exp3A_934 = math.exp %sub3A_933 : vector<32x32xf32>
    %reduce_sum3A_935 = arith.constant dense<0.000000e+00> : vector<32xf32>
    %reduce_sum3A_936 = vector.multi_reduction <add>, %exp3A_934, %reduce_sum3A_935 [1] : vector<32x32xf32> to vector<32xf32>
    %broadcast_in_dim3A_937 = vector.shape_cast %reduce_sum3A_936 : vector<32xf32> to vector<32x1xf32>
    %div3A_938 = vector.broadcast %broadcast_in_dim3A_937 : vector<32x1xf32> to vector<32x32xf32>
    %div3A_939 = arith.divf %exp3A_934, %div3A_938 : vector<32x32xf32>
    %dot_general3A_940 = arith.constant dense<0.000000e+00> : vector<32x32xf32>
    %dot_general3A_941 = tpu.matmul %div3A_939, %slice3A_923, %dot_general3A_940 {dimension_numbers = #tpu.dot_dimension_numbers<[1], [0], [0], [1], [0, 0, 1, 1], [], []>, transpose_lhs_hint = false} : vector<32x32xf32>, vector<32x32xf32>, vector<32x32xf32> -> vector<32x32xf32>
    %slice3A_942 = vector.extract_strided_slice %add3A_899 {offsets = [0, 64], sizes = [32, 32], strides = [1, 1]} : vector<32x384xf32> to vector<32x32xf32>
    %slice3A_943 = vector.extract_strided_slice %add3A_899 {offsets = [0, 192], sizes = [32, 32], strides = [1, 1]} : vector<32x384xf32> to vector<32x32xf32>
    %slice3A_944 = vector.extract_strided_slice %add3A_899 {offsets = [0, 320], sizes = [32, 32], strides = [1, 1]} : vector<32x384xf32> to vector<32x32xf32>
    %dot_general3A_945 = arith.constant dense<0.000000e+00> : vector<32x32xf32>
    %dot_general3A_946 = tpu.matmul %slice3A_942, %slice3A_943, %dot_general3A_945 {dimension_numbers = #tpu.dot_dimension_numbers<[1], [1], [0], [0], [0, 0, 1, 0], [], []>, transpose_lhs_hint = false} : vector<32x32xf32>, vector<32x32xf32>, vector<32x32xf32> -> vector<32x32xf32>
    %mul3A_947 = arith.constant 0.176776692 : f32
    %mul3A_948 = vector.broadcast %mul3A_947 : f32 to vector<32x32xf32>
    %mul3A_949 = arith.mulf %dot_general3A_946, %mul3A_948 : vector<32x32xf32>
    %reduce_max3A_950 = arith.constant dense<0xFF800000> : vector<32xf32>
    %reduce_max3A_951 = vector.multi_reduction <maximumf>, %mul3A_949, %reduce_max3A_950 [1] : vector<32x32xf32> to vector<32xf32>
    %broadcast_in_dim3A_952 = vector.shape_cast %reduce_max3A_951 : vector<32xf32> to vector<32x1xf32>
    %sub3A_953 = vector.broadcast %broadcast_in_dim3A_952 : vector<32x1xf32> to vector<32x32xf32>
    %sub3A_954 = arith.subf %mul3A_949, %sub3A_953 : vector<32x32xf32>
    %exp3A_955 = math.exp %sub3A_954 : vector<32x32xf32>
    %reduce_sum3A_956 = arith.constant dense<0.000000e+00> : vector<32xf32>
    %reduce_sum3A_957 = vector.multi_reduction <add>, %exp3A_955, %reduce_sum3A_956 [1] : vector<32x32xf32> to vector<32xf32>
    %broadcast_in_dim3A_958 = vector.shape_cast %reduce_sum3A_957 : vector<32xf32> to vector<32x1xf32>
    %div3A_959 = vector.broadcast %broadcast_in_dim3A_958 : vector<32x1xf32> to vector<32x32xf32>
    %div3A_960 = arith.divf %exp3A_955, %div3A_959 : vector<32x32xf32>
    %dot_general3A_961 = arith.constant dense<0.000000e+00> : vector<32x32xf32>
    %dot_general3A_962 = tpu.matmul %div3A_960, %slice3A_944, %dot_general3A_961 {dimension_numbers = #tpu.dot_dimension_numbers<[1], [0], [0], [1], [0, 0, 1, 1], [], []>, transpose_lhs_hint = false} : vector<32x32xf32>, vector<32x32xf32>, vector<32x32xf32> -> vector<32x32xf32>
    %slice3A_963 = vector.extract_strided_slice %add3A_899 {offsets = [0, 96], sizes = [32, 32], strides = [1, 1]} : vector<32x384xf32> to vector<32x32xf32>
    %slice3A_964 = vector.extract_strided_slice %add3A_899 {offsets = [0, 224], sizes = [32, 32], strides = [1, 1]} : vector<32x384xf32> to vector<32x32xf32>
    %slice3A_965 = vector.extract_strided_slice %add3A_899 {offsets = [0, 352], sizes = [32, 32], strides = [1, 1]} : vector<32x384xf32> to vector<32x32xf32>
    %dot_general3A_966 = arith.constant dense<0.000000e+00> : vector<32x32xf32>
    %dot_general3A_967 = tpu.matmul %slice3A_963, %slice3A_964, %dot_general3A_966 {dimension_numbers = #tpu.dot_dimension_numbers<[1], [1], [0], [0], [0, 0, 1, 0], [], []>, transpose_lhs_hint = false} : vector<32x32xf32>, vector<32x32xf32>, vector<32x32xf32> -> vector<32x32xf32>
    %mul3A_968 = arith.constant 0.176776692 : f32
    %mul3A_969 = vector.broadcast %mul3A_968 : f32 to vector<32x32xf32>
    %mul3A_970 = arith.mulf %dot_general3A_967, %mul3A_969 : vector<32x32xf32>
    %reduce_max3A_971 = arith.constant dense<0xFF800000> : vector<32xf32>
    %reduce_max3A_972 = vector.multi_reduction <maximumf>, %mul3A_970, %reduce_max3A_971 [1] : vector<32x32xf32> to vector<32xf32>
    %broadcast_in_dim3A_973 = vector.shape_cast %reduce_max3A_972 : vector<32xf32> to vector<32x1xf32>
    %sub3A_974 = vector.broadcast %broadcast_in_dim3A_973 : vector<32x1xf32> to vector<32x32xf32>
    %sub3A_975 = arith.subf %mul3A_970, %sub3A_974 : vector<32x32xf32>
    %exp3A_976 = math.exp %sub3A_975 : vector<32x32xf32>
    %reduce_sum3A_977 = arith.constant dense<0.000000e+00> : vector<32xf32>
    %reduce_sum3A_978 = vector.multi_reduction <add>, %exp3A_976, %reduce_sum3A_977 [1] : vector<32x32xf32> to vector<32xf32>
    %broadcast_in_dim3A_979 = vector.shape_cast %reduce_sum3A_978 : vector<32xf32> to vector<32x1xf32>
    %div3A_980 = vector.broadcast %broadcast_in_dim3A_979 : vector<32x1xf32> to vector<32x32xf32>
    %div3A_981 = arith.divf %exp3A_976, %div3A_980 : vector<32x32xf32>
    %dot_general3A_982 = arith.constant dense<0.000000e+00> : vector<32x32xf32>
    %dot_general3A_983 = tpu.matmul %div3A_981, %slice3A_965, %dot_general3A_982 {dimension_numbers = #tpu.dot_dimension_numbers<[1], [0], [0], [1], [0, 0, 1, 1], [], []>, transpose_lhs_hint = false} : vector<32x32xf32>, vector<32x32xf32>, vector<32x32xf32> -> vector<32x32xf32>
    %concatenate3A_984 = tpu.concatenate %dot_general3A_920, %dot_general3A_941, %dot_general3A_962, %dot_general3A_983 in 1 : vector<32x32xf32>, vector<32x32xf32>, vector<32x32xf32>, vector<32x32xf32> -> vector<32x128xf32>
    %get3A_985 = arith.constant 0 : index
    %get3A_986 = arith.constant 0 : index
    %get3A_987 = vector.load %arg5[%get3A_985, %get3A_986] : memref<128x128xf32, #tpu.memory_space<vmem>>, vector<128x128xf32>
    %dot_general3A_988 = arith.constant dense<0.000000e+00> : vector<32x128xf32>
    %dot_general3A_989 = tpu.matmul %concatenate3A_984, %get3A_987, %dot_general3A_988 {dimension_numbers = #tpu.dot_dimension_numbers<[1], [1], [0], [0], [0, 0, 1, 0], [], []>, transpose_lhs_hint = false} : vector<32x128xf32>, vector<128x128xf32>, vector<32x128xf32> -> vector<32x128xf32>
    %get3A_990 = arith.constant 0 : index
    %get3A_991 = arith.constant 0 : index
    %get3A_992 = vector.load %arg6[%get3A_990, %get3A_991] : memref<1x128xf32, #tpu.memory_space<vmem>>, vector<1x128xf32>
    %add3A_993 = vector.broadcast %get3A_992 : vector<1x128xf32> to vector<32x128xf32>
    %add3A_994 = arith.addf %dot_general3A_989, %add3A_993 : vector<32x128xf32>
    %slice3A_995 = vector.extract_strided_slice %add3A_994 {offsets = [0, 0], sizes = [1, 128], strides = [1, 1]} : vector<32x128xf32> to vector<1x128xf32>
    %get3A_996 = arith.constant 224 : index
    %get3A_997 = memref.load %arg1[%get3A_996] : memref<512xi32, #tpu.memory_space<smem>>
    %swap3A_998 = arith.index_cast %get3A_997 : i32 to index
    %swap3A_999 = arith.constant 0 : index
    %swap3A_1000 = vector.load %arg7[%swap3A_998, %swap3A_999] : memref<10000x128xf32, #tpu.memory_space<vmem>>, vector<1x128xf32>
    tpu.vector_store %arg7[%swap3A_998, %swap3A_999], %slice3A_995 {strides = array<i32>} : memref<10000x128xf32, #tpu.memory_space<vmem>>, vector<1x128xf32>,
    %eq3A_1001 = vector.broadcast %get3A_997 : i32 to vector<512x1xi32>
    %eq3A_1002 = arith.cmpi eq, %get3A_10, %eq3A_1001 : vector<512x1xi32>
    %get3A_1003 = arith.constant 0 : index
    %get3A_1004 = arith.constant 0 : index
    %get3A_1005 = vector.load %arg8[%get3A_1003, %get3A_1004] : memref<512x128xf32, #tpu.memory_space<vmem>>, vector<512x128xf32>
    %broadcast_in_dim3A_1006 = vector.shape_cast %eq3A_1002 : vector<512x1xi1> to vector<512x1xi1>
    %broadcast_in_dim3A_1007 = vector.broadcast %broadcast_in_dim3A_1006 : vector<512x1xi1> to vector<512x128xi1>
    %broadcast_in_dim3A_1008 = vector.shape_cast %slice3A_995 : vector<1x128xf32> to vector<1x128xf32>
    %broadcast_in_dim3A_1009 = vector.broadcast %broadcast_in_dim3A_1008 : vector<1x128xf32> to vector<512x128xf32>
    %select_n3A_1010 = arith.select %broadcast_in_dim3A_1007, %broadcast_in_dim3A_1009, %get3A_1005 : vector<512x128xi1>, vector<512x128xf32>
    %swap3A_1011 = arith.constant 0 : index
    %swap3A_1012 = arith.constant 0 : index
    %swap3A_1013 = vector.load %arg8[%swap3A_1011, %swap3A_1012] : memref<512x128xf32, #tpu.memory_space<vmem>>, vector<512x128xf32>
    tpu.vector_store %arg8[%swap3A_1011, %swap3A_1012], %select_n3A_1010 {strides = array<i32>} : memref<512x128xf32, #tpu.memory_space<vmem>>, vector<512x128xf32>,
    %get3A_1014 = arith.constant 256 : index
    %get3A_1015 = arith.constant 0 : index
    %get3A_1016 = vector.load %arg8[%get3A_1014, %get3A_1015] : memref<512x128xf32, #tpu.memory_space<vmem>>, vector<32x128xf32>
    %get3A_1017 = arith.constant 0 : index
    %get3A_1018 = arith.constant 0 : index
    %get3A_1019 = vector.load %arg3[%get3A_1017, %get3A_1018] : memref<384x128xf32, #tpu.memory_space<vmem>>, vector<384x128xf32>
    %dot_general3A_1020 = arith.constant dense<0.000000e+00> : vector<32x384xf32>
    %dot_general3A_1021 = tpu.matmul %get3A_1016, %get3A_1019, %dot_general3A_1020 {dimension_numbers = #tpu.dot_dimension_numbers<[1], [1], [0], [0], [0, 0, 1, 0], [], []>, transpose_lhs_hint = false} : vector<32x128xf32>, vector<384x128xf32>, vector<32x384xf32> -> vector<32x384xf32>
    %get3A_1022 = arith.constant 0 : index
    %get3A_1023 = arith.constant 0 : index
    %get3A_1024 = vector.load %arg4[%get3A_1022, %get3A_1023] : memref<1x384xf32, #tpu.memory_space<vmem>>, vector<1x384xf32>
    %add3A_1025 = vector.broadcast %get3A_1024 : vector<1x384xf32> to vector<32x384xf32>
    %add3A_1026 = arith.addf %dot_general3A_1021, %add3A_1025 : vector<32x384xf32>
    %slice3A_1027 = vector.extract_strided_slice %add3A_1026 {offsets = [0, 0], sizes = [32, 32], strides = [1, 1]} : vector<32x384xf32> to vector<32x32xf32>
    %slice3A_1028 = vector.extract_strided_slice %add3A_1026 {offsets = [0, 128], sizes = [32, 32], strides = [1, 1]} : vector<32x384xf32> to vector<32x32xf32>
    %slice3A_1029 = vector.extract_strided_slice %add3A_1026 {offsets = [0, 256], sizes = [32, 32], strides = [1, 1]} : vector<32x384xf32> to vector<32x32xf32>
    %dot_general3A_1030 = arith.constant dense<0.000000e+00> : vector<32x32xf32>
    %dot_general3A_1031 = tpu.matmul %slice3A_1027, %slice3A_1028, %dot_general3A_1030 {dimension_numbers = #tpu.dot_dimension_numbers<[1], [1], [0], [0], [0, 0, 1, 0], [], []>, transpose_lhs_hint = false} : vector<32x32xf32>, vector<32x32xf32>, vector<32x32xf32> -> vector<32x32xf32>
    %mul3A_1032 = arith.constant 0.176776692 : f32
    %mul3A_1033 = vector.broadcast %mul3A_1032 : f32 to vector<32x32xf32>
    %mul3A_1034 = arith.mulf %dot_general3A_1031, %mul3A_1033 : vector<32x32xf32>
    %reduce_max3A_1035 = arith.constant dense<0xFF800000> : vector<32xf32>
    %reduce_max3A_1036 = vector.multi_reduction <maximumf>, %mul3A_1034, %reduce_max3A_1035 [1] : vector<32x32xf32> to vector<32xf32>
    %broadcast_in_dim3A_1037 = vector.shape_cast %reduce_max3A_1036 : vector<32xf32> to vector<32x1xf32>
    %sub3A_1038 = vector.broadcast %broadcast_in_dim3A_1037 : vector<32x1xf32> to vector<32x32xf32>
    %sub3A_1039 = arith.subf %mul3A_1034, %sub3A_1038 : vector<32x32xf32>
    %exp3A_1040 = math.exp %sub3A_1039 : vector<32x32xf32>
    %reduce_sum3A_1041 = arith.constant dense<0.000000e+00> : vector<32xf32>
    %reduce_sum3A_1042 = vector.multi_reduction <add>, %exp3A_1040, %reduce_sum3A_1041 [1] : vector<32x32xf32> to vector<32xf32>
    %broadcast_in_dim3A_1043 = vector.shape_cast %reduce_sum3A_1042 : vector<32xf32> to vector<32x1xf32>
    %div3A_1044 = vector.broadcast %broadcast_in_dim3A_1043 : vector<32x1xf32> to vector<32x32xf32>
    %div3A_1045 = arith.divf %exp3A_1040, %div3A_1044 : vector<32x32xf32>
    %dot_general3A_1046 = arith.constant dense<0.000000e+00> : vector<32x32xf32>
    %dot_general3A_1047 = tpu.matmul %div3A_1045, %slice3A_1029, %dot_general3A_1046 {dimension_numbers = #tpu.dot_dimension_numbers<[1], [0], [0], [1], [0, 0, 1, 1], [], []>, transpose_lhs_hint = false} : vector<32x32xf32>, vector<32x32xf32>, vector<32x32xf32> -> vector<32x32xf32>
    %slice3A_1048 = vector.extract_strided_slice %add3A_1026 {offsets = [0, 32], sizes = [32, 32], strides = [1, 1]} : vector<32x384xf32> to vector<32x32xf32>
    %slice3A_1049 = vector.extract_strided_slice %add3A_1026 {offsets = [0, 160], sizes = [32, 32], strides = [1, 1]} : vector<32x384xf32> to vector<32x32xf32>
    %slice3A_1050 = vector.extract_strided_slice %add3A_1026 {offsets = [0, 288], sizes = [32, 32], strides = [1, 1]} : vector<32x384xf32> to vector<32x32xf32>
    %dot_general3A_1051 = arith.constant dense<0.000000e+00> : vector<32x32xf32>
    %dot_general3A_1052 = tpu.matmul %slice3A_1048, %slice3A_1049, %dot_general3A_1051 {dimension_numbers = #tpu.dot_dimension_numbers<[1], [1], [0], [0], [0, 0, 1, 0], [], []>, transpose_lhs_hint = false} : vector<32x32xf32>, vector<32x32xf32>, vector<32x32xf32> -> vector<32x32xf32>
    %mul3A_1053 = arith.constant 0.176776692 : f32
    %mul3A_1054 = vector.broadcast %mul3A_1053 : f32 to vector<32x32xf32>
    %mul3A_1055 = arith.mulf %dot_general3A_1052, %mul3A_1054 : vector<32x32xf32>
    %reduce_max3A_1056 = arith.constant dense<0xFF800000> : vector<32xf32>
    %reduce_max3A_1057 = vector.multi_reduction <maximumf>, %mul3A_1055, %reduce_max3A_1056 [1] : vector<32x32xf32> to vector<32xf32>
    %broadcast_in_dim3A_1058 = vector.shape_cast %reduce_max3A_1057 : vector<32xf32> to vector<32x1xf32>
    %sub3A_1059 = vector.broadcast %broadcast_in_dim3A_1058 : vector<32x1xf32> to vector<32x32xf32>
    %sub3A_1060 = arith.subf %mul3A_1055, %sub3A_1059 : vector<32x32xf32>
    %exp3A_1061 = math.exp %sub3A_1060 : vector<32x32xf32>
    %reduce_sum3A_1062 = arith.constant dense<0.000000e+00> : vector<32xf32>
    %reduce_sum3A_1063 = vector.multi_reduction <add>, %exp3A_1061, %reduce_sum3A_1062 [1] : vector<32x32xf32> to vector<32xf32>
    %broadcast_in_dim3A_1064 = vector.shape_cast %reduce_sum3A_1063 : vector<32xf32> to vector<32x1xf32>
    %div3A_1065 = vector.broadcast %broadcast_in_dim3A_1064 : vector<32x1xf32> to vector<32x32xf32>
    %div3A_1066 = arith.divf %exp3A_1061, %div3A_1065 : vector<32x32xf32>
    %dot_general3A_1067 = arith.constant dense<0.000000e+00> : vector<32x32xf32>
    %dot_general3A_1068 = tpu.matmul %div3A_1066, %slice3A_1050, %dot_general3A_1067 {dimension_numbers = #tpu.dot_dimension_numbers<[1], [0], [0], [1], [0, 0, 1, 1], [], []>, transpose_lhs_hint = false} : vector<32x32xf32>, vector<32x32xf32>, vector<32x32xf32> -> vector<32x32xf32>
    %slice3A_1069 = vector.extract_strided_slice %add3A_1026 {offsets = [0, 64], sizes = [32, 32], strides = [1, 1]} : vector<32x384xf32> to vector<32x32xf32>
    %slice3A_1070 = vector.extract_strided_slice %add3A_1026 {offsets = [0, 192], sizes = [32, 32], strides = [1, 1]} : vector<32x384xf32> to vector<32x32xf32>
    %slice3A_1071 = vector.extract_strided_slice %add3A_1026 {offsets = [0, 320], sizes = [32, 32], strides = [1, 1]} : vector<32x384xf32> to vector<32x32xf32>
    %dot_general3A_1072 = arith.constant dense<0.000000e+00> : vector<32x32xf32>
    %dot_general3A_1073 = tpu.matmul %slice3A_1069, %slice3A_1070, %dot_general3A_1072 {dimension_numbers = #tpu.dot_dimension_numbers<[1], [1], [0], [0], [0, 0, 1, 0], [], []>, transpose_lhs_hint = false} : vector<32x32xf32>, vector<32x32xf32>, vector<32x32xf32> -> vector<32x32xf32>
    %mul3A_1074 = arith.constant 0.176776692 : f32
    %mul3A_1075 = vector.broadcast %mul3A_1074 : f32 to vector<32x32xf32>
    %mul3A_1076 = arith.mulf %dot_general3A_1073, %mul3A_1075 : vector<32x32xf32>
    %reduce_max3A_1077 = arith.constant dense<0xFF800000> : vector<32xf32>
    %reduce_max3A_1078 = vector.multi_reduction <maximumf>, %mul3A_1076, %reduce_max3A_1077 [1] : vector<32x32xf32> to vector<32xf32>
    %broadcast_in_dim3A_1079 = vector.shape_cast %reduce_max3A_1078 : vector<32xf32> to vector<32x1xf32>
    %sub3A_1080 = vector.broadcast %broadcast_in_dim3A_1079 : vector<32x1xf32> to vector<32x32xf32>
    %sub3A_1081 = arith.subf %mul3A_1076, %sub3A_1080 : vector<32x32xf32>
    %exp3A_1082 = math.exp %sub3A_1081 : vector<32x32xf32>
    %reduce_sum3A_1083 = arith.constant dense<0.000000e+00> : vector<32xf32>
    %reduce_sum3A_1084 = vector.multi_reduction <add>, %exp3A_1082, %reduce_sum3A_1083 [1] : vector<32x32xf32> to vector<32xf32>
    %broadcast_in_dim3A_1085 = vector.shape_cast %reduce_sum3A_1084 : vector<32xf32> to vector<32x1xf32>
    %div3A_1086 = vector.broadcast %broadcast_in_dim3A_1085 : vector<32x1xf32> to vector<32x32xf32>
    %div3A_1087 = arith.divf %exp3A_1082, %div3A_1086 : vector<32x32xf32>
    %dot_general3A_1088 = arith.constant dense<0.000000e+00> : vector<32x32xf32>
    %dot_general3A_1089 = tpu.matmul %div3A_1087, %slice3A_1071, %dot_general3A_1088 {dimension_numbers = #tpu.dot_dimension_numbers<[1], [0], [0], [1], [0, 0, 1, 1], [], []>, transpose_lhs_hint = false} : vector<32x32xf32>, vector<32x32xf32>, vector<32x32xf32> -> vector<32x32xf32>
    %slice3A_1090 = vector.extract_strided_slice %add3A_1026 {offsets = [0, 96], sizes = [32, 32], strides = [1, 1]} : vector<32x384xf32> to vector<32x32xf32>
    %slice3A_1091 = vector.extract_strided_slice %add3A_1026 {offsets = [0, 224], sizes = [32, 32], strides = [1, 1]} : vector<32x384xf32> to vector<32x32xf32>
    %slice3A_1092 = vector.extract_strided_slice %add3A_1026 {offsets = [0, 352], sizes = [32, 32], strides = [1, 1]} : vector<32x384xf32> to vector<32x32xf32>
    %dot_general3A_1093 = arith.constant dense<0.000000e+00> : vector<32x32xf32>
    %dot_general3A_1094 = tpu.matmul %slice3A_1090, %slice3A_1091, %dot_general3A_1093 {dimension_numbers = #tpu.dot_dimension_numbers<[1], [1], [0], [0], [0, 0, 1, 0], [], []>, transpose_lhs_hint = false} : vector<32x32xf32>, vector<32x32xf32>, vector<32x32xf32> -> vector<32x32xf32>
    %mul3A_1095 = arith.constant 0.176776692 : f32
    %mul3A_1096 = vector.broadcast %mul3A_1095 : f32 to vector<32x32xf32>
    %mul3A_1097 = arith.mulf %dot_general3A_1094, %mul3A_1096 : vector<32x32xf32>
    %reduce_max3A_1098 = arith.constant dense<0xFF800000> : vector<32xf32>
    %reduce_max3A_1099 = vector.multi_reduction <maximumf>, %mul3A_1097, %reduce_max3A_1098 [1] : vector<32x32xf32> to vector<32xf32>
    %broadcast_in_dim3A_1100 = vector.shape_cast %reduce_max3A_1099 : vector<32xf32> to vector<32x1xf32>
    %sub3A_1101 = vector.broadcast %broadcast_in_dim3A_1100 : vector<32x1xf32> to vector<32x32xf32>
    %sub3A_1102 = arith.subf %mul3A_1097, %sub3A_1101 : vector<32x32xf32>
    %exp3A_1103 = math.exp %sub3A_1102 : vector<32x32xf32>
    %reduce_sum3A_1104 = arith.constant dense<0.000000e+00> : vector<32xf32>
    %reduce_sum3A_1105 = vector.multi_reduction <add>, %exp3A_1103, %reduce_sum3A_1104 [1] : vector<32x32xf32> to vector<32xf32>
    %broadcast_in_dim3A_1106 = vector.shape_cast %reduce_sum3A_1105 : vector<32xf32> to vector<32x1xf32>
    %div3A_1107 = vector.broadcast %broadcast_in_dim3A_1106 : vector<32x1xf32> to vector<32x32xf32>
    %div3A_1108 = arith.divf %exp3A_1103, %div3A_1107 : vector<32x32xf32>
    %dot_general3A_1109 = arith.constant dense<0.000000e+00> : vector<32x32xf32>
    %dot_general3A_1110 = tpu.matmul %div3A_1108, %slice3A_1092, %dot_general3A_1109 {dimension_numbers = #tpu.dot_dimension_numbers<[1], [0], [0], [1], [0, 0, 1, 1], [], []>, transpose_lhs_hint = false} : vector<32x32xf32>, vector<32x32xf32>, vector<32x32xf32> -> vector<32x32xf32>
    %concatenate3A_1111 = tpu.concatenate %dot_general3A_1047, %dot_general3A_1068, %dot_general3A_1089, %dot_general3A_1110 in 1 : vector<32x32xf32>, vector<32x32xf32>, vector<32x32xf32>, vector<32x32xf32> -> vector<32x128xf32>
    %get3A_1112 = arith.constant 0 : index
    %get3A_1113 = arith.constant 0 : index
    %get3A_1114 = vector.load %arg5[%get3A_1112, %get3A_1113] : memref<128x128xf32, #tpu.memory_space<vmem>>, vector<128x128xf32>
    %dot_general3A_1115 = arith.constant dense<0.000000e+00> : vector<32x128xf32>
    %dot_general3A_1116 = tpu.matmul %concatenate3A_1111, %get3A_1114, %dot_general3A_1115 {dimension_numbers = #tpu.dot_dimension_numbers<[1], [1], [0], [0], [0, 0, 1, 0], [], []>, transpose_lhs_hint = false} : vector<32x128xf32>, vector<128x128xf32>, vector<32x128xf32> -> vector<32x128xf32>
    %get3A_1117 = arith.constant 0 : index
    %get3A_1118 = arith.constant 0 : index
    %get3A_1119 = vector.load %arg6[%get3A_1117, %get3A_1118] : memref<1x128xf32, #tpu.memory_space<vmem>>, vector<1x128xf32>
    %add3A_1120 = vector.broadcast %get3A_1119 : vector<1x128xf32> to vector<32x128xf32>
    %add3A_1121 = arith.addf %dot_general3A_1116, %add3A_1120 : vector<32x128xf32>
    %slice3A_1122 = vector.extract_strided_slice %add3A_1121 {offsets = [0, 0], sizes = [1, 128], strides = [1, 1]} : vector<32x128xf32> to vector<1x128xf32>
    %get3A_1123 = arith.constant 256 : index
    %get3A_1124 = memref.load %arg1[%get3A_1123] : memref<512xi32, #tpu.memory_space<smem>>
    %swap3A_1125 = arith.index_cast %get3A_1124 : i32 to index
    %swap3A_1126 = arith.constant 0 : index
    %swap3A_1127 = vector.load %arg7[%swap3A_1125, %swap3A_1126] : memref<10000x128xf32, #tpu.memory_space<vmem>>, vector<1x128xf32>
    tpu.vector_store %arg7[%swap3A_1125, %swap3A_1126], %slice3A_1122 {strides = array<i32>} : memref<10000x128xf32, #tpu.memory_space<vmem>>, vector<1x128xf32>,
    %eq3A_1128 = vector.broadcast %get3A_1124 : i32 to vector<512x1xi32>
    %eq3A_1129 = arith.cmpi eq, %get3A_10, %eq3A_1128 : vector<512x1xi32>
    %get3A_1130 = arith.constant 0 : index
    %get3A_1131 = arith.constant 0 : index
    %get3A_1132 = vector.load %arg8[%get3A_1130, %get3A_1131] : memref<512x128xf32, #tpu.memory_space<vmem>>, vector<512x128xf32>
    %broadcast_in_dim3A_1133 = vector.shape_cast %eq3A_1129 : vector<512x1xi1> to vector<512x1xi1>
    %broadcast_in_dim3A_1134 = vector.broadcast %broadcast_in_dim3A_1133 : vector<512x1xi1> to vector<512x128xi1>
    %broadcast_in_dim3A_1135 = vector.shape_cast %slice3A_1122 : vector<1x128xf32> to vector<1x128xf32>
    %broadcast_in_dim3A_1136 = vector.broadcast %broadcast_in_dim3A_1135 : vector<1x128xf32> to vector<512x128xf32>
    %select_n3A_1137 = arith.select %broadcast_in_dim3A_1134, %broadcast_in_dim3A_1136, %get3A_1132 : vector<512x128xi1>, vector<512x128xf32>
    %swap3A_1138 = arith.constant 0 : index
    %swap3A_1139 = arith.constant 0 : index
    %swap3A_1140 = vector.load %arg8[%swap3A_1138, %swap3A_1139] : memref<512x128xf32, #tpu.memory_space<vmem>>, vector<512x128xf32>
    tpu.vector_store %arg8[%swap3A_1138, %swap3A_1139], %select_n3A_1137 {strides = array<i32>} : memref<512x128xf32, #tpu.memory_space<vmem>>, vector<512x128xf32>,
    %get3A_1141 = arith.constant 288 : index
    %get3A_1142 = arith.constant 0 : index
    %get3A_1143 = vector.load %arg8[%get3A_1141, %get3A_1142] : memref<512x128xf32, #tpu.memory_space<vmem>>, vector<32x128xf32>
    %get3A_1144 = arith.constant 0 : index
    %get3A_1145 = arith.constant 0 : index
    %get3A_1146 = vector.load %arg3[%get3A_1144, %get3A_1145] : memref<384x128xf32, #tpu.memory_space<vmem>>, vector<384x128xf32>
    %dot_general3A_1147 = arith.constant dense<0.000000e+00> : vector<32x384xf32>
    %dot_general3A_1148 = tpu.matmul %get3A_1143, %get3A_1146, %dot_general3A_1147 {dimension_numbers = #tpu.dot_dimension_numbers<[1], [1], [0], [0], [0, 0, 1, 0], [], []>, transpose_lhs_hint = false} : vector<32x128xf32>, vector<384x128xf32>, vector<32x384xf32> -> vector<32x384xf32>
    %get3A_1149 = arith.constant 0 : index
    %get3A_1150 = arith.constant 0 : index
    %get3A_1151 = vector.load %arg4[%get3A_1149, %get3A_1150] : memref<1x384xf32, #tpu.memory_space<vmem>>, vector<1x384xf32>
    %add3A_1152 = vector.broadcast %get3A_1151 : vector<1x384xf32> to vector<32x384xf32>
    %add3A_1153 = arith.addf %dot_general3A_1148, %add3A_1152 : vector<32x384xf32>
    %slice3A_1154 = vector.extract_strided_slice %add3A_1153 {offsets = [0, 0], sizes = [32, 32], strides = [1, 1]} : vector<32x384xf32> to vector<32x32xf32>
    %slice3A_1155 = vector.extract_strided_slice %add3A_1153 {offsets = [0, 128], sizes = [32, 32], strides = [1, 1]} : vector<32x384xf32> to vector<32x32xf32>
    %slice3A_1156 = vector.extract_strided_slice %add3A_1153 {offsets = [0, 256], sizes = [32, 32], strides = [1, 1]} : vector<32x384xf32> to vector<32x32xf32>
    %dot_general3A_1157 = arith.constant dense<0.000000e+00> : vector<32x32xf32>
    %dot_general3A_1158 = tpu.matmul %slice3A_1154, %slice3A_1155, %dot_general3A_1157 {dimension_numbers = #tpu.dot_dimension_numbers<[1], [1], [0], [0], [0, 0, 1, 0], [], []>, transpose_lhs_hint = false} : vector<32x32xf32>, vector<32x32xf32>, vector<32x32xf32> -> vector<32x32xf32>
    %mul3A_1159 = arith.constant 0.176776692 : f32
    %mul3A_1160 = vector.broadcast %mul3A_1159 : f32 to vector<32x32xf32>
    %mul3A_1161 = arith.mulf %dot_general3A_1158, %mul3A_1160 : vector<32x32xf32>
    %reduce_max3A_1162 = arith.constant dense<0xFF800000> : vector<32xf32>
    %reduce_max3A_1163 = vector.multi_reduction <maximumf>, %mul3A_1161, %reduce_max3A_1162 [1] : vector<32x32xf32> to vector<32xf32>
    %broadcast_in_dim3A_1164 = vector.shape_cast %reduce_max3A_1163 : vector<32xf32> to vector<32x1xf32>
    %sub3A_1165 = vector.broadcast %broadcast_in_dim3A_1164 : vector<32x1xf32> to vector<32x32xf32>
    %sub3A_1166 = arith.subf %mul3A_1161, %sub3A_1165 : vector<32x32xf32>
    %exp3A_1167 = math.exp %sub3A_1166 : vector<32x32xf32>
    %reduce_sum3A_1168 = arith.constant dense<0.000000e+00> : vector<32xf32>
    %reduce_sum3A_1169 = vector.multi_reduction <add>, %exp3A_1167, %reduce_sum3A_1168 [1] : vector<32x32xf32> to vector<32xf32>
    %broadcast_in_dim3A_1170 = vector.shape_cast %reduce_sum3A_1169 : vector<32xf32> to vector<32x1xf32>
    %div3A_1171 = vector.broadcast %broadcast_in_dim3A_1170 : vector<32x1xf32> to vector<32x32xf32>
    %div3A_1172 = arith.divf %exp3A_1167, %div3A_1171 : vector<32x32xf32>
    %dot_general3A_1173 = arith.constant dense<0.000000e+00> : vector<32x32xf32>
    %dot_general3A_1174 = tpu.matmul %div3A_1172, %slice3A_1156, %dot_general3A_1173 {dimension_numbers = #tpu.dot_dimension_numbers<[1], [0], [0], [1], [0, 0, 1, 1], [], []>, transpose_lhs_hint = false} : vector<32x32xf32>, vector<32x32xf32>, vector<32x32xf32> -> vector<32x32xf32>
    %slice3A_1175 = vector.extract_strided_slice %add3A_1153 {offsets = [0, 32], sizes = [32, 32], strides = [1, 1]} : vector<32x384xf32> to vector<32x32xf32>
    %slice3A_1176 = vector.extract_strided_slice %add3A_1153 {offsets = [0, 160], sizes = [32, 32], strides = [1, 1]} : vector<32x384xf32> to vector<32x32xf32>
    %slice3A_1177 = vector.extract_strided_slice %add3A_1153 {offsets = [0, 288], sizes = [32, 32], strides = [1, 1]} : vector<32x384xf32> to vector<32x32xf32>
    %dot_general3A_1178 = arith.constant dense<0.000000e+00> : vector<32x32xf32>
    %dot_general3A_1179 = tpu.matmul %slice3A_1175, %slice3A_1176, %dot_general3A_1178 {dimension_numbers = #tpu.dot_dimension_numbers<[1], [1], [0], [0], [0, 0, 1, 0], [], []>, transpose_lhs_hint = false} : vector<32x32xf32>, vector<32x32xf32>, vector<32x32xf32> -> vector<32x32xf32>
    %mul3A_1180 = arith.constant 0.176776692 : f32
    %mul3A_1181 = vector.broadcast %mul3A_1180 : f32 to vector<32x32xf32>
    %mul3A_1182 = arith.mulf %dot_general3A_1179, %mul3A_1181 : vector<32x32xf32>
    %reduce_max3A_1183 = arith.constant dense<0xFF800000> : vector<32xf32>
    %reduce_max3A_1184 = vector.multi_reduction <maximumf>, %mul3A_1182, %reduce_max3A_1183 [1] : vector<32x32xf32> to vector<32xf32>
    %broadcast_in_dim3A_1185 = vector.shape_cast %reduce_max3A_1184 : vector<32xf32> to vector<32x1xf32>
    %sub3A_1186 = vector.broadcast %broadcast_in_dim3A_1185 : vector<32x1xf32> to vector<32x32xf32>
    %sub3A_1187 = arith.subf %mul3A_1182, %sub3A_1186 : vector<32x32xf32>
    %exp3A_1188 = math.exp %sub3A_1187 : vector<32x32xf32>
    %reduce_sum3A_1189 = arith.constant dense<0.000000e+00> : vector<32xf32>
    %reduce_sum3A_1190 = vector.multi_reduction <add>, %exp3A_1188, %reduce_sum3A_1189 [1] : vector<32x32xf32> to vector<32xf32>
    %broadcast_in_dim3A_1191 = vector.shape_cast %reduce_sum3A_1190 : vector<32xf32> to vector<32x1xf32>
    %div3A_1192 = vector.broadcast %broadcast_in_dim3A_1191 : vector<32x1xf32> to vector<32x32xf32>
    %div3A_1193 = arith.divf %exp3A_1188, %div3A_1192 : vector<32x32xf32>
    %dot_general3A_1194 = arith.constant dense<0.000000e+00> : vector<32x32xf32>
    %dot_general3A_1195 = tpu.matmul %div3A_1193, %slice3A_1177, %dot_general3A_1194 {dimension_numbers = #tpu.dot_dimension_numbers<[1], [0], [0], [1], [0, 0, 1, 1], [], []>, transpose_lhs_hint = false} : vector<32x32xf32>, vector<32x32xf32>, vector<32x32xf32> -> vector<32x32xf32>
    %slice3A_1196 = vector.extract_strided_slice %add3A_1153 {offsets = [0, 64], sizes = [32, 32], strides = [1, 1]} : vector<32x384xf32> to vector<32x32xf32>
    %slice3A_1197 = vector.extract_strided_slice %add3A_1153 {offsets = [0, 192], sizes = [32, 32], strides = [1, 1]} : vector<32x384xf32> to vector<32x32xf32>
    %slice3A_1198 = vector.extract_strided_slice %add3A_1153 {offsets = [0, 320], sizes = [32, 32], strides = [1, 1]} : vector<32x384xf32> to vector<32x32xf32>
    %dot_general3A_1199 = arith.constant dense<0.000000e+00> : vector<32x32xf32>
    %dot_general3A_1200 = tpu.matmul %slice3A_1196, %slice3A_1197, %dot_general3A_1199 {dimension_numbers = #tpu.dot_dimension_numbers<[1], [1], [0], [0], [0, 0, 1, 0], [], []>, transpose_lhs_hint = false} : vector<32x32xf32>, vector<32x32xf32>, vector<32x32xf32> -> vector<32x32xf32>
    %mul3A_1201 = arith.constant 0.176776692 : f32
    %mul3A_1202 = vector.broadcast %mul3A_1201 : f32 to vector<32x32xf32>
    %mul3A_1203 = arith.mulf %dot_general3A_1200, %mul3A_1202 : vector<32x32xf32>
    %reduce_max3A_1204 = arith.constant dense<0xFF800000> : vector<32xf32>
    %reduce_max3A_1205 = vector.multi_reduction <maximumf>, %mul3A_1203, %reduce_max3A_1204 [1] : vector<32x32xf32> to vector<32xf32>
    %broadcast_in_dim3A_1206 = vector.shape_cast %reduce_max3A_1205 : vector<32xf32> to vector<32x1xf32>
    %sub3A_1207 = vector.broadcast %broadcast_in_dim3A_1206 : vector<32x1xf32> to vector<32x32xf32>
    %sub3A_1208 = arith.subf %mul3A_1203, %sub3A_1207 : vector<32x32xf32>
    %exp3A_1209 = math.exp %sub3A_1208 : vector<32x32xf32>
    %reduce_sum3A_1210 = arith.constant dense<0.000000e+00> : vector<32xf32>
    %reduce_sum3A_1211 = vector.multi_reduction <add>, %exp3A_1209, %reduce_sum3A_1210 [1] : vector<32x32xf32> to vector<32xf32>
    %broadcast_in_dim3A_1212 = vector.shape_cast %reduce_sum3A_1211 : vector<32xf32> to vector<32x1xf32>
    %div3A_1213 = vector.broadcast %broadcast_in_dim3A_1212 : vector<32x1xf32> to vector<32x32xf32>
    %div3A_1214 = arith.divf %exp3A_1209, %div3A_1213 : vector<32x32xf32>
    %dot_general3A_1215 = arith.constant dense<0.000000e+00> : vector<32x32xf32>
    %dot_general3A_1216 = tpu.matmul %div3A_1214, %slice3A_1198, %dot_general3A_1215 {dimension_numbers = #tpu.dot_dimension_numbers<[1], [0], [0], [1], [0, 0, 1, 1], [], []>, transpose_lhs_hint = false} : vector<32x32xf32>, vector<32x32xf32>, vector<32x32xf32> -> vector<32x32xf32>
    %slice3A_1217 = vector.extract_strided_slice %add3A_1153 {offsets = [0, 96], sizes = [32, 32], strides = [1, 1]} : vector<32x384xf32> to vector<32x32xf32>
    %slice3A_1218 = vector.extract_strided_slice %add3A_1153 {offsets = [0, 224], sizes = [32, 32], strides = [1, 1]} : vector<32x384xf32> to vector<32x32xf32>
    %slice3A_1219 = vector.extract_strided_slice %add3A_1153 {offsets = [0, 352], sizes = [32, 32], strides = [1, 1]} : vector<32x384xf32> to vector<32x32xf32>
    %dot_general3A_1220 = arith.constant dense<0.000000e+00> : vector<32x32xf32>
    %dot_general3A_1221 = tpu.matmul %slice3A_1217, %slice3A_1218, %dot_general3A_1220 {dimension_numbers = #tpu.dot_dimension_numbers<[1], [1], [0], [0], [0, 0, 1, 0], [], []>, transpose_lhs_hint = false} : vector<32x32xf32>, vector<32x32xf32>, vector<32x32xf32> -> vector<32x32xf32>
    %mul3A_1222 = arith.constant 0.176776692 : f32
    %mul3A_1223 = vector.broadcast %mul3A_1222 : f32 to vector<32x32xf32>
    %mul3A_1224 = arith.mulf %dot_general3A_1221, %mul3A_1223 : vector<32x32xf32>
    %reduce_max3A_1225 = arith.constant dense<0xFF800000> : vector<32xf32>
    %reduce_max3A_1226 = vector.multi_reduction <maximumf>, %mul3A_1224, %reduce_max3A_1225 [1] : vector<32x32xf32> to vector<32xf32>
    %broadcast_in_dim3A_1227 = vector.shape_cast %reduce_max3A_1226 : vector<32xf32> to vector<32x1xf32>
    %sub3A_1228 = vector.broadcast %broadcast_in_dim3A_1227 : vector<32x1xf32> to vector<32x32xf32>
    %sub3A_1229 = arith.subf %mul3A_1224, %sub3A_1228 : vector<32x32xf32>
    %exp3A_1230 = math.exp %sub3A_1229 : vector<32x32xf32>
    %reduce_sum3A_1231 = arith.constant dense<0.000000e+00> : vector<32xf32>
    %reduce_sum3A_1232 = vector.multi_reduction <add>, %exp3A_1230, %reduce_sum3A_1231 [1] : vector<32x32xf32> to vector<32xf32>
    %broadcast_in_dim3A_1233 = vector.shape_cast %reduce_sum3A_1232 : vector<32xf32> to vector<32x1xf32>
    %div3A_1234 = vector.broadcast %broadcast_in_dim3A_1233 : vector<32x1xf32> to vector<32x32xf32>
    %div3A_1235 = arith.divf %exp3A_1230, %div3A_1234 : vector<32x32xf32>
    %dot_general3A_1236 = arith.constant dense<0.000000e+00> : vector<32x32xf32>
    %dot_general3A_1237 = tpu.matmul %div3A_1235, %slice3A_1219, %dot_general3A_1236 {dimension_numbers = #tpu.dot_dimension_numbers<[1], [0], [0], [1], [0, 0, 1, 1], [], []>, transpose_lhs_hint = false} : vector<32x32xf32>, vector<32x32xf32>, vector<32x32xf32> -> vector<32x32xf32>
    %concatenate3A_1238 = tpu.concatenate %dot_general3A_1174, %dot_general3A_1195, %dot_general3A_1216, %dot_general3A_1237 in 1 : vector<32x32xf32>, vector<32x32xf32>, vector<32x32xf32>, vector<32x32xf32> -> vector<32x128xf32>
    %get3A_1239 = arith.constant 0 : index
    %get3A_1240 = arith.constant 0 : index
    %get3A_1241 = vector.load %arg5[%get3A_1239, %get3A_1240] : memref<128x128xf32, #tpu.memory_space<vmem>>, vector<128x128xf32>
    %dot_general3A_1242 = arith.constant dense<0.000000e+00> : vector<32x128xf32>
    %dot_general3A_1243 = tpu.matmul %concatenate3A_1238, %get3A_1241, %dot_general3A_1242 {dimension_numbers = #tpu.dot_dimension_numbers<[1], [1], [0], [0], [0, 0, 1, 0], [], []>, transpose_lhs_hint = false} : vector<32x128xf32>, vector<128x128xf32>, vector<32x128xf32> -> vector<32x128xf32>
    %get3A_1244 = arith.constant 0 : index
    %get3A_1245 = arith.constant 0 : index
    %get3A_1246 = vector.load %arg6[%get3A_1244, %get3A_1245] : memref<1x128xf32, #tpu.memory_space<vmem>>, vector<1x128xf32>
    %add3A_1247 = vector.broadcast %get3A_1246 : vector<1x128xf32> to vector<32x128xf32>
    %add3A_1248 = arith.addf %dot_general3A_1243, %add3A_1247 : vector<32x128xf32>
    %slice3A_1249 = vector.extract_strided_slice %add3A_1248 {offsets = [0, 0], sizes = [1, 128], strides = [1, 1]} : vector<32x128xf32> to vector<1x128xf32>
    %get3A_1250 = arith.constant 288 : index
    %get3A_1251 = memref.load %arg1[%get3A_1250] : memref<512xi32, #tpu.memory_space<smem>>
    %swap3A_1252 = arith.index_cast %get3A_1251 : i32 to index
    %swap3A_1253 = arith.constant 0 : index
    %swap3A_1254 = vector.load %arg7[%swap3A_1252, %swap3A_1253] : memref<10000x128xf32, #tpu.memory_space<vmem>>, vector<1x128xf32>
    tpu.vector_store %arg7[%swap3A_1252, %swap3A_1253], %slice3A_1249 {strides = array<i32>} : memref<10000x128xf32, #tpu.memory_space<vmem>>, vector<1x128xf32>,
    %eq3A_1255 = vector.broadcast %get3A_1251 : i32 to vector<512x1xi32>
    %eq3A_1256 = arith.cmpi eq, %get3A_10, %eq3A_1255 : vector<512x1xi32>
    %get3A_1257 = arith.constant 0 : index
    %get3A_1258 = arith.constant 0 : index
    %get3A_1259 = vector.load %arg8[%get3A_1257, %get3A_1258] : memref<512x128xf32, #tpu.memory_space<vmem>>, vector<512x128xf32>
    %broadcast_in_dim3A_1260 = vector.shape_cast %eq3A_1256 : vector<512x1xi1> to vector<512x1xi1>
    %broadcast_in_dim3A_1261 = vector.broadcast %broadcast_in_dim3A_1260 : vector<512x1xi1> to vector<512x128xi1>
    %broadcast_in_dim3A_1262 = vector.shape_cast %slice3A_1249 : vector<1x128xf32> to vector<1x128xf32>
    %broadcast_in_dim3A_1263 = vector.broadcast %broadcast_in_dim3A_1262 : vector<1x128xf32> to vector<512x128xf32>
    %select_n3A_1264 = arith.select %broadcast_in_dim3A_1261, %broadcast_in_dim3A_1263, %get3A_1259 : vector<512x128xi1>, vector<512x128xf32>
    %swap3A_1265 = arith.constant 0 : index
    %swap3A_1266 = arith.constant 0 : index
    %swap3A_1267 = vector.load %arg8[%swap3A_1265, %swap3A_1266] : memref<512x128xf32, #tpu.memory_space<vmem>>, vector<512x128xf32>
    tpu.vector_store %arg8[%swap3A_1265, %swap3A_1266], %select_n3A_1264 {strides = array<i32>} : memref<512x128xf32, #tpu.memory_space<vmem>>, vector<512x128xf32>,
    %get3A_1268 = arith.constant 320 : index
    %get3A_1269 = arith.constant 0 : index
    %get3A_1270 = vector.load %arg8[%get3A_1268, %get3A_1269] : memref<512x128xf32, #tpu.memory_space<vmem>>, vector<32x128xf32>
    %get3A_1271 = arith.constant 0 : index
    %get3A_1272 = arith.constant 0 : index
    %get3A_1273 = vector.load %arg3[%get3A_1271, %get3A_1272] : memref<384x128xf32, #tpu.memory_space<vmem>>, vector<384x128xf32>
    %dot_general3A_1274 = arith.constant dense<0.000000e+00> : vector<32x384xf32>
    %dot_general3A_1275 = tpu.matmul %get3A_1270, %get3A_1273, %dot_general3A_1274 {dimension_numbers = #tpu.dot_dimension_numbers<[1], [1], [0], [0], [0, 0, 1, 0], [], []>, transpose_lhs_hint = false} : vector<32x128xf32>, vector<384x128xf32>, vector<32x384xf32> -> vector<32x384xf32>
    %get3A_1276 = arith.constant 0 : index
    %get3A_1277 = arith.constant 0 : index
    %get3A_1278 = vector.load %arg4[%get3A_1276, %get3A_1277] : memref<1x384xf32, #tpu.memory_space<vmem>>, vector<1x384xf32>
    %add3A_1279 = vector.broadcast %get3A_1278 : vector<1x384xf32> to vector<32x384xf32>
    %add3A_1280 = arith.addf %dot_general3A_1275, %add3A_1279 : vector<32x384xf32>
    %slice3A_1281 = vector.extract_strided_slice %add3A_1280 {offsets = [0, 0], sizes = [32, 32], strides = [1, 1]} : vector<32x384xf32> to vector<32x32xf32>
    %slice3A_1282 = vector.extract_strided_slice %add3A_1280 {offsets = [0, 128], sizes = [32, 32], strides = [1, 1]} : vector<32x384xf32> to vector<32x32xf32>
    %slice3A_1283 = vector.extract_strided_slice %add3A_1280 {offsets = [0, 256], sizes = [32, 32], strides = [1, 1]} : vector<32x384xf32> to vector<32x32xf32>
    %dot_general3A_1284 = arith.constant dense<0.000000e+00> : vector<32x32xf32>
    %dot_general3A_1285 = tpu.matmul %slice3A_1281, %slice3A_1282, %dot_general3A_1284 {dimension_numbers = #tpu.dot_dimension_numbers<[1], [1], [0], [0], [0, 0, 1, 0], [], []>, transpose_lhs_hint = false} : vector<32x32xf32>, vector<32x32xf32>, vector<32x32xf32> -> vector<32x32xf32>
    %mul3A_1286 = arith.constant 0.176776692 : f32
    %mul3A_1287 = vector.broadcast %mul3A_1286 : f32 to vector<32x32xf32>
    %mul3A_1288 = arith.mulf %dot_general3A_1285, %mul3A_1287 : vector<32x32xf32>
    %reduce_max3A_1289 = arith.constant dense<0xFF800000> : vector<32xf32>
    %reduce_max3A_1290 = vector.multi_reduction <maximumf>, %mul3A_1288, %reduce_max3A_1289 [1] : vector<32x32xf32> to vector<32xf32>
    %broadcast_in_dim3A_1291 = vector.shape_cast %reduce_max3A_1290 : vector<32xf32> to vector<32x1xf32>
    %sub3A_1292 = vector.broadcast %broadcast_in_dim3A_1291 : vector<32x1xf32> to vector<32x32xf32>
    %sub3A_1293 = arith.subf %mul3A_1288, %sub3A_1292 : vector<32x32xf32>
    %exp3A_1294 = math.exp %sub3A_1293 : vector<32x32xf32>
    %reduce_sum3A_1295 = arith.constant dense<0.000000e+00> : vector<32xf32>
    %reduce_sum3A_1296 = vector.multi_reduction <add>, %exp3A_1294, %reduce_sum3A_1295 [1] : vector<32x32xf32> to vector<32xf32>
    %broadcast_in_dim3A_1297 = vector.shape_cast %reduce_sum3A_1296 : vector<32xf32> to vector<32x1xf32>
    %div3A_1298 = vector.broadcast %broadcast_in_dim3A_1297 : vector<32x1xf32> to vector<32x32xf32>
    %div3A_1299 = arith.divf %exp3A_1294, %div3A_1298 : vector<32x32xf32>
    %dot_general3A_1300 = arith.constant dense<0.000000e+00> : vector<32x32xf32>
    %dot_general3A_1301 = tpu.matmul %div3A_1299, %slice3A_1283, %dot_general3A_1300 {dimension_numbers = #tpu.dot_dimension_numbers<[1], [0], [0], [1], [0, 0, 1, 1], [], []>, transpose_lhs_hint = false} : vector<32x32xf32>, vector<32x32xf32>, vector<32x32xf32> -> vector<32x32xf32>
    %slice3A_1302 = vector.extract_strided_slice %add3A_1280 {offsets = [0, 32], sizes = [32, 32], strides = [1, 1]} : vector<32x384xf32> to vector<32x32xf32>
    %slice3A_1303 = vector.extract_strided_slice %add3A_1280 {offsets = [0, 160], sizes = [32, 32], strides = [1, 1]} : vector<32x384xf32> to vector<32x32xf32>
    %slice3A_1304 = vector.extract_strided_slice %add3A_1280 {offsets = [0, 288], sizes = [32, 32], strides = [1, 1]} : vector<32x384xf32> to vector<32x32xf32>
    %dot_general3A_1305 = arith.constant dense<0.000000e+00> : vector<32x32xf32>
    %dot_general3A_1306 = tpu.matmul %slice3A_1302, %slice3A_1303, %dot_general3A_1305 {dimension_numbers = #tpu.dot_dimension_numbers<[1], [1], [0], [0], [0, 0, 1, 0], [], []>, transpose_lhs_hint = false} : vector<32x32xf32>, vector<32x32xf32>, vector<32x32xf32> -> vector<32x32xf32>
    %mul3A_1307 = arith.constant 0.176776692 : f32
    %mul3A_1308 = vector.broadcast %mul3A_1307 : f32 to vector<32x32xf32>
    %mul3A_1309 = arith.mulf %dot_general3A_1306, %mul3A_1308 : vector<32x32xf32>
    %reduce_max3A_1310 = arith.constant dense<0xFF800000> : vector<32xf32>
    %reduce_max3A_1311 = vector.multi_reduction <maximumf>, %mul3A_1309, %reduce_max3A_1310 [1] : vector<32x32xf32> to vector<32xf32>
    %broadcast_in_dim3A_1312 = vector.shape_cast %reduce_max3A_1311 : vector<32xf32> to vector<32x1xf32>
    %sub3A_1313 = vector.broadcast %broadcast_in_dim3A_1312 : vector<32x1xf32> to vector<32x32xf32>
    %sub3A_1314 = arith.subf %mul3A_1309, %sub3A_1313 : vector<32x32xf32>
    %exp3A_1315 = math.exp %sub3A_1314 : vector<32x32xf32>
    %reduce_sum3A_1316 = arith.constant dense<0.000000e+00> : vector<32xf32>
    %reduce_sum3A_1317 = vector.multi_reduction <add>, %exp3A_1315, %reduce_sum3A_1316 [1] : vector<32x32xf32> to vector<32xf32>
    %broadcast_in_dim3A_1318 = vector.shape_cast %reduce_sum3A_1317 : vector<32xf32> to vector<32x1xf32>
    %div3A_1319 = vector.broadcast %broadcast_in_dim3A_1318 : vector<32x1xf32> to vector<32x32xf32>
    %div3A_1320 = arith.divf %exp3A_1315, %div3A_1319 : vector<32x32xf32>
    %dot_general3A_1321 = arith.constant dense<0.000000e+00> : vector<32x32xf32>
    %dot_general3A_1322 = tpu.matmul %div3A_1320, %slice3A_1304, %dot_general3A_1321 {dimension_numbers = #tpu.dot_dimension_numbers<[1], [0], [0], [1], [0, 0, 1, 1], [], []>, transpose_lhs_hint = false} : vector<32x32xf32>, vector<32x32xf32>, vector<32x32xf32> -> vector<32x32xf32>
    %slice3A_1323 = vector.extract_strided_slice %add3A_1280 {offsets = [0, 64], sizes = [32, 32], strides = [1, 1]} : vector<32x384xf32> to vector<32x32xf32>
    %slice3A_1324 = vector.extract_strided_slice %add3A_1280 {offsets = [0, 192], sizes = [32, 32], strides = [1, 1]} : vector<32x384xf32> to vector<32x32xf32>
    %slice3A_1325 = vector.extract_strided_slice %add3A_1280 {offsets = [0, 320], sizes = [32, 32], strides = [1, 1]} : vector<32x384xf32> to vector<32x32xf32>
    %dot_general3A_1326 = arith.constant dense<0.000000e+00> : vector<32x32xf32>
    %dot_general3A_1327 = tpu.matmul %slice3A_1323, %slice3A_1324, %dot_general3A_1326 {dimension_numbers = #tpu.dot_dimension_numbers<[1], [1], [0], [0], [0, 0, 1, 0], [], []>, transpose_lhs_hint = false} : vector<32x32xf32>, vector<32x32xf32>, vector<32x32xf32> -> vector<32x32xf32>
    %mul3A_1328 = arith.constant 0.176776692 : f32
    %mul3A_1329 = vector.broadcast %mul3A_1328 : f32 to vector<32x32xf32>
    %mul3A_1330 = arith.mulf %dot_general3A_1327, %mul3A_1329 : vector<32x32xf32>
    %reduce_max3A_1331 = arith.constant dense<0xFF800000> : vector<32xf32>
    %reduce_max3A_1332 = vector.multi_reduction <maximumf>, %mul3A_1330, %reduce_max3A_1331 [1] : vector<32x32xf32> to vector<32xf32>
    %broadcast_in_dim3A_1333 = vector.shape_cast %reduce_max3A_1332 : vector<32xf32> to vector<32x1xf32>
    %sub3A_1334 = vector.broadcast %broadcast_in_dim3A_1333 : vector<32x1xf32> to vector<32x32xf32>
    %sub3A_1335 = arith.subf %mul3A_1330, %sub3A_1334 : vector<32x32xf32>
    %exp3A_1336 = math.exp %sub3A_1335 : vector<32x32xf32>
    %reduce_sum3A_1337 = arith.constant dense<0.000000e+00> : vector<32xf32>
    %reduce_sum3A_1338 = vector.multi_reduction <add>, %exp3A_1336, %reduce_sum3A_1337 [1] : vector<32x32xf32> to vector<32xf32>
    %broadcast_in_dim3A_1339 = vector.shape_cast %reduce_sum3A_1338 : vector<32xf32> to vector<32x1xf32>
    %div3A_1340 = vector.broadcast %broadcast_in_dim3A_1339 : vector<32x1xf32> to vector<32x32xf32>
    %div3A_1341 = arith.divf %exp3A_1336, %div3A_1340 : vector<32x32xf32>
    %dot_general3A_1342 = arith.constant dense<0.000000e+00> : vector<32x32xf32>
    %dot_general3A_1343 = tpu.matmul %div3A_1341, %slice3A_1325, %dot_general3A_1342 {dimension_numbers = #tpu.dot_dimension_numbers<[1], [0], [0], [1], [0, 0, 1, 1], [], []>, transpose_lhs_hint = false} : vector<32x32xf32>, vector<32x32xf32>, vector<32x32xf32> -> vector<32x32xf32>
    %slice3A_1344 = vector.extract_strided_slice %add3A_1280 {offsets = [0, 96], sizes = [32, 32], strides = [1, 1]} : vector<32x384xf32> to vector<32x32xf32>
    %slice3A_1345 = vector.extract_strided_slice %add3A_1280 {offsets = [0, 224], sizes = [32, 32], strides = [1, 1]} : vector<32x384xf32> to vector<32x32xf32>
    %slice3A_1346 = vector.extract_strided_slice %add3A_1280 {offsets = [0, 352], sizes = [32, 32], strides = [1, 1]} : vector<32x384xf32> to vector<32x32xf32>
    %dot_general3A_1347 = arith.constant dense<0.000000e+00> : vector<32x32xf32>
    %dot_general3A_1348 = tpu.matmul %slice3A_1344, %slice3A_1345, %dot_general3A_1347 {dimension_numbers = #tpu.dot_dimension_numbers<[1], [1], [0], [0], [0, 0, 1, 0], [], []>, transpose_lhs_hint = false} : vector<32x32xf32>, vector<32x32xf32>, vector<32x32xf32> -> vector<32x32xf32>
    %mul3A_1349 = arith.constant 0.176776692 : f32
    %mul3A_1350 = vector.broadcast %mul3A_1349 : f32 to vector<32x32xf32>
    %mul3A_1351 = arith.mulf %dot_general3A_1348, %mul3A_1350 : vector<32x32xf32>
    %reduce_max3A_1352 = arith.constant dense<0xFF800000> : vector<32xf32>
    %reduce_max3A_1353 = vector.multi_reduction <maximumf>, %mul3A_1351, %reduce_max3A_1352 [1] : vector<32x32xf32> to vector<32xf32>
    %broadcast_in_dim3A_1354 = vector.shape_cast %reduce_max3A_1353 : vector<32xf32> to vector<32x1xf32>
    %sub3A_1355 = vector.broadcast %broadcast_in_dim3A_1354 : vector<32x1xf32> to vector<32x32xf32>
    %sub3A_1356 = arith.subf %mul3A_1351, %sub3A_1355 : vector<32x32xf32>
    %exp3A_1357 = math.exp %sub3A_1356 : vector<32x32xf32>
    %reduce_sum3A_1358 = arith.constant dense<0.000000e+00> : vector<32xf32>
    %reduce_sum3A_1359 = vector.multi_reduction <add>, %exp3A_1357, %reduce_sum3A_1358 [1] : vector<32x32xf32> to vector<32xf32>
    %broadcast_in_dim3A_1360 = vector.shape_cast %reduce_sum3A_1359 : vector<32xf32> to vector<32x1xf32>
    %div3A_1361 = vector.broadcast %broadcast_in_dim3A_1360 : vector<32x1xf32> to vector<32x32xf32>
    %div3A_1362 = arith.divf %exp3A_1357, %div3A_1361 : vector<32x32xf32>
    %dot_general3A_1363 = arith.constant dense<0.000000e+00> : vector<32x32xf32>
    %dot_general3A_1364 = tpu.matmul %div3A_1362, %slice3A_1346, %dot_general3A_1363 {dimension_numbers = #tpu.dot_dimension_numbers<[1], [0], [0], [1], [0, 0, 1, 1], [], []>, transpose_lhs_hint = false} : vector<32x32xf32>, vector<32x32xf32>, vector<32x32xf32> -> vector<32x32xf32>
    %concatenate3A_1365 = tpu.concatenate %dot_general3A_1301, %dot_general3A_1322, %dot_general3A_1343, %dot_general3A_1364 in 1 : vector<32x32xf32>, vector<32x32xf32>, vector<32x32xf32>, vector<32x32xf32> -> vector<32x128xf32>
    %get3A_1366 = arith.constant 0 : index
    %get3A_1367 = arith.constant 0 : index
    %get3A_1368 = vector.load %arg5[%get3A_1366, %get3A_1367] : memref<128x128xf32, #tpu.memory_space<vmem>>, vector<128x128xf32>
    %dot_general3A_1369 = arith.constant dense<0.000000e+00> : vector<32x128xf32>
    %dot_general3A_1370 = tpu.matmul %concatenate3A_1365, %get3A_1368, %dot_general3A_1369 {dimension_numbers = #tpu.dot_dimension_numbers<[1], [1], [0], [0], [0, 0, 1, 0], [], []>, transpose_lhs_hint = false} : vector<32x128xf32>, vector<128x128xf32>, vector<32x128xf32> -> vector<32x128xf32>
    %get3A_1371 = arith.constant 0 : index
    %get3A_1372 = arith.constant 0 : index
    %get3A_1373 = vector.load %arg6[%get3A_1371, %get3A_1372] : memref<1x128xf32, #tpu.memory_space<vmem>>, vector<1x128xf32>
    %add3A_1374 = vector.broadcast %get3A_1373 : vector<1x128xf32> to vector<32x128xf32>
    %add3A_1375 = arith.addf %dot_general3A_1370, %add3A_1374 : vector<32x128xf32>
    %slice3A_1376 = vector.extract_strided_slice %add3A_1375 {offsets = [0, 0], sizes = [1, 128], strides = [1, 1]} : vector<32x128xf32> to vector<1x128xf32>
    %get3A_1377 = arith.constant 320 : index
    %get3A_1378 = memref.load %arg1[%get3A_1377] : memref<512xi32, #tpu.memory_space<smem>>
    %swap3A_1379 = arith.index_cast %get3A_1378 : i32 to index
    %swap3A_1380 = arith.constant 0 : index
    %swap3A_1381 = vector.load %arg7[%swap3A_1379, %swap3A_1380] : memref<10000x128xf32, #tpu.memory_space<vmem>>, vector<1x128xf32>
    tpu.vector_store %arg7[%swap3A_1379, %swap3A_1380], %slice3A_1376 {strides = array<i32>} : memref<10000x128xf32, #tpu.memory_space<vmem>>, vector<1x128xf32>,
    %eq3A_1382 = vector.broadcast %get3A_1378 : i32 to vector<512x1xi32>
    %eq3A_1383 = arith.cmpi eq, %get3A_10, %eq3A_1382 : vector<512x1xi32>
    %get3A_1384 = arith.constant 0 : index
    %get3A_1385 = arith.constant 0 : index
    %get3A_1386 = vector.load %arg8[%get3A_1384, %get3A_1385] : memref<512x128xf32, #tpu.memory_space<vmem>>, vector<512x128xf32>
    %broadcast_in_dim3A_1387 = vector.shape_cast %eq3A_1383 : vector<512x1xi1> to vector<512x1xi1>
    %broadcast_in_dim3A_1388 = vector.broadcast %broadcast_in_dim3A_1387 : vector<512x1xi1> to vector<512x128xi1>
    %broadcast_in_dim3A_1389 = vector.shape_cast %slice3A_1376 : vector<1x128xf32> to vector<1x128xf32>
    %broadcast_in_dim3A_1390 = vector.broadcast %broadcast_in_dim3A_1389 : vector<1x128xf32> to vector<512x128xf32>
    %select_n3A_1391 = arith.select %broadcast_in_dim3A_1388, %broadcast_in_dim3A_1390, %get3A_1386 : vector<512x128xi1>, vector<512x128xf32>
    %swap3A_1392 = arith.constant 0 : index
    %swap3A_1393 = arith.constant 0 : index
    %swap3A_1394 = vector.load %arg8[%swap3A_1392, %swap3A_1393] : memref<512x128xf32, #tpu.memory_space<vmem>>, vector<512x128xf32>
    tpu.vector_store %arg8[%swap3A_1392, %swap3A_1393], %select_n3A_1391 {strides = array<i32>} : memref<512x128xf32, #tpu.memory_space<vmem>>, vector<512x128xf32>,
    %get3A_1395 = arith.constant 352 : index
    %get3A_1396 = arith.constant 0 : index
    %get3A_1397 = vector.load %arg8[%get3A_1395, %get3A_1396] : memref<512x128xf32, #tpu.memory_space<vmem>>, vector<32x128xf32>
    %get3A_1398 = arith.constant 0 : index
    %get3A_1399 = arith.constant 0 : index
    %get3A_1400 = vector.load %arg3[%get3A_1398, %get3A_1399] : memref<384x128xf32, #tpu.memory_space<vmem>>, vector<384x128xf32>
    %dot_general3A_1401 = arith.constant dense<0.000000e+00> : vector<32x384xf32>
    %dot_general3A_1402 = tpu.matmul %get3A_1397, %get3A_1400, %dot_general3A_1401 {dimension_numbers = #tpu.dot_dimension_numbers<[1], [1], [0], [0], [0, 0, 1, 0], [], []>, transpose_lhs_hint = false} : vector<32x128xf32>, vector<384x128xf32>, vector<32x384xf32> -> vector<32x384xf32>
    %get3A_1403 = arith.constant 0 : index
    %get3A_1404 = arith.constant 0 : index
    %get3A_1405 = vector.load %arg4[%get3A_1403, %get3A_1404] : memref<1x384xf32, #tpu.memory_space<vmem>>, vector<1x384xf32>
    %add3A_1406 = vector.broadcast %get3A_1405 : vector<1x384xf32> to vector<32x384xf32>
    %add3A_1407 = arith.addf %dot_general3A_1402, %add3A_1406 : vector<32x384xf32>
    %slice3A_1408 = vector.extract_strided_slice %add3A_1407 {offsets = [0, 0], sizes = [32, 32], strides = [1, 1]} : vector<32x384xf32> to vector<32x32xf32>
    %slice3A_1409 = vector.extract_strided_slice %add3A_1407 {offsets = [0, 128], sizes = [32, 32], strides = [1, 1]} : vector<32x384xf32> to vector<32x32xf32>
    %slice3A_1410 = vector.extract_strided_slice %add3A_1407 {offsets = [0, 256], sizes = [32, 32], strides = [1, 1]} : vector<32x384xf32> to vector<32x32xf32>
    %dot_general3A_1411 = arith.constant dense<0.000000e+00> : vector<32x32xf32>
    %dot_general3A_1412 = tpu.matmul %slice3A_1408, %slice3A_1409, %dot_general3A_1411 {dimension_numbers = #tpu.dot_dimension_numbers<[1], [1], [0], [0], [0, 0, 1, 0], [], []>, transpose_lhs_hint = false} : vector<32x32xf32>, vector<32x32xf32>, vector<32x32xf32> -> vector<32x32xf32>
    %mul3A_1413 = arith.constant 0.176776692 : f32
    %mul3A_1414 = vector.broadcast %mul3A_1413 : f32 to vector<32x32xf32>
    %mul3A_1415 = arith.mulf %dot_general3A_1412, %mul3A_1414 : vector<32x32xf32>
    %reduce_max3A_1416 = arith.constant dense<0xFF800000> : vector<32xf32>
    %reduce_max3A_1417 = vector.multi_reduction <maximumf>, %mul3A_1415, %reduce_max3A_1416 [1] : vector<32x32xf32> to vector<32xf32>
    %broadcast_in_dim3A_1418 = vector.shape_cast %reduce_max3A_1417 : vector<32xf32> to vector<32x1xf32>
    %sub3A_1419 = vector.broadcast %broadcast_in_dim3A_1418 : vector<32x1xf32> to vector<32x32xf32>
    %sub3A_1420 = arith.subf %mul3A_1415, %sub3A_1419 : vector<32x32xf32>
    %exp3A_1421 = math.exp %sub3A_1420 : vector<32x32xf32>
    %reduce_sum3A_1422 = arith.constant dense<0.000000e+00> : vector<32xf32>
    %reduce_sum3A_1423 = vector.multi_reduction <add>, %exp3A_1421, %reduce_sum3A_1422 [1] : vector<32x32xf32> to vector<32xf32>
    %broadcast_in_dim3A_1424 = vector.shape_cast %reduce_sum3A_1423 : vector<32xf32> to vector<32x1xf32>
    %div3A_1425 = vector.broadcast %broadcast_in_dim3A_1424 : vector<32x1xf32> to vector<32x32xf32>
    %div3A_1426 = arith.divf %exp3A_1421, %div3A_1425 : vector<32x32xf32>
    %dot_general3A_1427 = arith.constant dense<0.000000e+00> : vector<32x32xf32>
    %dot_general3A_1428 = tpu.matmul %div3A_1426, %slice3A_1410, %dot_general3A_1427 {dimension_numbers = #tpu.dot_dimension_numbers<[1], [0], [0], [1], [0, 0, 1, 1], [], []>, transpose_lhs_hint = false} : vector<32x32xf32>, vector<32x32xf32>, vector<32x32xf32> -> vector<32x32xf32>
    %slice3A_1429 = vector.extract_strided_slice %add3A_1407 {offsets = [0, 32], sizes = [32, 32], strides = [1, 1]} : vector<32x384xf32> to vector<32x32xf32>
    %slice3A_1430 = vector.extract_strided_slice %add3A_1407 {offsets = [0, 160], sizes = [32, 32], strides = [1, 1]} : vector<32x384xf32> to vector<32x32xf32>
    %slice3A_1431 = vector.extract_strided_slice %add3A_1407 {offsets = [0, 288], sizes = [32, 32], strides = [1, 1]} : vector<32x384xf32> to vector<32x32xf32>
    %dot_general3A_1432 = arith.constant dense<0.000000e+00> : vector<32x32xf32>
    %dot_general3A_1433 = tpu.matmul %slice3A_1429, %slice3A_1430, %dot_general3A_1432 {dimension_numbers = #tpu.dot_dimension_numbers<[1], [1], [0], [0], [0, 0, 1, 0], [], []>, transpose_lhs_hint = false} : vector<32x32xf32>, vector<32x32xf32>, vector<32x32xf32> -> vector<32x32xf32>
    %mul3A_1434 = arith.constant 0.176776692 : f32
    %mul3A_1435 = vector.broadcast %mul3A_1434 : f32 to vector<32x32xf32>
    %mul3A_1436 = arith.mulf %dot_general3A_1433, %mul3A_1435 : vector<32x32xf32>
    %reduce_max3A_1437 = arith.constant dense<0xFF800000> : vector<32xf32>
    %reduce_max3A_1438 = vector.multi_reduction <maximumf>, %mul3A_1436, %reduce_max3A_1437 [1] : vector<32x32xf32> to vector<32xf32>
    %broadcast_in_dim3A_1439 = vector.shape_cast %reduce_max3A_1438 : vector<32xf32> to vector<32x1xf32>
    %sub3A_1440 = vector.broadcast %broadcast_in_dim3A_1439 : vector<32x1xf32> to vector<32x32xf32>
    %sub3A_1441 = arith.subf %mul3A_1436, %sub3A_1440 : vector<32x32xf32>
    %exp3A_1442 = math.exp %sub3A_1441 : vector<32x32xf32>
    %reduce_sum3A_1443 = arith.constant dense<0.000000e+00> : vector<32xf32>
    %reduce_sum3A_1444 = vector.multi_reduction <add>, %exp3A_1442, %reduce_sum3A_1443 [1] : vector<32x32xf32> to vector<32xf32>
    %broadcast_in_dim3A_1445 = vector.shape_cast %reduce_sum3A_1444 : vector<32xf32> to vector<32x1xf32>
    %div3A_1446 = vector.broadcast %broadcast_in_dim3A_1445 : vector<32x1xf32> to vector<32x32xf32>
    %div3A_1447 = arith.divf %exp3A_1442, %div3A_1446 : vector<32x32xf32>
    %dot_general3A_1448 = arith.constant dense<0.000000e+00> : vector<32x32xf32>
    %dot_general3A_1449 = tpu.matmul %div3A_1447, %slice3A_1431, %dot_general3A_1448 {dimension_numbers = #tpu.dot_dimension_numbers<[1], [0], [0], [1], [0, 0, 1, 1], [], []>, transpose_lhs_hint = false} : vector<32x32xf32>, vector<32x32xf32>, vector<32x32xf32> -> vector<32x32xf32>
    %slice3A_1450 = vector.extract_strided_slice %add3A_1407 {offsets = [0, 64], sizes = [32, 32], strides = [1, 1]} : vector<32x384xf32> to vector<32x32xf32>
    %slice3A_1451 = vector.extract_strided_slice %add3A_1407 {offsets = [0, 192], sizes = [32, 32], strides = [1, 1]} : vector<32x384xf32> to vector<32x32xf32>
    %slice3A_1452 = vector.extract_strided_slice %add3A_1407 {offsets = [0, 320], sizes = [32, 32], strides = [1, 1]} : vector<32x384xf32> to vector<32x32xf32>
    %dot_general3A_1453 = arith.constant dense<0.000000e+00> : vector<32x32xf32>
    %dot_general3A_1454 = tpu.matmul %slice3A_1450, %slice3A_1451, %dot_general3A_1453 {dimension_numbers = #tpu.dot_dimension_numbers<[1], [1], [0], [0], [0, 0, 1, 0], [], []>, transpose_lhs_hint = false} : vector<32x32xf32>, vector<32x32xf32>, vector<32x32xf32> -> vector<32x32xf32>
    %mul3A_1455 = arith.constant 0.176776692 : f32
    %mul3A_1456 = vector.broadcast %mul3A_1455 : f32 to vector<32x32xf32>
    %mul3A_1457 = arith.mulf %dot_general3A_1454, %mul3A_1456 : vector<32x32xf32>
    %reduce_max3A_1458 = arith.constant dense<0xFF800000> : vector<32xf32>
    %reduce_max3A_1459 = vector.multi_reduction <maximumf>, %mul3A_1457, %reduce_max3A_1458 [1] : vector<32x32xf32> to vector<32xf32>
    %broadcast_in_dim3A_1460 = vector.shape_cast %reduce_max3A_1459 : vector<32xf32> to vector<32x1xf32>
    %sub3A_1461 = vector.broadcast %broadcast_in_dim3A_1460 : vector<32x1xf32> to vector<32x32xf32>
    %sub3A_1462 = arith.subf %mul3A_1457, %sub3A_1461 : vector<32x32xf32>
    %exp3A_1463 = math.exp %sub3A_1462 : vector<32x32xf32>
    %reduce_sum3A_1464 = arith.constant dense<0.000000e+00> : vector<32xf32>
    %reduce_sum3A_1465 = vector.multi_reduction <add>, %exp3A_1463, %reduce_sum3A_1464 [1] : vector<32x32xf32> to vector<32xf32>
    %broadcast_in_dim3A_1466 = vector.shape_cast %reduce_sum3A_1465 : vector<32xf32> to vector<32x1xf32>
    %div3A_1467 = vector.broadcast %broadcast_in_dim3A_1466 : vector<32x1xf32> to vector<32x32xf32>
    %div3A_1468 = arith.divf %exp3A_1463, %div3A_1467 : vector<32x32xf32>
    %dot_general3A_1469 = arith.constant dense<0.000000e+00> : vector<32x32xf32>
    %dot_general3A_1470 = tpu.matmul %div3A_1468, %slice3A_1452, %dot_general3A_1469 {dimension_numbers = #tpu.dot_dimension_numbers<[1], [0], [0], [1], [0, 0, 1, 1], [], []>, transpose_lhs_hint = false} : vector<32x32xf32>, vector<32x32xf32>, vector<32x32xf32> -> vector<32x32xf32>
    %slice3A_1471 = vector.extract_strided_slice %add3A_1407 {offsets = [0, 96], sizes = [32, 32], strides = [1, 1]} : vector<32x384xf32> to vector<32x32xf32>
    %slice3A_1472 = vector.extract_strided_slice %add3A_1407 {offsets = [0, 224], sizes = [32, 32], strides = [1, 1]} : vector<32x384xf32> to vector<32x32xf32>
    %slice3A_1473 = vector.extract_strided_slice %add3A_1407 {offsets = [0, 352], sizes = [32, 32], strides = [1, 1]} : vector<32x384xf32> to vector<32x32xf32>
    %dot_general3A_1474 = arith.constant dense<0.000000e+00> : vector<32x32xf32>
    %dot_general3A_1475 = tpu.matmul %slice3A_1471, %slice3A_1472, %dot_general3A_1474 {dimension_numbers = #tpu.dot_dimension_numbers<[1], [1], [0], [0], [0, 0, 1, 0], [], []>, transpose_lhs_hint = false} : vector<32x32xf32>, vector<32x32xf32>, vector<32x32xf32> -> vector<32x32xf32>
    %mul3A_1476 = arith.constant 0.176776692 : f32
    %mul3A_1477 = vector.broadcast %mul3A_1476 : f32 to vector<32x32xf32>
    %mul3A_1478 = arith.mulf %dot_general3A_1475, %mul3A_1477 : vector<32x32xf32>
    %reduce_max3A_1479 = arith.constant dense<0xFF800000> : vector<32xf32>
    %reduce_max3A_1480 = vector.multi_reduction <maximumf>, %mul3A_1478, %reduce_max3A_1479 [1] : vector<32x32xf32> to vector<32xf32>
    %broadcast_in_dim3A_1481 = vector.shape_cast %reduce_max3A_1480 : vector<32xf32> to vector<32x1xf32>
    %sub3A_1482 = vector.broadcast %broadcast_in_dim3A_1481 : vector<32x1xf32> to vector<32x32xf32>
    %sub3A_1483 = arith.subf %mul3A_1478, %sub3A_1482 : vector<32x32xf32>
    %exp3A_1484 = math.exp %sub3A_1483 : vector<32x32xf32>
    %reduce_sum3A_1485 = arith.constant dense<0.000000e+00> : vector<32xf32>
    %reduce_sum3A_1486 = vector.multi_reduction <add>, %exp3A_1484, %reduce_sum3A_1485 [1] : vector<32x32xf32> to vector<32xf32>
    %broadcast_in_dim3A_1487 = vector.shape_cast %reduce_sum3A_1486 : vector<32xf32> to vector<32x1xf32>
    %div3A_1488 = vector.broadcast %broadcast_in_dim3A_1487 : vector<32x1xf32> to vector<32x32xf32>
    %div3A_1489 = arith.divf %exp3A_1484, %div3A_1488 : vector<32x32xf32>
    %dot_general3A_1490 = arith.constant dense<0.000000e+00> : vector<32x32xf32>
    %dot_general3A_1491 = tpu.matmul %div3A_1489, %slice3A_1473, %dot_general3A_1490 {dimension_numbers = #tpu.dot_dimension_numbers<[1], [0], [0], [1], [0, 0, 1, 1], [], []>, transpose_lhs_hint = false} : vector<32x32xf32>, vector<32x32xf32>, vector<32x32xf32> -> vector<32x32xf32>
    %concatenate3A_1492 = tpu.concatenate %dot_general3A_1428, %dot_general3A_1449, %dot_general3A_1470, %dot_general3A_1491 in 1 : vector<32x32xf32>, vector<32x32xf32>, vector<32x32xf32>, vector<32x32xf32> -> vector<32x128xf32>
    %get3A_1493 = arith.constant 0 : index
    %get3A_1494 = arith.constant 0 : index
    %get3A_1495 = vector.load %arg5[%get3A_1493, %get3A_1494] : memref<128x128xf32, #tpu.memory_space<vmem>>, vector<128x128xf32>
    %dot_general3A_1496 = arith.constant dense<0.000000e+00> : vector<32x128xf32>
    %dot_general3A_1497 = tpu.matmul %concatenate3A_1492, %get3A_1495, %dot_general3A_1496 {dimension_numbers = #tpu.dot_dimension_numbers<[1], [1], [0], [0], [0, 0, 1, 0], [], []>, transpose_lhs_hint = false} : vector<32x128xf32>, vector<128x128xf32>, vector<32x128xf32> -> vector<32x128xf32>
    %get3A_1498 = arith.constant 0 : index
    %get3A_1499 = arith.constant 0 : index
    %get3A_1500 = vector.load %arg6[%get3A_1498, %get3A_1499] : memref<1x128xf32, #tpu.memory_space<vmem>>, vector<1x128xf32>
    %add3A_1501 = vector.broadcast %get3A_1500 : vector<1x128xf32> to vector<32x128xf32>
    %add3A_1502 = arith.addf %dot_general3A_1497, %add3A_1501 : vector<32x128xf32>
    %slice3A_1503 = vector.extract_strided_slice %add3A_1502 {offsets = [0, 0], sizes = [1, 128], strides = [1, 1]} : vector<32x128xf32> to vector<1x128xf32>
    %get3A_1504 = arith.constant 352 : index
    %get3A_1505 = memref.load %arg1[%get3A_1504] : memref<512xi32, #tpu.memory_space<smem>>
    %swap3A_1506 = arith.index_cast %get3A_1505 : i32 to index
    %swap3A_1507 = arith.constant 0 : index
    %swap3A_1508 = vector.load %arg7[%swap3A_1506, %swap3A_1507] : memref<10000x128xf32, #tpu.memory_space<vmem>>, vector<1x128xf32>
    tpu.vector_store %arg7[%swap3A_1506, %swap3A_1507], %slice3A_1503 {strides = array<i32>} : memref<10000x128xf32, #tpu.memory_space<vmem>>, vector<1x128xf32>,
    %eq3A_1509 = vector.broadcast %get3A_1505 : i32 to vector<512x1xi32>
    %eq3A_1510 = arith.cmpi eq, %get3A_10, %eq3A_1509 : vector<512x1xi32>
    %get3A_1511 = arith.constant 0 : index
    %get3A_1512 = arith.constant 0 : index
    %get3A_1513 = vector.load %arg8[%get3A_1511, %get3A_1512] : memref<512x128xf32, #tpu.memory_space<vmem>>, vector<512x128xf32>
    %broadcast_in_dim3A_1514 = vector.shape_cast %eq3A_1510 : vector<512x1xi1> to vector<512x1xi1>
    %broadcast_in_dim3A_1515 = vector.broadcast %broadcast_in_dim3A_1514 : vector<512x1xi1> to vector<512x128xi1>
    %broadcast_in_dim3A_1516 = vector.shape_cast %slice3A_1503 : vector<1x128xf32> to vector<1x128xf32>
    %broadcast_in_dim3A_1517 = vector.broadcast %broadcast_in_dim3A_1516 : vector<1x128xf32> to vector<512x128xf32>
    %select_n3A_1518 = arith.select %broadcast_in_dim3A_1515, %broadcast_in_dim3A_1517, %get3A_1513 : vector<512x128xi1>, vector<512x128xf32>
    %swap3A_1519 = arith.constant 0 : index
    %swap3A_1520 = arith.constant 0 : index
    %swap3A_1521 = vector.load %arg8[%swap3A_1519, %swap3A_1520] : memref<512x128xf32, #tpu.memory_space<vmem>>, vector<512x128xf32>
    tpu.vector_store %arg8[%swap3A_1519, %swap3A_1520], %select_n3A_1518 {strides = array<i32>} : memref<512x128xf32, #tpu.memory_space<vmem>>, vector<512x128xf32>,
    %get3A_1522 = arith.constant 384 : index
    %get3A_1523 = arith.constant 0 : index
    %get3A_1524 = vector.load %arg8[%get3A_1522, %get3A_1523] : memref<512x128xf32, #tpu.memory_space<vmem>>, vector<32x128xf32>
    %get3A_1525 = arith.constant 0 : index
    %get3A_1526 = arith.constant 0 : index
    %get3A_1527 = vector.load %arg3[%get3A_1525, %get3A_1526] : memref<384x128xf32, #tpu.memory_space<vmem>>, vector<384x128xf32>
    %dot_general3A_1528 = arith.constant dense<0.000000e+00> : vector<32x384xf32>
    %dot_general3A_1529 = tpu.matmul %get3A_1524, %get3A_1527, %dot_general3A_1528 {dimension_numbers = #tpu.dot_dimension_numbers<[1], [1], [0], [0], [0, 0, 1, 0], [], []>, transpose_lhs_hint = false} : vector<32x128xf32>, vector<384x128xf32>, vector<32x384xf32> -> vector<32x384xf32>
    %get3A_1530 = arith.constant 0 : index
    %get3A_1531 = arith.constant 0 : index
    %get3A_1532 = vector.load %arg4[%get3A_1530, %get3A_1531] : memref<1x384xf32, #tpu.memory_space<vmem>>, vector<1x384xf32>
    %add3A_1533 = vector.broadcast %get3A_1532 : vector<1x384xf32> to vector<32x384xf32>
    %add3A_1534 = arith.addf %dot_general3A_1529, %add3A_1533 : vector<32x384xf32>
    %slice3A_1535 = vector.extract_strided_slice %add3A_1534 {offsets = [0, 0], sizes = [32, 32], strides = [1, 1]} : vector<32x384xf32> to vector<32x32xf32>
    %slice3A_1536 = vector.extract_strided_slice %add3A_1534 {offsets = [0, 128], sizes = [32, 32], strides = [1, 1]} : vector<32x384xf32> to vector<32x32xf32>
    %slice3A_1537 = vector.extract_strided_slice %add3A_1534 {offsets = [0, 256], sizes = [32, 32], strides = [1, 1]} : vector<32x384xf32> to vector<32x32xf32>
    %dot_general3A_1538 = arith.constant dense<0.000000e+00> : vector<32x32xf32>
    %dot_general3A_1539 = tpu.matmul %slice3A_1535, %slice3A_1536, %dot_general3A_1538 {dimension_numbers = #tpu.dot_dimension_numbers<[1], [1], [0], [0], [0, 0, 1, 0], [], []>, transpose_lhs_hint = false} : vector<32x32xf32>, vector<32x32xf32>, vector<32x32xf32> -> vector<32x32xf32>
    %mul3A_1540 = arith.constant 0.176776692 : f32
    %mul3A_1541 = vector.broadcast %mul3A_1540 : f32 to vector<32x32xf32>
    %mul3A_1542 = arith.mulf %dot_general3A_1539, %mul3A_1541 : vector<32x32xf32>
    %reduce_max3A_1543 = arith.constant dense<0xFF800000> : vector<32xf32>
    %reduce_max3A_1544 = vector.multi_reduction <maximumf>, %mul3A_1542, %reduce_max3A_1543 [1] : vector<32x32xf32> to vector<32xf32>
    %broadcast_in_dim3A_1545 = vector.shape_cast %reduce_max3A_1544 : vector<32xf32> to vector<32x1xf32>
    %sub3A_1546 = vector.broadcast %broadcast_in_dim3A_1545 : vector<32x1xf32> to vector<32x32xf32>
    %sub3A_1547 = arith.subf %mul3A_1542, %sub3A_1546 : vector<32x32xf32>
    %exp3A_1548 = math.exp %sub3A_1547 : vector<32x32xf32>
    %reduce_sum3A_1549 = arith.constant dense<0.000000e+00> : vector<32xf32>
    %reduce_sum3A_1550 = vector.multi_reduction <add>, %exp3A_1548, %reduce_sum3A_1549 [1] : vector<32x32xf32> to vector<32xf32>
    %broadcast_in_dim3A_1551 = vector.shape_cast %reduce_sum3A_1550 : vector<32xf32> to vector<32x1xf32>
    %div3A_1552 = vector.broadcast %broadcast_in_dim3A_1551 : vector<32x1xf32> to vector<32x32xf32>
    %div3A_1553 = arith.divf %exp3A_1548, %div3A_1552 : vector<32x32xf32>
    %dot_general3A_1554 = arith.constant dense<0.000000e+00> : vector<32x32xf32>
    %dot_general3A_1555 = tpu.matmul %div3A_1553, %slice3A_1537, %dot_general3A_1554 {dimension_numbers = #tpu.dot_dimension_numbers<[1], [0], [0], [1], [0, 0, 1, 1], [], []>, transpose_lhs_hint = false} : vector<32x32xf32>, vector<32x32xf32>, vector<32x32xf32> -> vector<32x32xf32>
    %slice3A_1556 = vector.extract_strided_slice %add3A_1534 {offsets = [0, 32], sizes = [32, 32], strides = [1, 1]} : vector<32x384xf32> to vector<32x32xf32>
    %slice3A_1557 = vector.extract_strided_slice %add3A_1534 {offsets = [0, 160], sizes = [32, 32], strides = [1, 1]} : vector<32x384xf32> to vector<32x32xf32>
    %slice3A_1558 = vector.extract_strided_slice %add3A_1534 {offsets = [0, 288], sizes = [32, 32], strides = [1, 1]} : vector<32x384xf32> to vector<32x32xf32>
    %dot_general3A_1559 = arith.constant dense<0.000000e+00> : vector<32x32xf32>
    %dot_general3A_1560 = tpu.matmul %slice3A_1556, %slice3A_1557, %dot_general3A_1559 {dimension_numbers = #tpu.dot_dimension_numbers<[1], [1], [0], [0], [0, 0, 1, 0], [], []>, transpose_lhs_hint = false} : vector<32x32xf32>, vector<32x32xf32>, vector<32x32xf32> -> vector<32x32xf32>
    %mul3A_1561 = arith.constant 0.176776692 : f32
    %mul3A_1562 = vector.broadcast %mul3A_1561 : f32 to vector<32x32xf32>
    %mul3A_1563 = arith.mulf %dot_general3A_1560, %mul3A_1562 : vector<32x32xf32>
    %reduce_max3A_1564 = arith.constant dense<0xFF800000> : vector<32xf32>
    %reduce_max3A_1565 = vector.multi_reduction <maximumf>, %mul3A_1563, %reduce_max3A_1564 [1] : vector<32x32xf32> to vector<32xf32>
    %broadcast_in_dim3A_1566 = vector.shape_cast %reduce_max3A_1565 : vector<32xf32> to vector<32x1xf32>
    %sub3A_1567 = vector.broadcast %broadcast_in_dim3A_1566 : vector<32x1xf32> to vector<32x32xf32>
    %sub3A_1568 = arith.subf %mul3A_1563, %sub3A_1567 : vector<32x32xf32>
    %exp3A_1569 = math.exp %sub3A_1568 : vector<32x32xf32>
    %reduce_sum3A_1570 = arith.constant dense<0.000000e+00> : vector<32xf32>
    %reduce_sum3A_1571 = vector.multi_reduction <add>, %exp3A_1569, %reduce_sum3A_1570 [1] : vector<32x32xf32> to vector<32xf32>
    %broadcast_in_dim3A_1572 = vector.shape_cast %reduce_sum3A_1571 : vector<32xf32> to vector<32x1xf32>
    %div3A_1573 = vector.broadcast %broadcast_in_dim3A_1572 : vector<32x1xf32> to vector<32x32xf32>
    %div3A_1574 = arith.divf %exp3A_1569, %div3A_1573 : vector<32x32xf32>
    %dot_general3A_1575 = arith.constant dense<0.000000e+00> : vector<32x32xf32>
    %dot_general3A_1576 = tpu.matmul %div3A_1574, %slice3A_1558, %dot_general3A_1575 {dimension_numbers = #tpu.dot_dimension_numbers<[1], [0], [0], [1], [0, 0, 1, 1], [], []>, transpose_lhs_hint = false} : vector<32x32xf32>, vector<32x32xf32>, vector<32x32xf32> -> vector<32x32xf32>
    %slice3A_1577 = vector.extract_strided_slice %add3A_1534 {offsets = [0, 64], sizes = [32, 32], strides = [1, 1]} : vector<32x384xf32> to vector<32x32xf32>
    %slice3A_1578 = vector.extract_strided_slice %add3A_1534 {offsets = [0, 192], sizes = [32, 32], strides = [1, 1]} : vector<32x384xf32> to vector<32x32xf32>
    %slice3A_1579 = vector.extract_strided_slice %add3A_1534 {offsets = [0, 320], sizes = [32, 32], strides = [1, 1]} : vector<32x384xf32> to vector<32x32xf32>
    %dot_general3A_1580 = arith.constant dense<0.000000e+00> : vector<32x32xf32>
    %dot_general3A_1581 = tpu.matmul %slice3A_1577, %slice3A_1578, %dot_general3A_1580 {dimension_numbers = #tpu.dot_dimension_numbers<[1], [1], [0], [0], [0, 0, 1, 0], [], []>, transpose_lhs_hint = false} : vector<32x32xf32>, vector<32x32xf32>, vector<32x32xf32> -> vector<32x32xf32>
    %mul3A_1582 = arith.constant 0.176776692 : f32
    %mul3A_1583 = vector.broadcast %mul3A_1582 : f32 to vector<32x32xf32>
    %mul3A_1584 = arith.mulf %dot_general3A_1581, %mul3A_1583 : vector<32x32xf32>
    %reduce_max3A_1585 = arith.constant dense<0xFF800000> : vector<32xf32>
    %reduce_max3A_1586 = vector.multi_reduction <maximumf>, %mul3A_1584, %reduce_max3A_1585 [1] : vector<32x32xf32> to vector<32xf32>
    %broadcast_in_dim3A_1587 = vector.shape_cast %reduce_max3A_1586 : vector<32xf32> to vector<32x1xf32>
    %sub3A_1588 = vector.broadcast %broadcast_in_dim3A_1587 : vector<32x1xf32> to vector<32x32xf32>
    %sub3A_1589 = arith.subf %mul3A_1584, %sub3A_1588 : vector<32x32xf32>
    %exp3A_1590 = math.exp %sub3A_1589 : vector<32x32xf32>
    %reduce_sum3A_1591 = arith.constant dense<0.000000e+00> : vector<32xf32>
    %reduce_sum3A_1592 = vector.multi_reduction <add>, %exp3A_1590, %reduce_sum3A_1591 [1] : vector<32x32xf32> to vector<32xf32>
    %broadcast_in_dim3A_1593 = vector.shape_cast %reduce_sum3A_1592 : vector<32xf32> to vector<32x1xf32>
    %div3A_1594 = vector.broadcast %broadcast_in_dim3A_1593 : vector<32x1xf32> to vector<32x32xf32>
    %div3A_1595 = arith.divf %exp3A_1590, %div3A_1594 : vector<32x32xf32>
    %dot_general3A_1596 = arith.constant dense<0.000000e+00> : vector<32x32xf32>
    %dot_general3A_1597 = tpu.matmul %div3A_1595, %slice3A_1579, %dot_general3A_1596 {dimension_numbers = #tpu.dot_dimension_numbers<[1], [0], [0], [1], [0, 0, 1, 1], [], []>, transpose_lhs_hint = false} : vector<32x32xf32>, vector<32x32xf32>, vector<32x32xf32> -> vector<32x32xf32>
    %slice3A_1598 = vector.extract_strided_slice %add3A_1534 {offsets = [0, 96], sizes = [32, 32], strides = [1, 1]} : vector<32x384xf32> to vector<32x32xf32>
    %slice3A_1599 = vector.extract_strided_slice %add3A_1534 {offsets = [0, 224], sizes = [32, 32], strides = [1, 1]} : vector<32x384xf32> to vector<32x32xf32>
    %slice3A_1600 = vector.extract_strided_slice %add3A_1534 {offsets = [0, 352], sizes = [32, 32], strides = [1, 1]} : vector<32x384xf32> to vector<32x32xf32>
    %dot_general3A_1601 = arith.constant dense<0.000000e+00> : vector<32x32xf32>
    %dot_general3A_1602 = tpu.matmul %slice3A_1598, %slice3A_1599, %dot_general3A_1601 {dimension_numbers = #tpu.dot_dimension_numbers<[1], [1], [0], [0], [0, 0, 1, 0], [], []>, transpose_lhs_hint = false} : vector<32x32xf32>, vector<32x32xf32>, vector<32x32xf32> -> vector<32x32xf32>
    %mul3A_1603 = arith.constant 0.176776692 : f32
    %mul3A_1604 = vector.broadcast %mul3A_1603 : f32 to vector<32x32xf32>
    %mul3A_1605 = arith.mulf %dot_general3A_1602, %mul3A_1604 : vector<32x32xf32>
    %reduce_max3A_1606 = arith.constant dense<0xFF800000> : vector<32xf32>
    %reduce_max3A_1607 = vector.multi_reduction <maximumf>, %mul3A_1605, %reduce_max3A_1606 [1] : vector<32x32xf32> to vector<32xf32>
    %broadcast_in_dim3A_1608 = vector.shape_cast %reduce_max3A_1607 : vector<32xf32> to vector<32x1xf32>
    %sub3A_1609 = vector.broadcast %broadcast_in_dim3A_1608 : vector<32x1xf32> to vector<32x32xf32>
    %sub3A_1610 = arith.subf %mul3A_1605, %sub3A_1609 : vector<32x32xf32>
    %exp3A_1611 = math.exp %sub3A_1610 : vector<32x32xf32>
    %reduce_sum3A_1612 = arith.constant dense<0.000000e+00> : vector<32xf32>
    %reduce_sum3A_1613 = vector.multi_reduction <add>, %exp3A_1611, %reduce_sum3A_1612 [1] : vector<32x32xf32> to vector<32xf32>
    %broadcast_in_dim3A_1614 = vector.shape_cast %reduce_sum3A_1613 : vector<32xf32> to vector<32x1xf32>
    %div3A_1615 = vector.broadcast %broadcast_in_dim3A_1614 : vector<32x1xf32> to vector<32x32xf32>
    %div3A_1616 = arith.divf %exp3A_1611, %div3A_1615 : vector<32x32xf32>
    %dot_general3A_1617 = arith.constant dense<0.000000e+00> : vector<32x32xf32>
    %dot_general3A_1618 = tpu.matmul %div3A_1616, %slice3A_1600, %dot_general3A_1617 {dimension_numbers = #tpu.dot_dimension_numbers<[1], [0], [0], [1], [0, 0, 1, 1], [], []>, transpose_lhs_hint = false} : vector<32x32xf32>, vector<32x32xf32>, vector<32x32xf32> -> vector<32x32xf32>
    %concatenate3A_1619 = tpu.concatenate %dot_general3A_1555, %dot_general3A_1576, %dot_general3A_1597, %dot_general3A_1618 in 1 : vector<32x32xf32>, vector<32x32xf32>, vector<32x32xf32>, vector<32x32xf32> -> vector<32x128xf32>
    %get3A_1620 = arith.constant 0 : index
    %get3A_1621 = arith.constant 0 : index
    %get3A_1622 = vector.load %arg5[%get3A_1620, %get3A_1621] : memref<128x128xf32, #tpu.memory_space<vmem>>, vector<128x128xf32>
    %dot_general3A_1623 = arith.constant dense<0.000000e+00> : vector<32x128xf32>
    %dot_general3A_1624 = tpu.matmul %concatenate3A_1619, %get3A_1622, %dot_general3A_1623 {dimension_numbers = #tpu.dot_dimension_numbers<[1], [1], [0], [0], [0, 0, 1, 0], [], []>, transpose_lhs_hint = false} : vector<32x128xf32>, vector<128x128xf32>, vector<32x128xf32> -> vector<32x128xf32>
    %get3A_1625 = arith.constant 0 : index
    %get3A_1626 = arith.constant 0 : index
    %get3A_1627 = vector.load %arg6[%get3A_1625, %get3A_1626] : memref<1x128xf32, #tpu.memory_space<vmem>>, vector<1x128xf32>
    %add3A_1628 = vector.broadcast %get3A_1627 : vector<1x128xf32> to vector<32x128xf32>
    %add3A_1629 = arith.addf %dot_general3A_1624, %add3A_1628 : vector<32x128xf32>
    %slice3A_1630 = vector.extract_strided_slice %add3A_1629 {offsets = [0, 0], sizes = [1, 128], strides = [1, 1]} : vector<32x128xf32> to vector<1x128xf32>
    %get3A_1631 = arith.constant 384 : index
    %get3A_1632 = memref.load %arg1[%get3A_1631] : memref<512xi32, #tpu.memory_space<smem>>
    %swap3A_1633 = arith.index_cast %get3A_1632 : i32 to index
    %swap3A_1634 = arith.constant 0 : index
    %swap3A_1635 = vector.load %arg7[%swap3A_1633, %swap3A_1634] : memref<10000x128xf32, #tpu.memory_space<vmem>>, vector<1x128xf32>
    tpu.vector_store %arg7[%swap3A_1633, %swap3A_1634], %slice3A_1630 {strides = array<i32>} : memref<10000x128xf32, #tpu.memory_space<vmem>>, vector<1x128xf32>,
    %eq3A_1636 = vector.broadcast %get3A_1632 : i32 to vector<512x1xi32>
    %eq3A_1637 = arith.cmpi eq, %get3A_10, %eq3A_1636 : vector<512x1xi32>
    %get3A_1638 = arith.constant 0 : index
    %get3A_1639 = arith.constant 0 : index
    %get3A_1640 = vector.load %arg8[%get3A_1638, %get3A_1639] : memref<512x128xf32, #tpu.memory_space<vmem>>, vector<512x128xf32>
    %broadcast_in_dim3A_1641 = vector.shape_cast %eq3A_1637 : vector<512x1xi1> to vector<512x1xi1>
    %broadcast_in_dim3A_1642 = vector.broadcast %broadcast_in_dim3A_1641 : vector<512x1xi1> to vector<512x128xi1>
    %broadcast_in_dim3A_1643 = vector.shape_cast %slice3A_1630 : vector<1x128xf32> to vector<1x128xf32>
    %broadcast_in_dim3A_1644 = vector.broadcast %broadcast_in_dim3A_1643 : vector<1x128xf32> to vector<512x128xf32>
    %select_n3A_1645 = arith.select %broadcast_in_dim3A_1642, %broadcast_in_dim3A_1644, %get3A_1640 : vector<512x128xi1>, vector<512x128xf32>
    %swap3A_1646 = arith.constant 0 : index
    %swap3A_1647 = arith.constant 0 : index
    %swap3A_1648 = vector.load %arg8[%swap3A_1646, %swap3A_1647] : memref<512x128xf32, #tpu.memory_space<vmem>>, vector<512x128xf32>
    tpu.vector_store %arg8[%swap3A_1646, %swap3A_1647], %select_n3A_1645 {strides = array<i32>} : memref<512x128xf32, #tpu.memory_space<vmem>>, vector<512x128xf32>,
    %get3A_1649 = arith.constant 416 : index
    %get3A_1650 = arith.constant 0 : index
    %get3A_1651 = vector.load %arg8[%get3A_1649, %get3A_1650] : memref<512x128xf32, #tpu.memory_space<vmem>>, vector<32x128xf32>
    %get3A_1652 = arith.constant 0 : index
    %get3A_1653 = arith.constant 0 : index
    %get3A_1654 = vector.load %arg3[%get3A_1652, %get3A_1653] : memref<384x128xf32, #tpu.memory_space<vmem>>, vector<384x128xf32>
    %dot_general3A_1655 = arith.constant dense<0.000000e+00> : vector<32x384xf32>
    %dot_general3A_1656 = tpu.matmul %get3A_1651, %get3A_1654, %dot_general3A_1655 {dimension_numbers = #tpu.dot_dimension_numbers<[1], [1], [0], [0], [0, 0, 1, 0], [], []>, transpose_lhs_hint = false} : vector<32x128xf32>, vector<384x128xf32>, vector<32x384xf32> -> vector<32x384xf32>
    %get3A_1657 = arith.constant 0 : index
    %get3A_1658 = arith.constant 0 : index
    %get3A_1659 = vector.load %arg4[%get3A_1657, %get3A_1658] : memref<1x384xf32, #tpu.memory_space<vmem>>, vector<1x384xf32>
    %add3A_1660 = vector.broadcast %get3A_1659 : vector<1x384xf32> to vector<32x384xf32>
    %add3A_1661 = arith.addf %dot_general3A_1656, %add3A_1660 : vector<32x384xf32>
    %slice3A_1662 = vector.extract_strided_slice %add3A_1661 {offsets = [0, 0], sizes = [32, 32], strides = [1, 1]} : vector<32x384xf32> to vector<32x32xf32>
    %slice3A_1663 = vector.extract_strided_slice %add3A_1661 {offsets = [0, 128], sizes = [32, 32], strides = [1, 1]} : vector<32x384xf32> to vector<32x32xf32>
    %slice3A_1664 = vector.extract_strided_slice %add3A_1661 {offsets = [0, 256], sizes = [32, 32], strides = [1, 1]} : vector<32x384xf32> to vector<32x32xf32>
    %dot_general3A_1665 = arith.constant dense<0.000000e+00> : vector<32x32xf32>
    %dot_general3A_1666 = tpu.matmul %slice3A_1662, %slice3A_1663, %dot_general3A_1665 {dimension_numbers = #tpu.dot_dimension_numbers<[1], [1], [0], [0], [0, 0, 1, 0], [], []>, transpose_lhs_hint = false} : vector<32x32xf32>, vector<32x32xf32>, vector<32x32xf32> -> vector<32x32xf32>
    %mul3A_1667 = arith.constant 0.176776692 : f32
    %mul3A_1668 = vector.broadcast %mul3A_1667 : f32 to vector<32x32xf32>
    %mul3A_1669 = arith.mulf %dot_general3A_1666, %mul3A_1668 : vector<32x32xf32>
    %reduce_max3A_1670 = arith.constant dense<0xFF800000> : vector<32xf32>
    %reduce_max3A_1671 = vector.multi_reduction <maximumf>, %mul3A_1669, %reduce_max3A_1670 [1] : vector<32x32xf32> to vector<32xf32>
    %broadcast_in_dim3A_1672 = vector.shape_cast %reduce_max3A_1671 : vector<32xf32> to vector<32x1xf32>
    %sub3A_1673 = vector.broadcast %broadcast_in_dim3A_1672 : vector<32x1xf32> to vector<32x32xf32>
    %sub3A_1674 = arith.subf %mul3A_1669, %sub3A_1673 : vector<32x32xf32>
    %exp3A_1675 = math.exp %sub3A_1674 : vector<32x32xf32>
    %reduce_sum3A_1676 = arith.constant dense<0.000000e+00> : vector<32xf32>
    %reduce_sum3A_1677 = vector.multi_reduction <add>, %exp3A_1675, %reduce_sum3A_1676 [1] : vector<32x32xf32> to vector<32xf32>
    %broadcast_in_dim3A_1678 = vector.shape_cast %reduce_sum3A_1677 : vector<32xf32> to vector<32x1xf32>
    %div3A_1679 = vector.broadcast %broadcast_in_dim3A_1678 : vector<32x1xf32> to vector<32x32xf32>
    %div3A_1680 = arith.divf %exp3A_1675, %div3A_1679 : vector<32x32xf32>
    %dot_general3A_1681 = arith.constant dense<0.000000e+00> : vector<32x32xf32>
    %dot_general3A_1682 = tpu.matmul %div3A_1680, %slice3A_1664, %dot_general3A_1681 {dimension_numbers = #tpu.dot_dimension_numbers<[1], [0], [0], [1], [0, 0, 1, 1], [], []>, transpose_lhs_hint = false} : vector<32x32xf32>, vector<32x32xf32>, vector<32x32xf32> -> vector<32x32xf32>
    %slice3A_1683 = vector.extract_strided_slice %add3A_1661 {offsets = [0, 32], sizes = [32, 32], strides = [1, 1]} : vector<32x384xf32> to vector<32x32xf32>
    %slice3A_1684 = vector.extract_strided_slice %add3A_1661 {offsets = [0, 160], sizes = [32, 32], strides = [1, 1]} : vector<32x384xf32> to vector<32x32xf32>
    %slice3A_1685 = vector.extract_strided_slice %add3A_1661 {offsets = [0, 288], sizes = [32, 32], strides = [1, 1]} : vector<32x384xf32> to vector<32x32xf32>
    %dot_general3A_1686 = arith.constant dense<0.000000e+00> : vector<32x32xf32>
    %dot_general3A_1687 = tpu.matmul %slice3A_1683, %slice3A_1684, %dot_general3A_1686 {dimension_numbers = #tpu.dot_dimension_numbers<[1], [1], [0], [0], [0, 0, 1, 0], [], []>, transpose_lhs_hint = false} : vector<32x32xf32>, vector<32x32xf32>, vector<32x32xf32> -> vector<32x32xf32>
    %mul3A_1688 = arith.constant 0.176776692 : f32
    %mul3A_1689 = vector.broadcast %mul3A_1688 : f32 to vector<32x32xf32>
    %mul3A_1690 = arith.mulf %dot_general3A_1687, %mul3A_1689 : vector<32x32xf32>
    %reduce_max3A_1691 = arith.constant dense<0xFF800000> : vector<32xf32>
    %reduce_max3A_1692 = vector.multi_reduction <maximumf>, %mul3A_1690, %reduce_max3A_1691 [1] : vector<32x32xf32> to vector<32xf32>
    %broadcast_in_dim3A_1693 = vector.shape_cast %reduce_max3A_1692 : vector<32xf32> to vector<32x1xf32>
    %sub3A_1694 = vector.broadcast %broadcast_in_dim3A_1693 : vector<32x1xf32> to vector<32x32xf32>
    %sub3A_1695 = arith.subf %mul3A_1690, %sub3A_1694 : vector<32x32xf32>
    %exp3A_1696 = math.exp %sub3A_1695 : vector<32x32xf32>
    %reduce_sum3A_1697 = arith.constant dense<0.000000e+00> : vector<32xf32>
    %reduce_sum3A_1698 = vector.multi_reduction <add>, %exp3A_1696, %reduce_sum3A_1697 [1] : vector<32x32xf32> to vector<32xf32>
    %broadcast_in_dim3A_1699 = vector.shape_cast %reduce_sum3A_1698 : vector<32xf32> to vector<32x1xf32>
    %div3A_1700 = vector.broadcast %broadcast_in_dim3A_1699 : vector<32x1xf32> to vector<32x32xf32>
    %div3A_1701 = arith.divf %exp3A_1696, %div3A_1700 : vector<32x32xf32>
    %dot_general3A_1702 = arith.constant dense<0.000000e+00> : vector<32x32xf32>
    %dot_general3A_1703 = tpu.matmul %div3A_1701, %slice3A_1685, %dot_general3A_1702 {dimension_numbers = #tpu.dot_dimension_numbers<[1], [0], [0], [1], [0, 0, 1, 1], [], []>, transpose_lhs_hint = false} : vector<32x32xf32>, vector<32x32xf32>, vector<32x32xf32> -> vector<32x32xf32>
    %slice3A_1704 = vector.extract_strided_slice %add3A_1661 {offsets = [0, 64], sizes = [32, 32], strides = [1, 1]} : vector<32x384xf32> to vector<32x32xf32>
    %slice3A_1705 = vector.extract_strided_slice %add3A_1661 {offsets = [0, 192], sizes = [32, 32], strides = [1, 1]} : vector<32x384xf32> to vector<32x32xf32>
    %slice3A_1706 = vector.extract_strided_slice %add3A_1661 {offsets = [0, 320], sizes = [32, 32], strides = [1, 1]} : vector<32x384xf32> to vector<32x32xf32>
    %dot_general3A_1707 = arith.constant dense<0.000000e+00> : vector<32x32xf32>
    %dot_general3A_1708 = tpu.matmul %slice3A_1704, %slice3A_1705, %dot_general3A_1707 {dimension_numbers = #tpu.dot_dimension_numbers<[1], [1], [0], [0], [0, 0, 1, 0], [], []>, transpose_lhs_hint = false} : vector<32x32xf32>, vector<32x32xf32>, vector<32x32xf32> -> vector<32x32xf32>
    %mul3A_1709 = arith.constant 0.176776692 : f32
    %mul3A_1710 = vector.broadcast %mul3A_1709 : f32 to vector<32x32xf32>
    %mul3A_1711 = arith.mulf %dot_general3A_1708, %mul3A_1710 : vector<32x32xf32>
    %reduce_max3A_1712 = arith.constant dense<0xFF800000> : vector<32xf32>
    %reduce_max3A_1713 = vector.multi_reduction <maximumf>, %mul3A_1711, %reduce_max3A_1712 [1] : vector<32x32xf32> to vector<32xf32>
    %broadcast_in_dim3A_1714 = vector.shape_cast %reduce_max3A_1713 : vector<32xf32> to vector<32x1xf32>
    %sub3A_1715 = vector.broadcast %broadcast_in_dim3A_1714 : vector<32x1xf32> to vector<32x32xf32>
    %sub3A_1716 = arith.subf %mul3A_1711, %sub3A_1715 : vector<32x32xf32>
    %exp3A_1717 = math.exp %sub3A_1716 : vector<32x32xf32>
    %reduce_sum3A_1718 = arith.constant dense<0.000000e+00> : vector<32xf32>
    %reduce_sum3A_1719 = vector.multi_reduction <add>, %exp3A_1717, %reduce_sum3A_1718 [1] : vector<32x32xf32> to vector<32xf32>
    %broadcast_in_dim3A_1720 = vector.shape_cast %reduce_sum3A_1719 : vector<32xf32> to vector<32x1xf32>
    %div3A_1721 = vector.broadcast %broadcast_in_dim3A_1720 : vector<32x1xf32> to vector<32x32xf32>
    %div3A_1722 = arith.divf %exp3A_1717, %div3A_1721 : vector<32x32xf32>
    %dot_general3A_1723 = arith.constant dense<0.000000e+00> : vector<32x32xf32>
    %dot_general3A_1724 = tpu.matmul %div3A_1722, %slice3A_1706, %dot_general3A_1723 {dimension_numbers = #tpu.dot_dimension_numbers<[1], [0], [0], [1], [0, 0, 1, 1], [], []>, transpose_lhs_hint = false} : vector<32x32xf32>, vector<32x32xf32>, vector<32x32xf32> -> vector<32x32xf32>
    %slice3A_1725 = vector.extract_strided_slice %add3A_1661 {offsets = [0, 96], sizes = [32, 32], strides = [1, 1]} : vector<32x384xf32> to vector<32x32xf32>
    %slice3A_1726 = vector.extract_strided_slice %add3A_1661 {offsets = [0, 224], sizes = [32, 32], strides = [1, 1]} : vector<32x384xf32> to vector<32x32xf32>
    %slice3A_1727 = vector.extract_strided_slice %add3A_1661 {offsets = [0, 352], sizes = [32, 32], strides = [1, 1]} : vector<32x384xf32> to vector<32x32xf32>
    %dot_general3A_1728 = arith.constant dense<0.000000e+00> : vector<32x32xf32>
    %dot_general3A_1729 = tpu.matmul %slice3A_1725, %slice3A_1726, %dot_general3A_1728 {dimension_numbers = #tpu.dot_dimension_numbers<[1], [1], [0], [0], [0, 0, 1, 0], [], []>, transpose_lhs_hint = false} : vector<32x32xf32>, vector<32x32xf32>, vector<32x32xf32> -> vector<32x32xf32>
    %mul3A_1730 = arith.constant 0.176776692 : f32
    %mul3A_1731 = vector.broadcast %mul3A_1730 : f32 to vector<32x32xf32>
    %mul3A_1732 = arith.mulf %dot_general3A_1729, %mul3A_1731 : vector<32x32xf32>
    %reduce_max3A_1733 = arith.constant dense<0xFF800000> : vector<32xf32>
    %reduce_max3A_1734 = vector.multi_reduction <maximumf>, %mul3A_1732, %reduce_max3A_1733 [1] : vector<32x32xf32> to vector<32xf32>
    %broadcast_in_dim3A_1735 = vector.shape_cast %reduce_max3A_1734 : vector<32xf32> to vector<32x1xf32>
    %sub3A_1736 = vector.broadcast %broadcast_in_dim3A_1735 : vector<32x1xf32> to vector<32x32xf32>
    %sub3A_1737 = arith.subf %mul3A_1732, %sub3A_1736 : vector<32x32xf32>
    %exp3A_1738 = math.exp %sub3A_1737 : vector<32x32xf32>
    %reduce_sum3A_1739 = arith.constant dense<0.000000e+00> : vector<32xf32>
    %reduce_sum3A_1740 = vector.multi_reduction <add>, %exp3A_1738, %reduce_sum3A_1739 [1] : vector<32x32xf32> to vector<32xf32>
    %broadcast_in_dim3A_1741 = vector.shape_cast %reduce_sum3A_1740 : vector<32xf32> to vector<32x1xf32>
    %div3A_1742 = vector.broadcast %broadcast_in_dim3A_1741 : vector<32x1xf32> to vector<32x32xf32>
    %div3A_1743 = arith.divf %exp3A_1738, %div3A_1742 : vector<32x32xf32>
    %dot_general3A_1744 = arith.constant dense<0.000000e+00> : vector<32x32xf32>
    %dot_general3A_1745 = tpu.matmul %div3A_1743, %slice3A_1727, %dot_general3A_1744 {dimension_numbers = #tpu.dot_dimension_numbers<[1], [0], [0], [1], [0, 0, 1, 1], [], []>, transpose_lhs_hint = false} : vector<32x32xf32>, vector<32x32xf32>, vector<32x32xf32> -> vector<32x32xf32>
    %concatenate3A_1746 = tpu.concatenate %dot_general3A_1682, %dot_general3A_1703, %dot_general3A_1724, %dot_general3A_1745 in 1 : vector<32x32xf32>, vector<32x32xf32>, vector<32x32xf32>, vector<32x32xf32> -> vector<32x128xf32>
    %get3A_1747 = arith.constant 0 : index
    %get3A_1748 = arith.constant 0 : index
    %get3A_1749 = vector.load %arg5[%get3A_1747, %get3A_1748] : memref<128x128xf32, #tpu.memory_space<vmem>>, vector<128x128xf32>
    %dot_general3A_1750 = arith.constant dense<0.000000e+00> : vector<32x128xf32>
    %dot_general3A_1751 = tpu.matmul %concatenate3A_1746, %get3A_1749, %dot_general3A_1750 {dimension_numbers = #tpu.dot_dimension_numbers<[1], [1], [0], [0], [0, 0, 1, 0], [], []>, transpose_lhs_hint = false} : vector<32x128xf32>, vector<128x128xf32>, vector<32x128xf32> -> vector<32x128xf32>
    %get3A_1752 = arith.constant 0 : index
    %get3A_1753 = arith.constant 0 : index
    %get3A_1754 = vector.load %arg6[%get3A_1752, %get3A_1753] : memref<1x128xf32, #tpu.memory_space<vmem>>, vector<1x128xf32>
    %add3A_1755 = vector.broadcast %get3A_1754 : vector<1x128xf32> to vector<32x128xf32>
    %add3A_1756 = arith.addf %dot_general3A_1751, %add3A_1755 : vector<32x128xf32>
    %slice3A_1757 = vector.extract_strided_slice %add3A_1756 {offsets = [0, 0], sizes = [1, 128], strides = [1, 1]} : vector<32x128xf32> to vector<1x128xf32>
    %get3A_1758 = arith.constant 416 : index
    %get3A_1759 = memref.load %arg1[%get3A_1758] : memref<512xi32, #tpu.memory_space<smem>>
    %swap3A_1760 = arith.index_cast %get3A_1759 : i32 to index
    %swap3A_1761 = arith.constant 0 : index
    %swap3A_1762 = vector.load %arg7[%swap3A_1760, %swap3A_1761] : memref<10000x128xf32, #tpu.memory_space<vmem>>, vector<1x128xf32>
    tpu.vector_store %arg7[%swap3A_1760, %swap3A_1761], %slice3A_1757 {strides = array<i32>} : memref<10000x128xf32, #tpu.memory_space<vmem>>, vector<1x128xf32>,
    %eq3A_1763 = vector.broadcast %get3A_1759 : i32 to vector<512x1xi32>
    %eq3A_1764 = arith.cmpi eq, %get3A_10, %eq3A_1763 : vector<512x1xi32>
    %get3A_1765 = arith.constant 0 : index
    %get3A_1766 = arith.constant 0 : index
    %get3A_1767 = vector.load %arg8[%get3A_1765, %get3A_1766] : memref<512x128xf32, #tpu.memory_space<vmem>>, vector<512x128xf32>
    %broadcast_in_dim3A_1768 = vector.shape_cast %eq3A_1764 : vector<512x1xi1> to vector<512x1xi1>
    %broadcast_in_dim3A_1769 = vector.broadcast %broadcast_in_dim3A_1768 : vector<512x1xi1> to vector<512x128xi1>
    %broadcast_in_dim3A_1770 = vector.shape_cast %slice3A_1757 : vector<1x128xf32> to vector<1x128xf32>
    %broadcast_in_dim3A_1771 = vector.broadcast %broadcast_in_dim3A_1770 : vector<1x128xf32> to vector<512x128xf32>
    %select_n3A_1772 = arith.select %broadcast_in_dim3A_1769, %broadcast_in_dim3A_1771, %get3A_1767 : vector<512x128xi1>, vector<512x128xf32>
    %swap3A_1773 = arith.constant 0 : index
    %swap3A_1774 = arith.constant 0 : index
    %swap3A_1775 = vector.load %arg8[%swap3A_1773, %swap3A_1774] : memref<512x128xf32, #tpu.memory_space<vmem>>, vector<512x128xf32>
    tpu.vector_store %arg8[%swap3A_1773, %swap3A_1774], %select_n3A_1772 {strides = array<i32>} : memref<512x128xf32, #tpu.memory_space<vmem>>, vector<512x128xf32>,
    %get3A_1776 = arith.constant 448 : index
    %get3A_1777 = arith.constant 0 : index
    %get3A_1778 = vector.load %arg8[%get3A_1776, %get3A_1777] : memref<512x128xf32, #tpu.memory_space<vmem>>, vector<32x128xf32>
    %get3A_1779 = arith.constant 0 : index
    %get3A_1780 = arith.constant 0 : index
    %get3A_1781 = vector.load %arg3[%get3A_1779, %get3A_1780] : memref<384x128xf32, #tpu.memory_space<vmem>>, vector<384x128xf32>
    %dot_general3A_1782 = arith.constant dense<0.000000e+00> : vector<32x384xf32>
    %dot_general3A_1783 = tpu.matmul %get3A_1778, %get3A_1781, %dot_general3A_1782 {dimension_numbers = #tpu.dot_dimension_numbers<[1], [1], [0], [0], [0, 0, 1, 0], [], []>, transpose_lhs_hint = false} : vector<32x128xf32>, vector<384x128xf32>, vector<32x384xf32> -> vector<32x384xf32>
    %get3A_1784 = arith.constant 0 : index
    %get3A_1785 = arith.constant 0 : index
    %get3A_1786 = vector.load %arg4[%get3A_1784, %get3A_1785] : memref<1x384xf32, #tpu.memory_space<vmem>>, vector<1x384xf32>
    %add3A_1787 = vector.broadcast %get3A_1786 : vector<1x384xf32> to vector<32x384xf32>
    %add3A_1788 = arith.addf %dot_general3A_1783, %add3A_1787 : vector<32x384xf32>
    %slice3A_1789 = vector.extract_strided_slice %add3A_1788 {offsets = [0, 0], sizes = [32, 32], strides = [1, 1]} : vector<32x384xf32> to vector<32x32xf32>
    %slice3A_1790 = vector.extract_strided_slice %add3A_1788 {offsets = [0, 128], sizes = [32, 32], strides = [1, 1]} : vector<32x384xf32> to vector<32x32xf32>
    %slice3A_1791 = vector.extract_strided_slice %add3A_1788 {offsets = [0, 256], sizes = [32, 32], strides = [1, 1]} : vector<32x384xf32> to vector<32x32xf32>
    %dot_general3A_1792 = arith.constant dense<0.000000e+00> : vector<32x32xf32>
    %dot_general3A_1793 = tpu.matmul %slice3A_1789, %slice3A_1790, %dot_general3A_1792 {dimension_numbers = #tpu.dot_dimension_numbers<[1], [1], [0], [0], [0, 0, 1, 0], [], []>, transpose_lhs_hint = false} : vector<32x32xf32>, vector<32x32xf32>, vector<32x32xf32> -> vector<32x32xf32>
    %mul3A_1794 = arith.constant 0.176776692 : f32
    %mul3A_1795 = vector.broadcast %mul3A_1794 : f32 to vector<32x32xf32>
    %mul3A_1796 = arith.mulf %dot_general3A_1793, %mul3A_1795 : vector<32x32xf32>
    %reduce_max3A_1797 = arith.constant dense<0xFF800000> : vector<32xf32>
    %reduce_max3A_1798 = vector.multi_reduction <maximumf>, %mul3A_1796, %reduce_max3A_1797 [1] : vector<32x32xf32> to vector<32xf32>
    %broadcast_in_dim3A_1799 = vector.shape_cast %reduce_max3A_1798 : vector<32xf32> to vector<32x1xf32>
    %sub3A_1800 = vector.broadcast %broadcast_in_dim3A_1799 : vector<32x1xf32> to vector<32x32xf32>
    %sub3A_1801 = arith.subf %mul3A_1796, %sub3A_1800 : vector<32x32xf32>
    %exp3A_1802 = math.exp %sub3A_1801 : vector<32x32xf32>
    %reduce_sum3A_1803 = arith.constant dense<0.000000e+00> : vector<32xf32>
    %reduce_sum3A_1804 = vector.multi_reduction <add>, %exp3A_1802, %reduce_sum3A_1803 [1] : vector<32x32xf32> to vector<32xf32>
    %broadcast_in_dim3A_1805 = vector.shape_cast %reduce_sum3A_1804 : vector<32xf32> to vector<32x1xf32>
    %div3A_1806 = vector.broadcast %broadcast_in_dim3A_1805 : vector<32x1xf32> to vector<32x32xf32>
    %div3A_1807 = arith.divf %exp3A_1802, %div3A_1806 : vector<32x32xf32>
    %dot_general3A_1808 = arith.constant dense<0.000000e+00> : vector<32x32xf32>
    %dot_general3A_1809 = tpu.matmul %div3A_1807, %slice3A_1791, %dot_general3A_1808 {dimension_numbers = #tpu.dot_dimension_numbers<[1], [0], [0], [1], [0, 0, 1, 1], [], []>, transpose_lhs_hint = false} : vector<32x32xf32>, vector<32x32xf32>, vector<32x32xf32> -> vector<32x32xf32>
    %slice3A_1810 = vector.extract_strided_slice %add3A_1788 {offsets = [0, 32], sizes = [32, 32], strides = [1, 1]} : vector<32x384xf32> to vector<32x32xf32>
    %slice3A_1811 = vector.extract_strided_slice %add3A_1788 {offsets = [0, 160], sizes = [32, 32], strides = [1, 1]} : vector<32x384xf32> to vector<32x32xf32>
    %slice3A_1812 = vector.extract_strided_slice %add3A_1788 {offsets = [0, 288], sizes = [32, 32], strides = [1, 1]} : vector<32x384xf32> to vector<32x32xf32>
    %dot_general3A_1813 = arith.constant dense<0.000000e+00> : vector<32x32xf32>
    %dot_general3A_1814 = tpu.matmul %slice3A_1810, %slice3A_1811, %dot_general3A_1813 {dimension_numbers = #tpu.dot_dimension_numbers<[1], [1], [0], [0], [0, 0, 1, 0], [], []>, transpose_lhs_hint = false} : vector<32x32xf32>, vector<32x32xf32>, vector<32x32xf32> -> vector<32x32xf32>
    %mul3A_1815 = arith.constant 0.176776692 : f32
    %mul3A_1816 = vector.broadcast %mul3A_1815 : f32 to vector<32x32xf32>
    %mul3A_1817 = arith.mulf %dot_general3A_1814, %mul3A_1816 : vector<32x32xf32>
    %reduce_max3A_1818 = arith.constant dense<0xFF800000> : vector<32xf32>
    %reduce_max3A_1819 = vector.multi_reduction <maximumf>, %mul3A_1817, %reduce_max3A_1818 [1] : vector<32x32xf32> to vector<32xf32>
    %broadcast_in_dim3A_1820 = vector.shape_cast %reduce_max3A_1819 : vector<32xf32> to vector<32x1xf32>
    %sub3A_1821 = vector.broadcast %broadcast_in_dim3A_1820 : vector<32x1xf32> to vector<32x32xf32>
    %sub3A_1822 = arith.subf %mul3A_1817, %sub3A_1821 : vector<32x32xf32>
    %exp3A_1823 = math.exp %sub3A_1822 : vector<32x32xf32>
    %reduce_sum3A_1824 = arith.constant dense<0.000000e+00> : vector<32xf32>
    %reduce_sum3A_1825 = vector.multi_reduction <add>, %exp3A_1823, %reduce_sum3A_1824 [1] : vector<32x32xf32> to vector<32xf32>
    %broadcast_in_dim3A_1826 = vector.shape_cast %reduce_sum3A_1825 : vector<32xf32> to vector<32x1xf32>
    %div3A_1827 = vector.broadcast %broadcast_in_dim3A_1826 : vector<32x1xf32> to vector<32x32xf32>
    %div3A_1828 = arith.divf %exp3A_1823, %div3A_1827 : vector<32x32xf32>
    %dot_general3A_1829 = arith.constant dense<0.000000e+00> : vector<32x32xf32>
    %dot_general3A_1830 = tpu.matmul %div3A_1828, %slice3A_1812, %dot_general3A_1829 {dimension_numbers = #tpu.dot_dimension_numbers<[1], [0], [0], [1], [0, 0, 1, 1], [], []>, transpose_lhs_hint = false} : vector<32x32xf32>, vector<32x32xf32>, vector<32x32xf32> -> vector<32x32xf32>
    %slice3A_1831 = vector.extract_strided_slice %add3A_1788 {offsets = [0, 64], sizes = [32, 32], strides = [1, 1]} : vector<32x384xf32> to vector<32x32xf32>
    %slice3A_1832 = vector.extract_strided_slice %add3A_1788 {offsets = [0, 192], sizes = [32, 32], strides = [1, 1]} : vector<32x384xf32> to vector<32x32xf32>
    %slice3A_1833 = vector.extract_strided_slice %add3A_1788 {offsets = [0, 320], sizes = [32, 32], strides = [1, 1]} : vector<32x384xf32> to vector<32x32xf32>
    %dot_general3A_1834 = arith.constant dense<0.000000e+00> : vector<32x32xf32>
    %dot_general3A_1835 = tpu.matmul %slice3A_1831, %slice3A_1832, %dot_general3A_1834 {dimension_numbers = #tpu.dot_dimension_numbers<[1], [1], [0], [0], [0, 0, 1, 0], [], []>, transpose_lhs_hint = false} : vector<32x32xf32>, vector<32x32xf32>, vector<32x32xf32> -> vector<32x32xf32>
    %mul3A_1836 = arith.constant 0.176776692 : f32
    %mul3A_1837 = vector.broadcast %mul3A_1836 : f32 to vector<32x32xf32>
    %mul3A_1838 = arith.mulf %dot_general3A_1835, %mul3A_1837 : vector<32x32xf32>
    %reduce_max3A_1839 = arith.constant dense<0xFF800000> : vector<32xf32>
    %reduce_max3A_1840 = vector.multi_reduction <maximumf>, %mul3A_1838, %reduce_max3A_1839 [1] : vector<32x32xf32> to vector<32xf32>
    %broadcast_in_dim3A_1841 = vector.shape_cast %reduce_max3A_1840 : vector<32xf32> to vector<32x1xf32>
    %sub3A_1842 = vector.broadcast %broadcast_in_dim3A_1841 : vector<32x1xf32> to vector<32x32xf32>
    %sub3A_1843 = arith.subf %mul3A_1838, %sub3A_1842 : vector<32x32xf32>
    %exp3A_1844 = math.exp %sub3A_1843 : vector<32x32xf32>
    %reduce_sum3A_1845 = arith.constant dense<0.000000e+00> : vector<32xf32>
    %reduce_sum3A_1846 = vector.multi_reduction <add>, %exp3A_1844, %reduce_sum3A_1845 [1] : vector<32x32xf32> to vector<32xf32>
    %broadcast_in_dim3A_1847 = vector.shape_cast %reduce_sum3A_1846 : vector<32xf32> to vector<32x1xf32>
    %div3A_1848 = vector.broadcast %broadcast_in_dim3A_1847 : vector<32x1xf32> to vector<32x32xf32>
    %div3A_1849 = arith.divf %exp3A_1844, %div3A_1848 : vector<32x32xf32>
    %dot_general3A_1850 = arith.constant dense<0.000000e+00> : vector<32x32xf32>
    %dot_general3A_1851 = tpu.matmul %div3A_1849, %slice3A_1833, %dot_general3A_1850 {dimension_numbers = #tpu.dot_dimension_numbers<[1], [0], [0], [1], [0, 0, 1, 1], [], []>, transpose_lhs_hint = false} : vector<32x32xf32>, vector<32x32xf32>, vector<32x32xf32> -> vector<32x32xf32>
    %slice3A_1852 = vector.extract_strided_slice %add3A_1788 {offsets = [0, 96], sizes = [32, 32], strides = [1, 1]} : vector<32x384xf32> to vector<32x32xf32>
    %slice3A_1853 = vector.extract_strided_slice %add3A_1788 {offsets = [0, 224], sizes = [32, 32], strides = [1, 1]} : vector<32x384xf32> to vector<32x32xf32>
    %slice3A_1854 = vector.extract_strided_slice %add3A_1788 {offsets = [0, 352], sizes = [32, 32], strides = [1, 1]} : vector<32x384xf32> to vector<32x32xf32>
    %dot_general3A_1855 = arith.constant dense<0.000000e+00> : vector<32x32xf32>
    %dot_general3A_1856 = tpu.matmul %slice3A_1852, %slice3A_1853, %dot_general3A_1855 {dimension_numbers = #tpu.dot_dimension_numbers<[1], [1], [0], [0], [0, 0, 1, 0], [], []>, transpose_lhs_hint = false} : vector<32x32xf32>, vector<32x32xf32>, vector<32x32xf32> -> vector<32x32xf32>
    %mul3A_1857 = arith.constant 0.176776692 : f32
    %mul3A_1858 = vector.broadcast %mul3A_1857 : f32 to vector<32x32xf32>
    %mul3A_1859 = arith.mulf %dot_general3A_1856, %mul3A_1858 : vector<32x32xf32>
    %reduce_max3A_1860 = arith.constant dense<0xFF800000> : vector<32xf32>
    %reduce_max3A_1861 = vector.multi_reduction <maximumf>, %mul3A_1859, %reduce_max3A_1860 [1] : vector<32x32xf32> to vector<32xf32>
    %broadcast_in_dim3A_1862 = vector.shape_cast %reduce_max3A_1861 : vector<32xf32> to vector<32x1xf32>
    %sub3A_1863 = vector.broadcast %broadcast_in_dim3A_1862 : vector<32x1xf32> to vector<32x32xf32>
    %sub3A_1864 = arith.subf %mul3A_1859, %sub3A_1863 : vector<32x32xf32>
    %exp3A_1865 = math.exp %sub3A_1864 : vector<32x32xf32>
    %reduce_sum3A_1866 = arith.constant dense<0.000000e+00> : vector<32xf32>
    %reduce_sum3A_1867 = vector.multi_reduction <add>, %exp3A_1865, %reduce_sum3A_1866 [1] : vector<32x32xf32> to vector<32xf32>
    %broadcast_in_dim3A_1868 = vector.shape_cast %reduce_sum3A_1867 : vector<32xf32> to vector<32x1xf32>
    %div3A_1869 = vector.broadcast %broadcast_in_dim3A_1868 : vector<32x1xf32> to vector<32x32xf32>
    %div3A_1870 = arith.divf %exp3A_1865, %div3A_1869 : vector<32x32xf32>
    %dot_general3A_1871 = arith.constant dense<0.000000e+00> : vector<32x32xf32>
    %dot_general3A_1872 = tpu.matmul %div3A_1870, %slice3A_1854, %dot_general3A_1871 {dimension_numbers = #tpu.dot_dimension_numbers<[1], [0], [0], [1], [0, 0, 1, 1], [], []>, transpose_lhs_hint = false} : vector<32x32xf32>, vector<32x32xf32>, vector<32x32xf32> -> vector<32x32xf32>
    %concatenate3A_1873 = tpu.concatenate %dot_general3A_1809, %dot_general3A_1830, %dot_general3A_1851, %dot_general3A_1872 in 1 : vector<32x32xf32>, vector<32x32xf32>, vector<32x32xf32>, vector<32x32xf32> -> vector<32x128xf32>
    %get3A_1874 = arith.constant 0 : index
    %get3A_1875 = arith.constant 0 : index
    %get3A_1876 = vector.load %arg5[%get3A_1874, %get3A_1875] : memref<128x128xf32, #tpu.memory_space<vmem>>, vector<128x128xf32>
    %dot_general3A_1877 = arith.constant dense<0.000000e+00> : vector<32x128xf32>
    %dot_general3A_1878 = tpu.matmul %concatenate3A_1873, %get3A_1876, %dot_general3A_1877 {dimension_numbers = #tpu.dot_dimension_numbers<[1], [1], [0], [0], [0, 0, 1, 0], [], []>, transpose_lhs_hint = false} : vector<32x128xf32>, vector<128x128xf32>, vector<32x128xf32> -> vector<32x128xf32>
    %get3A_1879 = arith.constant 0 : index
    %get3A_1880 = arith.constant 0 : index
    %get3A_1881 = vector.load %arg6[%get3A_1879, %get3A_1880] : memref<1x128xf32, #tpu.memory_space<vmem>>, vector<1x128xf32>
    %add3A_1882 = vector.broadcast %get3A_1881 : vector<1x128xf32> to vector<32x128xf32>
    %add3A_1883 = arith.addf %dot_general3A_1878, %add3A_1882 : vector<32x128xf32>
    %slice3A_1884 = vector.extract_strided_slice %add3A_1883 {offsets = [0, 0], sizes = [1, 128], strides = [1, 1]} : vector<32x128xf32> to vector<1x128xf32>
    %get3A_1885 = arith.constant 448 : index
    %get3A_1886 = memref.load %arg1[%get3A_1885] : memref<512xi32, #tpu.memory_space<smem>>
    %swap3A_1887 = arith.index_cast %get3A_1886 : i32 to index
    %swap3A_1888 = arith.constant 0 : index
    %swap3A_1889 = vector.load %arg7[%swap3A_1887, %swap3A_1888] : memref<10000x128xf32, #tpu.memory_space<vmem>>, vector<1x128xf32>
    tpu.vector_store %arg7[%swap3A_1887, %swap3A_1888], %slice3A_1884 {strides = array<i32>} : memref<10000x128xf32, #tpu.memory_space<vmem>>, vector<1x128xf32>,
    %eq3A_1890 = vector.broadcast %get3A_1886 : i32 to vector<512x1xi32>
    %eq3A_1891 = arith.cmpi eq, %get3A_10, %eq3A_1890 : vector<512x1xi32>
    %get3A_1892 = arith.constant 0 : index
    %get3A_1893 = arith.constant 0 : index
    %get3A_1894 = vector.load %arg8[%get3A_1892, %get3A_1893] : memref<512x128xf32, #tpu.memory_space<vmem>>, vector<512x128xf32>
    %broadcast_in_dim3A_1895 = vector.shape_cast %eq3A_1891 : vector<512x1xi1> to vector<512x1xi1>
    %broadcast_in_dim3A_1896 = vector.broadcast %broadcast_in_dim3A_1895 : vector<512x1xi1> to vector<512x128xi1>
    %broadcast_in_dim3A_1897 = vector.shape_cast %slice3A_1884 : vector<1x128xf32> to vector<1x128xf32>
    %broadcast_in_dim3A_1898 = vector.broadcast %broadcast_in_dim3A_1897 : vector<1x128xf32> to vector<512x128xf32>
    %select_n3A_1899 = arith.select %broadcast_in_dim3A_1896, %broadcast_in_dim3A_1898, %get3A_1894 : vector<512x128xi1>, vector<512x128xf32>
    %swap3A_1900 = arith.constant 0 : index
    %swap3A_1901 = arith.constant 0 : index
    %swap3A_1902 = vector.load %arg8[%swap3A_1900, %swap3A_1901] : memref<512x128xf32, #tpu.memory_space<vmem>>, vector<512x128xf32>
    tpu.vector_store %arg8[%swap3A_1900, %swap3A_1901], %select_n3A_1899 {strides = array<i32>} : memref<512x128xf32, #tpu.memory_space<vmem>>, vector<512x128xf32>,
    %get3A_1903 = arith.constant 480 : index
    %get3A_1904 = arith.constant 0 : index
    %get3A_1905 = vector.load %arg8[%get3A_1903, %get3A_1904] : memref<512x128xf32, #tpu.memory_space<vmem>>, vector<32x128xf32>
    %get3A_1906 = arith.constant 0 : index
    %get3A_1907 = arith.constant 0 : index
    %get3A_1908 = vector.load %arg3[%get3A_1906, %get3A_1907] : memref<384x128xf32, #tpu.memory_space<vmem>>, vector<384x128xf32>
    %dot_general3A_1909 = arith.constant dense<0.000000e+00> : vector<32x384xf32>
    %dot_general3A_1910 = tpu.matmul %get3A_1905, %get3A_1908, %dot_general3A_1909 {dimension_numbers = #tpu.dot_dimension_numbers<[1], [1], [0], [0], [0, 0, 1, 0], [], []>, transpose_lhs_hint = false} : vector<32x128xf32>, vector<384x128xf32>, vector<32x384xf32> -> vector<32x384xf32>
    %get3A_1911 = arith.constant 0 : index
    %get3A_1912 = arith.constant 0 : index
    %get3A_1913 = vector.load %arg4[%get3A_1911, %get3A_1912] : memref<1x384xf32, #tpu.memory_space<vmem>>, vector<1x384xf32>
    %add3A_1914 = vector.broadcast %get3A_1913 : vector<1x384xf32> to vector<32x384xf32>
    %add3A_1915 = arith.addf %dot_general3A_1910, %add3A_1914 : vector<32x384xf32>
    %slice3A_1916 = vector.extract_strided_slice %add3A_1915 {offsets = [0, 0], sizes = [32, 32], strides = [1, 1]} : vector<32x384xf32> to vector<32x32xf32>
    %slice3A_1917 = vector.extract_strided_slice %add3A_1915 {offsets = [0, 128], sizes = [32, 32], strides = [1, 1]} : vector<32x384xf32> to vector<32x32xf32>
    %slice3A_1918 = vector.extract_strided_slice %add3A_1915 {offsets = [0, 256], sizes = [32, 32], strides = [1, 1]} : vector<32x384xf32> to vector<32x32xf32>
    %dot_general3A_1919 = arith.constant dense<0.000000e+00> : vector<32x32xf32>
    %dot_general3A_1920 = tpu.matmul %slice3A_1916, %slice3A_1917, %dot_general3A_1919 {dimension_numbers = #tpu.dot_dimension_numbers<[1], [1], [0], [0], [0, 0, 1, 0], [], []>, transpose_lhs_hint = false} : vector<32x32xf32>, vector<32x32xf32>, vector<32x32xf32> -> vector<32x32xf32>
    %mul3A_1921 = arith.constant 0.176776692 : f32
    %mul3A_1922 = vector.broadcast %mul3A_1921 : f32 to vector<32x32xf32>
    %mul3A_1923 = arith.mulf %dot_general3A_1920, %mul3A_1922 : vector<32x32xf32>
    %reduce_max3A_1924 = arith.constant dense<0xFF800000> : vector<32xf32>
    %reduce_max3A_1925 = vector.multi_reduction <maximumf>, %mul3A_1923, %reduce_max3A_1924 [1] : vector<32x32xf32> to vector<32xf32>
    %broadcast_in_dim3A_1926 = vector.shape_cast %reduce_max3A_1925 : vector<32xf32> to vector<32x1xf32>
    %sub3A_1927 = vector.broadcast %broadcast_in_dim3A_1926 : vector<32x1xf32> to vector<32x32xf32>
    %sub3A_1928 = arith.subf %mul3A_1923, %sub3A_1927 : vector<32x32xf32>
    %exp3A_1929 = math.exp %sub3A_1928 : vector<32x32xf32>
    %reduce_sum3A_1930 = arith.constant dense<0.000000e+00> : vector<32xf32>
    %reduce_sum3A_1931 = vector.multi_reduction <add>, %exp3A_1929, %reduce_sum3A_1930 [1] : vector<32x32xf32> to vector<32xf32>
    %broadcast_in_dim3A_1932 = vector.shape_cast %reduce_sum3A_1931 : vector<32xf32> to vector<32x1xf32>
    %div3A_1933 = vector.broadcast %broadcast_in_dim3A_1932 : vector<32x1xf32> to vector<32x32xf32>
    %div3A_1934 = arith.divf %exp3A_1929, %div3A_1933 : vector<32x32xf32>
    %dot_general3A_1935 = arith.constant dense<0.000000e+00> : vector<32x32xf32>
    %dot_general3A_1936 = tpu.matmul %div3A_1934, %slice3A_1918, %dot_general3A_1935 {dimension_numbers = #tpu.dot_dimension_numbers<[1], [0], [0], [1], [0, 0, 1, 1], [], []>, transpose_lhs_hint = false} : vector<32x32xf32>, vector<32x32xf32>, vector<32x32xf32> -> vector<32x32xf32>
    %slice3A_1937 = vector.extract_strided_slice %add3A_1915 {offsets = [0, 32], sizes = [32, 32], strides = [1, 1]} : vector<32x384xf32> to vector<32x32xf32>
    %slice3A_1938 = vector.extract_strided_slice %add3A_1915 {offsets = [0, 160], sizes = [32, 32], strides = [1, 1]} : vector<32x384xf32> to vector<32x32xf32>
    %slice3A_1939 = vector.extract_strided_slice %add3A_1915 {offsets = [0, 288], sizes = [32, 32], strides = [1, 1]} : vector<32x384xf32> to vector<32x32xf32>
    %dot_general3A_1940 = arith.constant dense<0.000000e+00> : vector<32x32xf32>
    %dot_general3A_1941 = tpu.matmul %slice3A_1937, %slice3A_1938, %dot_general3A_1940 {dimension_numbers = #tpu.dot_dimension_numbers<[1], [1], [0], [0], [0, 0, 1, 0], [], []>, transpose_lhs_hint = false} : vector<32x32xf32>, vector<32x32xf32>, vector<32x32xf32> -> vector<32x32xf32>
    %mul3A_1942 = arith.constant 0.176776692 : f32
    %mul3A_1943 = vector.broadcast %mul3A_1942 : f32 to vector<32x32xf32>
    %mul3A_1944 = arith.mulf %dot_general3A_1941, %mul3A_1943 : vector<32x32xf32>
    %reduce_max3A_1945 = arith.constant dense<0xFF800000> : vector<32xf32>
    %reduce_max3A_1946 = vector.multi_reduction <maximumf>, %mul3A_1944, %reduce_max3A_1945 [1] : vector<32x32xf32> to vector<32xf32>
    %broadcast_in_dim3A_1947 = vector.shape_cast %reduce_max3A_1946 : vector<32xf32> to vector<32x1xf32>
    %sub3A_1948 = vector.broadcast %broadcast_in_dim3A_1947 : vector<32x1xf32> to vector<32x32xf32>
    %sub3A_1949 = arith.subf %mul3A_1944, %sub3A_1948 : vector<32x32xf32>
    %exp3A_1950 = math.exp %sub3A_1949 : vector<32x32xf32>
    %reduce_sum3A_1951 = arith.constant dense<0.000000e+00> : vector<32xf32>
    %reduce_sum3A_1952 = vector.multi_reduction <add>, %exp3A_1950, %reduce_sum3A_1951 [1] : vector<32x32xf32> to vector<32xf32>
    %broadcast_in_dim3A_1953 = vector.shape_cast %reduce_sum3A_1952 : vector<32xf32> to vector<32x1xf32>
    %div3A_1954 = vector.broadcast %broadcast_in_dim3A_1953 : vector<32x1xf32> to vector<32x32xf32>
    %div3A_1955 = arith.divf %exp3A_1950, %div3A_1954 : vector<32x32xf32>
    %dot_general3A_1956 = arith.constant dense<0.000000e+00> : vector<32x32xf32>
    %dot_general3A_1957 = tpu.matmul %div3A_1955, %slice3A_1939, %dot_general3A_1956 {dimension_numbers = #tpu.dot_dimension_numbers<[1], [0], [0], [1], [0, 0, 1, 1], [], []>, transpose_lhs_hint = false} : vector<32x32xf32>, vector<32x32xf32>, vector<32x32xf32> -> vector<32x32xf32>
    %slice3A_1958 = vector.extract_strided_slice %add3A_1915 {offsets = [0, 64], sizes = [32, 32], strides = [1, 1]} : vector<32x384xf32> to vector<32x32xf32>
    %slice3A_1959 = vector.extract_strided_slice %add3A_1915 {offsets = [0, 192], sizes = [32, 32], strides = [1, 1]} : vector<32x384xf32> to vector<32x32xf32>
    %slice3A_1960 = vector.extract_strided_slice %add3A_1915 {offsets = [0, 320], sizes = [32, 32], strides = [1, 1]} : vector<32x384xf32> to vector<32x32xf32>
    %dot_general3A_1961 = arith.constant dense<0.000000e+00> : vector<32x32xf32>
    %dot_general3A_1962 = tpu.matmul %slice3A_1958, %slice3A_1959, %dot_general3A_1961 {dimension_numbers = #tpu.dot_dimension_numbers<[1], [1], [0], [0], [0, 0, 1, 0], [], []>, transpose_lhs_hint = false} : vector<32x32xf32>, vector<32x32xf32>, vector<32x32xf32> -> vector<32x32xf32>
    %mul3A_1963 = arith.constant 0.176776692 : f32
    %mul3A_1964 = vector.broadcast %mul3A_1963 : f32 to vector<32x32xf32>
    %mul3A_1965 = arith.mulf %dot_general3A_1962, %mul3A_1964 : vector<32x32xf32>
    %reduce_max3A_1966 = arith.constant dense<0xFF800000> : vector<32xf32>
    %reduce_max3A_1967 = vector.multi_reduction <maximumf>, %mul3A_1965, %reduce_max3A_1966 [1] : vector<32x32xf32> to vector<32xf32>
    %broadcast_in_dim3A_1968 = vector.shape_cast %reduce_max3A_1967 : vector<32xf32> to vector<32x1xf32>
    %sub3A_1969 = vector.broadcast %broadcast_in_dim3A_1968 : vector<32x1xf32> to vector<32x32xf32>
    %sub3A_1970 = arith.subf %mul3A_1965, %sub3A_1969 : vector<32x32xf32>
    %exp3A_1971 = math.exp %sub3A_1970 : vector<32x32xf32>
    %reduce_sum3A_1972 = arith.constant dense<0.000000e+00> : vector<32xf32>
    %reduce_sum3A_1973 = vector.multi_reduction <add>, %exp3A_1971, %reduce_sum3A_1972 [1] : vector<32x32xf32> to vector<32xf32>
    %broadcast_in_dim3A_1974 = vector.shape_cast %reduce_sum3A_1973 : vector<32xf32> to vector<32x1xf32>
    %div3A_1975 = vector.broadcast %broadcast_in_dim3A_1974 : vector<32x1xf32> to vector<32x32xf32>
    %div3A_1976 = arith.divf %exp3A_1971, %div3A_1975 : vector<32x32xf32>
    %dot_general3A_1977 = arith.constant dense<0.000000e+00> : vector<32x32xf32>
    %dot_general3A_1978 = tpu.matmul %div3A_1976, %slice3A_1960, %dot_general3A_1977 {dimension_numbers = #tpu.dot_dimension_numbers<[1], [0], [0], [1], [0, 0, 1, 1], [], []>, transpose_lhs_hint = false} : vector<32x32xf32>, vector<32x32xf32>, vector<32x32xf32> -> vector<32x32xf32>
    %slice3A_1979 = vector.extract_strided_slice %add3A_1915 {offsets = [0, 96], sizes = [32, 32], strides = [1, 1]} : vector<32x384xf32> to vector<32x32xf32>
    %slice3A_1980 = vector.extract_strided_slice %add3A_1915 {offsets = [0, 224], sizes = [32, 32], strides = [1, 1]} : vector<32x384xf32> to vector<32x32xf32>
    %slice3A_1981 = vector.extract_strided_slice %add3A_1915 {offsets = [0, 352], sizes = [32, 32], strides = [1, 1]} : vector<32x384xf32> to vector<32x32xf32>
    %dot_general3A_1982 = arith.constant dense<0.000000e+00> : vector<32x32xf32>
    %dot_general3A_1983 = tpu.matmul %slice3A_1979, %slice3A_1980, %dot_general3A_1982 {dimension_numbers = #tpu.dot_dimension_numbers<[1], [1], [0], [0], [0, 0, 1, 0], [], []>, transpose_lhs_hint = false} : vector<32x32xf32>, vector<32x32xf32>, vector<32x32xf32> -> vector<32x32xf32>
    %mul3A_1984 = arith.constant 0.176776692 : f32
    %mul3A_1985 = vector.broadcast %mul3A_1984 : f32 to vector<32x32xf32>
    %mul3A_1986 = arith.mulf %dot_general3A_1983, %mul3A_1985 : vector<32x32xf32>
    %reduce_max3A_1987 = arith.constant dense<0xFF800000> : vector<32xf32>
    %reduce_max3A_1988 = vector.multi_reduction <maximumf>, %mul3A_1986, %reduce_max3A_1987 [1] : vector<32x32xf32> to vector<32xf32>
    %broadcast_in_dim3A_1989 = vector.shape_cast %reduce_max3A_1988 : vector<32xf32> to vector<32x1xf32>
    %sub3A_1990 = vector.broadcast %broadcast_in_dim3A_1989 : vector<32x1xf32> to vector<32x32xf32>
    %sub3A_1991 = arith.subf %mul3A_1986, %sub3A_1990 : vector<32x32xf32>
    %exp3A_1992 = math.exp %sub3A_1991 : vector<32x32xf32>
    %reduce_sum3A_1993 = arith.constant dense<0.000000e+00> : vector<32xf32>
    %reduce_sum3A_1994 = vector.multi_reduction <add>, %exp3A_1992, %reduce_sum3A_1993 [1] : vector<32x32xf32> to vector<32xf32>
    %broadcast_in_dim3A_1995 = vector.shape_cast %reduce_sum3A_1994 : vector<32xf32> to vector<32x1xf32>
    %div3A_1996 = vector.broadcast %broadcast_in_dim3A_1995 : vector<32x1xf32> to vector<32x32xf32>
    %div3A_1997 = arith.divf %exp3A_1992, %div3A_1996 : vector<32x32xf32>
    %dot_general3A_1998 = arith.constant dense<0.000000e+00> : vector<32x32xf32>
    %dot_general3A_1999 = tpu.matmul %div3A_1997, %slice3A_1981, %dot_general3A_1998 {dimension_numbers = #tpu.dot_dimension_numbers<[1], [0], [0], [1], [0, 0, 1, 1], [], []>, transpose_lhs_hint = false} : vector<32x32xf32>, vector<32x32xf32>, vector<32x32xf32> -> vector<32x32xf32>
    %concatenate3A_2000 = tpu.concatenate %dot_general3A_1936, %dot_general3A_1957, %dot_general3A_1978, %dot_general3A_1999 in 1 : vector<32x32xf32>, vector<32x32xf32>, vector<32x32xf32>, vector<32x32xf32> -> vector<32x128xf32>
    %get3A_2001 = arith.constant 0 : index
    %get3A_2002 = arith.constant 0 : index
    %get3A_2003 = vector.load %arg5[%get3A_2001, %get3A_2002] : memref<128x128xf32, #tpu.memory_space<vmem>>, vector<128x128xf32>
    %dot_general3A_2004 = arith.constant dense<0.000000e+00> : vector<32x128xf32>
    %dot_general3A_2005 = tpu.matmul %concatenate3A_2000, %get3A_2003, %dot_general3A_2004 {dimension_numbers = #tpu.dot_dimension_numbers<[1], [1], [0], [0], [0, 0, 1, 0], [], []>, transpose_lhs_hint = false} : vector<32x128xf32>, vector<128x128xf32>, vector<32x128xf32> -> vector<32x128xf32>
    %get3A_2006 = arith.constant 0 : index
    %get3A_2007 = arith.constant 0 : index
    %get3A_2008 = vector.load %arg6[%get3A_2006, %get3A_2007] : memref<1x128xf32, #tpu.memory_space<vmem>>, vector<1x128xf32>
    %add3A_2009 = vector.broadcast %get3A_2008 : vector<1x128xf32> to vector<32x128xf32>
    %add3A_2010 = arith.addf %dot_general3A_2005, %add3A_2009 : vector<32x128xf32>
    %slice3A_2011 = vector.extract_strided_slice %add3A_2010 {offsets = [0, 0], sizes = [1, 128], strides = [1, 1]} : vector<32x128xf32> to vector<1x128xf32>
    %get3A_2012 = arith.constant 480 : index
    %get3A_2013 = memref.load %arg1[%get3A_2012] : memref<512xi32, #tpu.memory_space<smem>>
    %swap3A_2014 = arith.index_cast %get3A_2013 : i32 to index
    %swap3A_2015 = arith.constant 0 : index
    %swap3A_2016 = vector.load %arg7[%swap3A_2014, %swap3A_2015] : memref<10000x128xf32, #tpu.memory_space<vmem>>, vector<1x128xf32>
    tpu.vector_store %arg7[%swap3A_2014, %swap3A_2015], %slice3A_2011 {strides = array<i32>} : memref<10000x128xf32, #tpu.memory_space<vmem>>, vector<1x128xf32>,
    %eq3A_2017 = vector.broadcast %get3A_2013 : i32 to vector<512x1xi32>
    %eq3A_2018 = arith.cmpi eq, %get3A_10, %eq3A_2017 : vector<512x1xi32>
    %get3A_2019 = arith.constant 0 : index
    %get3A_2020 = arith.constant 0 : index
    %get3A_2021 = vector.load %arg8[%get3A_2019, %get3A_2020] : memref<512x128xf32, #tpu.memory_space<vmem>>, vector<512x128xf32>
    %broadcast_in_dim3A_2022 = vector.shape_cast %eq3A_2018 : vector<512x1xi1> to vector<512x1xi1>
    %broadcast_in_dim3A_2023 = vector.broadcast %broadcast_in_dim3A_2022 : vector<512x1xi1> to vector<512x128xi1>
    %broadcast_in_dim3A_2024 = vector.shape_cast %slice3A_2011 : vector<1x128xf32> to vector<1x128xf32>
    %broadcast_in_dim3A_2025 = vector.broadcast %broadcast_in_dim3A_2024 : vector<1x128xf32> to vector<512x128xf32>
    %select_n3A_2026 = arith.select %broadcast_in_dim3A_2023, %broadcast_in_dim3A_2025, %get3A_2021 : vector<512x128xi1>, vector<512x128xf32>
    %swap3A_2027 = arith.constant 0 : index
    %swap3A_2028 = arith.constant 0 : index
    %swap3A_2029 = vector.load %arg8[%swap3A_2027, %swap3A_2028] : memref<512x128xf32, #tpu.memory_space<vmem>>, vector<512x128xf32>
    tpu.vector_store %arg8[%swap3A_2027, %swap3A_2028], %select_n3A_2026 {strides = array<i32>} : memref<512x128xf32, #tpu.memory_space<vmem>>, vector<512x128xf32>,
    return
  }
}

</mosaic_0001>

<sc_bundles>
// kernel: kernel.8.cloned.1.call-start
scs
__scs_entry_jumppad:
0x0: {  	(pc) =	sbr.rel $0x88, $3  }
0x1: {  	(tag) =	ssettag $0x0;
	lr =	simm.s32 $0x1  }
0x2: {  	[smem:$0x3F8B] =	sst lr;
	_ =	strace $0xD0000000  }
0x3: {  	_ = 	snop  }
0x4: {  	_ = 	snop  }
0x5: {  	_ = 	snop  }
0x6: {  	_ = 	snop  }
0x7: {  	_ = 	snop  }
__scs_overlays_trampoline_lowered:
0x8: {  	[smem:$0x3F9A] =	sst s0  }
0x9: {  	[smem:$0x3F9B] =	sst s1  }
0xa: {  	[smem:$0x3F9C] =	sst s2  }
0xb: {  	[smem:$0x3F9D] =	sst s3  }
0xc: {  	[smem:$0x3F9E] =	sst s4  }
0xd: {  	[smem:$0x3F9F] =	sst s5  }
0xe: {  	[smem:$0x3FA0] =	sst s6  }
0xf: {  	[smem:$0x3FA1] =	sst s7  }
0x10: {  	[smem:$0x3FA2] =	sst s8  }
0x11: {  	[smem:$0x3FA3] =	sst s9;
	s0 =	simm.s32 @!p0 $0x0  }
0x12: {  	s1 =	sld [smem:$0x3F89];
	s0 =	simm.s32 @p0 $0x1  }
0x13: {  	[smem:$0x3FA4] =	sst s0;
	s0 =	simm.s32 @!p1 $0x0  }
0x14: {  	s2 =	sld [smem:$0x3F88];
	s0 =	simm.s32 @p1 $0x1  }
0x15: {  	[smem:$0x3FA5] =	sst s0;
	s0 =	simm.s32 @!p2 $0x0  }
0x16: {  	s3 =	sld [smem:$0x3FDB];
	s0 =	simm.s32 @p2 $0x1  }
0x17: {  	s4 =	simm.s32 $0x1BF5;
	[smem:$0x3FA7] =	sst s0  }
0x18: {  	s0 =	sld [smem:$0x3F8A];
	_ =	swait.ge [sflag:s4], $0x0  }
0x19: {  	s7 =	sld [smem:$0x3F8B]  }
0x1a: {  	s8 =	sadd.s32 $0xFFFFE003, lr  }
0x1b: {  	s9 =	sadd.s32 $0xFFFFFEF7, lr;
	s5 =	simm.s32 $0xFFFFFFFF;
	p2 =	slt.u32 s8, $0xFFFFF086  }
0x1c: {  	p1 =	slt.u32 s9, $0xF7A;
	s5 =	simm.s32 @!p2 $0x0  }
0x1d: {  	s5 =	simm.s32 @p1 $0x1;
	p0 =	seq.s32 s7, s2  }
0x1e: {  	s7 =	smul.u32 @!p0 $0xF7A, s2;
	p2 =	seq.s32 @!p0 s5, $0x0  }
0x1f: {  	s9 =	smul.u32 $0xF7A, s1;
	s8 =	simm.s32 @!p0 $0x1BF5;
	p2 =	por !p2, p0  }
0x20: {  	[sflag:s8] =	ssyncset.s32 @!p0 $0xFFFFF086;
	s6 =	sadd.s32 @!p0 s3, s7;
	s7 =	simm.s32 @!p0 $0x108  }
0x21: {  	s3 =	sadd.s32 s3, s9;
	s6 =	sadd.s32 @!p0 $0x88, s6;
	s7 =	simm.s32 @p2 $0x1082  }
0x22: {  	[simem:s7], [sflag:s8] =	dma.local @!p0 [hbm:s6], $0xF7A  }
0x23: {  	s9 =	sor.u32 $0xD0000000, s2;
	s6 =	simm.s32 $0x108;
	_ =	swait.ge @!p0 [sflag:s8], $0x0  }
0x24: {  	s3 =	sadd.s32 $0x88, s3;
	s6 =	simm.s32 @!p1 $0x1082;
	[sflag:s4] =	ssyncset.s32 $0xFFFFF086  }
0x25: {  	[simem:s6], [sflag:s4] =	dma.local [hbm:s3], $0xF7A  }
0x26: {  	[smem:$0x3F8B] =	sst s1;
	(tag) =	ssettag s2;
	_ =	strace s9  }
0x27: {  	s1 =	sld [smem:$0x3F9B]  }
0x28: {  	s2 =	sld [smem:$0x3F9C]  }
0x29: {  	s4 =	sld [smem:$0x3F9E]  }
0x2a: {  	p0 =	seq.s32 s5, $0x0;
	s5 =	sld [smem:$0x3F9F]  }
0x2b: {  	s6 =	sld [smem:$0x3FA0]  }
0x2c: {  	s7 =	sld [smem:$0x3FA1]  }
0x2d: {  	s3 =	simm.s32 $0x108;
	s8 =	sld [smem:$0x3FA2]  }
0x2e: {  	s3 =	simm.s32 @!p0 $0x1082;
	s9 =	sld [smem:$0x3FA3]  }
0x2f: {  	lr =	sadd.s32 s0, s3;
	s0 =	sld [smem:$0x3F9A]  }
0x30: {  	s3 =	sld [smem:$0x3F9D]  }
0x31: {  	[smem:$0x3FA6] =	sst s10  }
0x32: {  	s10 =	sld [smem:$0x3FA4];
	_ =	sdelay $0x3  }
0x33: {  	p0 =	seq.s32 s10, $0x1;
	s10 =	sld [smem:$0x3FA6];
	_ =	sdelay $0x3  }
0x34: {  	[smem:$0x3FA6] =	sst s10  }
0x35: {  	s10 =	sld [smem:$0x3FA5];
	_ =	sdelay $0x3  }
0x36: {  	p1 =	seq.s32 s10, $0x1;
	s10 =	sld [smem:$0x3FA6];
	_ =	sdelay $0x3  }
0x37: {  	[smem:$0x3FA6] =	sst s10  }
0x38: {  	s10 =	sld [smem:$0x3FA7]  }
0x39: {  	_ = 	snop;
	(pc) =	sbr.ind lr, $3  }
0x3a: {  	_ = 	snop  }
0x3b: {  	_ = 	snop  }
0x3c: {  	p2 =	seq.s32 s10, $0x1;
	s10 =	sld [smem:$0x3FA6]  }
0x3d: {  	_ =	shalt  }
0x3e: {  	_ =	shalt  }
0x3f: {  	_ =	shalt  }
0x40: {  	_ =	shalt  }
0x41: {  	_ =	shalt  }
0x42: {  	_ =	shalt  }
0x43: {  	_ =	shalt  }
0x44: {  	_ =	shalt  }
0x45: {  	_ =	shalt  }
0x46: {  	_ =	shalt  }
0x47: {  	_ =	shalt  }
0x48: {  	_ =	shalt  }
0x49: {  	_ =	shalt  }
0x4a: {  	_ =	shalt  }
0x4b: {  	_ =	shalt  }
0x4c: {  	_ =	shalt  }
0x4d: {  	_ =	shalt  }
0x4e: {  	_ =	shalt  }
0x4f: {  	_ =	shalt  }
0x50: {  	_ =	shalt  }
0x51: {  	_ =	shalt  }
0x52: {  	_ =	shalt  }
0x53: {  	_ =	shalt  }
0x54: {  	_ =	shalt  }
0x55: {  	_ =	shalt  }
0x56: {  	_ =	shalt  }
0x57: {  	_ =	shalt  }
0x58: {  	_ =	shalt  }
0x59: {  	_ =	shalt  }
0x5a: {  	_ =	shalt  }
0x5b: {  	_ =	shalt  }
0x5c: {  	_ =	shalt  }
0x5d: {  	_ =	shalt  }
0x5e: {  	_ =	shalt  }
0x5f: {  	_ =	shalt  }
0x60: {  	_ =	shalt  }
0x61: {  	_ =	shalt  }
0x62: {  	_ =	shalt  }
0x63: {  	_ =	shalt  }
0x64: {  	_ =	shalt  }
0x65: {  	_ =	shalt  }
0x66: {  	_ =	shalt  }
0x67: {  	_ =	shalt  }
0x68: {  	_ =	shalt  }
0x69: {  	_ =	shalt  }
0x6a: {  	_ =	shalt  }
0x6b: {  	_ =	shalt  }
0x6c: {  	_ =	shalt  }
0x6d: {  	_ =	shalt  }
0x6e: {  	_ =	shalt  }
0x6f: {  	_ =	shalt  }
0x70: {  	_ =	shalt  }
0x71: {  	_ =	shalt  }
0x72: {  	_ =	shalt  }
0x73: {  	_ =	shalt  }
0x74: {  	_ =	shalt  }
0x75: {  	_ =	shalt  }
0x76: {  	_ =	shalt  }
0x77: {  	_ =	shalt  }
0x78: {  	_ =	shalt  }
0x79: {  	_ =	shalt  }
0x7a: {  	_ =	shalt  }
0x7b: {  	_ =	shalt  }
0x7c: {  	_ =	shalt  }
0x7d: {  	_ =	shalt  }
0x7e: {  	_ =	shalt  }
0x7f: {  	_ =	shalt  }
0x80: {  	_ =	shalt  }
0x81: {  	_ =	shalt  }
0x82: {  	_ =	shalt  }
0x83: {  	_ =	shalt  }
0x84: {  	_ =	shalt  }
0x85: {  	_ =	shalt  }
0x86: {  	_ =	shalt  }
0x87: {  	_ =	shalt  }
.Lfunc_end0:
.L_simem_size_0:
called_computation_lowered:
.L_overlay_start_0:
0x88: {  	s2 =	sld [smem:$0x3FD9]  }
0x89: {  	s3 =	sld [smem:$0x3FFE];
	_ =	sdelay $0x1  }
0x8a: {  	s1 =	srdreg.scid  }
0x8b: {  	s0 =	sand.u32 $0x1, s1  }
0x8c: {  	s14 =	sshll.u32 s0, $0xA;
	s2 =	sadd.s32 s3, s2  }
0x8d: {  	s2 =	sadd.s32 s2, s14  }
0x8e: {  	[smem:$0x3FB2] =	sst s2  }
0x8f: {  	_ = 	snop  }
0x90: {  	s2 =	sld [smem:$0x3FD0];
	_ =	sdelay $0x2  }
0x91: {  	s15 =	simm.s32 $0xA;
	s4 =	simm.s32 $0x10  }
0x92: {  	[smem:s4], [sflag:s15] =	dma.local [hbm:s2], $0x1  }
0x93: {  	_ =	swait.eq [sflag:s15], $0x1  }
0x94: {  	[sflag:s15] =	ssyncset.done $0x0  }
0x95: {  	[sflag:s15] =	ssyncadd.s32 $0xFFFFFFFF  }
0x96: {  	s16 =	sld [smem:$0x11];
	(tm) =	ssettm $0x1  }
0x97: {  	s17 =	sld [smem:$0x3FFB];
	_ =	sdelay $0x3  }
0x98: {  	_ =	strace s17  }
0x99: {  	s3 =	sld [smem:$0x3FFC];
	_ =	sdelay $0x3  }
0x9a: {  	_ =	strace s3  }
0x9b: {  	s3 =	sld [smem:$0x3FFD];
	_ =	sdelay $0x3  }
0x9c: {  	_ =	strace s3  }
0x9d: {  	_ =	strace $0x8FFFFFFF  }
0x9e: {  	s18 =	sld [smem:$0x3FDB];
	_ =	sdelay $0x1  }
0x9f: {  	s19 =	simm.s32 $_scs_section_size  }
0xa0: {  	s5 =	simm.s32 $_size__tile_overlayer_lowered;
	s6 =	simm.s32 $_tile_overlayer_lowered  }
0xa1: {  	s22 =	simm.s32 $0x1BFF;
	s21 =	sshll.u32 s6, $0x1;
	s3 =	sadd.s32 s19, s18  }
0xa2: {  	s7 =	simm.s32 $0x0;
	s20 =	sshll.u32 s5, $0x1;
	s5 =	sadd.s32 s21, s3  }
0xa3: {  	[timem:s7], [sflag:s22] =	dma.local [hbm:s5], s20  }
0xa4: {  	_ =	swait.ge [sflag:s22], s20  }
0xa5: {  	s4 =	ssub.s32 $0x0, s20;
	[sflag:s22] =	ssyncset.done $0x0  }
0xa6: {  	[sflag:s22] =	ssyncadd.s32 s4;
	_ =	sdelay $0x1  }
0xa7: {  	s23 =	simm.s32 $0x1B8B  }
0xa8: {  	_ =	swait.ge [sflag:s23], $0x1  }
0xa9: {  	[sflag:s23] =	ssyncset.done $0x0  }
0xaa: {  	s25 =	simm.s32 $0x1B8E;
	s24 =	sld [smem:$0x3FFE];
	[sflag:s23] =	ssyncadd.s32 $0xFFFFFFFF  }
0xab: {  	s26 =	simm.s32 $execute0_lowered;
	[smem:$0x3FD2] =	sst s25  }
0xac: {  	s5 =	sshll.u32 s26, $0x1;
	_ =	strace $0x80000046;
	[dreg:$0x1] =	wrdreg $0xFFFFFFFF  }
0xad: {  	s28 =	simm.s32 $_size_execute0_lowered;
	s3 =	sadd.s32 s3, s5;
	[dreg:$0x0] =	wrdreg $0x0  }
0xae: {  	s5 =	sshll.u32 s28, $0x1;
	[dreg:$0x2] =	wrdreg s3  }
0xaf: {  	[dreg:$0x3] =	wrdreg s5  }
0xb0: {  	[dreg:$0x4] =	wrdreg $0xC0  }
0xb1: {  	_ =	task [dreg:s7], $0x5FFFF  }
0xb2: {  	[dreg:$0x1] =	wrdreg $0xFFFFFFFF  }
0xb3: {  	[dreg:$0x0] =	wrdreg $0x60  }
0xb4: {  	[dreg:$0x2] =	wrdreg s16  }
0xb5: {  	[dreg:$0x3] =	wrdreg s24  }
0xb6: {  	[dreg:$0x4] =	wrdreg $0x150000  }
0xb7: {  	[dreg:$0x5] =	wrdreg $0x9  }
0xb8: {  	_ =	task.clear_ibuf [dreg:s7], $0x6FFFF;
	_ =	strace $0x90000046  }
0xb9: {  	s29 =	simm.s32 $0x9;
	_ =	strace $0x80000048  }
0xba: {  	_ =	swait.ge [sflag:s29], $0x1  }
0xbb: {  	[sflag:s29] =	ssyncadd.s32 $0xFFFFFFFF  }
0xbc: {  	_ =	strace $0x90000048  }
0xbd: {  	_ =	sfence  }
0xbe: {  	s30 =	sld [smem:$0x0];
	_ =	sdelay $0x2  }
0xbf: {  	s31 =	sshll.u32 s1, $0xD;
	s1 =	sshrl.u32 s1, $0x2  }
0xc0: {  	s3 =	sand.u32 $0x4000, s31;
	s1 =	sadd.s32 s1, s30  }
0xc1: {  	s0 =	sor.u32 s3, s0;
	s1 =	sshll.u32 s1, $0x11  }
0xc2: {  	s0 =	sor.u32 s1, s0  }
0xc3: {  	s0 =	sadd.s32 $0x8F2B, s0  }
0xc4: {  	[sflag:s0] =	ssyncadd.remote.s32 $0x1  }
0xc5: {  	_ =	sfence.sel $0xFFFF  }
0xc6: {  	[dreg:$0x0] =	wrdreg $0xFFFFFFFF;
	(pc) =	sbr.abs _section_cstart, $3  }
0xc7: {  	[dreg:$0x1] =	wrdreg $0xFFFFFFFF  }
0xc8: {  	_ =	task.clear_ibuf [dreg:s7], $0x2FFFF;
	_ =	strace $0x9FFFFFFF  }
0xc9: {  	(tm) =	ssettm $0x7FFFFFFF  }
tec
execute0_lowered:
.L_overlay_start_1:
0x0: {  	(tag) =	ssettag $0x1  }
0x1: {  	s0 =	rddreg [dreg:$0x0]  }
0x2: {  	s4 =	rddreg [dreg:$0x1]  }
0x3: {  	s1 =	srdreg.scid;
	s2 =	rddreg [dreg:$0x2]  }
0x4: {  	s18 =	stileid.u32;
	s3 =	simm.s32 $0x0;
	s16 =	simm.s32 $0x8000  }
0x5: {  	s17 =	simm.s32 $0x3;
	s19 =	simm.s32 $0x50;
	s20 =	simm.s32 $0x80  }
0x6: {  	s21 =	simm.s32 $0x12800;
	s22 =	simm.s32 $0x1;
	s23 =	simm.s32 $0x2  }
0x7: {  	s25 =	simm.s32 $0xFC80;
	s5 =	sand.u32 $0x1, s1;
	s1 =	rddreg [dreg:$0x3]  }
0x8: {  	s26 =	simm.s32 $0x0;
	s6 =	smul.u32 $0x140, s18;
	[smem:$0x7FF] =	sst s3  }
0x9: {  	s7 =	sshll.u32 s18, $0xC;
	s8 =	smul.u32 $0x28000, s18;
	s9 =	sadd.s32 $0xA0000, s2  }
0xa: {  	p0 =	sne.s32 s18, $0x0;
	s18 =	simm.s32 $0x10000;
	s24 =	smul.u32 $0x1400, s5  }
0xb: {  	_ =	strace $0x80000047;
	s15 =	sadd.s32 s7, s4;
	s5 =	ssub.s32 $0x2, s5  }
0xc: {  	s30 =	sshrl.u32 s8, $0x2;
	s31 =	sshrl.u32 s5, $0x1;
	s6 =	sadd.s32 s6, s24  }
0xd: {  	s14 =	ssub.s32 s5, s31;
	s5 =	sadd.s32 $0x4400, s15;
	s6 =	sshll.u32 s6, $0x4  }
0xe: {  	s15 =	sadd.s32 $0x14400, s15;
	s13 =	sadd.s32 s6, s4;
	s4 =	sadd.s32 s30, s2  }
0xf: {  	v0 =	vmov s24;
	s24 =	simm.s32 $0xFC00;
	s14 =	smax.u32 s14, $0x1;
	s6 =	sadd.s32 $0x2800, s4  }
0x10: {  	s7 =	sadd.s32 $0x5000, s4;
	s8 =	sadd.s32 $0x7800, s4;
	s10 =	sadd.s32 $0x24400, s13  }
0x11: {  	v1 =	vimm.f32 $0.0e+00;
	s11 =	sadd.s32 $0x24900, s13;
	s12 =	sadd.s32 $0x24E00, s13;
	s13 =	sadd.s32 $0x25300, s13  }
.LBB2_1:
0x12: {  	[tilespmem:s3], [sflag:$0x3] =	stream.linear.gather [hbm4b:s5+s3], $0x7D00, $0x38;
	[tilespmem:$0x1F040] =	vst v63  }
0x13: {  	_ = 	snop  }
0x14: {  	[tilespmem:s16], [sflag:$0x3] =	stream.linear.gather [hbm4b:s15+s3], $0x7D00, $0x38;
	[tilespmem:$0x1F040] =	vst v63  }
0x15: {  	_ =	swait.ge [sflag:s17], $0xFA00  }
0x16: {  	[sflag:s17] =	ssyncset.done $0x0  }
0x17: {  	s28 =	simm.s32 $0xFFFF8300;
	[sflag:s17] =	ssyncadd.s32 $0xFFFF0600  }
0x18: {  	v4 =	vld [tilespmem:s28+$0xFD00]  }
0x19: {  	v5 =	vld [tilespmem:s28+$0xFD10]  }
0x1a: {  	v3 =	vld [tilespmem:s28+$0xFD20]  }
0x1b: {  	s29 =	simm.s32 $0xFFFE0E00;
	v2 =	vld [tilespmem:s28+$0xFD30]  }
.LBB2_2:
0x1c: {  	p1 =	sne.s32 s29, $0xFFFFFE00;
	v6 =	vld [tilespmem:s28+$0xFD40]  }
0x1d: {  	v4 =	vsub.s32 v4, v0  }
0x1e: {  	v4 =	vmin.u32 v4, $0x1400;
	v5 =	vsub.s32 v5, v0  }
.Ltmp0:
0x1f: {  	s30 =	sshra.s32 s29, $0x2;
	[tilespmem:s28+$0xFD00] =	vst v4;
	v5 =	vmin.u32 v5, $0x1400;
	v3 =	vsub.s32 v3, v0;
	(pc) =	sbr.rel @p1 .LBB2_2-.Ltmp0, $4  }
0x20: {  	v4 =	vld [tilespmem:s30+$0xFD00];
	[tilespmem:s28+$0xFD10] =	vst v5;
	v3 =	vmin.u32 v3, $0x1400;
	v2 =	vsub.s32 v2, v0  }
0x21: {  	v5 =	vld [tilespmem:s30+$0xFD10];
	[tilespmem:s28+$0xFD20] =	vst v3;
	v2 =	vmin.u32 v2, $0x1400;
	v6 =	vsub.s32 v6, v0  }
0x22: {  	v3 =	vld [tilespmem:s30+$0xFD20];
	[tilespmem:s28+$0xFD30] =	vst v2;
	v6 =	vmin.u32 v6, $0x1400  }
0x23: {  	s29 =	sadd.s32 $0x200, s29;
	v2 =	vld [tilespmem:s30+$0xFD30];
	[tilespmem:s28+$0xFD40] =	vst v6;
	s28 =	smov.u32 s30  }
0x24: {  	v6 =	vld [tilespmem:s28+$0xFD40]  }
0x25: {  	v4 =	vsub.s32 v4, v0  }
0x26: {  	v4 =	vmin.u32 v4, $0x1400;
	v5 =	vsub.s32 v5, v0  }
0x27: {  	[tilespmem:s28+$0xFD00] =	vst v4;
	v63 =	vmin.u32 v5, $0x1400;
	v3 =	vsub.s32 v3, v0  }
0x28: {  	[tilespmem:s28+$0xFD10] =	vst v63;
	v3 =	vmin.u32 v3, $0x1400;
	v2 =	vsub.s32 v2, v0  }
0x29: {  	[tilespmem:s28+$0xFD20] =	vst v3;
	v2 =	vmin.u32 v2, $0x1400;
	v3 =	vsub.s32 v6, v0  }
0x2a: {  	[tilespmem:s28+$0xFD30] =	vst v2;
	v2 =	vmin.u32 v3, $0x1400  }
0x2b: {  	s29 =	simm.s32 $0x200;
	[tilespmem:s28+$0xFD40] =	vst v2;
	s28 =	simm.s32 $0x0  }
.LBB2_4:
0x2c: {  	p1 =	sne.s32 s29, $0x9E00;
	[tilespmem:s28+$0x10070] =	vst v1  }
0x2d: {  	[tilespmem:s28+$0x10000] =	vst v1  }
0x2e: {  	[tilespmem:s28+$0x10010] =	vst v1  }
.Ltmp1:
0x2f: {  	[tilespmem:s28+$0x10020] =	vst v1;
	(pc) =	sbr.rel @p1 .LBB2_4-.Ltmp1, $4  }
0x30: {  	[tilespmem:s28+$0x10030] =	vst v1  }
0x31: {  	[tilespmem:s28+$0x10040] =	vst v1  }
0x32: {  	[tilespmem:s28+$0x10050] =	vst v1  }
0x33: {  	[tilespmem:s28+$0x10060] =	vst v1;
	s28 =	sshra.s32 s29, $0x2;
	s29 =	sadd.s32 $0x200, s29  }
0x34: {  	[tilespmem:s28+$0x10070] =	vst v1  }
0x35: {  	[tilespmem:s28+$0x10000] =	vst v1  }
0x36: {  	[tilespmem:s28+$0x10010] =	vst v1  }
0x37: {  	[tilespmem:s28+$0x10020] =	vst v1  }
0x38: {  	[tilespmem:s28+$0x10030] =	vst v1  }
0x39: {  	[tilespmem:s28+$0x10040] =	vst v1  }
0x3a: {  	[tilespmem:s28+$0x10050] =	vst v1  }
0x3b: {  	[tilespmem:s28+$0x10060] =	vst v1  }
0x3c: {  	[spmem:s4] =	stream.linear.scatter [tilespmem:s18], [sflag:$0x3], $0x2800, $0x38;
	[tilespmem:$0x1F040] =	vst v63  }
0x3d: {  	_ =	swait.ge [sflag:s17], $0x2800  }
0x3e: {  	[sflag:s17] =	ssyncset.done $0x0  }
0x3f: {  	[sflag:s17] =	ssyncadd.s32 $0xFFFFD800  }
0x40: {  	[spmem:s6] =	stream.linear.scatter [tilespmem:s18], [sflag:$0x3], $0x2800, $0x38;
	[tilespmem:$0x1F040] =	vst v63  }
0x41: {  	_ =	swait.ge [sflag:s17], $0x2800  }
0x42: {  	[sflag:s17] =	ssyncset.done $0x0  }
0x43: {  	[sflag:s17] =	ssyncadd.s32 $0xFFFFD800  }
0x44: {  	[spmem:s7] =	stream.linear.scatter [tilespmem:s18], [sflag:$0x3], $0x2800, $0x38;
	[tilespmem:$0x1F040] =	vst v63  }
0x45: {  	_ =	swait.ge [sflag:s17], $0x2800  }
0x46: {  	[sflag:s17] =	ssyncset.done $0x0  }
0x47: {  	[sflag:s17] =	ssyncadd.s32 $0xFFFFD800  }
0x48: {  	[spmem:s8] =	stream.linear.scatter [tilespmem:s18], [sflag:$0x3], $0x2800, $0x38;
	[tilespmem:$0x1F040] =	vst v63  }
0x49: {  	_ =	swait.ge [sflag:s17], $0x2800  }
0x4a: {  	[sflag:s17] =	ssyncset.done $0x0  }
0x4b: {  	s28 =	simm.s32 @!p0 $0x10000;
	[sflag:s17] =	ssyncadd.s32 $0xFFFFD800  }
0x4c: {  	[spmem:s9] =	stream.linear.scatter @!p0 [tilespmem:s28], [sflag:$0x3], $0x400, $0x38;
	[tilespmem:$0x1F040] =	vst v63  }
0x4d: {  	s28 =	simm.s32 @!p0 $0x3  }
0x4e: {  	_ =	swait.ge @!p0 [sflag:s28], $0x400  }
0x4f: {  	[sflag:s28] =	ssyncset.done @!p0 $0x0  }
0x50: {  	[sflag:s28] =	ssyncadd.s32 @!p0 $0xFFFFFC00  }
0x51: {  	[bflag:$0x0] =	sbarrier.arrive $0xFFFF  }
0x52: {  	[tilespmem:s18], [sflag:$0x1] =	stream.indirect.gather [hbm4b:s0+s19], $0x80, s3, s19, $0xb8;
	[tilespmem:$0x1F040] =	vst v63  }
0x53: {  	_ = 	snop  }
0x54: {  	[tilespmem:s21], [sflag:$0x2] =	stream.indirect.gather [hbm4b:s0+s19], $0x80, s20, s19, $0xb8;
	[tilespmem:$0x1F040] =	vst v63  }
0x55: {  	_ =	swait.ge [sflag:s22], $0x2800  }
0x56: {  	[sflag:s22] =	ssyncset.done $0x0  }
0x57: {  	s28 =	simm.s32 $0x8000;
	[sflag:s22] =	ssyncadd.s32 $0xFFFFD800  }
0x58: {  	[spmem:s2] =	stream.indirect.scatter.add.f32 [tilespmem:s18], [sflag:$0x3], $0x80, s28, s19, $0xb8;
	[tilespmem:$0x1F040] =	vst v63  }
0x59: {  	_ =	swait.ge [sflag:s17], $0x2800  }
0x5a: {  	[sflag:s17] =	ssyncset.done $0x0  }
0x5b: {  	s28 =	simm.s32 $0x100;
	[sflag:s17] =	ssyncadd.s32 $0xFFFFD800  }
0x5c: {  	[tilespmem:s18], [sflag:$0x1] =	stream.indirect.gather [hbm4b:s0+s19], $0x80, s28, s19, $0xb8;
	[tilespmem:$0x1F040] =	vst v63  }
0x5d: {  	_ =	swait.ge [sflag:s23], $0x2800  }
0x5e: {  	[sflag:s23] =	ssyncset.done $0x0  }
0x5f: {  	s28 =	simm.s32 $0x8080;
	[sflag:s23] =	ssyncadd.s32 $0xFFFFD800  }
0x60: {  	[spmem:s2] =	stream.indirect.scatter.add.f32 [tilespmem:s21], [sflag:$0x3], $0x80, s28, s19, $0xb8;
	[tilespmem:$0x1F040] =	vst v63  }
0x61: {  	_ =	swait.ge [sflag:s17], $0x2800  }
0x62: {  	[sflag:s17] =	ssyncset.done $0x0  }
0x63: {  	s29 =	simm.s32 $0x180;
	s28 =	simm.s32 $0xFFFE1400;
	[sflag:s17] =	ssyncadd.s32 $0xFFFFD800  }
.LBB2_6:
0x64: {  	[tilespmem:s21], [sflag:$0x2] =	stream.indirect.gather [hbm4b:s0+s19], $0x80, s29, s19, $0xb8;
	[tilespmem:$0x1F040] =	vst v63  }
0x65: {  	s29 =	smov.u32 s28  }
0x66: {  	p1 =	sne.s32 s28, $0xFFFFFC00;
	s28 =	sadd.s32 $0x400, s28;
	_ =	swait.ge [sflag:s22], $0x2800  }
0x67: {  	s29 =	sshra.s32 s29, $0x2;
	[sflag:s22] =	ssyncset.done $0x0  }
0x68: {  	s30 =	sadd.s32 $0xFC00, s29;
	[sflag:s22] =	ssyncadd.s32 $0xFFFFD800  }
0x69: {  	[spmem:s2] =	stream.indirect.scatter.add.f32 [tilespmem:s18], [sflag:$0x3], $0x80, s30, s19, $0xb8;
	[tilespmem:$0x1F040] =	vst v63  }
0x6a: {  	_ =	swait.ge [sflag:s17], $0x2800  }
0x6b: {  	[sflag:s17] =	ssyncset.done $0x0  }
0x6c: {  	s30 =	sadd.s32 $0x7D00, s29;
	[sflag:s17] =	ssyncadd.s32 $0xFFFFD800  }
0x6d: {  	[tilespmem:s18], [sflag:$0x1] =	stream.indirect.gather [hbm4b:s0+s19], $0x80, s30, s19, $0xb8;
	[tilespmem:$0x1F040] =	vst v63  }
0x6e: {  	_ =	swait.ge [sflag:s23], $0x2800  }
0x6f: {  	[sflag:s23] =	ssyncset.done $0x0  }
.Ltmp2:
0x70: {  	s30 =	sadd.s32 $0xFC80, s29;
	[sflag:s23] =	ssyncadd.s32 $0xFFFFD800;
	(pc) =	sbr.rel @p1 .LBB2_6-.Ltmp2, $4  }
0x71: {  	[spmem:s2] =	stream.indirect.scatter.add.f32 [tilespmem:s21], [sflag:$0x3], $0x80, s30, s19, $0xb8;
	[tilespmem:$0x1F040] =	vst v63  }
0x72: {  	_ =	swait.ge [sflag:s17], $0x2800  }
0x73: {  	[sflag:s17] =	ssyncset.done $0x0  }
0x74: {  	s29 =	sadd.s32 $0x7D80, s29;
	[sflag:s17] =	ssyncadd.s32 $0xFFFFD800  }
0x75: {  	[tilespmem:s21], [sflag:$0x2] =	stream.indirect.gather [hbm4b:s0+s19], $0x80, s29, s19, $0xb8;
	[tilespmem:$0x1F040] =	vst v63  }
0x76: {  	_ =	swait.ge [sflag:s22], $0x2800  }
0x77: {  	[sflag:s22] =	ssyncset.done $0x0  }
0x78: {  	[sflag:s22] =	ssyncadd.s32 $0xFFFFD800  }
0x79: {  	[spmem:s2] =	stream.indirect.scatter.add.f32 [tilespmem:s18], [sflag:$0x3], $0x80, s24, s19, $0xb8;
	[tilespmem:$0x1F040] =	vst v63  }
0x7a: {  	_ =	swait.ge [sflag:s17], $0x2800  }
0x7b: {  	[sflag:s17] =	ssyncset.done $0x0  }
0x7c: {  	[sflag:s17] =	ssyncadd.s32 $0xFFFFD800  }
0x7d: {  	_ =	swait.ge [sflag:s23], $0x2800  }
0x7e: {  	[sflag:s23] =	ssyncset.done $0x0  }
0x7f: {  	[sflag:s23] =	ssyncadd.s32 $0xFFFFD800  }
0x80: {  	[spmem:s2] =	stream.indirect.scatter.add.f32 [tilespmem:s21], [sflag:$0x3], $0x80, s25, s19, $0xb8;
	[tilespmem:$0x1F040] =	vst v63  }
0x81: {  	_ =	swait.ge [sflag:s17], $0x2800  }
0x82: {  	[sflag:s17] =	ssyncset.done $0x0  }
0x83: {  	[sflag:s17] =	ssyncadd.s32 $0xFFFFD800  }
0x84: {  	[bflag:$0x0] =	sbarrier.arrive $0xFFFF  }
0x85: {  	[tilespmem:s18], [sflag:$0x3] =	stream.linear.gather [spmem:s4], $0x2800, $0x38;
	[tilespmem:$0x1F040] =	vst v63  }
0x86: {  	_ =	swait.ge [sflag:s17], $0x2800  }
0x87: {  	[sflag:s17] =	ssyncset.done $0x0  }
0x88: {  	[sflag:s17] =	ssyncadd.s32 $0xFFFFD800  }
0x89: {  	[hbm4b:s10+s3] =	stream.linear.scatter [tilespmem:s18], [sflag:$0x3], $0x2800, $0x38;
	[tilespmem:$0x1F040] =	vst v63  }
0x8a: {  	_ =	swait.ge [sflag:s17], $0x2800  }
0x8b: {  	[sflag:s17] =	ssyncset.done $0x0  }
0x8c: {  	[sflag:s17] =	ssyncadd.s32 $0xFFFFD800  }
0x8d: {  	[tilespmem:s18], [sflag:$0x3] =	stream.linear.gather [spmem:s6], $0x2800, $0x38;
	[tilespmem:$0x1F040] =	vst v63  }
0x8e: {  	_ =	swait.ge [sflag:s17], $0x2800  }
0x8f: {  	[sflag:s17] =	ssyncset.done $0x0  }
0x90: {  	[sflag:s17] =	ssyncadd.s32 $0xFFFFD800  }
0x91: {  	[hbm4b:s11+s3] =	stream.linear.scatter [tilespmem:s18], [sflag:$0x3], $0x2800, $0x38;
	[tilespmem:$0x1F040] =	vst v63  }
0x92: {  	_ =	swait.ge [sflag:s17], $0x2800  }
0x93: {  	[sflag:s17] =	ssyncset.done $0x0  }
0x94: {  	[sflag:s17] =	ssyncadd.s32 $0xFFFFD800  }
0x95: {  	[tilespmem:s18], [sflag:$0x3] =	stream.linear.gather [spmem:s7], $0x2800, $0x38;
	[tilespmem:$0x1F040] =	vst v63  }
0x96: {  	_ =	swait.ge [sflag:s17], $0x2800  }
0x97: {  	[sflag:s17] =	ssyncset.done $0x0  }
0x98: {  	[sflag:s17] =	ssyncadd.s32 $0xFFFFD800  }
0x99: {  	[hbm4b:s12+s3] =	stream.linear.scatter [tilespmem:s18], [sflag:$0x3], $0x2800, $0x38;
	[tilespmem:$0x1F040] =	vst v63  }
0x9a: {  	_ =	swait.ge [sflag:s17], $0x2800  }
0x9b: {  	[sflag:s17] =	ssyncset.done $0x0  }
0x9c: {  	[sflag:s17] =	ssyncadd.s32 $0xFFFFD800  }
0x9d: {  	[tilespmem:s18], [sflag:$0x3] =	stream.linear.gather [spmem:s8], $0x2800, $0x38;
	[tilespmem:$0x1F040] =	vst v63  }
0x9e: {  	s26 =	sadd.s32 $0x1, s26;
	_ =	swait.ge [sflag:s17], $0x2800  }
0x9f: {  	p1 =	sne.s32 s26, s14;
	[sflag:s17] =	ssyncset.done $0x0  }
.Ltmp3:
0xa0: {  	[sflag:s17] =	ssyncadd.s32 $0xFFFFD800;
	(pc) =	sbr.rel @p1 .LBB2_1-.Ltmp3, $4  }
0xa1: {  	[hbm4b:s13+s3] =	stream.linear.scatter [tilespmem:s18], [sflag:$0x3], $0x2800, $0x38;
	[tilespmem:$0x1F040] =	vst v63  }
0xa2: {  	_ =	swait.ge [sflag:s17], $0x2800  }
0xa3: {  	[sflag:s17] =	ssyncset.done $0x0  }
0xa4: {  	[sflag:s17] =	ssyncadd.s32 $0xFFFFD800  }
0xa5: {  	_ =	sfence.sel $0x180000  }
0xa6: {  	[bflag:$0x0] =	sbarrier.arrive $0xFFFF  }
0xa7: {  	_ =	strace $0x90000047  }
0xa8: {  	s0 =	sadd.s32 @!p0 $0x100000, s1;
	[bflag:$0x2] =	sbarrier.arrive $0xFFFF  }
0xa9: {  	[sflag:s0] =	ssyncadd.tile.s32 @!p0 $0x1;
	_ =	shalt  }
.Lfunc_end2:
_tile_overlayer_lowered:
.L_overlay_start_2:
0xaa: {  	(tag) =	ssettag $0x2  }
0xab: {  	s0 =	rddreg [dreg:$0x0];
	s2 =	stileid.u32  }
0xac: {  	s1 =	rddreg [dreg:$0x1];
	p0 =	sne.s32 s2, $0x0  }
0xad: {  	s3 =	rddreg [dreg:$0x2];
	[bflag:$0x3] =	sbarrier.arrive $0xFFFF;
	s2 =	simm.s32 @!p0 $0x1C03  }
0xae: {  	[timem:s3], [sflag:s2] =	dma.local @!p0 [hbm:s0], s1  }
0xaf: {  	s0 =	simm.s32 @!p0 $0x3  }
0xb0: {  	_ =	swait.ge @!p0 [sflag:s0], s1  }
0xb1: {  	s1 =	ssub.s32 @!p0 $0x0, s1;
	[sflag:s0] =	ssyncset.done @!p0 $0x0  }
0xb2: {  	[sflag:s0] =	ssyncadd.s32 @!p0 s1  }
0xb3: {  	[bflag:$0x3] =	sbarrier.arrive $0xFFFF  }
0xb4: {  	_ =	shalt  }

</sc_bundles>
